<compile_context>
chip_gen: v7x
topology: tpu7x:2x2x1
jax: 0.10.2.dev20260603
libtpu: 0.0.44.dev20260713+nightly
codegen_flags: <defaults>
</compile_context>

<pallas_src>
import functools

import jax
import jax.numpy as jnp
from jax import lax
from jax.experimental import pallas as pl
from jax.experimental.pallas import tpu as pltpu
from jax.experimental.pallas import tpu_sc as plsc

N_NODES = 10000
E_EDGES = 320000
D = 128
NB = 4
NR = 16
NC = 2
NS = 16
NW = NC * NS
L = 16

NPASS = 5
NRANGE = NW * NPASS
NLOC = 64
NBINS = NRANGE
AGG_WORDS = NLOC * NB * D

E_SLAB = E_EDGES // NW
EC = 2000
CCAP = 128
OVF_CAP = 10240
OG = EC // L

GB = 128
CAP = 8192

ROW_TILE = 400

_MESH = dict(core_axis_name="c", subcore_axis_name="s")


def _sc_bin(packed):
    @functools.partial(
        pl.kernel,
        out_type=(
            jax.ShapeDtypeStruct((NW * NBINS * CCAP,), jnp.int32),
            jax.ShapeDtypeStruct((NW * OVF_CAP,), jnp.int32),
            jax.ShapeDtypeStruct((NW * L,), jnp.int32),
        ),
        mesh=plsc.VectorSubcoreMesh(**_MESH),
        scratch_types=[
            pltpu.VMEM((NBINS * CCAP,), jnp.int32),
            pltpu.VMEM((NBINS + L,), jnp.int32),
            pltpu.VMEM((OVF_CAP + L,), jnp.int32),
            pltpu.VMEM((L,), jnp.int32),
            pltpu.VMEM((EC,), jnp.int32),
        ],
        compiler_params=pltpu.CompilerParams(needs_layout_passes=False),
    )
    def bin_kernel(packed_hbm, binned_hbm, ovf_hbm, ovfcnt_hbm,
                   cells, cnt, ovfb, vtmp, pbuf):
        cidx = lax.axis_index("c")
        sidx = lax.axis_index("s")
        wid = sidx * NC + cidx

        sent = jnp.full((L,), -1, jnp.int32)
        zv = jnp.zeros((L,), jnp.int32)

        @plsc.parallel_loop(0, NBINS * CCAP // L, unroll=8)
        def _fill(i):
            cells[pl.ds(i * L, L)] = sent

        @plsc.parallel_loop(0, (NBINS + L) // L, unroll=1)
        def _zcnt(i):
            cnt[pl.ds(i * L, L)] = zv

        def wbody(g, ocur):
            v = pbuf[pl.ds(g * L, L)]
            bins = (v >> 24) & 0xFF
            rank, last = plsc.scan_count(bins)
            cvals = plsc.load_gather(cnt, [bins])
            pos = cvals + rank - 1
            ok = pos < CCAP
            plsc.store_scatter(cells, [bins * CCAP + pos], v, mask=ok)
            plsc.store_scatter(cnt, [bins], cvals + rank, mask=last)
            movf = jnp.logical_not(ok)
            opos = ocur + plsc.cumsum(movf.astype(jnp.int32)) - 1
            plsc.store_scatter(ovfb, [opos], v, mask=movf)
            return ocur + plsc.all_reduce_population_count(movf)

        ocur = jnp.zeros((L,), jnp.int32)
        for c in range(E_SLAB // EC):
            pltpu.sync_copy(
                packed_hbm.at[pl.ds(wid * E_SLAB + c * EC, EC)], pbuf)
            ocur = lax.fori_loop(0, EC // L, wbody, ocur)

        plsc.store_scatter(ovfb, [ocur + lax.iota(jnp.int32, L)], sent)
        vtmp[...] = ocur
        pltpu.sync_copy(vtmp, ovfcnt_hbm.at[pl.ds(wid * L, L)])
        pltpu.sync_copy(cells, binned_hbm.at[pl.ds(wid * NBINS * CCAP, NBINS * CCAP)])
        pltpu.sync_copy(ovfb.at[pl.ds(0, OVF_CAP)],
                        ovf_hbm.at[pl.ds(wid * OVF_CAP, OVF_CAP)])

    return bin_kernel(packed)


def _sc_aggregate(binned, ovf, ovfcnt, feat, coeffr):
    @functools.partial(
        pl.kernel,
        out_type=jax.ShapeDtypeStruct((NRANGE * NLOC * NB * D,), jnp.float32),
        mesh=plsc.VectorSubcoreMesh(**_MESH),
        scratch_types=[
            pltpu.VMEM((CAP + L,), jnp.int32),
            pltpu.VMEM((GB,), jnp.int32),
            pltpu.VMEM((GB,), jnp.int32),
            pltpu.VMEM((2 * GB, D), jnp.float32),
            pltpu.VMEM((AGG_WORDS,), jnp.float32),
            pltpu.VMEM((NW * CCAP,), jnp.int32),
            pltpu.VMEM((EC,), jnp.int32),
            pltpu.VMEM((NW * L,), jnp.int32),
            pltpu.VMEM((NR * NB + L,), jnp.float32),
            pltpu.SemaphoreType.DMA,
            pltpu.SemaphoreType.DMA,
            pltpu.SemaphoreType.DMA,
        ],
        compiler_params=pltpu.CompilerParams(needs_layout_passes=False),
    )
    def agg_kernel(binned_hbm, ovf_hbm, ovfcnt_hbm, feat_hbm, coeff_hbm, out_hbm,
                   psel, gidxA, gidxB, rows, agg, cellbuf, pbuf, ocbuf, coeffv,
                   csem, gsemA, gsemB):
        cidx = lax.axis_index("c")
        sidx = lax.axis_index("s")
        wid = sidx * NC + cidx
        pltpu.sync_copy(coeff_hbm, coeffv.at[pl.ds(0, NR * NB)])
        pltpu.sync_copy(ovfcnt_hbm, ocbuf)

        def accumulate(off, count, rbase, base):
            def acc(e):
                pv = psel[pl.ds(off + e, L)][0]
                dl = ((pv >> 18) & 0x3FFF) - base
                et = (pv >> 14) & 0xF
                cv = coeffv[pl.ds(et * NB, L)]
                c0 = cv[0]
                c1 = cv[1]
                c2 = cv[2]
                c3 = cv[3]
                aoff = dl * (NB * D)
                fs = [rows[rbase + e, pl.ds(q * L, L)] for q in range(D // L)]
                for q in range(D // L):
                    f = fs[q]
                    plsc.addupdate(agg.at[pl.ds(aoff + 0 * D + q * L, L)], f * c0)
                    plsc.addupdate(agg.at[pl.ds(aoff + 1 * D + q * L, L)], f * c1)
                    plsc.addupdate(agg.at[pl.ds(aoff + 2 * D + q * L, L)], f * c2)
                    plsc.addupdate(agg.at[pl.ds(aoff + 3 * D + q * L, L)], f * c3)
            unroll = 2 if isinstance(count, int) else 1
            plsc.parallel_loop(0, count, unroll=unroll)(acc)

        def pass_body(p, _carry):
            rid = p * NW + wid
            base = rid * NLOC

            zvf = jnp.zeros((L,), jnp.float32)

            @plsc.parallel_loop(0, AGG_WORDS // L, unroll=8)
            def _zero(i):
                agg[pl.ds(i * L, L)] = zvf

            def cstart(w2, _):
                pltpu.make_async_copy(
                    binned_hbm.at[pl.ds(w2 * NBINS * CCAP + rid * CCAP, CCAP)],
                    cellbuf.at[pl.ds(w2 * CCAP, CCAP)], csem).start()
                return 0
            lax.fori_loop(0, NW, cstart, 0)

            def cwait(w2, _):
                pltpu.make_async_copy(
                    binned_hbm.at[pl.ds(rid * CCAP, CCAP)],
                    cellbuf.at[pl.ds(0, CCAP)], csem).wait()
                return 0
            lax.fori_loop(0, NW, cwait, 0)

            def build_idx(gidx, off):
                for q in range(GB // L):
                    pv = psel[pl.ds(off + q * L, L)]
                    gidx[pl.ds(q * L, L)] = pv & 0x3FFF

            rowsA = rows.at[pl.ds(0, GB)]
            rowsB = rows.at[pl.ds(GB, GB)]

            def flush_batch(np_):
                off = pl.multiple_of(np_ & (CAP - 1), GB)
                build_idx(gidxA, off)
                gd = pltpu.make_async_copy(feat_hbm.at[gidxA], rowsA, gsemA)
                gd.start()
                gd.wait()
                accumulate(off, GB, 0, base)
                return np_ + GB

            def scan_g(buf, g, cv):
                v = buf[pl.ds(g * L, L)]
                dstf = (v >> 18) & 0x3FFF
                m = (dstf >= base) & (dstf < base + NLOC)
                mi = m.astype(jnp.int32)
                pos = cv + plsc.cumsum(mi) - 1
                plsc.store_scatter(psel, [pos & (CAP - 1)], v, mask=m)
                return cv + plsc.all_reduce_population_count(m)

            cur_vec = plsc.parallel_loop(
                0, NW * CCAP // L, unroll=5,
                carry=jnp.zeros((L,), jnp.int32))(
                    lambda g, cv: scan_g(cellbuf, g, cv))

            curs = jnp.max(cur_vec)
            nbat = curs // GB

            @pl.when(nbat > 0)
            def _():
                build_idx(gidxA, 0)
                pltpu.make_async_copy(feat_hbm.at[gidxA], rowsA, gsemA).start()

            def ring_batch(b, _):
                offn = (b + 1) * GB

                @pl.when((b & 1) == 0)
                def _():
                    @pl.when(b + 1 < nbat)
                    def _():
                        build_idx(gidxB, offn)
                        pltpu.make_async_copy(
                            feat_hbm.at[gidxB], rowsB, gsemB).start()
                    pltpu.make_async_copy(feat_hbm.at[gidxA], rowsA, gsemA).wait()
                    accumulate(b * GB, GB, 0, base)

                @pl.when((b & 1) == 1)
                def _():
                    @pl.when(b + 1 < nbat)
                    def _():
                        build_idx(gidxA, offn)
                        pltpu.make_async_copy(
                            feat_hbm.at[gidxA], rowsA, gsemA).start()
                    pltpu.make_async_copy(feat_hbm.at[gidxB], rowsB, gsemB).wait()
                    accumulate(b * GB, GB, GB, base)
                return 0

            lax.fori_loop(0, nbat, ring_batch, 0)
            nproc = nbat * GB

            def ovf_w(w2, carry):
                cur_vec2, nproc2 = carry
                cw = ocbuf[pl.ds(w2 * L, L)][0]
                ngroups = (cw + L - 1) >> 4
                nchunks = (ngroups + OG - 1) // OG

                def ochunk(c, carry3):
                    cur_vec3, nproc3 = carry3
                    pltpu.sync_copy(
                        ovf_hbm.at[pl.ds(w2 * OVF_CAP + c * EC, EC)], pbuf)
                    gs = jnp.minimum(ngroups - c * OG, OG)
                    cur_vec3 = lax.fori_loop(
                        0, gs, lambda g, cv: scan_g(pbuf, g, cv), cur_vec3)
                    curs3 = jnp.max(cur_vec3)
                    nproc3 = lax.while_loop(
                        lambda np_: np_ + GB <= curs3, flush_batch, nproc3)
                    return cur_vec3, nproc3

                return lax.fori_loop(0, nchunks, ochunk, (cur_vec2, nproc2))

            cur_vec, nproc = lax.fori_loop(0, NW, ovf_w, (cur_vec, nproc))

            pending = jnp.max(cur_vec) - nproc
            off = pl.multiple_of(nproc & (CAP - 1), GB)

            @pl.when(pending > 0)
            def _():
                zidx = jnp.zeros((L,), jnp.int32)
                for q in range(GB // L):
                    pv = psel[pl.ds(off + q * L, L)]
                    lane = lax.iota(jnp.int32, L) + q * L
                    gidxA[pl.ds(q * L, L)] = jnp.where(lane < pending, pv & 0x3FFF, zidx)
                gd = pltpu.make_async_copy(feat_hbm.at[gidxA], rowsA, gsemA)
                gd.start()
                gd.wait()
                accumulate(off, pending, 0, base)

            pltpu.sync_copy(agg, out_hbm.at[pl.ds(base * NB * D, AGG_WORDS)])
            return 0

        lax.fori_loop(0, NPASS, pass_body, 0)

    return agg_kernel(binned, ovf, ovfcnt, feat, coeffr)


def _mm_body(agg_ref, feat_ref, wb_ref, ws_ref, bias_ref, out_ref):
    acc = jnp.dot(agg_ref[...], wb_ref[...], preferred_element_type=jnp.float32)
    acc += jnp.dot(feat_ref[...], ws_ref[...], preferred_element_type=jnp.float32)
    out_ref[...] = acc + bias_ref[...]


def _project(agg_flat, feat, W, bias):
    n = feat.shape[0]
    wb = W[:NB].reshape(NB * D, D)
    ws = W[NB]
    return pl.pallas_call(
        _mm_body,
        grid=(n // ROW_TILE,),
        in_specs=[
            pl.BlockSpec((ROW_TILE, NB * D), lambda i: (i, 0)),
            pl.BlockSpec((ROW_TILE, D), lambda i: (i, 0)),
            pl.BlockSpec((NB * D, D), lambda i: (0, 0)),
            pl.BlockSpec((D, D), lambda i: (0, 0)),
            pl.BlockSpec((D,), lambda i: (0,)),
        ],
        out_specs=pl.BlockSpec((ROW_TILE, D), lambda i: (i, 0)),
        out_shape=jax.ShapeDtypeStruct((n, D), jnp.float32),
    )(agg_flat, feat, wb, ws, bias)


def kernel(feat, edge_index, etypes, W, coeff, bias):
    src = edge_index[0]
    dst = edge_index[1]
    packed = src | (etypes << 14) | (dst << 18)
    binned, ovf, ovfcnt = _sc_bin(packed)
    aggf = _sc_aggregate(binned, ovf, ovfcnt, feat, coeff.reshape(-1))
    agg = aggf.reshape(NRANGE * NLOC, NB * D)[:N_NODES]
    return _project(agg, feat, W, bias)

# --- scband reference (transcript-rebuilt; emitter-appended) ---
"""Pipeline reference for scband-cu-graph-rel-graph-conv-85057532330307 (READ-ONLY COPY).

The authoritative reference and input builder live on the scoring server;
editing this copy changes nothing except your own understanding.
"""

import jax, jax.numpy as jnp
import numpy as np

N_NODES = 10000
N_EDGES = 320000
IN_FEAT = 128
OUT_FEAT = 128
NUM_RELS = 16
NUM_BASES = 4


def setup_inputs(seed: int = 0) -> dict:
    key = jax.random.key(seed)
    k1, k2, k3, k4, k5 = jax.random.split(key, 5)
    feat = jax.random.normal(k1, (N_NODES, IN_FEAT), dtype=jnp.float32)
    edge_index = jax.random.randint(k2, (2, N_EDGES), 0, N_NODES, dtype=jnp.int32)
    etypes = jax.random.randint(k3, (N_EDGES,), 0, NUM_RELS, dtype=jnp.int32)
    bound = 1.0 / np.sqrt(IN_FEAT)
    # W: (num_bases + 1, in_feat, out_feat); last slot is the self-loop weight
    W = jax.random.uniform(k4, (NUM_BASES + 1, IN_FEAT, OUT_FEAT), dtype=jnp.float32, minval=-bound, maxval=bound)
    # coeff: (num_rels, num_bases) basis-decomposition coefficients
    coeff = jax.random.normal(k5, (NUM_RELS, NUM_BASES), dtype=jnp.float32) * 0.1
    bias = jnp.zeros((OUT_FEAT,), dtype=jnp.float32)
    return {"feat": feat, "edge_index": edge_index, "etypes": etypes, "W": W, "coeff": coeff, "bias": bias}


def reference(feat, edge_index, etypes, W, coeff, bias):
    # RelGraphConv with basis regularization, self_loop=True, apply_norm=False.
    # Aggregation (RelGraphConvAgg): for each basis b,
    #   agg_b[i] = sum_{e=(j->i)} coeff[etype_e, b] * feat[j]
    # h = concat([agg_0, ..., agg_{B-1}, feat]) ; out = h @ W.view(-1, out_feat) + bias
    src = edge_index[0]
    dst = edge_index[1]
    gathered = jnp.take(feat, src, axis=0)          # [E, in_feat] gather
    ecoef = jnp.take(coeff, etypes, axis=0)         # [E, num_bases] gather
    n = feat.shape[0]
    d = feat.shape[1]
    aggs = []
    for b in range(NUM_BASES):
        weighted = gathered * ecoef[:, b:b + 1]     # [E, in_feat]
        agg_b = jnp.zeros((n, d), dtype=feat.dtype).at[dst].add(weighted)  # scatter-add
        aggs.append(agg_b)
    # self-loop slot goes last (matches W[-1])
    h = jnp.concatenate(aggs + [feat], axis=1)      # [N, (num_bases+1)*in_feat]
    out = h @ W.reshape(-1, OUT_FEAT) + bias        # [N, out_feat]
    return out

if __name__ == "__main__":
    import jax
    _d = setup_inputs()
    print(jax.jit(kernel)(*tuple(_d.values())))

</pallas_src>

<mosaic_0001>
#map = affine_map<(d0, d1) -> (0)>
module attributes {stable_mosaic.version = 14 : i64} {
  func.func @bin_kernel(%arg0: i32, %arg1: i32, %arg2: memref<320000xi32, #tpu.memory_space<hbm>>, %arg3: memref<655360xi32, #tpu.memory_space<hbm>>, %arg4: memref<327680xi32, #tpu.memory_space<hbm>>, %arg5: memref<512xi32, #tpu.memory_space<hbm>>, %arg6: memref<20480xi32, #tpu.memory_space<vmem>>, %arg7: memref<176xi32, #tpu.memory_space<vmem>>, %arg8: memref<10256xi32, #tpu.memory_space<vmem>>, %arg9: memref<16xi32, #tpu.memory_space<vmem>>, %arg10: memref<2000xi32, #tpu.memory_space<vmem>>) attributes {dimension_semantics = [#tpu.dimension_semantics<core_parallel>, #tpu.dimension_semantics<subcore_parallel>], iteration_bounds = array<i64: 2, 16>, scalar_prefetch = 0 : i64, scratch_operands = 5 : i64, tpu.core_type = #tpu.core_type<sc_vector_subcore>, window_params = [{transform_indices = #map}, {transform_indices = #map}, {transform_indices = #map}, {transform_indices = #map}]} {
    %mul3A = arith.constant 2 : i32
    %mul3A_0 = arith.muli %arg1, %mul3A : i32
    %add3A = arith.addi %mul3A_0, %arg0 : i32
    %broadcast_in_dim3A = arith.constant -1 : i32
    %broadcast_in_dim3A_1 = vector.broadcast %broadcast_in_dim3A : i32 to vector<16xi32>
    %broadcast_in_dim3A_2 = arith.constant 0 : i32
    %broadcast_in_dim3A_3 = vector.broadcast %broadcast_in_dim3A_2 : i32 to vector<16xi32>
    %parallel_loop3A = arith.constant 0 : i32
    %parallel_loop3A_4 = arith.constant 1280 : i32
    %parallel_loop3A_5 = arith.constant 1 : i32
    scf.for %parallel_loop3A_70 = %parallel_loop3A to %parallel_loop3A_4 step %parallel_loop3A_5  : i32 {
      %parallel_loop3A_71 = arith.constant 16 : i32
      %parallel_loop3A_72 = arith.muli %parallel_loop3A_70, %parallel_loop3A_71 : i32
      %parallel_loop3A_73 = arith.index_cast %parallel_loop3A_72 : i32 to index
      %parallel_loop3A_74 = tpu.vector_load %arg6[%parallel_loop3A_73] {strides = array<i32>} : memref<20480xi32, #tpu.memory_space<vmem>>, vector<16xi32>,
      tpu.vector_store %arg6[%parallel_loop3A_73], %broadcast_in_dim3A_1 {strides = array<i32>} : memref<20480xi32, #tpu.memory_space<vmem>>, vector<16xi32>,
    } {sc.loop_unroll_factor = 8 : i64, sc.parallel_access}
    %parallel_loop3A_6 = arith.constant 0 : i32
    %parallel_loop3A_7 = arith.constant 11 : i32
    %parallel_loop3A_8 = arith.constant 1 : i32
    scf.for %parallel_loop3A_70 = %parallel_loop3A_6 to %parallel_loop3A_7 step %parallel_loop3A_8  : i32 {
      %parallel_loop3A_71 = arith.constant 16 : i32
      %parallel_loop3A_72 = arith.muli %parallel_loop3A_70, %parallel_loop3A_71 : i32
      %parallel_loop3A_73 = arith.index_cast %parallel_loop3A_72 : i32 to index
      %parallel_loop3A_74 = tpu.vector_load %arg7[%parallel_loop3A_73] {strides = array<i32>} : memref<176xi32, #tpu.memory_space<vmem>>, vector<16xi32>,
      tpu.vector_store %arg7[%parallel_loop3A_73], %broadcast_in_dim3A_3 {strides = array<i32>} : memref<176xi32, #tpu.memory_space<vmem>>, vector<16xi32>,
    } {sc.loop_unroll_factor = 1 : i64, sc.parallel_access}
    %broadcast_in_dim3A_9 = arith.constant 0 : i32
    %broadcast_in_dim3A_10 = vector.broadcast %broadcast_in_dim3A_9 : i32 to vector<16xi32>
    %mul3A_11 = arith.constant 10000 : i32
    %mul3A_12 = arith.muli %add3A, %mul3A_11 : i32
    %add3A_13 = arith.constant 0 : i32
    %add3A_14 = arith.addi %mul3A_12, %add3A_13 : i32
    "tpu.region"() ({
      %run_scoped3A = tpu.sem_alloc : memref<!tpu.dma_semaphore, #tpu.memory_space<semaphore_mem>>
      %dma_start3A = tpu.memref_slice %arg2[%add3A_14] : memref<320000xi32, #tpu.memory_space<hbm>> -> memref<2000xi32, #tpu.memory_space<hbm>>
      %dma_start3A_70 = tpu.memref_slice %arg2[%add3A_14] : memref<320000xi32, #tpu.memory_space<hbm>> -> memref<2000xi32, #tpu.memory_space<hbm>>
      tpu.enqueue_dma source(%dma_start3A_70 : memref<2000xi32, #tpu.memory_space<hbm>>) target(%arg10 : memref<2000xi32, #tpu.memory_space<vmem>>) target_semaphore(%run_scoped3A : memref<!tpu.dma_semaphore, #tpu.memory_space<semaphore_mem>>)
      %dma_wait3A = tpu.memref_slice %arg2[%add3A_14] : memref<320000xi32, #tpu.memory_space<hbm>> -> memref<2000xi32, #tpu.memory_space<hbm>>
      %dma_wait3A_71 = tpu.memref_slice %arg2[%add3A_14] : memref<320000xi32, #tpu.memory_space<hbm>> -> memref<2000xi32, #tpu.memory_space<hbm>>
      tpu.wait_dma2 semaphore(%run_scoped3A : memref<!tpu.dma_semaphore, #tpu.memory_space<semaphore_mem>>) src(%dma_wait3A_71 : memref<2000xi32, #tpu.memory_space<hbm>>) dst(%arg10 : memref<2000xi32, #tpu.memory_space<vmem>>)
      tpu.yield
    }) : () -> ()
    %scan3A = arith.constant 0 : i32
    %scan3A_15 = arith.constant 125 : i32
    %scan3A_16 = arith.addi %scan3A, %scan3A_15 : i32
    %scan3A_17 = arith.constant 1 : i32
    %scan3A_18 = scf.for %scan3A_70 = %scan3A to %scan3A_16 step %scan3A_17 iter_args(%scan3A_71 = %broadcast_in_dim3A_10) -> (vector<16xi32>)  : i32 {
      %mul3A_72 = arith.constant 16 : i32
      %mul3A_73 = arith.muli %scan3A_70, %mul3A_72 : i32
      %get3A = arith.index_cast %mul3A_73 : i32 to index
      %get3A_74 = tpu.vector_load %arg10[%get3A] {strides = array<i32>} : memref<2000xi32, #tpu.memory_space<vmem>>, vector<16xi32>,
      %shift_right_arithmetic3A = arith.constant 24 : i32
      %shift_right_arithmetic3A_75 = vector.broadcast %shift_right_arithmetic3A : i32 to vector<16xi32>
      %shift_right_arithmetic3A_76 = arith.shrsi %get3A_74, %shift_right_arithmetic3A_75 : vector<16xi32>
      %and3A = arith.constant 255 : i32
      %and3A_77 = vector.broadcast %and3A : i32 to vector<16xi32>
      %and3A_78 = arith.andi %shift_right_arithmetic3A_76, %and3A_77 : vector<16xi32>
      %broadcast_in_dim3A_79 = arith.constant true
      %broadcast_in_dim3A_80 = vector.broadcast %broadcast_in_dim3A_79 : i1 to vector<16xi1>
      %unique3A, %unique3A_81 = tpu.scan_count mask(%broadcast_in_dim3A_80 : vector<16xi1>) value(%and3A_78 : vector<16xi32>) : vector<16xi1>, vector<16xi32>
      %gather3A = tpu.vector_load_idx %arg7[%and3A_78] : memref<176xi32, #tpu.memory_space<vmem>>[vector<16xi32>], vector<16xi32>,
      %add3A_82 = arith.addi %gather3A, %unique3A_81 : vector<16xi32>
      %sub3A = arith.constant 1 : i32
      %sub3A_83 = vector.broadcast %sub3A : i32 to vector<16xi32>
      %sub3A_84 = arith.subi %add3A_82, %sub3A_83 : vector<16xi32>
      %lt3A = arith.constant 128 : i32
      %lt3A_85 = vector.broadcast %lt3A : i32 to vector<16xi32>
      %lt3A_86 = arith.cmpi slt, %sub3A_84, %lt3A_85 : vector<16xi32>
      %mul3A_87 = arith.constant 128 : i32
      %mul3A_88 = vector.broadcast %mul3A_87 : i32 to vector<16xi32>
      %mul3A_89 = arith.muli %and3A_78, %mul3A_88 : vector<16xi32>
      %add3A_90 = arith.addi %mul3A_89, %sub3A_84 : vector<16xi32>
      tpu.vector_store_idx %arg6[%add3A_90], %get3A_74 masked %lt3A_86 : memref<20480xi32, #tpu.memory_space<vmem>>[vector<16xi32>], vector<16xi32>, vector<16xi1>
      %add3A_91 = arith.addi %gather3A, %unique3A_81 : vector<16xi32>
      tpu.vector_store_idx %arg7[%and3A_78], %add3A_91 masked %unique3A : memref<176xi32, #tpu.memory_space<vmem>>[vector<16xi32>], vector<16xi32>, vector<16xi1>
      %not3A = arith.constant dense<true> : vector<16xi1>
      %not3A_92 = arith.xori %lt3A_86, %not3A : vector<16xi1>
      %convert_element_type3A = arith.extui %not3A_92 : vector<16xi1> to vector<16xi32>
      %broadcast_in_dim3A_93 = arith.constant true
      %broadcast_in_dim3A_94 = vector.broadcast %broadcast_in_dim3A_93 : i1 to vector<16xi1>
      %masked_cumsum3A = tpu.scan <sum>, %convert_element_type3A masked %broadcast_in_dim3A_94 : vector<16xi32>, vector<16xi1> -> vector<16xi32>
      %add3A_95 = arith.addi %scan3A_71, %masked_cumsum3A : vector<16xi32>
      %sub3A_96 = arith.constant 1 : i32
      %sub3A_97 = vector.broadcast %sub3A_96 : i32 to vector<16xi32>
      %sub3A_98 = arith.subi %add3A_95, %sub3A_97 : vector<16xi32>
      tpu.vector_store_idx %arg8[%sub3A_98], %get3A_74 masked %not3A_92 : memref<10256xi32, #tpu.memory_space<vmem>>[vector<16xi32>], vector<16xi32>, vector<16xi1>
      %all_reduce_population_count3A = tpu.all_reduce %not3A_92 {dim = 0 : i64, kind = #tpu.reduction_kind<sum>} : vector<16xi1> -> vector<16xi32>
      %add3A_99 = arith.addi %scan3A_71, %all_reduce_population_count3A : vector<16xi32>
      scf.yield %add3A_99 : vector<16xi32>
    }
    %scan3A_19 = arith.constant 125 : i32
    %mul3A_20 = arith.constant 10000 : i32
    %mul3A_21 = arith.muli %add3A, %mul3A_20 : i32
    %add3A_22 = arith.constant 2000 : i32
    %add3A_23 = arith.addi %mul3A_21, %add3A_22 : i32
    "tpu.region"() ({
      %run_scoped3A = tpu.sem_alloc : memref<!tpu.dma_semaphore, #tpu.memory_space<semaphore_mem>>
      %dma_start3A = tpu.memref_slice %arg2[%add3A_23] : memref<320000xi32, #tpu.memory_space<hbm>> -> memref<2000xi32, #tpu.memory_space<hbm>>
      %dma_start3A_70 = tpu.memref_slice %arg2[%add3A_23] : memref<320000xi32, #tpu.memory_space<hbm>> -> memref<2000xi32, #tpu.memory_space<hbm>>
      tpu.enqueue_dma source(%dma_start3A_70 : memref<2000xi32, #tpu.memory_space<hbm>>) target(%arg10 : memref<2000xi32, #tpu.memory_space<vmem>>) target_semaphore(%run_scoped3A : memref<!tpu.dma_semaphore, #tpu.memory_space<semaphore_mem>>)
      %dma_wait3A = tpu.memref_slice %arg2[%add3A_23] : memref<320000xi32, #tpu.memory_space<hbm>> -> memref<2000xi32, #tpu.memory_space<hbm>>
      %dma_wait3A_71 = tpu.memref_slice %arg2[%add3A_23] : memref<320000xi32, #tpu.memory_space<hbm>> -> memref<2000xi32, #tpu.memory_space<hbm>>
      tpu.wait_dma2 semaphore(%run_scoped3A : memref<!tpu.dma_semaphore, #tpu.memory_space<semaphore_mem>>) src(%dma_wait3A_71 : memref<2000xi32, #tpu.memory_space<hbm>>) dst(%arg10 : memref<2000xi32, #tpu.memory_space<vmem>>)
      tpu.yield
    }) : () -> ()
    %scan3A_24 = arith.constant 0 : i32
    %scan3A_25 = arith.constant 125 : i32
    %scan3A_26 = arith.addi %scan3A_24, %scan3A_25 : i32
    %scan3A_27 = arith.constant 1 : i32
    %scan3A_28 = scf.for %scan3A_70 = %scan3A_24 to %scan3A_26 step %scan3A_27 iter_args(%scan3A_71 = %scan3A_18) -> (vector<16xi32>)  : i32 {
      %mul3A_72 = arith.constant 16 : i32
      %mul3A_73 = arith.muli %scan3A_70, %mul3A_72 : i32
      %get3A = arith.index_cast %mul3A_73 : i32 to index
      %get3A_74 = tpu.vector_load %arg10[%get3A] {strides = array<i32>} : memref<2000xi32, #tpu.memory_space<vmem>>, vector<16xi32>,
      %shift_right_arithmetic3A = arith.constant 24 : i32
      %shift_right_arithmetic3A_75 = vector.broadcast %shift_right_arithmetic3A : i32 to vector<16xi32>
      %shift_right_arithmetic3A_76 = arith.shrsi %get3A_74, %shift_right_arithmetic3A_75 : vector<16xi32>
      %and3A = arith.constant 255 : i32
      %and3A_77 = vector.broadcast %and3A : i32 to vector<16xi32>
      %and3A_78 = arith.andi %shift_right_arithmetic3A_76, %and3A_77 : vector<16xi32>
      %broadcast_in_dim3A_79 = arith.constant true
      %broadcast_in_dim3A_80 = vector.broadcast %broadcast_in_dim3A_79 : i1 to vector<16xi1>
      %unique3A, %unique3A_81 = tpu.scan_count mask(%broadcast_in_dim3A_80 : vector<16xi1>) value(%and3A_78 : vector<16xi32>) : vector<16xi1>, vector<16xi32>
      %gather3A = tpu.vector_load_idx %arg7[%and3A_78] : memref<176xi32, #tpu.memory_space<vmem>>[vector<16xi32>], vector<16xi32>,
      %add3A_82 = arith.addi %gather3A, %unique3A_81 : vector<16xi32>
      %sub3A = arith.constant 1 : i32
      %sub3A_83 = vector.broadcast %sub3A : i32 to vector<16xi32>
      %sub3A_84 = arith.subi %add3A_82, %sub3A_83 : vector<16xi32>
      %lt3A = arith.constant 128 : i32
      %lt3A_85 = vector.broadcast %lt3A : i32 to vector<16xi32>
      %lt3A_86 = arith.cmpi slt, %sub3A_84, %lt3A_85 : vector<16xi32>
      %mul3A_87 = arith.constant 128 : i32
      %mul3A_88 = vector.broadcast %mul3A_87 : i32 to vector<16xi32>
      %mul3A_89 = arith.muli %and3A_78, %mul3A_88 : vector<16xi32>
      %add3A_90 = arith.addi %mul3A_89, %sub3A_84 : vector<16xi32>
      tpu.vector_store_idx %arg6[%add3A_90], %get3A_74 masked %lt3A_86 : memref<20480xi32, #tpu.memory_space<vmem>>[vector<16xi32>], vector<16xi32>, vector<16xi1>
      %add3A_91 = arith.addi %gather3A, %unique3A_81 : vector<16xi32>
      tpu.vector_store_idx %arg7[%and3A_78], %add3A_91 masked %unique3A : memref<176xi32, #tpu.memory_space<vmem>>[vector<16xi32>], vector<16xi32>, vector<16xi1>
      %not3A = arith.constant dense<true> : vector<16xi1>
      %not3A_92 = arith.xori %lt3A_86, %not3A : vector<16xi1>
      %convert_element_type3A = arith.extui %not3A_92 : vector<16xi1> to vector<16xi32>
      %broadcast_in_dim3A_93 = arith.constant true
      %broadcast_in_dim3A_94 = vector.broadcast %broadcast_in_dim3A_93 : i1 to vector<16xi1>
      %masked_cumsum3A = tpu.scan <sum>, %convert_element_type3A masked %broadcast_in_dim3A_94 : vector<16xi32>, vector<16xi1> -> vector<16xi32>
      %add3A_95 = arith.addi %scan3A_71, %masked_cumsum3A : vector<16xi32>
      %sub3A_96 = arith.constant 1 : i32
      %sub3A_97 = vector.broadcast %sub3A_96 : i32 to vector<16xi32>
      %sub3A_98 = arith.subi %add3A_95, %sub3A_97 : vector<16xi32>
      tpu.vector_store_idx %arg8[%sub3A_98], %get3A_74 masked %not3A_92 : memref<10256xi32, #tpu.memory_space<vmem>>[vector<16xi32>], vector<16xi32>, vector<16xi1>
      %all_reduce_population_count3A = tpu.all_reduce %not3A_92 {dim = 0 : i64, kind = #tpu.reduction_kind<sum>} : vector<16xi1> -> vector<16xi32>
      %add3A_99 = arith.addi %scan3A_71, %all_reduce_population_count3A : vector<16xi32>
      scf.yield %add3A_99 : vector<16xi32>
    }
    %scan3A_29 = arith.constant 125 : i32
    %mul3A_30 = arith.constant 10000 : i32
    %mul3A_31 = arith.muli %add3A, %mul3A_30 : i32
    %add3A_32 = arith.constant 4000 : i32
    %add3A_33 = arith.addi %mul3A_31, %add3A_32 : i32
    "tpu.region"() ({
      %run_scoped3A = tpu.sem_alloc : memref<!tpu.dma_semaphore, #tpu.memory_space<semaphore_mem>>
      %dma_start3A = tpu.memref_slice %arg2[%add3A_33] : memref<320000xi32, #tpu.memory_space<hbm>> -> memref<2000xi32, #tpu.memory_space<hbm>>
      %dma_start3A_70 = tpu.memref_slice %arg2[%add3A_33] : memref<320000xi32, #tpu.memory_space<hbm>> -> memref<2000xi32, #tpu.memory_space<hbm>>
      tpu.enqueue_dma source(%dma_start3A_70 : memref<2000xi32, #tpu.memory_space<hbm>>) target(%arg10 : memref<2000xi32, #tpu.memory_space<vmem>>) target_semaphore(%run_scoped3A : memref<!tpu.dma_semaphore, #tpu.memory_space<semaphore_mem>>)
      %dma_wait3A = tpu.memref_slice %arg2[%add3A_33] : memref<320000xi32, #tpu.memory_space<hbm>> -> memref<2000xi32, #tpu.memory_space<hbm>>
      %dma_wait3A_71 = tpu.memref_slice %arg2[%add3A_33] : memref<320000xi32, #tpu.memory_space<hbm>> -> memref<2000xi32, #tpu.memory_space<hbm>>
      tpu.wait_dma2 semaphore(%run_scoped3A : memref<!tpu.dma_semaphore, #tpu.memory_space<semaphore_mem>>) src(%dma_wait3A_71 : memref<2000xi32, #tpu.memory_space<hbm>>) dst(%arg10 : memref<2000xi32, #tpu.memory_space<vmem>>)
      tpu.yield
    }) : () -> ()
    %scan3A_34 = arith.constant 0 : i32
    %scan3A_35 = arith.constant 125 : i32
    %scan3A_36 = arith.addi %scan3A_34, %scan3A_35 : i32
    %scan3A_37 = arith.constant 1 : i32
    %scan3A_38 = scf.for %scan3A_70 = %scan3A_34 to %scan3A_36 step %scan3A_37 iter_args(%scan3A_71 = %scan3A_28) -> (vector<16xi32>)  : i32 {
      %mul3A_72 = arith.constant 16 : i32
      %mul3A_73 = arith.muli %scan3A_70, %mul3A_72 : i32
      %get3A = arith.index_cast %mul3A_73 : i32 to index
      %get3A_74 = tpu.vector_load %arg10[%get3A] {strides = array<i32>} : memref<2000xi32, #tpu.memory_space<vmem>>, vector<16xi32>,
      %shift_right_arithmetic3A = arith.constant 24 : i32
      %shift_right_arithmetic3A_75 = vector.broadcast %shift_right_arithmetic3A : i32 to vector<16xi32>
      %shift_right_arithmetic3A_76 = arith.shrsi %get3A_74, %shift_right_arithmetic3A_75 : vector<16xi32>
      %and3A = arith.constant 255 : i32
      %and3A_77 = vector.broadcast %and3A : i32 to vector<16xi32>
      %and3A_78 = arith.andi %shift_right_arithmetic3A_76, %and3A_77 : vector<16xi32>
      %broadcast_in_dim3A_79 = arith.constant true
      %broadcast_in_dim3A_80 = vector.broadcast %broadcast_in_dim3A_79 : i1 to vector<16xi1>
      %unique3A, %unique3A_81 = tpu.scan_count mask(%broadcast_in_dim3A_80 : vector<16xi1>) value(%and3A_78 : vector<16xi32>) : vector<16xi1>, vector<16xi32>
      %gather3A = tpu.vector_load_idx %arg7[%and3A_78] : memref<176xi32, #tpu.memory_space<vmem>>[vector<16xi32>], vector<16xi32>,
      %add3A_82 = arith.addi %gather3A, %unique3A_81 : vector<16xi32>
      %sub3A = arith.constant 1 : i32
      %sub3A_83 = vector.broadcast %sub3A : i32 to vector<16xi32>
      %sub3A_84 = arith.subi %add3A_82, %sub3A_83 : vector<16xi32>
      %lt3A = arith.constant 128 : i32
      %lt3A_85 = vector.broadcast %lt3A : i32 to vector<16xi32>
      %lt3A_86 = arith.cmpi slt, %sub3A_84, %lt3A_85 : vector<16xi32>
      %mul3A_87 = arith.constant 128 : i32
      %mul3A_88 = vector.broadcast %mul3A_87 : i32 to vector<16xi32>
      %mul3A_89 = arith.muli %and3A_78, %mul3A_88 : vector<16xi32>
      %add3A_90 = arith.addi %mul3A_89, %sub3A_84 : vector<16xi32>
      tpu.vector_store_idx %arg6[%add3A_90], %get3A_74 masked %lt3A_86 : memref<20480xi32, #tpu.memory_space<vmem>>[vector<16xi32>], vector<16xi32>, vector<16xi1>
      %add3A_91 = arith.addi %gather3A, %unique3A_81 : vector<16xi32>
      tpu.vector_store_idx %arg7[%and3A_78], %add3A_91 masked %unique3A : memref<176xi32, #tpu.memory_space<vmem>>[vector<16xi32>], vector<16xi32>, vector<16xi1>
      %not3A = arith.constant dense<true> : vector<16xi1>
      %not3A_92 = arith.xori %lt3A_86, %not3A : vector<16xi1>
      %convert_element_type3A = arith.extui %not3A_92 : vector<16xi1> to vector<16xi32>
      %broadcast_in_dim3A_93 = arith.constant true
      %broadcast_in_dim3A_94 = vector.broadcast %broadcast_in_dim3A_93 : i1 to vector<16xi1>
      %masked_cumsum3A = tpu.scan <sum>, %convert_element_type3A masked %broadcast_in_dim3A_94 : vector<16xi32>, vector<16xi1> -> vector<16xi32>
      %add3A_95 = arith.addi %scan3A_71, %masked_cumsum3A : vector<16xi32>
      %sub3A_96 = arith.constant 1 : i32
      %sub3A_97 = vector.broadcast %sub3A_96 : i32 to vector<16xi32>
      %sub3A_98 = arith.subi %add3A_95, %sub3A_97 : vector<16xi32>
      tpu.vector_store_idx %arg8[%sub3A_98], %get3A_74 masked %not3A_92 : memref<10256xi32, #tpu.memory_space<vmem>>[vector<16xi32>], vector<16xi32>, vector<16xi1>
      %all_reduce_population_count3A = tpu.all_reduce %not3A_92 {dim = 0 : i64, kind = #tpu.reduction_kind<sum>} : vector<16xi1> -> vector<16xi32>
      %add3A_99 = arith.addi %scan3A_71, %all_reduce_population_count3A : vector<16xi32>
      scf.yield %add3A_99 : vector<16xi32>
    }
    %scan3A_39 = arith.constant 125 : i32
    %mul3A_40 = arith.constant 10000 : i32
    %mul3A_41 = arith.muli %add3A, %mul3A_40 : i32
    %add3A_42 = arith.constant 6000 : i32
    %add3A_43 = arith.addi %mul3A_41, %add3A_42 : i32
    "tpu.region"() ({
      %run_scoped3A = tpu.sem_alloc : memref<!tpu.dma_semaphore, #tpu.memory_space<semaphore_mem>>
      %dma_start3A = tpu.memref_slice %arg2[%add3A_43] : memref<320000xi32, #tpu.memory_space<hbm>> -> memref<2000xi32, #tpu.memory_space<hbm>>
      %dma_start3A_70 = tpu.memref_slice %arg2[%add3A_43] : memref<320000xi32, #tpu.memory_space<hbm>> -> memref<2000xi32, #tpu.memory_space<hbm>>
      tpu.enqueue_dma source(%dma_start3A_70 : memref<2000xi32, #tpu.memory_space<hbm>>) target(%arg10 : memref<2000xi32, #tpu.memory_space<vmem>>) target_semaphore(%run_scoped3A : memref<!tpu.dma_semaphore, #tpu.memory_space<semaphore_mem>>)
      %dma_wait3A = tpu.memref_slice %arg2[%add3A_43] : memref<320000xi32, #tpu.memory_space<hbm>> -> memref<2000xi32, #tpu.memory_space<hbm>>
      %dma_wait3A_71 = tpu.memref_slice %arg2[%add3A_43] : memref<320000xi32, #tpu.memory_space<hbm>> -> memref<2000xi32, #tpu.memory_space<hbm>>
      tpu.wait_dma2 semaphore(%run_scoped3A : memref<!tpu.dma_semaphore, #tpu.memory_space<semaphore_mem>>) src(%dma_wait3A_71 : memref<2000xi32, #tpu.memory_space<hbm>>) dst(%arg10 : memref<2000xi32, #tpu.memory_space<vmem>>)
      tpu.yield
    }) : () -> ()
    %scan3A_44 = arith.constant 0 : i32
    %scan3A_45 = arith.constant 125 : i32
    %scan3A_46 = arith.addi %scan3A_44, %scan3A_45 : i32
    %scan3A_47 = arith.constant 1 : i32
    %scan3A_48 = scf.for %scan3A_70 = %scan3A_44 to %scan3A_46 step %scan3A_47 iter_args(%scan3A_71 = %scan3A_38) -> (vector<16xi32>)  : i32 {
      %mul3A_72 = arith.constant 16 : i32
      %mul3A_73 = arith.muli %scan3A_70, %mul3A_72 : i32
      %get3A = arith.index_cast %mul3A_73 : i32 to index
      %get3A_74 = tpu.vector_load %arg10[%get3A] {strides = array<i32>} : memref<2000xi32, #tpu.memory_space<vmem>>, vector<16xi32>,
      %shift_right_arithmetic3A = arith.constant 24 : i32
      %shift_right_arithmetic3A_75 = vector.broadcast %shift_right_arithmetic3A : i32 to vector<16xi32>
      %shift_right_arithmetic3A_76 = arith.shrsi %get3A_74, %shift_right_arithmetic3A_75 : vector<16xi32>
      %and3A = arith.constant 255 : i32
      %and3A_77 = vector.broadcast %and3A : i32 to vector<16xi32>
      %and3A_78 = arith.andi %shift_right_arithmetic3A_76, %and3A_77 : vector<16xi32>
      %broadcast_in_dim3A_79 = arith.constant true
      %broadcast_in_dim3A_80 = vector.broadcast %broadcast_in_dim3A_79 : i1 to vector<16xi1>
      %unique3A, %unique3A_81 = tpu.scan_count mask(%broadcast_in_dim3A_80 : vector<16xi1>) value(%and3A_78 : vector<16xi32>) : vector<16xi1>, vector<16xi32>
      %gather3A = tpu.vector_load_idx %arg7[%and3A_78] : memref<176xi32, #tpu.memory_space<vmem>>[vector<16xi32>], vector<16xi32>,
      %add3A_82 = arith.addi %gather3A, %unique3A_81 : vector<16xi32>
      %sub3A = arith.constant 1 : i32
      %sub3A_83 = vector.broadcast %sub3A : i32 to vector<16xi32>
      %sub3A_84 = arith.subi %add3A_82, %sub3A_83 : vector<16xi32>
      %lt3A = arith.constant 128 : i32
      %lt3A_85 = vector.broadcast %lt3A : i32 to vector<16xi32>
      %lt3A_86 = arith.cmpi slt, %sub3A_84, %lt3A_85 : vector<16xi32>
      %mul3A_87 = arith.constant 128 : i32
      %mul3A_88 = vector.broadcast %mul3A_87 : i32 to vector<16xi32>
      %mul3A_89 = arith.muli %and3A_78, %mul3A_88 : vector<16xi32>
      %add3A_90 = arith.addi %mul3A_89, %sub3A_84 : vector<16xi32>
      tpu.vector_store_idx %arg6[%add3A_90], %get3A_74 masked %lt3A_86 : memref<20480xi32, #tpu.memory_space<vmem>>[vector<16xi32>], vector<16xi32>, vector<16xi1>
      %add3A_91 = arith.addi %gather3A, %unique3A_81 : vector<16xi32>
      tpu.vector_store_idx %arg7[%and3A_78], %add3A_91 masked %unique3A : memref<176xi32, #tpu.memory_space<vmem>>[vector<16xi32>], vector<16xi32>, vector<16xi1>
      %not3A = arith.constant dense<true> : vector<16xi1>
      %not3A_92 = arith.xori %lt3A_86, %not3A : vector<16xi1>
      %convert_element_type3A = arith.extui %not3A_92 : vector<16xi1> to vector<16xi32>
      %broadcast_in_dim3A_93 = arith.constant true
      %broadcast_in_dim3A_94 = vector.broadcast %broadcast_in_dim3A_93 : i1 to vector<16xi1>
      %masked_cumsum3A = tpu.scan <sum>, %convert_element_type3A masked %broadcast_in_dim3A_94 : vector<16xi32>, vector<16xi1> -> vector<16xi32>
      %add3A_95 = arith.addi %scan3A_71, %masked_cumsum3A : vector<16xi32>
      %sub3A_96 = arith.constant 1 : i32
      %sub3A_97 = vector.broadcast %sub3A_96 : i32 to vector<16xi32>
      %sub3A_98 = arith.subi %add3A_95, %sub3A_97 : vector<16xi32>
      tpu.vector_store_idx %arg8[%sub3A_98], %get3A_74 masked %not3A_92 : memref<10256xi32, #tpu.memory_space<vmem>>[vector<16xi32>], vector<16xi32>, vector<16xi1>
      %all_reduce_population_count3A = tpu.all_reduce %not3A_92 {dim = 0 : i64, kind = #tpu.reduction_kind<sum>} : vector<16xi1> -> vector<16xi32>
      %add3A_99 = arith.addi %scan3A_71, %all_reduce_population_count3A : vector<16xi32>
      scf.yield %add3A_99 : vector<16xi32>
    }
    %scan3A_49 = arith.constant 125 : i32
    %mul3A_50 = arith.constant 10000 : i32
    %mul3A_51 = arith.muli %add3A, %mul3A_50 : i32
    %add3A_52 = arith.constant 8000 : i32
    %add3A_53 = arith.addi %mul3A_51, %add3A_52 : i32
    "tpu.region"() ({
      %run_scoped3A = tpu.sem_alloc : memref<!tpu.dma_semaphore, #tpu.memory_space<semaphore_mem>>
      %dma_start3A = tpu.memref_slice %arg2[%add3A_53] : memref<320000xi32, #tpu.memory_space<hbm>> -> memref<2000xi32, #tpu.memory_space<hbm>>
      %dma_start3A_70 = tpu.memref_slice %arg2[%add3A_53] : memref<320000xi32, #tpu.memory_space<hbm>> -> memref<2000xi32, #tpu.memory_space<hbm>>
      tpu.enqueue_dma source(%dma_start3A_70 : memref<2000xi32, #tpu.memory_space<hbm>>) target(%arg10 : memref<2000xi32, #tpu.memory_space<vmem>>) target_semaphore(%run_scoped3A : memref<!tpu.dma_semaphore, #tpu.memory_space<semaphore_mem>>)
      %dma_wait3A = tpu.memref_slice %arg2[%add3A_53] : memref<320000xi32, #tpu.memory_space<hbm>> -> memref<2000xi32, #tpu.memory_space<hbm>>
      %dma_wait3A_71 = tpu.memref_slice %arg2[%add3A_53] : memref<320000xi32, #tpu.memory_space<hbm>> -> memref<2000xi32, #tpu.memory_space<hbm>>
      tpu.wait_dma2 semaphore(%run_scoped3A : memref<!tpu.dma_semaphore, #tpu.memory_space<semaphore_mem>>) src(%dma_wait3A_71 : memref<2000xi32, #tpu.memory_space<hbm>>) dst(%arg10 : memref<2000xi32, #tpu.memory_space<vmem>>)
      tpu.yield
    }) : () -> ()
    %scan3A_54 = arith.constant 0 : i32
    %scan3A_55 = arith.constant 125 : i32
    %scan3A_56 = arith.addi %scan3A_54, %scan3A_55 : i32
    %scan3A_57 = arith.constant 1 : i32
    %scan3A_58 = scf.for %scan3A_70 = %scan3A_54 to %scan3A_56 step %scan3A_57 iter_args(%scan3A_71 = %scan3A_48) -> (vector<16xi32>)  : i32 {
      %mul3A_72 = arith.constant 16 : i32
      %mul3A_73 = arith.muli %scan3A_70, %mul3A_72 : i32
      %get3A = arith.index_cast %mul3A_73 : i32 to index
      %get3A_74 = tpu.vector_load %arg10[%get3A] {strides = array<i32>} : memref<2000xi32, #tpu.memory_space<vmem>>, vector<16xi32>,
      %shift_right_arithmetic3A = arith.constant 24 : i32
      %shift_right_arithmetic3A_75 = vector.broadcast %shift_right_arithmetic3A : i32 to vector<16xi32>
      %shift_right_arithmetic3A_76 = arith.shrsi %get3A_74, %shift_right_arithmetic3A_75 : vector<16xi32>
      %and3A = arith.constant 255 : i32
      %and3A_77 = vector.broadcast %and3A : i32 to vector<16xi32>
      %and3A_78 = arith.andi %shift_right_arithmetic3A_76, %and3A_77 : vector<16xi32>
      %broadcast_in_dim3A_79 = arith.constant true
      %broadcast_in_dim3A_80 = vector.broadcast %broadcast_in_dim3A_79 : i1 to vector<16xi1>
      %unique3A, %unique3A_81 = tpu.scan_count mask(%broadcast_in_dim3A_80 : vector<16xi1>) value(%and3A_78 : vector<16xi32>) : vector<16xi1>, vector<16xi32>
      %gather3A = tpu.vector_load_idx %arg7[%and3A_78] : memref<176xi32, #tpu.memory_space<vmem>>[vector<16xi32>], vector<16xi32>,
      %add3A_82 = arith.addi %gather3A, %unique3A_81 : vector<16xi32>
      %sub3A = arith.constant 1 : i32
      %sub3A_83 = vector.broadcast %sub3A : i32 to vector<16xi32>
      %sub3A_84 = arith.subi %add3A_82, %sub3A_83 : vector<16xi32>
      %lt3A = arith.constant 128 : i32
      %lt3A_85 = vector.broadcast %lt3A : i32 to vector<16xi32>
      %lt3A_86 = arith.cmpi slt, %sub3A_84, %lt3A_85 : vector<16xi32>
      %mul3A_87 = arith.constant 128 : i32
      %mul3A_88 = vector.broadcast %mul3A_87 : i32 to vector<16xi32>
      %mul3A_89 = arith.muli %and3A_78, %mul3A_88 : vector<16xi32>
      %add3A_90 = arith.addi %mul3A_89, %sub3A_84 : vector<16xi32>
      tpu.vector_store_idx %arg6[%add3A_90], %get3A_74 masked %lt3A_86 : memref<20480xi32, #tpu.memory_space<vmem>>[vector<16xi32>], vector<16xi32>, vector<16xi1>
      %add3A_91 = arith.addi %gather3A, %unique3A_81 : vector<16xi32>
      tpu.vector_store_idx %arg7[%and3A_78], %add3A_91 masked %unique3A : memref<176xi32, #tpu.memory_space<vmem>>[vector<16xi32>], vector<16xi32>, vector<16xi1>
      %not3A = arith.constant dense<true> : vector<16xi1>
      %not3A_92 = arith.xori %lt3A_86, %not3A : vector<16xi1>
      %convert_element_type3A = arith.extui %not3A_92 : vector<16xi1> to vector<16xi32>
      %broadcast_in_dim3A_93 = arith.constant true
      %broadcast_in_dim3A_94 = vector.broadcast %broadcast_in_dim3A_93 : i1 to vector<16xi1>
      %masked_cumsum3A = tpu.scan <sum>, %convert_element_type3A masked %broadcast_in_dim3A_94 : vector<16xi32>, vector<16xi1> -> vector<16xi32>
      %add3A_95 = arith.addi %scan3A_71, %masked_cumsum3A : vector<16xi32>
      %sub3A_96 = arith.constant 1 : i32
      %sub3A_97 = vector.broadcast %sub3A_96 : i32 to vector<16xi32>
      %sub3A_98 = arith.subi %add3A_95, %sub3A_97 : vector<16xi32>
      tpu.vector_store_idx %arg8[%sub3A_98], %get3A_74 masked %not3A_92 : memref<10256xi32, #tpu.memory_space<vmem>>[vector<16xi32>], vector<16xi32>, vector<16xi1>
      %all_reduce_population_count3A = tpu.all_reduce %not3A_92 {dim = 0 : i64, kind = #tpu.reduction_kind<sum>} : vector<16xi1> -> vector<16xi32>
      %add3A_99 = arith.addi %scan3A_71, %all_reduce_population_count3A : vector<16xi32>
      scf.yield %add3A_99 : vector<16xi32>
    }
    %scan3A_59 = arith.constant 125 : i32
    %iota3A = tpu.iota {dimensions = array<i32: 0>} : vector<16xi32>
    %add3A_60 = arith.addi %scan3A_58, %iota3A : vector<16xi32>
    tpu.vector_store_idx %arg8[%add3A_60], %broadcast_in_dim3A_1 : memref<10256xi32, #tpu.memory_space<vmem>>[vector<16xi32>], vector<16xi32>,
    %swap3A = arith.constant 0 : index
    %swap3A_61 = tpu.vector_load %arg9[%swap3A] {strides = array<i32>} : memref<16xi32, #tpu.memory_space<vmem>>, vector<16xi32>,
    tpu.vector_store %arg9[%swap3A], %scan3A_58 {strides = array<i32>} : memref<16xi32, #tpu.memory_space<vmem>>, vector<16xi32>,
    %mul3A_62 = arith.constant 16 : i32
    %mul3A_63 = arith.muli %add3A, %mul3A_62 : i32
    "tpu.region"() ({
      %run_scoped3A = tpu.sem_alloc : memref<!tpu.dma_semaphore, #tpu.memory_space<semaphore_mem>>
      %dma_start3A = tpu.memref_slice %arg5[%mul3A_63] : memref<512xi32, #tpu.memory_space<hbm>> -> memref<16xi32, #tpu.memory_space<hbm>>
      %dma_start3A_70 = tpu.memref_slice %arg5[%mul3A_63] : memref<512xi32, #tpu.memory_space<hbm>> -> memref<16xi32, #tpu.memory_space<hbm>>
      tpu.enqueue_dma source(%arg9 : memref<16xi32, #tpu.memory_space<vmem>>) target(%dma_start3A_70 : memref<16xi32, #tpu.memory_space<hbm>>) target_semaphore(%run_scoped3A : memref<!tpu.dma_semaphore, #tpu.memory_space<semaphore_mem>>)
      %dma_wait3A = tpu.memref_slice %arg5[%mul3A_63] : memref<512xi32, #tpu.memory_space<hbm>> -> memref<16xi32, #tpu.memory_space<hbm>>
      %dma_wait3A_71 = tpu.memref_slice %arg5[%mul3A_63] : memref<512xi32, #tpu.memory_space<hbm>> -> memref<16xi32, #tpu.memory_space<hbm>>
      tpu.wait_dma2 semaphore(%run_scoped3A : memref<!tpu.dma_semaphore, #tpu.memory_space<semaphore_mem>>) src(%arg9 : memref<16xi32, #tpu.memory_space<vmem>>) dst(%dma_wait3A_71 : memref<16xi32, #tpu.memory_space<hbm>>)
      tpu.yield
    }) : () -> ()
    %mul3A_64 = arith.constant 160 : i32
    %mul3A_65 = arith.muli %add3A, %mul3A_64 : i32
    %mul3A_66 = arith.constant 128 : i32
    %mul3A_67 = arith.muli %mul3A_65, %mul3A_66 : i32
    "tpu.region"() ({
      %run_scoped3A = tpu.sem_alloc : memref<!tpu.dma_semaphore, #tpu.memory_space<semaphore_mem>>
      %dma_start3A = tpu.memref_slice %arg3[%mul3A_67] : memref<655360xi32, #tpu.memory_space<hbm>> -> memref<20480xi32, #tpu.memory_space<hbm>>
      %dma_start3A_70 = tpu.memref_slice %arg3[%mul3A_67] : memref<655360xi32, #tpu.memory_space<hbm>> -> memref<20480xi32, #tpu.memory_space<hbm>>
      tpu.enqueue_dma source(%arg6 : memref<20480xi32, #tpu.memory_space<vmem>>) target(%dma_start3A_70 : memref<20480xi32, #tpu.memory_space<hbm>>) target_semaphore(%run_scoped3A : memref<!tpu.dma_semaphore, #tpu.memory_space<semaphore_mem>>)
      %dma_wait3A = tpu.memref_slice %arg3[%mul3A_67] : memref<655360xi32, #tpu.memory_space<hbm>> -> memref<20480xi32, #tpu.memory_space<hbm>>
      %dma_wait3A_71 = tpu.memref_slice %arg3[%mul3A_67] : memref<655360xi32, #tpu.memory_space<hbm>> -> memref<20480xi32, #tpu.memory_space<hbm>>
      tpu.wait_dma2 semaphore(%run_scoped3A : memref<!tpu.dma_semaphore, #tpu.memory_space<semaphore_mem>>) src(%arg6 : memref<20480xi32, #tpu.memory_space<vmem>>) dst(%dma_wait3A_71 : memref<20480xi32, #tpu.memory_space<hbm>>)
      tpu.yield
    }) : () -> ()
    %mul3A_68 = arith.constant 10240 : i32
    %mul3A_69 = arith.muli %add3A, %mul3A_68 : i32
    "tpu.region"() ({
      %run_scoped3A = tpu.sem_alloc : memref<!tpu.dma_semaphore, #tpu.memory_space<semaphore_mem>>
      %dma_start3A = arith.constant 0 : i32
      %dma_start3A_70 = tpu.memref_slice %arg8[%dma_start3A] : memref<10256xi32, #tpu.memory_space<vmem>> -> memref<10240xi32, #tpu.memory_space<vmem>>
      %dma_start3A_71 = tpu.memref_slice %arg4[%mul3A_69] : memref<327680xi32, #tpu.memory_space<hbm>> -> memref<10240xi32, #tpu.memory_space<hbm>>
      %dma_start3A_72 = tpu.memref_slice %arg4[%mul3A_69] : memref<327680xi32, #tpu.memory_space<hbm>> -> memref<10240xi32, #tpu.memory_space<hbm>>
      %dma_start3A_73 = arith.constant 0 : i32
      %dma_start3A_74 = tpu.memref_slice %arg8[%dma_start3A_73] : memref<10256xi32, #tpu.memory_space<vmem>> -> memref<10240xi32, #tpu.memory_space<vmem>>
      tpu.enqueue_dma source(%dma_start3A_74 : memref<10240xi32, #tpu.memory_space<vmem>>) target(%dma_start3A_72 : memref<10240xi32, #tpu.memory_space<hbm>>) target_semaphore(%run_scoped3A : memref<!tpu.dma_semaphore, #tpu.memory_space<semaphore_mem>>)
      %dma_wait3A = arith.constant 0 : i32
      %dma_wait3A_75 = tpu.memref_slice %arg8[%dma_wait3A] : memref<10256xi32, #tpu.memory_space<vmem>> -> memref<10240xi32, #tpu.memory_space<vmem>>
      %dma_wait3A_76 = tpu.memref_slice %arg4[%mul3A_69] : memref<327680xi32, #tpu.memory_space<hbm>> -> memref<10240xi32, #tpu.memory_space<hbm>>
      %dma_wait3A_77 = tpu.memref_slice %arg4[%mul3A_69] : memref<327680xi32, #tpu.memory_space<hbm>> -> memref<10240xi32, #tpu.memory_space<hbm>>
      %dma_wait3A_78 = arith.constant 0 : i32
      %dma_wait3A_79 = tpu.memref_slice %arg8[%dma_wait3A_78] : memref<10256xi32, #tpu.memory_space<vmem>> -> memref<10240xi32, #tpu.memory_space<vmem>>
      tpu.wait_dma2 semaphore(%run_scoped3A : memref<!tpu.dma_semaphore, #tpu.memory_space<semaphore_mem>>) src(%dma_wait3A_79 : memref<10240xi32, #tpu.memory_space<vmem>>) dst(%dma_wait3A_77 : memref<10240xi32, #tpu.memory_space<hbm>>)
      tpu.yield
    }) : () -> ()
    return
  }
}

#map = affine_map<(d0, d1) -> (0)>
#map1 = affine_map<(d0, d1) -> (0, 0)>
module attributes {stable_mosaic.version = 14 : i64} {
  func.func @agg_kernel(%arg0: i32, %arg1: i32, %arg2: memref<655360xi32, #tpu.memory_space<hbm>>, %arg3: memref<327680xi32, #tpu.memory_space<hbm>>, %arg4: memref<512xi32, #tpu.memory_space<hbm>>, %arg5: memref<10000x128xf32, #tpu.memory_space<hbm>>, %arg6: memref<64xf32, #tpu.memory_space<hbm>>, %arg7: memref<5242880xf32, #tpu.memory_space<hbm>>, %arg8: memref<8208xi32, #tpu.memory_space<vmem>>, %arg9: memref<128xi32, #tpu.memory_space<vmem>>, %arg10: memref<128xi32, #tpu.memory_space<vmem>>, %arg11: memref<256x128xf32, #tpu.memory_space<vmem>>, %arg12: memref<32768xf32, #tpu.memory_space<vmem>>, %arg13: memref<4096xi32, #tpu.memory_space<vmem>>, %arg14: memref<2000xi32, #tpu.memory_space<vmem>>, %arg15: memref<512xi32, #tpu.memory_space<vmem>>, %arg16: memref<80xf32, #tpu.memory_space<vmem>>, %arg17: memref<!tpu.dma_semaphore, #tpu.memory_space<semaphore_mem>>, %arg18: memref<!tpu.dma_semaphore, #tpu.memory_space<semaphore_mem>>, %arg19: memref<!tpu.dma_semaphore, #tpu.memory_space<semaphore_mem>>) attributes {dimension_semantics = [#tpu.dimension_semantics<core_parallel>, #tpu.dimension_semantics<subcore_parallel>], iteration_bounds = array<i64: 2, 16>, scalar_prefetch = 0 : i64, scratch_operands = 12 : i64, tpu.core_type = #tpu.core_type<sc_vector_subcore>, window_params = [{transform_indices = #map}, {transform_indices = #map}, {transform_indices = #map}, {transform_indices = #map1}, {transform_indices = #map}, {transform_indices = #map}]} {
    %mul3A = arith.constant 2 : i32
    %mul3A_0 = arith.muli %arg1, %mul3A : i32
    %add3A = arith.addi %mul3A_0, %arg0 : i32
    "tpu.region"() ({
      %run_scoped3A = tpu.sem_alloc : memref<!tpu.dma_semaphore, #tpu.memory_space<semaphore_mem>>
      %dma_start3A = arith.constant 0 : i32
      %dma_start3A_7 = tpu.memref_slice %arg16[%dma_start3A] : memref<80xf32, #tpu.memory_space<vmem>> -> memref<64xf32, #tpu.memory_space<vmem>>
      %dma_start3A_8 = arith.constant 0 : i32
      %dma_start3A_9 = tpu.memref_slice %arg16[%dma_start3A_8] : memref<80xf32, #tpu.memory_space<vmem>> -> memref<64xf32, #tpu.memory_space<vmem>>
      tpu.enqueue_dma source(%arg6 : memref<64xf32, #tpu.memory_space<hbm>>) target(%dma_start3A_9 : memref<64xf32, #tpu.memory_space<vmem>>) target_semaphore(%run_scoped3A : memref<!tpu.dma_semaphore, #tpu.memory_space<semaphore_mem>>)
      %dma_wait3A = arith.constant 0 : i32
      %dma_wait3A_10 = tpu.memref_slice %arg16[%dma_wait3A] : memref<80xf32, #tpu.memory_space<vmem>> -> memref<64xf32, #tpu.memory_space<vmem>>
      %dma_wait3A_11 = arith.constant 0 : i32
      %dma_wait3A_12 = tpu.memref_slice %arg16[%dma_wait3A_11] : memref<80xf32, #tpu.memory_space<vmem>> -> memref<64xf32, #tpu.memory_space<vmem>>
      tpu.wait_dma2 semaphore(%run_scoped3A : memref<!tpu.dma_semaphore, #tpu.memory_space<semaphore_mem>>) src(%arg6 : memref<64xf32, #tpu.memory_space<hbm>>) dst(%dma_wait3A_12 : memref<64xf32, #tpu.memory_space<vmem>>)
      tpu.yield
    }) : () -> ()
    "tpu.region"() ({
      %run_scoped3A = tpu.sem_alloc : memref<!tpu.dma_semaphore, #tpu.memory_space<semaphore_mem>>
      tpu.enqueue_dma source(%arg4 : memref<512xi32, #tpu.memory_space<hbm>>) target(%arg15 : memref<512xi32, #tpu.memory_space<vmem>>) target_semaphore(%run_scoped3A : memref<!tpu.dma_semaphore, #tpu.memory_space<semaphore_mem>>)
      tpu.wait_dma2 semaphore(%run_scoped3A : memref<!tpu.dma_semaphore, #tpu.memory_space<semaphore_mem>>) src(%arg4 : memref<512xi32, #tpu.memory_space<hbm>>) dst(%arg15 : memref<512xi32, #tpu.memory_space<vmem>>)
      tpu.yield
    }) : () -> ()
    %scan3A = arith.constant 0 : i32
    %scan3A_1 = arith.constant 0 : i32
    %scan3A_2 = arith.constant 5 : i32
    %scan3A_3 = arith.addi %scan3A_1, %scan3A_2 : i32
    %scan3A_4 = arith.constant 1 : i32
    %scan3A_5 = scf.for %scan3A_7 = %scan3A_1 to %scan3A_3 step %scan3A_4 iter_args(%scan3A_8 = %scan3A) -> (i32)  : i32 {
      %mul3A_9 = arith.constant 32 : i32
      %mul3A_10 = arith.muli %scan3A_7, %mul3A_9 : i32
      %add3A_11 = arith.addi %mul3A_10, %add3A : i32
      %mul3A_12 = arith.constant 64 : i32
      %mul3A_13 = arith.muli %add3A_11, %mul3A_12 : i32
      %broadcast_in_dim3A = arith.constant 0.000000e+00 : f32
      %broadcast_in_dim3A_14 = vector.broadcast %broadcast_in_dim3A : f32 to vector<16xf32>
      %parallel_loop3A = arith.constant 0 : i32
      %parallel_loop3A_15 = arith.constant 2048 : i32
      %parallel_loop3A_16 = arith.constant 1 : i32
      scf.for %parallel_loop3A_102 = %parallel_loop3A to %parallel_loop3A_15 step %parallel_loop3A_16  : i32 {
        %parallel_loop3A_103 = arith.constant 16 : i32
        %parallel_loop3A_104 = arith.muli %parallel_loop3A_102, %parallel_loop3A_103 : i32
        %parallel_loop3A_105 = arith.index_cast %parallel_loop3A_104 : i32 to index
        %parallel_loop3A_106 = tpu.vector_load %arg12[%parallel_loop3A_105] {strides = array<i32>} : memref<32768xf32, #tpu.memory_space<vmem>>, vector<16xf32>,
        tpu.vector_store %arg12[%parallel_loop3A_105], %broadcast_in_dim3A_14 {strides = array<i32>} : memref<32768xf32, #tpu.memory_space<vmem>>, vector<16xf32>,
      } {sc.loop_unroll_factor = 8 : i64, sc.parallel_access}
      %scan3A_17 = arith.constant 0 : i32
      %scan3A_18 = arith.constant 0 : i32
      %scan3A_19 = arith.constant 32 : i32
      %scan3A_20 = arith.addi %scan3A_18, %scan3A_19 : i32
      %scan3A_21 = arith.constant 1 : i32
      %scan3A_22 = scf.for %scan3A_102 = %scan3A_18 to %scan3A_20 step %scan3A_21 iter_args(%scan3A_103 = %scan3A_17) -> (i32)  : i32 {
        %mul3A_104 = arith.constant 160 : i32
        %mul3A_105 = arith.muli %scan3A_102, %mul3A_104 : i32
        %mul3A_106 = arith.constant 128 : i32
        %mul3A_107 = arith.muli %mul3A_105, %mul3A_106 : i32
        %mul3A_108 = arith.constant 128 : i32
        %mul3A_109 = arith.muli %add3A_11, %mul3A_108 : i32
        %add3A_110 = arith.addi %mul3A_107, %mul3A_109 : i32
        %mul3A_111 = arith.constant 128 : i32
        %mul3A_112 = arith.muli %scan3A_102, %mul3A_111 : i32
        %dma_start3A = tpu.memref_slice %arg13[%mul3A_112] : memref<4096xi32, #tpu.memory_space<vmem>> -> memref<128xi32, #tpu.memory_space<vmem>>
        %dma_start3A_113 = tpu.memref_slice %arg2[%add3A_110] : memref<655360xi32, #tpu.memory_space<hbm>> -> memref<128xi32, #tpu.memory_space<hbm>>
        %dma_start3A_114 = tpu.memref_slice %arg13[%mul3A_112] : memref<4096xi32, #tpu.memory_space<vmem>> -> memref<128xi32, #tpu.memory_space<vmem>>
        %dma_start3A_115 = tpu.memref_slice %arg2[%add3A_110] : memref<655360xi32, #tpu.memory_space<hbm>> -> memref<128xi32, #tpu.memory_space<hbm>>
        tpu.enqueue_dma source(%dma_start3A_115 : memref<128xi32, #tpu.memory_space<hbm>>) target(%dma_start3A_114 : memref<128xi32, #tpu.memory_space<vmem>>) target_semaphore(%arg17 : memref<!tpu.dma_semaphore, #tpu.memory_space<semaphore_mem>>)
        %scan3A_116 = arith.constant 0 : i32
        scf.yield %scan3A_116 : i32
      }
      %scan3A_23 = arith.constant 32 : i32
      %scan3A_24 = arith.constant 0 : i32
      %scan3A_25 = arith.constant 0 : i32
      %scan3A_26 = arith.constant 32 : i32
      %scan3A_27 = arith.addi %scan3A_25, %scan3A_26 : i32
      %scan3A_28 = arith.constant 1 : i32
      %scan3A_29 = scf.for %scan3A_102 = %scan3A_25 to %scan3A_27 step %scan3A_28 iter_args(%scan3A_103 = %scan3A_24) -> (i32)  : i32 {
        %mul3A_104 = arith.constant 128 : i32
        %mul3A_105 = arith.muli %add3A_11, %mul3A_104 : i32
        %dma_wait3A = arith.constant 0 : i32
        %dma_wait3A_106 = tpu.memref_slice %arg13[%dma_wait3A] : memref<4096xi32, #tpu.memory_space<vmem>> -> memref<128xi32, #tpu.memory_space<vmem>>
        %dma_wait3A_107 = tpu.memref_slice %arg2[%mul3A_105] : memref<655360xi32, #tpu.memory_space<hbm>> -> memref<128xi32, #tpu.memory_space<hbm>>
        %dma_wait3A_108 = arith.constant 0 : i32
        %dma_wait3A_109 = tpu.memref_slice %arg13[%dma_wait3A_108] : memref<4096xi32, #tpu.memory_space<vmem>> -> memref<128xi32, #tpu.memory_space<vmem>>
        %dma_wait3A_110 = tpu.memref_slice %arg2[%mul3A_105] : memref<655360xi32, #tpu.memory_space<hbm>> -> memref<128xi32, #tpu.memory_space<hbm>>
        tpu.wait_dma2 semaphore(%arg17 : memref<!tpu.dma_semaphore, #tpu.memory_space<semaphore_mem>>) src(%dma_wait3A_110 : memref<128xi32, #tpu.memory_space<hbm>>) dst(%dma_wait3A_109 : memref<128xi32, #tpu.memory_space<vmem>>)
        %scan3A_111 = arith.constant 0 : i32
        scf.yield %scan3A_111 : i32
      }
      %scan3A_30 = arith.constant 32 : i32
      %broadcast_in_dim3A_31 = arith.constant 0 : i32
      %broadcast_in_dim3A_32 = vector.broadcast %broadcast_in_dim3A_31 : i32 to vector<16xi32>
      %parallel_loop3A_33 = arith.constant 0 : i32
      %parallel_loop3A_34 = arith.constant 256 : i32
      %parallel_loop3A_35 = arith.constant 1 : i32
      %parallel_loop3A_36 = scf.for %parallel_loop3A_102 = %parallel_loop3A_33 to %parallel_loop3A_34 step %parallel_loop3A_35 iter_args(%parallel_loop3A_103 = %broadcast_in_dim3A_32) -> (vector<16xi32>)  : i32 {
        %parallel_loop3A_104 = arith.constant 16 : i32
        %parallel_loop3A_105 = arith.muli %parallel_loop3A_102, %parallel_loop3A_104 : i32
        %parallel_loop3A_106 = arith.index_cast %parallel_loop3A_105 : i32 to index
        %parallel_loop3A_107 = tpu.vector_load %arg13[%parallel_loop3A_106] {strides = array<i32>} : memref<4096xi32, #tpu.memory_space<vmem>>, vector<16xi32>,
        %parallel_loop3A_108 = arith.constant 18 : i32
        %parallel_loop3A_109 = vector.broadcast %parallel_loop3A_108 : i32 to vector<16xi32>
        %parallel_loop3A_110 = arith.shrsi %parallel_loop3A_107, %parallel_loop3A_109 : vector<16xi32>
        %parallel_loop3A_111 = arith.constant 16383 : i32
        %parallel_loop3A_112 = vector.broadcast %parallel_loop3A_111 : i32 to vector<16xi32>
        %parallel_loop3A_113 = arith.andi %parallel_loop3A_110, %parallel_loop3A_112 : vector<16xi32>
        %parallel_loop3A_114 = vector.broadcast %mul3A_13 : i32 to vector<16xi32>
        %parallel_loop3A_115 = arith.cmpi sge, %parallel_loop3A_113, %parallel_loop3A_114 : vector<16xi32>
        %parallel_loop3A_116 = arith.constant 64 : i32
        %parallel_loop3A_117 = arith.addi %mul3A_13, %parallel_loop3A_116 : i32
        %parallel_loop3A_118 = vector.broadcast %parallel_loop3A_117 : i32 to vector<16xi32>
        %parallel_loop3A_119 = arith.cmpi slt, %parallel_loop3A_113, %parallel_loop3A_118 : vector<16xi32>
        %parallel_loop3A_120 = arith.andi %parallel_loop3A_115, %parallel_loop3A_119 : vector<16xi1>
        %parallel_loop3A_121 = arith.extui %parallel_loop3A_120 : vector<16xi1> to vector<16xi32>
        %parallel_loop3A_122 = arith.constant true
        %parallel_loop3A_123 = vector.broadcast %parallel_loop3A_122 : i1 to vector<16xi1>
        %parallel_loop3A_124 = tpu.scan <sum>, %parallel_loop3A_121 masked %parallel_loop3A_123 : vector<16xi32>, vector<16xi1> -> vector<16xi32>
        %parallel_loop3A_125 = arith.addi %parallel_loop3A_103, %parallel_loop3A_124 : vector<16xi32>
        %parallel_loop3A_126 = arith.constant 1 : i32
        %parallel_loop3A_127 = vector.broadcast %parallel_loop3A_126 : i32 to vector<16xi32>
        %parallel_loop3A_128 = arith.subi %parallel_loop3A_125, %parallel_loop3A_127 : vector<16xi32>
        %parallel_loop3A_129 = arith.constant 8191 : i32
        %parallel_loop3A_130 = vector.broadcast %parallel_loop3A_129 : i32 to vector<16xi32>
        %parallel_loop3A_131 = arith.andi %parallel_loop3A_128, %parallel_loop3A_130 : vector<16xi32>
        tpu.vector_store_idx %arg8[%parallel_loop3A_131], %parallel_loop3A_107 masked %parallel_loop3A_120 : memref<8208xi32, #tpu.memory_space<vmem>>[vector<16xi32>], vector<16xi32>, vector<16xi1>
        %parallel_loop3A_132 = tpu.all_reduce %parallel_loop3A_120 {dim = 0 : i64, kind = #tpu.reduction_kind<sum>} : vector<16xi1> -> vector<16xi32>
        %parallel_loop3A_133 = arith.addi %parallel_loop3A_103, %parallel_loop3A_132 : vector<16xi32>
        scf.yield %parallel_loop3A_133 : vector<16xi32>
      } {sc.loop_unroll_factor = 5 : i64, sc.parallel_access}
      %reduce_max3A = arith.constant true
      %reduce_max3A_37 = vector.broadcast %reduce_max3A : i1 to vector<16xi1>
      %reduce_max3A_38 = arith.constant -2147483648 : i32
      %reduce_max3A_39 = vector.broadcast %reduce_max3A_38 : i32 to vector<16xi32>
      %reduce_max3A_40 = arith.xori %parallel_loop3A_36, %reduce_max3A_39 : vector<16xi32>
      %reduce_max3A_41 = tpu.scan <max>, %reduce_max3A_40 masked %reduce_max3A_37 : vector<16xi32>, vector<16xi1> -> vector<16xi32>
      %reduce_max3A_42 = arith.xori %reduce_max3A_41, %reduce_max3A_39 : vector<16xi32>
      %reduce_max3A_43 = vector.extract %reduce_max3A_42[15] : i32 from vector<16xi32>
      %jit3A = arith.constant 128 : i32
      %div3A = arith.divsi %reduce_max3A_43, %jit3A : i32
      %sign3A = arith.constant 0 : i32
      %sign3A_44 = arith.cmpi sgt, %reduce_max3A_43, %sign3A : i32
      %sign3A_45 = arith.extui %sign3A_44 : i1 to i32
      %sign3A_46 = arith.constant 0 : i32
      %sign3A_47 = arith.cmpi slt, %reduce_max3A_43, %sign3A_46 : i32
      %sign3A_48 = arith.extui %sign3A_47 : i1 to i32
      %sign3A_49 = arith.subi %sign3A_45, %sign3A_48 : i32
      %sign3A_50 = arith.constant 0 : i32
      %sign3A_51 = arith.cmpi sgt, %jit3A, %sign3A_50 : i32
      %sign3A_52 = arith.extui %sign3A_51 : i1 to i32
      %sign3A_53 = arith.constant 0 : i32
      %sign3A_54 = arith.cmpi slt, %jit3A, %sign3A_53 : i32
      %sign3A_55 = arith.extui %sign3A_54 : i1 to i32
      %sign3A_56 = arith.subi %sign3A_52, %sign3A_55 : i32
      %ne3A = arith.cmpi ne, %sign3A_49, %sign3A_56 : i32
      %rem3A = arith.remsi %reduce_max3A_43, %jit3A : i32
      %ne3A_57 = arith.constant 0 : i32
      %ne3A_58 = arith.cmpi ne, %rem3A, %ne3A_57 : i32
      %and3A = arith.andi %ne3A, %ne3A_58 : i1
      %sub3A = arith.constant 1 : i32
      %sub3A_59 = arith.subi %div3A, %sub3A : i32
      %select_n3A = arith.select %and3A, %sub3A_59, %div3A : i32
      %gt3A = arith.constant 0 : i32
      %gt3A_60 = arith.cmpi sgt, %select_n3A, %gt3A : i32
      %convert_element_type3A = arith.extui %gt3A_60 : i1 to i32
      %cond3A = arith.constant 0 : i32
      %cond3A_61 = arith.cmpi ne, %convert_element_type3A, %cond3A : i32
      scf.if %cond3A_61 {
        %get3A = arith.constant 0 : index
        %get3A_102 = tpu.vector_load %arg8[%get3A] {strides = array<i32>} : memref<8208xi32, #tpu.memory_space<vmem>>, vector<16xi32>,
        %and3A_103 = arith.constant 16383 : i32
        %and3A_104 = vector.broadcast %and3A_103 : i32 to vector<16xi32>
        %and3A_105 = arith.andi %get3A_102, %and3A_104 : vector<16xi32>
        %swap3A = arith.constant 0 : index
        %swap3A_106 = tpu.vector_load %arg9[%swap3A] {strides = array<i32>} : memref<128xi32, #tpu.memory_space<vmem>>, vector<16xi32>,
        tpu.vector_store %arg9[%swap3A], %and3A_105 {strides = array<i32>} : memref<128xi32, #tpu.memory_space<vmem>>, vector<16xi32>,
        %get3A_107 = arith.constant 16 : index
        %get3A_108 = tpu.vector_load %arg8[%get3A_107] {strides = array<i32>} : memref<8208xi32, #tpu.memory_space<vmem>>, vector<16xi32>,
        %and3A_109 = arith.constant 16383 : i32
        %and3A_110 = vector.broadcast %and3A_109 : i32 to vector<16xi32>
        %and3A_111 = arith.andi %get3A_108, %and3A_110 : vector<16xi32>
        %swap3A_112 = arith.constant 16 : index
        %swap3A_113 = tpu.vector_load %arg9[%swap3A_112] {strides = array<i32>} : memref<128xi32, #tpu.memory_space<vmem>>, vector<16xi32>,
        tpu.vector_store %arg9[%swap3A_112], %and3A_111 {strides = array<i32>} : memref<128xi32, #tpu.memory_space<vmem>>, vector<16xi32>,
        %get3A_114 = arith.constant 32 : index
        %get3A_115 = tpu.vector_load %arg8[%get3A_114] {strides = array<i32>} : memref<8208xi32, #tpu.memory_space<vmem>>, vector<16xi32>,
        %and3A_116 = arith.constant 16383 : i32
        %and3A_117 = vector.broadcast %and3A_116 : i32 to vector<16xi32>
        %and3A_118 = arith.andi %get3A_115, %and3A_117 : vector<16xi32>
        %swap3A_119 = arith.constant 32 : index
        %swap3A_120 = tpu.vector_load %arg9[%swap3A_119] {strides = array<i32>} : memref<128xi32, #tpu.memory_space<vmem>>, vector<16xi32>,
        tpu.vector_store %arg9[%swap3A_119], %and3A_118 {strides = array<i32>} : memref<128xi32, #tpu.memory_space<vmem>>, vector<16xi32>,
        %get3A_121 = arith.constant 48 : index
        %get3A_122 = tpu.vector_load %arg8[%get3A_121] {strides = array<i32>} : memref<8208xi32, #tpu.memory_space<vmem>>, vector<16xi32>,
        %and3A_123 = arith.constant 16383 : i32
        %and3A_124 = vector.broadcast %and3A_123 : i32 to vector<16xi32>
        %and3A_125 = arith.andi %get3A_122, %and3A_124 : vector<16xi32>
        %swap3A_126 = arith.constant 48 : index
        %swap3A_127 = tpu.vector_load %arg9[%swap3A_126] {strides = array<i32>} : memref<128xi32, #tpu.memory_space<vmem>>, vector<16xi32>,
        tpu.vector_store %arg9[%swap3A_126], %and3A_125 {strides = array<i32>} : memref<128xi32, #tpu.memory_space<vmem>>, vector<16xi32>,
        %get3A_128 = arith.constant 64 : index
        %get3A_129 = tpu.vector_load %arg8[%get3A_128] {strides = array<i32>} : memref<8208xi32, #tpu.memory_space<vmem>>, vector<16xi32>,
        %and3A_130 = arith.constant 16383 : i32
        %and3A_131 = vector.broadcast %and3A_130 : i32 to vector<16xi32>
        %and3A_132 = arith.andi %get3A_129, %and3A_131 : vector<16xi32>
        %swap3A_133 = arith.constant 64 : index
        %swap3A_134 = tpu.vector_load %arg9[%swap3A_133] {strides = array<i32>} : memref<128xi32, #tpu.memory_space<vmem>>, vector<16xi32>,
        tpu.vector_store %arg9[%swap3A_133], %and3A_132 {strides = array<i32>} : memref<128xi32, #tpu.memory_space<vmem>>, vector<16xi32>,
        %get3A_135 = arith.constant 80 : index
        %get3A_136 = tpu.vector_load %arg8[%get3A_135] {strides = array<i32>} : memref<8208xi32, #tpu.memory_space<vmem>>, vector<16xi32>,
        %and3A_137 = arith.constant 16383 : i32
        %and3A_138 = vector.broadcast %and3A_137 : i32 to vector<16xi32>
        %and3A_139 = arith.andi %get3A_136, %and3A_138 : vector<16xi32>
        %swap3A_140 = arith.constant 80 : index
        %swap3A_141 = tpu.vector_load %arg9[%swap3A_140] {strides = array<i32>} : memref<128xi32, #tpu.memory_space<vmem>>, vector<16xi32>,
        tpu.vector_store %arg9[%swap3A_140], %and3A_139 {strides = array<i32>} : memref<128xi32, #tpu.memory_space<vmem>>, vector<16xi32>,
        %get3A_142 = arith.constant 96 : index
        %get3A_143 = tpu.vector_load %arg8[%get3A_142] {strides = array<i32>} : memref<8208xi32, #tpu.memory_space<vmem>>, vector<16xi32>,
        %and3A_144 = arith.constant 16383 : i32
        %and3A_145 = vector.broadcast %and3A_144 : i32 to vector<16xi32>
        %and3A_146 = arith.andi %get3A_143, %and3A_145 : vector<16xi32>
        %swap3A_147 = arith.constant 96 : index
        %swap3A_148 = tpu.vector_load %arg9[%swap3A_147] {strides = array<i32>} : memref<128xi32, #tpu.memory_space<vmem>>, vector<16xi32>,
        tpu.vector_store %arg9[%swap3A_147], %and3A_146 {strides = array<i32>} : memref<128xi32, #tpu.memory_space<vmem>>, vector<16xi32>,
        %get3A_149 = arith.constant 112 : index
        %get3A_150 = tpu.vector_load %arg8[%get3A_149] {strides = array<i32>} : memref<8208xi32, #tpu.memory_space<vmem>>, vector<16xi32>,
        %and3A_151 = arith.constant 16383 : i32
        %and3A_152 = vector.broadcast %and3A_151 : i32 to vector<16xi32>
        %and3A_153 = arith.andi %get3A_150, %and3A_152 : vector<16xi32>
        %swap3A_154 = arith.constant 112 : index
        %swap3A_155 = tpu.vector_load %arg9[%swap3A_154] {strides = array<i32>} : memref<128xi32, #tpu.memory_space<vmem>>, vector<16xi32>,
        tpu.vector_store %arg9[%swap3A_154], %and3A_153 {strides = array<i32>} : memref<128xi32, #tpu.memory_space<vmem>>, vector<16xi32>,
        %dma_start3A = arith.constant 0 : i32
        %dma_start3A_156 = arith.constant 0 : i32
        %dma_start3A_157 = tpu.memref_slice %arg11[%dma_start3A, %dma_start3A_156] : memref<256x128xf32, #tpu.memory_space<vmem>> -> memref<128x128xf32, #tpu.memory_space<vmem>>
        %dma_start3A_158 = arith.constant 0 : i32
        %dma_start3A_159 = arith.constant 0 : i32
        %dma_start3A_160 = tpu.memref_slice %arg5[%dma_start3A_158, %dma_start3A_159] : memref<10000x128xf32, #tpu.memory_space<hbm>> -> memref<10000x128xf32, #tpu.memory_space<hbm>>
        tpu.enqueue_indirect_dma source(%dma_start3A_160 : memref<10000x128xf32, #tpu.memory_space<hbm>>) target(%dma_start3A_157 : memref<128x128xf32, #tpu.memory_space<vmem>>) offsets(%arg9 : memref<128xi32, #tpu.memory_space<vmem>>) semaphore(%arg18 : memref<!tpu.dma_semaphore, #tpu.memory_space<semaphore_mem>>)
      } else {
      }
      %while3A = arith.constant 0 : i32
      %while3A_62 = arith.constant 0 : i32
      %while3A_63 = arith.subi %select_n3A, %while3A : i32
      %while3A_64 = arith.addi %while3A, %while3A_63 : i32
      %while3A_65 = arith.constant 1 : i32
      %while3A_66 = arith.divsi %while3A_63, %while3A_65 : i32
      %while3A_67 = arith.muli %while3A_66, %while3A_65 : i32
      %while3A_68 = arith.addi %while3A, %while3A_67 : i32
      %while3A_69 = arith.constant 1 : i32
      %while3A_70 = scf.for %while3A_102 = %while3A to %while3A_68 step %while3A_69 iter_args(%while3A_103 = %while3A_62) -> (i32)  : i32 {
        %add3A_104 = arith.constant 1 : i32
        %add3A_105 = arith.addi %while3A_102, %add3A_104 : i32
        %mul3A_106 = arith.constant 128 : i32
        %mul3A_107 = arith.muli %add3A_105, %mul3A_106 : i32
        %and3A_108 = arith.constant 1 : i32
        %and3A_109 = arith.andi %while3A_102, %and3A_108 : i32
        %eq3A = arith.constant 0 : i32
        %eq3A_110 = arith.cmpi eq, %and3A_109, %eq3A : i32
        %convert_element_type3A_111 = arith.extui %eq3A_110 : i1 to i32
        %cond3A_112 = arith.constant 0 : i32
        %cond3A_113 = arith.cmpi ne, %convert_element_type3A_111, %cond3A_112 : i32
        scf.if %cond3A_113 {
          %add3A_122 = arith.constant 1 : i32
          %add3A_123 = arith.addi %while3A_102, %add3A_122 : i32
          %lt3A = arith.cmpi slt, %add3A_123, %select_n3A : i32
          %convert_element_type3A_124 = arith.extui %lt3A : i1 to i32
          %cond3A_125 = arith.constant 0 : i32
          %cond3A_126 = arith.cmpi ne, %convert_element_type3A_124, %cond3A_125 : i32
          scf.if %cond3A_126 {
            %add3A_137 = arith.constant 0 : i32
            %add3A_138 = arith.addi %mul3A_107, %add3A_137 : i32
            %get3A = arith.index_cast %add3A_138 : i32 to index
            %get3A_139 = tpu.vector_load %arg8[%get3A] {strides = array<i32>} : memref<8208xi32, #tpu.memory_space<vmem>>, vector<16xi32>,
            %and3A_140 = arith.constant 16383 : i32
            %and3A_141 = vector.broadcast %and3A_140 : i32 to vector<16xi32>
            %and3A_142 = arith.andi %get3A_139, %and3A_141 : vector<16xi32>
            %swap3A = arith.constant 0 : index
            %swap3A_143 = tpu.vector_load %arg10[%swap3A] {strides = array<i32>} : memref<128xi32, #tpu.memory_space<vmem>>, vector<16xi32>,
            tpu.vector_store %arg10[%swap3A], %and3A_142 {strides = array<i32>} : memref<128xi32, #tpu.memory_space<vmem>>, vector<16xi32>,
            %add3A_144 = arith.constant 16 : i32
            %add3A_145 = arith.addi %mul3A_107, %add3A_144 : i32
            %get3A_146 = arith.index_cast %add3A_145 : i32 to index
            %get3A_147 = tpu.vector_load %arg8[%get3A_146] {strides = array<i32>} : memref<8208xi32, #tpu.memory_space<vmem>>, vector<16xi32>,
            %and3A_148 = arith.constant 16383 : i32
            %and3A_149 = vector.broadcast %and3A_148 : i32 to vector<16xi32>
            %and3A_150 = arith.andi %get3A_147, %and3A_149 : vector<16xi32>
            %swap3A_151 = arith.constant 16 : index
            %swap3A_152 = tpu.vector_load %arg10[%swap3A_151] {strides = array<i32>} : memref<128xi32, #tpu.memory_space<vmem>>, vector<16xi32>,
            tpu.vector_store %arg10[%swap3A_151], %and3A_150 {strides = array<i32>} : memref<128xi32, #tpu.memory_space<vmem>>, vector<16xi32>,
            %add3A_153 = arith.constant 32 : i32
            %add3A_154 = arith.addi %mul3A_107, %add3A_153 : i32
            %get3A_155 = arith.index_cast %add3A_154 : i32 to index
            %get3A_156 = tpu.vector_load %arg8[%get3A_155] {strides = array<i32>} : memref<8208xi32, #tpu.memory_space<vmem>>, vector<16xi32>,
            %and3A_157 = arith.constant 16383 : i32
            %and3A_158 = vector.broadcast %and3A_157 : i32 to vector<16xi32>
            %and3A_159 = arith.andi %get3A_156, %and3A_158 : vector<16xi32>
            %swap3A_160 = arith.constant 32 : index
            %swap3A_161 = tpu.vector_load %arg10[%swap3A_160] {strides = array<i32>} : memref<128xi32, #tpu.memory_space<vmem>>, vector<16xi32>,
            tpu.vector_store %arg10[%swap3A_160], %and3A_159 {strides = array<i32>} : memref<128xi32, #tpu.memory_space<vmem>>, vector<16xi32>,
            %add3A_162 = arith.constant 48 : i32
            %add3A_163 = arith.addi %mul3A_107, %add3A_162 : i32
            %get3A_164 = arith.index_cast %add3A_163 : i32 to index
            %get3A_165 = tpu.vector_load %arg8[%get3A_164] {strides = array<i32>} : memref<8208xi32, #tpu.memory_space<vmem>>, vector<16xi32>,
            %and3A_166 = arith.constant 16383 : i32
            %and3A_167 = vector.broadcast %and3A_166 : i32 to vector<16xi32>
            %and3A_168 = arith.andi %get3A_165, %and3A_167 : vector<16xi32>
            %swap3A_169 = arith.constant 48 : index
            %swap3A_170 = tpu.vector_load %arg10[%swap3A_169] {strides = array<i32>} : memref<128xi32, #tpu.memory_space<vmem>>, vector<16xi32>,
            tpu.vector_store %arg10[%swap3A_169], %and3A_168 {strides = array<i32>} : memref<128xi32, #tpu.memory_space<vmem>>, vector<16xi32>,
            %add3A_171 = arith.constant 64 : i32
            %add3A_172 = arith.addi %mul3A_107, %add3A_171 : i32
            %get3A_173 = arith.index_cast %add3A_172 : i32 to index
            %get3A_174 = tpu.vector_load %arg8[%get3A_173] {strides = array<i32>} : memref<8208xi32, #tpu.memory_space<vmem>>, vector<16xi32>,
            %and3A_175 = arith.constant 16383 : i32
            %and3A_176 = vector.broadcast %and3A_175 : i32 to vector<16xi32>
            %and3A_177 = arith.andi %get3A_174, %and3A_176 : vector<16xi32>
            %swap3A_178 = arith.constant 64 : index
            %swap3A_179 = tpu.vector_load %arg10[%swap3A_178] {strides = array<i32>} : memref<128xi32, #tpu.memory_space<vmem>>, vector<16xi32>,
            tpu.vector_store %arg10[%swap3A_178], %and3A_177 {strides = array<i32>} : memref<128xi32, #tpu.memory_space<vmem>>, vector<16xi32>,
            %add3A_180 = arith.constant 80 : i32
            %add3A_181 = arith.addi %mul3A_107, %add3A_180 : i32
            %get3A_182 = arith.index_cast %add3A_181 : i32 to index
            %get3A_183 = tpu.vector_load %arg8[%get3A_182] {strides = array<i32>} : memref<8208xi32, #tpu.memory_space<vmem>>, vector<16xi32>,
            %and3A_184 = arith.constant 16383 : i32
            %and3A_185 = vector.broadcast %and3A_184 : i32 to vector<16xi32>
            %and3A_186 = arith.andi %get3A_183, %and3A_185 : vector<16xi32>
            %swap3A_187 = arith.constant 80 : index
            %swap3A_188 = tpu.vector_load %arg10[%swap3A_187] {strides = array<i32>} : memref<128xi32, #tpu.memory_space<vmem>>, vector<16xi32>,
            tpu.vector_store %arg10[%swap3A_187], %and3A_186 {strides = array<i32>} : memref<128xi32, #tpu.memory_space<vmem>>, vector<16xi32>,
            %add3A_189 = arith.constant 96 : i32
            %add3A_190 = arith.addi %mul3A_107, %add3A_189 : i32
            %get3A_191 = arith.index_cast %add3A_190 : i32 to index
            %get3A_192 = tpu.vector_load %arg8[%get3A_191] {strides = array<i32>} : memref<8208xi32, #tpu.memory_space<vmem>>, vector<16xi32>,
            %and3A_193 = arith.constant 16383 : i32
            %and3A_194 = vector.broadcast %and3A_193 : i32 to vector<16xi32>
            %and3A_195 = arith.andi %get3A_192, %and3A_194 : vector<16xi32>
            %swap3A_196 = arith.constant 96 : index
            %swap3A_197 = tpu.vector_load %arg10[%swap3A_196] {strides = array<i32>} : memref<128xi32, #tpu.memory_space<vmem>>, vector<16xi32>,
            tpu.vector_store %arg10[%swap3A_196], %and3A_195 {strides = array<i32>} : memref<128xi32, #tpu.memory_space<vmem>>, vector<16xi32>,
            %add3A_198 = arith.constant 112 : i32
            %add3A_199 = arith.addi %mul3A_107, %add3A_198 : i32
            %get3A_200 = arith.index_cast %add3A_199 : i32 to index
            %get3A_201 = tpu.vector_load %arg8[%get3A_200] {strides = array<i32>} : memref<8208xi32, #tpu.memory_space<vmem>>, vector<16xi32>,
            %and3A_202 = arith.constant 16383 : i32
            %and3A_203 = vector.broadcast %and3A_202 : i32 to vector<16xi32>
            %and3A_204 = arith.andi %get3A_201, %and3A_203 : vector<16xi32>
            %swap3A_205 = arith.constant 112 : index
            %swap3A_206 = tpu.vector_load %arg10[%swap3A_205] {strides = array<i32>} : memref<128xi32, #tpu.memory_space<vmem>>, vector<16xi32>,
            tpu.vector_store %arg10[%swap3A_205], %and3A_204 {strides = array<i32>} : memref<128xi32, #tpu.memory_space<vmem>>, vector<16xi32>,
            %dma_start3A = arith.constant 128 : i32
            %dma_start3A_207 = arith.constant 0 : i32
            %dma_start3A_208 = tpu.memref_slice %arg11[%dma_start3A, %dma_start3A_207] : memref<256x128xf32, #tpu.memory_space<vmem>> -> memref<128x128xf32, #tpu.memory_space<vmem>>
            %dma_start3A_209 = arith.constant 0 : i32
            %dma_start3A_210 = arith.constant 0 : i32
            %dma_start3A_211 = tpu.memref_slice %arg5[%dma_start3A_209, %dma_start3A_210] : memref<10000x128xf32, #tpu.memory_space<hbm>> -> memref<10000x128xf32, #tpu.memory_space<hbm>>
            tpu.enqueue_indirect_dma source(%dma_start3A_211 : memref<10000x128xf32, #tpu.memory_space<hbm>>) target(%dma_start3A_208 : memref<128x128xf32, #tpu.memory_space<vmem>>) offsets(%arg10 : memref<128xi32, #tpu.memory_space<vmem>>) semaphore(%arg19 : memref<!tpu.dma_semaphore, #tpu.memory_space<semaphore_mem>>)
          } else {
          }
          %dma_wait3A = arith.constant 0 : i32
          %dma_wait3A_127 = arith.constant 0 : i32
          %dma_wait3A_128 = tpu.memref_slice %arg11[%dma_wait3A, %dma_wait3A_127] : memref<256x128xf32, #tpu.memory_space<vmem>> -> memref<128x128xf32, #tpu.memory_space<vmem>>
          %dma_wait3A_129 = arith.constant 0 : i32
          %dma_wait3A_130 = arith.constant 0 : i32
          %dma_wait3A_131 = tpu.memref_slice %arg5[%dma_wait3A_129, %dma_wait3A_130] : memref<10000x128xf32, #tpu.memory_space<hbm>> -> memref<10000x128xf32, #tpu.memory_space<hbm>>
          tpu.wait_indirect_dma semaphore(%arg18 : memref<!tpu.dma_semaphore, #tpu.memory_space<semaphore_mem>>) src(%dma_wait3A_131 : memref<10000x128xf32, #tpu.memory_space<hbm>>) dst(%dma_wait3A_128 : memref<128x128xf32, #tpu.memory_space<vmem>>)
          %mul3A_132 = arith.constant 128 : i32
          %mul3A_133 = arith.muli %while3A_102, %mul3A_132 : i32
          %parallel_loop3A_134 = arith.constant 0 : i32
          %parallel_loop3A_135 = arith.constant 128 : i32
          %parallel_loop3A_136 = arith.constant 1 : i32
          scf.for %parallel_loop3A_137 = %parallel_loop3A_134 to %parallel_loop3A_135 step %parallel_loop3A_136  : i32 {
            %parallel_loop3A_138 = arith.addi %mul3A_133, %parallel_loop3A_137 : i32
            %parallel_loop3A_139 = arith.index_cast %parallel_loop3A_138 : i32 to index
            %parallel_loop3A_140 = tpu.vector_load %arg8[%parallel_loop3A_139] {strides = array<i32>} : memref<8208xi32, #tpu.memory_space<vmem>>, vector<16xi32>,
            %parallel_loop3A_141 = vector.extract_strided_slice %parallel_loop3A_140 {offsets = [0], sizes = [1], strides = [1]} : vector<16xi32> to vector<1xi32>
            %parallel_loop3A_142 = vector.extract %parallel_loop3A_141[0] : i32 from vector<1xi32>
            %parallel_loop3A_143 = arith.constant 18 : i32
            %parallel_loop3A_144 = arith.shrsi %parallel_loop3A_142, %parallel_loop3A_143 : i32
            %parallel_loop3A_145 = arith.constant 16383 : i32
            %parallel_loop3A_146 = arith.andi %parallel_loop3A_144, %parallel_loop3A_145 : i32
            %parallel_loop3A_147 = arith.subi %parallel_loop3A_146, %mul3A_13 : i32
            %parallel_loop3A_148 = arith.constant 14 : i32
            %parallel_loop3A_149 = arith.shrsi %parallel_loop3A_142, %parallel_loop3A_148 : i32
            %parallel_loop3A_150 = arith.constant 15 : i32
            %parallel_loop3A_151 = arith.andi %parallel_loop3A_149, %parallel_loop3A_150 : i32
            %parallel_loop3A_152 = arith.constant 4 : i32
            %parallel_loop3A_153 = arith.muli %parallel_loop3A_151, %parallel_loop3A_152 : i32
            %parallel_loop3A_154 = arith.index_cast %parallel_loop3A_153 : i32 to index
            %parallel_loop3A_155 = tpu.vector_load %arg16[%parallel_loop3A_154] {strides = array<i32>} : memref<80xf32, #tpu.memory_space<vmem>>, vector<16xf32>,
            %parallel_loop3A_156 = vector.extract_strided_slice %parallel_loop3A_155 {offsets = [0], sizes = [1], strides = [1]} : vector<16xf32> to vector<1xf32>
            %parallel_loop3A_157 = vector.extract %parallel_loop3A_156[0] : f32 from vector<1xf32>
            %parallel_loop3A_158 = vector.extract_strided_slice %parallel_loop3A_155 {offsets = [1], sizes = [1], strides = [1]} : vector<16xf32> to vector<1xf32>
            %parallel_loop3A_159 = vector.extract %parallel_loop3A_158[0] : f32 from vector<1xf32>
            %parallel_loop3A_160 = vector.extract_strided_slice %parallel_loop3A_155 {offsets = [2], sizes = [1], strides = [1]} : vector<16xf32> to vector<1xf32>
            %parallel_loop3A_161 = vector.extract %parallel_loop3A_160[0] : f32 from vector<1xf32>
            %parallel_loop3A_162 = vector.extract_strided_slice %parallel_loop3A_155 {offsets = [3], sizes = [1], strides = [1]} : vector<16xf32> to vector<1xf32>
            %parallel_loop3A_163 = vector.extract %parallel_loop3A_162[0] : f32 from vector<1xf32>
            %parallel_loop3A_164 = arith.constant 512 : i32
            %parallel_loop3A_165 = arith.muli %parallel_loop3A_147, %parallel_loop3A_164 : i32
            %parallel_loop3A_166 = arith.constant 0 : i32
            %parallel_loop3A_167 = arith.addi %parallel_loop3A_166, %parallel_loop3A_137 : i32
            %parallel_loop3A_168 = arith.index_cast %parallel_loop3A_167 : i32 to index
            %parallel_loop3A_169 = arith.constant 0 : index
            %parallel_loop3A_170 = tpu.vector_load %arg11[%parallel_loop3A_168, %parallel_loop3A_169] {strides = array<i32>} : memref<256x128xf32, #tpu.memory_space<vmem>>, vector<16xf32>,
            %parallel_loop3A_171 = arith.constant 0 : i32
            %parallel_loop3A_172 = arith.addi %parallel_loop3A_171, %parallel_loop3A_137 : i32
            %parallel_loop3A_173 = arith.index_cast %parallel_loop3A_172 : i32 to index
            %parallel_loop3A_174 = arith.constant 16 : index
            %parallel_loop3A_175 = tpu.vector_load %arg11[%parallel_loop3A_173, %parallel_loop3A_174] {strides = array<i32>} : memref<256x128xf32, #tpu.memory_space<vmem>>, vector<16xf32>,
            %parallel_loop3A_176 = arith.constant 0 : i32
            %parallel_loop3A_177 = arith.addi %parallel_loop3A_176, %parallel_loop3A_137 : i32
            %parallel_loop3A_178 = arith.index_cast %parallel_loop3A_177 : i32 to index
            %parallel_loop3A_179 = arith.constant 32 : index
            %parallel_loop3A_180 = tpu.vector_load %arg11[%parallel_loop3A_178, %parallel_loop3A_179] {strides = array<i32>} : memref<256x128xf32, #tpu.memory_space<vmem>>, vector<16xf32>,
            %parallel_loop3A_181 = arith.constant 0 : i32
            %parallel_loop3A_182 = arith.addi %parallel_loop3A_181, %parallel_loop3A_137 : i32
            %parallel_loop3A_183 = arith.index_cast %parallel_loop3A_182 : i32 to index
            %parallel_loop3A_184 = arith.constant 48 : index
            %parallel_loop3A_185 = tpu.vector_load %arg11[%parallel_loop3A_183, %parallel_loop3A_184] {strides = array<i32>} : memref<256x128xf32, #tpu.memory_space<vmem>>, vector<16xf32>,
            %parallel_loop3A_186 = arith.constant 0 : i32
            %parallel_loop3A_187 = arith.addi %parallel_loop3A_186, %parallel_loop3A_137 : i32
            %parallel_loop3A_188 = arith.index_cast %parallel_loop3A_187 : i32 to index
            %parallel_loop3A_189 = arith.constant 64 : index
            %parallel_loop3A_190 = tpu.vector_load %arg11[%parallel_loop3A_188, %parallel_loop3A_189] {strides = array<i32>} : memref<256x128xf32, #tpu.memory_space<vmem>>, vector<16xf32>,
            %parallel_loop3A_191 = arith.constant 0 : i32
            %parallel_loop3A_192 = arith.addi %parallel_loop3A_191, %parallel_loop3A_137 : i32
            %parallel_loop3A_193 = arith.index_cast %parallel_loop3A_192 : i32 to index
            %parallel_loop3A_194 = arith.constant 80 : index
            %parallel_loop3A_195 = tpu.vector_load %arg11[%parallel_loop3A_193, %parallel_loop3A_194] {strides = array<i32>} : memref<256x128xf32, #tpu.memory_space<vmem>>, vector<16xf32>,
            %parallel_loop3A_196 = arith.constant 0 : i32
            %parallel_loop3A_197 = arith.addi %parallel_loop3A_196, %parallel_loop3A_137 : i32
            %parallel_loop3A_198 = arith.index_cast %parallel_loop3A_197 : i32 to index
            %parallel_loop3A_199 = arith.constant 96 : index
            %parallel_loop3A_200 = tpu.vector_load %arg11[%parallel_loop3A_198, %parallel_loop3A_199] {strides = array<i32>} : memref<256x128xf32, #tpu.memory_space<vmem>>, vector<16xf32>,
            %parallel_loop3A_201 = arith.constant 0 : i32
            %parallel_loop3A_202 = arith.addi %parallel_loop3A_201, %parallel_loop3A_137 : i32
            %parallel_loop3A_203 = arith.index_cast %parallel_loop3A_202 : i32 to index
            %parallel_loop3A_204 = arith.constant 112 : index
            %parallel_loop3A_205 = tpu.vector_load %arg11[%parallel_loop3A_203, %parallel_loop3A_204] {strides = array<i32>} : memref<256x128xf32, #tpu.memory_space<vmem>>, vector<16xf32>,
            %parallel_loop3A_206 = arith.constant 0 : i32
            %parallel_loop3A_207 = arith.addi %parallel_loop3A_165, %parallel_loop3A_206 : i32
            %parallel_loop3A_208 = arith.constant 0 : i32
            %parallel_loop3A_209 = arith.addi %parallel_loop3A_207, %parallel_loop3A_208 : i32
            %parallel_loop3A_210 = vector.broadcast %parallel_loop3A_157 : f32 to vector<16xf32>
            %parallel_loop3A_211 = arith.mulf %parallel_loop3A_170, %parallel_loop3A_210 : vector<16xf32>
            %parallel_loop3A_212 = arith.index_cast %parallel_loop3A_209 : i32 to index
            %parallel_loop3A_213 = tpu.vector_load %arg12[%parallel_loop3A_212] {strides = array<i32>} : memref<32768xf32, #tpu.memory_space<vmem>>, vector<16xf32>,
            tpu.vector_store %arg12[%parallel_loop3A_212], %parallel_loop3A_211 {add = true, strides = array<i32>} : memref<32768xf32, #tpu.memory_space<vmem>>, vector<16xf32>,
            %parallel_loop3A_214 = arith.constant 128 : i32
            %parallel_loop3A_215 = arith.addi %parallel_loop3A_165, %parallel_loop3A_214 : i32
            %parallel_loop3A_216 = arith.constant 0 : i32
            %parallel_loop3A_217 = arith.addi %parallel_loop3A_215, %parallel_loop3A_216 : i32
            %parallel_loop3A_218 = vector.broadcast %parallel_loop3A_159 : f32 to vector<16xf32>
            %parallel_loop3A_219 = arith.mulf %parallel_loop3A_170, %parallel_loop3A_218 : vector<16xf32>
            %parallel_loop3A_220 = arith.index_cast %parallel_loop3A_217 : i32 to index
            %parallel_loop3A_221 = tpu.vector_load %arg12[%parallel_loop3A_220] {strides = array<i32>} : memref<32768xf32, #tpu.memory_space<vmem>>, vector<16xf32>,
            tpu.vector_store %arg12[%parallel_loop3A_220], %parallel_loop3A_219 {add = true, strides = array<i32>} : memref<32768xf32, #tpu.memory_space<vmem>>, vector<16xf32>,
            %parallel_loop3A_222 = arith.constant 256 : i32
            %parallel_loop3A_223 = arith.addi %parallel_loop3A_165, %parallel_loop3A_222 : i32
            %parallel_loop3A_224 = arith.constant 0 : i32
            %parallel_loop3A_225 = arith.addi %parallel_loop3A_223, %parallel_loop3A_224 : i32
            %parallel_loop3A_226 = vector.broadcast %parallel_loop3A_161 : f32 to vector<16xf32>
            %parallel_loop3A_227 = arith.mulf %parallel_loop3A_170, %parallel_loop3A_226 : vector<16xf32>
            %parallel_loop3A_228 = arith.index_cast %parallel_loop3A_225 : i32 to index
            %parallel_loop3A_229 = tpu.vector_load %arg12[%parallel_loop3A_228] {strides = array<i32>} : memref<32768xf32, #tpu.memory_space<vmem>>, vector<16xf32>,
            tpu.vector_store %arg12[%parallel_loop3A_228], %parallel_loop3A_227 {add = true, strides = array<i32>} : memref<32768xf32, #tpu.memory_space<vmem>>, vector<16xf32>,
            %parallel_loop3A_230 = arith.constant 384 : i32
            %parallel_loop3A_231 = arith.addi %parallel_loop3A_165, %parallel_loop3A_230 : i32
            %parallel_loop3A_232 = arith.constant 0 : i32
            %parallel_loop3A_233 = arith.addi %parallel_loop3A_231, %parallel_loop3A_232 : i32
            %parallel_loop3A_234 = vector.broadcast %parallel_loop3A_163 : f32 to vector<16xf32>
            %parallel_loop3A_235 = arith.mulf %parallel_loop3A_170, %parallel_loop3A_234 : vector<16xf32>
            %parallel_loop3A_236 = arith.index_cast %parallel_loop3A_233 : i32 to index
            %parallel_loop3A_237 = tpu.vector_load %arg12[%parallel_loop3A_236] {strides = array<i32>} : memref<32768xf32, #tpu.memory_space<vmem>>, vector<16xf32>,
            tpu.vector_store %arg12[%parallel_loop3A_236], %parallel_loop3A_235 {add = true, strides = array<i32>} : memref<32768xf32, #tpu.memory_space<vmem>>, vector<16xf32>,
            %parallel_loop3A_238 = arith.constant 0 : i32
            %parallel_loop3A_239 = arith.addi %parallel_loop3A_165, %parallel_loop3A_238 : i32
            %parallel_loop3A_240 = arith.constant 16 : i32
            %parallel_loop3A_241 = arith.addi %parallel_loop3A_239, %parallel_loop3A_240 : i32
            %parallel_loop3A_242 = vector.broadcast %parallel_loop3A_157 : f32 to vector<16xf32>
            %parallel_loop3A_243 = arith.mulf %parallel_loop3A_175, %parallel_loop3A_242 : vector<16xf32>
            %parallel_loop3A_244 = arith.index_cast %parallel_loop3A_241 : i32 to index
            %parallel_loop3A_245 = tpu.vector_load %arg12[%parallel_loop3A_244] {strides = array<i32>} : memref<32768xf32, #tpu.memory_space<vmem>>, vector<16xf32>,
            tpu.vector_store %arg12[%parallel_loop3A_244], %parallel_loop3A_243 {add = true, strides = array<i32>} : memref<32768xf32, #tpu.memory_space<vmem>>, vector<16xf32>,
            %parallel_loop3A_246 = arith.constant 128 : i32
            %parallel_loop3A_247 = arith.addi %parallel_loop3A_165, %parallel_loop3A_246 : i32
            %parallel_loop3A_248 = arith.constant 16 : i32
            %parallel_loop3A_249 = arith.addi %parallel_loop3A_247, %parallel_loop3A_248 : i32
            %parallel_loop3A_250 = vector.broadcast %parallel_loop3A_159 : f32 to vector<16xf32>
            %parallel_loop3A_251 = arith.mulf %parallel_loop3A_175, %parallel_loop3A_250 : vector<16xf32>
            %parallel_loop3A_252 = arith.index_cast %parallel_loop3A_249 : i32 to index
            %parallel_loop3A_253 = tpu.vector_load %arg12[%parallel_loop3A_252] {strides = array<i32>} : memref<32768xf32, #tpu.memory_space<vmem>>, vector<16xf32>,
            tpu.vector_store %arg12[%parallel_loop3A_252], %parallel_loop3A_251 {add = true, strides = array<i32>} : memref<32768xf32, #tpu.memory_space<vmem>>, vector<16xf32>,
            %parallel_loop3A_254 = arith.constant 256 : i32
            %parallel_loop3A_255 = arith.addi %parallel_loop3A_165, %parallel_loop3A_254 : i32
            %parallel_loop3A_256 = arith.constant 16 : i32
            %parallel_loop3A_257 = arith.addi %parallel_loop3A_255, %parallel_loop3A_256 : i32
            %parallel_loop3A_258 = vector.broadcast %parallel_loop3A_161 : f32 to vector<16xf32>
            %parallel_loop3A_259 = arith.mulf %parallel_loop3A_175, %parallel_loop3A_258 : vector<16xf32>
            %parallel_loop3A_260 = arith.index_cast %parallel_loop3A_257 : i32 to index
            %parallel_loop3A_261 = tpu.vector_load %arg12[%parallel_loop3A_260] {strides = array<i32>} : memref<32768xf32, #tpu.memory_space<vmem>>, vector<16xf32>,
            tpu.vector_store %arg12[%parallel_loop3A_260], %parallel_loop3A_259 {add = true, strides = array<i32>} : memref<32768xf32, #tpu.memory_space<vmem>>, vector<16xf32>,
            %parallel_loop3A_262 = arith.constant 384 : i32
            %parallel_loop3A_263 = arith.addi %parallel_loop3A_165, %parallel_loop3A_262 : i32
            %parallel_loop3A_264 = arith.constant 16 : i32
            %parallel_loop3A_265 = arith.addi %parallel_loop3A_263, %parallel_loop3A_264 : i32
            %parallel_loop3A_266 = vector.broadcast %parallel_loop3A_163 : f32 to vector<16xf32>
            %parallel_loop3A_267 = arith.mulf %parallel_loop3A_175, %parallel_loop3A_266 : vector<16xf32>
            %parallel_loop3A_268 = arith.index_cast %parallel_loop3A_265 : i32 to index
            %parallel_loop3A_269 = tpu.vector_load %arg12[%parallel_loop3A_268] {strides = array<i32>} : memref<32768xf32, #tpu.memory_space<vmem>>, vector<16xf32>,
            tpu.vector_store %arg12[%parallel_loop3A_268], %parallel_loop3A_267 {add = true, strides = array<i32>} : memref<32768xf32, #tpu.memory_space<vmem>>, vector<16xf32>,
            %parallel_loop3A_270 = arith.constant 0 : i32
            %parallel_loop3A_271 = arith.addi %parallel_loop3A_165, %parallel_loop3A_270 : i32
            %parallel_loop3A_272 = arith.constant 32 : i32
            %parallel_loop3A_273 = arith.addi %parallel_loop3A_271, %parallel_loop3A_272 : i32
            %parallel_loop3A_274 = vector.broadcast %parallel_loop3A_157 : f32 to vector<16xf32>
            %parallel_loop3A_275 = arith.mulf %parallel_loop3A_180, %parallel_loop3A_274 : vector<16xf32>
            %parallel_loop3A_276 = arith.index_cast %parallel_loop3A_273 : i32 to index
            %parallel_loop3A_277 = tpu.vector_load %arg12[%parallel_loop3A_276] {strides = array<i32>} : memref<32768xf32, #tpu.memory_space<vmem>>, vector<16xf32>,
            tpu.vector_store %arg12[%parallel_loop3A_276], %parallel_loop3A_275 {add = true, strides = array<i32>} : memref<32768xf32, #tpu.memory_space<vmem>>, vector<16xf32>,
            %parallel_loop3A_278 = arith.constant 128 : i32
            %parallel_loop3A_279 = arith.addi %parallel_loop3A_165, %parallel_loop3A_278 : i32
            %parallel_loop3A_280 = arith.constant 32 : i32
            %parallel_loop3A_281 = arith.addi %parallel_loop3A_279, %parallel_loop3A_280 : i32
            %parallel_loop3A_282 = vector.broadcast %parallel_loop3A_159 : f32 to vector<16xf32>
            %parallel_loop3A_283 = arith.mulf %parallel_loop3A_180, %parallel_loop3A_282 : vector<16xf32>
            %parallel_loop3A_284 = arith.index_cast %parallel_loop3A_281 : i32 to index
            %parallel_loop3A_285 = tpu.vector_load %arg12[%parallel_loop3A_284] {strides = array<i32>} : memref<32768xf32, #tpu.memory_space<vmem>>, vector<16xf32>,
            tpu.vector_store %arg12[%parallel_loop3A_284], %parallel_loop3A_283 {add = true, strides = array<i32>} : memref<32768xf32, #tpu.memory_space<vmem>>, vector<16xf32>,
            %parallel_loop3A_286 = arith.constant 256 : i32
            %parallel_loop3A_287 = arith.addi %parallel_loop3A_165, %parallel_loop3A_286 : i32
            %parallel_loop3A_288 = arith.constant 32 : i32
            %parallel_loop3A_289 = arith.addi %parallel_loop3A_287, %parallel_loop3A_288 : i32
            %parallel_loop3A_290 = vector.broadcast %parallel_loop3A_161 : f32 to vector<16xf32>
            %parallel_loop3A_291 = arith.mulf %parallel_loop3A_180, %parallel_loop3A_290 : vector<16xf32>
            %parallel_loop3A_292 = arith.index_cast %parallel_loop3A_289 : i32 to index
            %parallel_loop3A_293 = tpu.vector_load %arg12[%parallel_loop3A_292] {strides = array<i32>} : memref<32768xf32, #tpu.memory_space<vmem>>, vector<16xf32>,
            tpu.vector_store %arg12[%parallel_loop3A_292], %parallel_loop3A_291 {add = true, strides = array<i32>} : memref<32768xf32, #tpu.memory_space<vmem>>, vector<16xf32>,
            %parallel_loop3A_294 = arith.constant 384 : i32
            %parallel_loop3A_295 = arith.addi %parallel_loop3A_165, %parallel_loop3A_294 : i32
            %parallel_loop3A_296 = arith.constant 32 : i32
            %parallel_loop3A_297 = arith.addi %parallel_loop3A_295, %parallel_loop3A_296 : i32
            %parallel_loop3A_298 = vector.broadcast %parallel_loop3A_163 : f32 to vector<16xf32>
            %parallel_loop3A_299 = arith.mulf %parallel_loop3A_180, %parallel_loop3A_298 : vector<16xf32>
            %parallel_loop3A_300 = arith.index_cast %parallel_loop3A_297 : i32 to index
            %parallel_loop3A_301 = tpu.vector_load %arg12[%parallel_loop3A_300] {strides = array<i32>} : memref<32768xf32, #tpu.memory_space<vmem>>, vector<16xf32>,
            tpu.vector_store %arg12[%parallel_loop3A_300], %parallel_loop3A_299 {add = true, strides = array<i32>} : memref<32768xf32, #tpu.memory_space<vmem>>, vector<16xf32>,
            %parallel_loop3A_302 = arith.constant 0 : i32
            %parallel_loop3A_303 = arith.addi %parallel_loop3A_165, %parallel_loop3A_302 : i32
            %parallel_loop3A_304 = arith.constant 48 : i32
            %parallel_loop3A_305 = arith.addi %parallel_loop3A_303, %parallel_loop3A_304 : i32
            %parallel_loop3A_306 = vector.broadcast %parallel_loop3A_157 : f32 to vector<16xf32>
            %parallel_loop3A_307 = arith.mulf %parallel_loop3A_185, %parallel_loop3A_306 : vector<16xf32>
            %parallel_loop3A_308 = arith.index_cast %parallel_loop3A_305 : i32 to index
            %parallel_loop3A_309 = tpu.vector_load %arg12[%parallel_loop3A_308] {strides = array<i32>} : memref<32768xf32, #tpu.memory_space<vmem>>, vector<16xf32>,
            tpu.vector_store %arg12[%parallel_loop3A_308], %parallel_loop3A_307 {add = true, strides = array<i32>} : memref<32768xf32, #tpu.memory_space<vmem>>, vector<16xf32>,
            %parallel_loop3A_310 = arith.constant 128 : i32
            %parallel_loop3A_311 = arith.addi %parallel_loop3A_165, %parallel_loop3A_310 : i32
            %parallel_loop3A_312 = arith.constant 48 : i32
            %parallel_loop3A_313 = arith.addi %parallel_loop3A_311, %parallel_loop3A_312 : i32
            %parallel_loop3A_314 = vector.broadcast %parallel_loop3A_159 : f32 to vector<16xf32>
            %parallel_loop3A_315 = arith.mulf %parallel_loop3A_185, %parallel_loop3A_314 : vector<16xf32>
            %parallel_loop3A_316 = arith.index_cast %parallel_loop3A_313 : i32 to index
            %parallel_loop3A_317 = tpu.vector_load %arg12[%parallel_loop3A_316] {strides = array<i32>} : memref<32768xf32, #tpu.memory_space<vmem>>, vector<16xf32>,
            tpu.vector_store %arg12[%parallel_loop3A_316], %parallel_loop3A_315 {add = true, strides = array<i32>} : memref<32768xf32, #tpu.memory_space<vmem>>, vector<16xf32>,
            %parallel_loop3A_318 = arith.constant 256 : i32
            %parallel_loop3A_319 = arith.addi %parallel_loop3A_165, %parallel_loop3A_318 : i32
            %parallel_loop3A_320 = arith.constant 48 : i32
            %parallel_loop3A_321 = arith.addi %parallel_loop3A_319, %parallel_loop3A_320 : i32
            %parallel_loop3A_322 = vector.broadcast %parallel_loop3A_161 : f32 to vector<16xf32>
            %parallel_loop3A_323 = arith.mulf %parallel_loop3A_185, %parallel_loop3A_322 : vector<16xf32>
            %parallel_loop3A_324 = arith.index_cast %parallel_loop3A_321 : i32 to index
            %parallel_loop3A_325 = tpu.vector_load %arg12[%parallel_loop3A_324] {strides = array<i32>} : memref<32768xf32, #tpu.memory_space<vmem>>, vector<16xf32>,
            tpu.vector_store %arg12[%parallel_loop3A_324], %parallel_loop3A_323 {add = true, strides = array<i32>} : memref<32768xf32, #tpu.memory_space<vmem>>, vector<16xf32>,
            %parallel_loop3A_326 = arith.constant 384 : i32
            %parallel_loop3A_327 = arith.addi %parallel_loop3A_165, %parallel_loop3A_326 : i32
            %parallel_loop3A_328 = arith.constant 48 : i32
            %parallel_loop3A_329 = arith.addi %parallel_loop3A_327, %parallel_loop3A_328 : i32
            %parallel_loop3A_330 = vector.broadcast %parallel_loop3A_163 : f32 to vector<16xf32>
            %parallel_loop3A_331 = arith.mulf %parallel_loop3A_185, %parallel_loop3A_330 : vector<16xf32>
            %parallel_loop3A_332 = arith.index_cast %parallel_loop3A_329 : i32 to index
            %parallel_loop3A_333 = tpu.vector_load %arg12[%parallel_loop3A_332] {strides = array<i32>} : memref<32768xf32, #tpu.memory_space<vmem>>, vector<16xf32>,
            tpu.vector_store %arg12[%parallel_loop3A_332], %parallel_loop3A_331 {add = true, strides = array<i32>} : memref<32768xf32, #tpu.memory_space<vmem>>, vector<16xf32>,
            %parallel_loop3A_334 = arith.constant 0 : i32
            %parallel_loop3A_335 = arith.addi %parallel_loop3A_165, %parallel_loop3A_334 : i32
            %parallel_loop3A_336 = arith.constant 64 : i32
            %parallel_loop3A_337 = arith.addi %parallel_loop3A_335, %parallel_loop3A_336 : i32
            %parallel_loop3A_338 = vector.broadcast %parallel_loop3A_157 : f32 to vector<16xf32>
            %parallel_loop3A_339 = arith.mulf %parallel_loop3A_190, %parallel_loop3A_338 : vector<16xf32>
            %parallel_loop3A_340 = arith.index_cast %parallel_loop3A_337 : i32 to index
            %parallel_loop3A_341 = tpu.vector_load %arg12[%parallel_loop3A_340] {strides = array<i32>} : memref<32768xf32, #tpu.memory_space<vmem>>, vector<16xf32>,
            tpu.vector_store %arg12[%parallel_loop3A_340], %parallel_loop3A_339 {add = true, strides = array<i32>} : memref<32768xf32, #tpu.memory_space<vmem>>, vector<16xf32>,
            %parallel_loop3A_342 = arith.constant 128 : i32
            %parallel_loop3A_343 = arith.addi %parallel_loop3A_165, %parallel_loop3A_342 : i32
            %parallel_loop3A_344 = arith.constant 64 : i32
            %parallel_loop3A_345 = arith.addi %parallel_loop3A_343, %parallel_loop3A_344 : i32
            %parallel_loop3A_346 = vector.broadcast %parallel_loop3A_159 : f32 to vector<16xf32>
            %parallel_loop3A_347 = arith.mulf %parallel_loop3A_190, %parallel_loop3A_346 : vector<16xf32>
            %parallel_loop3A_348 = arith.index_cast %parallel_loop3A_345 : i32 to index
            %parallel_loop3A_349 = tpu.vector_load %arg12[%parallel_loop3A_348] {strides = array<i32>} : memref<32768xf32, #tpu.memory_space<vmem>>, vector<16xf32>,
            tpu.vector_store %arg12[%parallel_loop3A_348], %parallel_loop3A_347 {add = true, strides = array<i32>} : memref<32768xf32, #tpu.memory_space<vmem>>, vector<16xf32>,
            %parallel_loop3A_350 = arith.constant 256 : i32
            %parallel_loop3A_351 = arith.addi %parallel_loop3A_165, %parallel_loop3A_350 : i32
            %parallel_loop3A_352 = arith.constant 64 : i32
            %parallel_loop3A_353 = arith.addi %parallel_loop3A_351, %parallel_loop3A_352 : i32
            %parallel_loop3A_354 = vector.broadcast %parallel_loop3A_161 : f32 to vector<16xf32>
            %parallel_loop3A_355 = arith.mulf %parallel_loop3A_190, %parallel_loop3A_354 : vector<16xf32>
            %parallel_loop3A_356 = arith.index_cast %parallel_loop3A_353 : i32 to index
            %parallel_loop3A_357 = tpu.vector_load %arg12[%parallel_loop3A_356] {strides = array<i32>} : memref<32768xf32, #tpu.memory_space<vmem>>, vector<16xf32>,
            tpu.vector_store %arg12[%parallel_loop3A_356], %parallel_loop3A_355 {add = true, strides = array<i32>} : memref<32768xf32, #tpu.memory_space<vmem>>, vector<16xf32>,
            %parallel_loop3A_358 = arith.constant 384 : i32
            %parallel_loop3A_359 = arith.addi %parallel_loop3A_165, %parallel_loop3A_358 : i32
            %parallel_loop3A_360 = arith.constant 64 : i32
            %parallel_loop3A_361 = arith.addi %parallel_loop3A_359, %parallel_loop3A_360 : i32
            %parallel_loop3A_362 = vector.broadcast %parallel_loop3A_163 : f32 to vector<16xf32>
            %parallel_loop3A_363 = arith.mulf %parallel_loop3A_190, %parallel_loop3A_362 : vector<16xf32>
            %parallel_loop3A_364 = arith.index_cast %parallel_loop3A_361 : i32 to index
            %parallel_loop3A_365 = tpu.vector_load %arg12[%parallel_loop3A_364] {strides = array<i32>} : memref<32768xf32, #tpu.memory_space<vmem>>, vector<16xf32>,
            tpu.vector_store %arg12[%parallel_loop3A_364], %parallel_loop3A_363 {add = true, strides = array<i32>} : memref<32768xf32, #tpu.memory_space<vmem>>, vector<16xf32>,
            %parallel_loop3A_366 = arith.constant 0 : i32
            %parallel_loop3A_367 = arith.addi %parallel_loop3A_165, %parallel_loop3A_366 : i32
            %parallel_loop3A_368 = arith.constant 80 : i32
            %parallel_loop3A_369 = arith.addi %parallel_loop3A_367, %parallel_loop3A_368 : i32
            %parallel_loop3A_370 = vector.broadcast %parallel_loop3A_157 : f32 to vector<16xf32>
            %parallel_loop3A_371 = arith.mulf %parallel_loop3A_195, %parallel_loop3A_370 : vector<16xf32>
            %parallel_loop3A_372 = arith.index_cast %parallel_loop3A_369 : i32 to index
            %parallel_loop3A_373 = tpu.vector_load %arg12[%parallel_loop3A_372] {strides = array<i32>} : memref<32768xf32, #tpu.memory_space<vmem>>, vector<16xf32>,
            tpu.vector_store %arg12[%parallel_loop3A_372], %parallel_loop3A_371 {add = true, strides = array<i32>} : memref<32768xf32, #tpu.memory_space<vmem>>, vector<16xf32>,
            %parallel_loop3A_374 = arith.constant 128 : i32
            %parallel_loop3A_375 = arith.addi %parallel_loop3A_165, %parallel_loop3A_374 : i32
            %parallel_loop3A_376 = arith.constant 80 : i32
            %parallel_loop3A_377 = arith.addi %parallel_loop3A_375, %parallel_loop3A_376 : i32
            %parallel_loop3A_378 = vector.broadcast %parallel_loop3A_159 : f32 to vector<16xf32>
            %parallel_loop3A_379 = arith.mulf %parallel_loop3A_195, %parallel_loop3A_378 : vector<16xf32>
            %parallel_loop3A_380 = arith.index_cast %parallel_loop3A_377 : i32 to index
            %parallel_loop3A_381 = tpu.vector_load %arg12[%parallel_loop3A_380] {strides = array<i32>} : memref<32768xf32, #tpu.memory_space<vmem>>, vector<16xf32>,
            tpu.vector_store %arg12[%parallel_loop3A_380], %parallel_loop3A_379 {add = true, strides = array<i32>} : memref<32768xf32, #tpu.memory_space<vmem>>, vector<16xf32>,
            %parallel_loop3A_382 = arith.constant 256 : i32
            %parallel_loop3A_383 = arith.addi %parallel_loop3A_165, %parallel_loop3A_382 : i32
            %parallel_loop3A_384 = arith.constant 80 : i32
            %parallel_loop3A_385 = arith.addi %parallel_loop3A_383, %parallel_loop3A_384 : i32
            %parallel_loop3A_386 = vector.broadcast %parallel_loop3A_161 : f32 to vector<16xf32>
            %parallel_loop3A_387 = arith.mulf %parallel_loop3A_195, %parallel_loop3A_386 : vector<16xf32>
            %parallel_loop3A_388 = arith.index_cast %parallel_loop3A_385 : i32 to index
            %parallel_loop3A_389 = tpu.vector_load %arg12[%parallel_loop3A_388] {strides = array<i32>} : memref<32768xf32, #tpu.memory_space<vmem>>, vector<16xf32>,
            tpu.vector_store %arg12[%parallel_loop3A_388], %parallel_loop3A_387 {add = true, strides = array<i32>} : memref<32768xf32, #tpu.memory_space<vmem>>, vector<16xf32>,
            %parallel_loop3A_390 = arith.constant 384 : i32
            %parallel_loop3A_391 = arith.addi %parallel_loop3A_165, %parallel_loop3A_390 : i32
            %parallel_loop3A_392 = arith.constant 80 : i32
            %parallel_loop3A_393 = arith.addi %parallel_loop3A_391, %parallel_loop3A_392 : i32
            %parallel_loop3A_394 = vector.broadcast %parallel_loop3A_163 : f32 to vector<16xf32>
            %parallel_loop3A_395 = arith.mulf %parallel_loop3A_195, %parallel_loop3A_394 : vector<16xf32>
            %parallel_loop3A_396 = arith.index_cast %parallel_loop3A_393 : i32 to index
            %parallel_loop3A_397 = tpu.vector_load %arg12[%parallel_loop3A_396] {strides = array<i32>} : memref<32768xf32, #tpu.memory_space<vmem>>, vector<16xf32>,
            tpu.vector_store %arg12[%parallel_loop3A_396], %parallel_loop3A_395 {add = true, strides = array<i32>} : memref<32768xf32, #tpu.memory_space<vmem>>, vector<16xf32>,
            %parallel_loop3A_398 = arith.constant 0 : i32
            %parallel_loop3A_399 = arith.addi %parallel_loop3A_165, %parallel_loop3A_398 : i32
            %parallel_loop3A_400 = arith.constant 96 : i32
            %parallel_loop3A_401 = arith.addi %parallel_loop3A_399, %parallel_loop3A_400 : i32
            %parallel_loop3A_402 = vector.broadcast %parallel_loop3A_157 : f32 to vector<16xf32>
            %parallel_loop3A_403 = arith.mulf %parallel_loop3A_200, %parallel_loop3A_402 : vector<16xf32>
            %parallel_loop3A_404 = arith.index_cast %parallel_loop3A_401 : i32 to index
            %parallel_loop3A_405 = tpu.vector_load %arg12[%parallel_loop3A_404] {strides = array<i32>} : memref<32768xf32, #tpu.memory_space<vmem>>, vector<16xf32>,
            tpu.vector_store %arg12[%parallel_loop3A_404], %parallel_loop3A_403 {add = true, strides = array<i32>} : memref<32768xf32, #tpu.memory_space<vmem>>, vector<16xf32>,
            %parallel_loop3A_406 = arith.constant 128 : i32
            %parallel_loop3A_407 = arith.addi %parallel_loop3A_165, %parallel_loop3A_406 : i32
            %parallel_loop3A_408 = arith.constant 96 : i32
            %parallel_loop3A_409 = arith.addi %parallel_loop3A_407, %parallel_loop3A_408 : i32
            %parallel_loop3A_410 = vector.broadcast %parallel_loop3A_159 : f32 to vector<16xf32>
            %parallel_loop3A_411 = arith.mulf %parallel_loop3A_200, %parallel_loop3A_410 : vector<16xf32>
            %parallel_loop3A_412 = arith.index_cast %parallel_loop3A_409 : i32 to index
            %parallel_loop3A_413 = tpu.vector_load %arg12[%parallel_loop3A_412] {strides = array<i32>} : memref<32768xf32, #tpu.memory_space<vmem>>, vector<16xf32>,
            tpu.vector_store %arg12[%parallel_loop3A_412], %parallel_loop3A_411 {add = true, strides = array<i32>} : memref<32768xf32, #tpu.memory_space<vmem>>, vector<16xf32>,
            %parallel_loop3A_414 = arith.constant 256 : i32
            %parallel_loop3A_415 = arith.addi %parallel_loop3A_165, %parallel_loop3A_414 : i32
            %parallel_loop3A_416 = arith.constant 96 : i32
            %parallel_loop3A_417 = arith.addi %parallel_loop3A_415, %parallel_loop3A_416 : i32
            %parallel_loop3A_418 = vector.broadcast %parallel_loop3A_161 : f32 to vector<16xf32>
            %parallel_loop3A_419 = arith.mulf %parallel_loop3A_200, %parallel_loop3A_418 : vector<16xf32>
            %parallel_loop3A_420 = arith.index_cast %parallel_loop3A_417 : i32 to index
            %parallel_loop3A_421 = tpu.vector_load %arg12[%parallel_loop3A_420] {strides = array<i32>} : memref<32768xf32, #tpu.memory_space<vmem>>, vector<16xf32>,
            tpu.vector_store %arg12[%parallel_loop3A_420], %parallel_loop3A_419 {add = true, strides = array<i32>} : memref<32768xf32, #tpu.memory_space<vmem>>, vector<16xf32>,
            %parallel_loop3A_422 = arith.constant 384 : i32
            %parallel_loop3A_423 = arith.addi %parallel_loop3A_165, %parallel_loop3A_422 : i32
            %parallel_loop3A_424 = arith.constant 96 : i32
            %parallel_loop3A_425 = arith.addi %parallel_loop3A_423, %parallel_loop3A_424 : i32
            %parallel_loop3A_426 = vector.broadcast %parallel_loop3A_163 : f32 to vector<16xf32>
            %parallel_loop3A_427 = arith.mulf %parallel_loop3A_200, %parallel_loop3A_426 : vector<16xf32>
            %parallel_loop3A_428 = arith.index_cast %parallel_loop3A_425 : i32 to index
            %parallel_loop3A_429 = tpu.vector_load %arg12[%parallel_loop3A_428] {strides = array<i32>} : memref<32768xf32, #tpu.memory_space<vmem>>, vector<16xf32>,
            tpu.vector_store %arg12[%parallel_loop3A_428], %parallel_loop3A_427 {add = true, strides = array<i32>} : memref<32768xf32, #tpu.memory_space<vmem>>, vector<16xf32>,
            %parallel_loop3A_430 = arith.constant 0 : i32
            %parallel_loop3A_431 = arith.addi %parallel_loop3A_165, %parallel_loop3A_430 : i32
            %parallel_loop3A_432 = arith.constant 112 : i32
            %parallel_loop3A_433 = arith.addi %parallel_loop3A_431, %parallel_loop3A_432 : i32
            %parallel_loop3A_434 = vector.broadcast %parallel_loop3A_157 : f32 to vector<16xf32>
            %parallel_loop3A_435 = arith.mulf %parallel_loop3A_205, %parallel_loop3A_434 : vector<16xf32>
            %parallel_loop3A_436 = arith.index_cast %parallel_loop3A_433 : i32 to index
            %parallel_loop3A_437 = tpu.vector_load %arg12[%parallel_loop3A_436] {strides = array<i32>} : memref<32768xf32, #tpu.memory_space<vmem>>, vector<16xf32>,
            tpu.vector_store %arg12[%parallel_loop3A_436], %parallel_loop3A_435 {add = true, strides = array<i32>} : memref<32768xf32, #tpu.memory_space<vmem>>, vector<16xf32>,
            %parallel_loop3A_438 = arith.constant 128 : i32
            %parallel_loop3A_439 = arith.addi %parallel_loop3A_165, %parallel_loop3A_438 : i32
            %parallel_loop3A_440 = arith.constant 112 : i32
            %parallel_loop3A_441 = arith.addi %parallel_loop3A_439, %parallel_loop3A_440 : i32
            %parallel_loop3A_442 = vector.broadcast %parallel_loop3A_159 : f32 to vector<16xf32>
            %parallel_loop3A_443 = arith.mulf %parallel_loop3A_205, %parallel_loop3A_442 : vector<16xf32>
            %parallel_loop3A_444 = arith.index_cast %parallel_loop3A_441 : i32 to index
            %parallel_loop3A_445 = tpu.vector_load %arg12[%parallel_loop3A_444] {strides = array<i32>} : memref<32768xf32, #tpu.memory_space<vmem>>, vector<16xf32>,
            tpu.vector_store %arg12[%parallel_loop3A_444], %parallel_loop3A_443 {add = true, strides = array<i32>} : memref<32768xf32, #tpu.memory_space<vmem>>, vector<16xf32>,
            %parallel_loop3A_446 = arith.constant 256 : i32
            %parallel_loop3A_447 = arith.addi %parallel_loop3A_165, %parallel_loop3A_446 : i32
            %parallel_loop3A_448 = arith.constant 112 : i32
            %parallel_loop3A_449 = arith.addi %parallel_loop3A_447, %parallel_loop3A_448 : i32
            %parallel_loop3A_450 = vector.broadcast %parallel_loop3A_161 : f32 to vector<16xf32>
            %parallel_loop3A_451 = arith.mulf %parallel_loop3A_205, %parallel_loop3A_450 : vector<16xf32>
            %parallel_loop3A_452 = arith.index_cast %parallel_loop3A_449 : i32 to index
            %parallel_loop3A_453 = tpu.vector_load %arg12[%parallel_loop3A_452] {strides = array<i32>} : memref<32768xf32, #tpu.memory_space<vmem>>, vector<16xf32>,
            tpu.vector_store %arg12[%parallel_loop3A_452], %parallel_loop3A_451 {add = true, strides = array<i32>} : memref<32768xf32, #tpu.memory_space<vmem>>, vector<16xf32>,
            %parallel_loop3A_454 = arith.constant 384 : i32
            %parallel_loop3A_455 = arith.addi %parallel_loop3A_165, %parallel_loop3A_454 : i32
            %parallel_loop3A_456 = arith.constant 112 : i32
            %parallel_loop3A_457 = arith.addi %parallel_loop3A_455, %parallel_loop3A_456 : i32
            %parallel_loop3A_458 = vector.broadcast %parallel_loop3A_163 : f32 to vector<16xf32>
            %parallel_loop3A_459 = arith.mulf %parallel_loop3A_205, %parallel_loop3A_458 : vector<16xf32>
            %parallel_loop3A_460 = arith.index_cast %parallel_loop3A_457 : i32 to index
            %parallel_loop3A_461 = tpu.vector_load %arg12[%parallel_loop3A_460] {strides = array<i32>} : memref<32768xf32, #tpu.memory_space<vmem>>, vector<16xf32>,
            tpu.vector_store %arg12[%parallel_loop3A_460], %parallel_loop3A_459 {add = true, strides = array<i32>} : memref<32768xf32, #tpu.memory_space<vmem>>, vector<16xf32>,
          } {sc.loop_unroll_factor = 2 : i64, sc.parallel_access}
        } else {
        }
        %and3A_114 = arith.constant 1 : i32
        %and3A_115 = arith.andi %while3A_102, %and3A_114 : i32
        %eq3A_116 = arith.constant 1 : i32
        %eq3A_117 = arith.cmpi eq, %and3A_115, %eq3A_116 : i32
        %convert_element_type3A_118 = arith.extui %eq3A_117 : i1 to i32
        %cond3A_119 = arith.constant 0 : i32
        %cond3A_120 = arith.cmpi ne, %convert_element_type3A_118, %cond3A_119 : i32
        scf.if %cond3A_120 {
          %add3A_122 = arith.constant 1 : i32
          %add3A_123 = arith.addi %while3A_102, %add3A_122 : i32
          %lt3A = arith.cmpi slt, %add3A_123, %select_n3A : i32
          %convert_element_type3A_124 = arith.extui %lt3A : i1 to i32
          %cond3A_125 = arith.constant 0 : i32
          %cond3A_126 = arith.cmpi ne, %convert_element_type3A_124, %cond3A_125 : i32
          scf.if %cond3A_126 {
            %add3A_137 = arith.constant 0 : i32
            %add3A_138 = arith.addi %mul3A_107, %add3A_137 : i32
            %get3A = arith.index_cast %add3A_138 : i32 to index
            %get3A_139 = tpu.vector_load %arg8[%get3A] {strides = array<i32>} : memref<8208xi32, #tpu.memory_space<vmem>>, vector<16xi32>,
            %and3A_140 = arith.constant 16383 : i32
            %and3A_141 = vector.broadcast %and3A_140 : i32 to vector<16xi32>
            %and3A_142 = arith.andi %get3A_139, %and3A_141 : vector<16xi32>
            %swap3A = arith.constant 0 : index
            %swap3A_143 = tpu.vector_load %arg9[%swap3A] {strides = array<i32>} : memref<128xi32, #tpu.memory_space<vmem>>, vector<16xi32>,
            tpu.vector_store %arg9[%swap3A], %and3A_142 {strides = array<i32>} : memref<128xi32, #tpu.memory_space<vmem>>, vector<16xi32>,
            %add3A_144 = arith.constant 16 : i32
            %add3A_145 = arith.addi %mul3A_107, %add3A_144 : i32
            %get3A_146 = arith.index_cast %add3A_145 : i32 to index
            %get3A_147 = tpu.vector_load %arg8[%get3A_146] {strides = array<i32>} : memref<8208xi32, #tpu.memory_space<vmem>>, vector<16xi32>,
            %and3A_148 = arith.constant 16383 : i32
            %and3A_149 = vector.broadcast %and3A_148 : i32 to vector<16xi32>
            %and3A_150 = arith.andi %get3A_147, %and3A_149 : vector<16xi32>
            %swap3A_151 = arith.constant 16 : index
            %swap3A_152 = tpu.vector_load %arg9[%swap3A_151] {strides = array<i32>} : memref<128xi32, #tpu.memory_space<vmem>>, vector<16xi32>,
            tpu.vector_store %arg9[%swap3A_151], %and3A_150 {strides = array<i32>} : memref<128xi32, #tpu.memory_space<vmem>>, vector<16xi32>,
            %add3A_153 = arith.constant 32 : i32
            %add3A_154 = arith.addi %mul3A_107, %add3A_153 : i32
            %get3A_155 = arith.index_cast %add3A_154 : i32 to index
            %get3A_156 = tpu.vector_load %arg8[%get3A_155] {strides = array<i32>} : memref<8208xi32, #tpu.memory_space<vmem>>, vector<16xi32>,
            %and3A_157 = arith.constant 16383 : i32
            %and3A_158 = vector.broadcast %and3A_157 : i32 to vector<16xi32>
            %and3A_159 = arith.andi %get3A_156, %and3A_158 : vector<16xi32>
            %swap3A_160 = arith.constant 32 : index
            %swap3A_161 = tpu.vector_load %arg9[%swap3A_160] {strides = array<i32>} : memref<128xi32, #tpu.memory_space<vmem>>, vector<16xi32>,
            tpu.vector_store %arg9[%swap3A_160], %and3A_159 {strides = array<i32>} : memref<128xi32, #tpu.memory_space<vmem>>, vector<16xi32>,
            %add3A_162 = arith.constant 48 : i32
            %add3A_163 = arith.addi %mul3A_107, %add3A_162 : i32
            %get3A_164 = arith.index_cast %add3A_163 : i32 to index
            %get3A_165 = tpu.vector_load %arg8[%get3A_164] {strides = array<i32>} : memref<8208xi32, #tpu.memory_space<vmem>>, vector<16xi32>,
            %and3A_166 = arith.constant 16383 : i32
            %and3A_167 = vector.broadcast %and3A_166 : i32 to vector<16xi32>
            %and3A_168 = arith.andi %get3A_165, %and3A_167 : vector<16xi32>
            %swap3A_169 = arith.constant 48 : index
            %swap3A_170 = tpu.vector_load %arg9[%swap3A_169] {strides = array<i32>} : memref<128xi32, #tpu.memory_space<vmem>>, vector<16xi32>,
            tpu.vector_store %arg9[%swap3A_169], %and3A_168 {strides = array<i32>} : memref<128xi32, #tpu.memory_space<vmem>>, vector<16xi32>,
            %add3A_171 = arith.constant 64 : i32
            %add3A_172 = arith.addi %mul3A_107, %add3A_171 : i32
            %get3A_173 = arith.index_cast %add3A_172 : i32 to index
            %get3A_174 = tpu.vector_load %arg8[%get3A_173] {strides = array<i32>} : memref<8208xi32, #tpu.memory_space<vmem>>, vector<16xi32>,
            %and3A_175 = arith.constant 16383 : i32
            %and3A_176 = vector.broadcast %and3A_175 : i32 to vector<16xi32>
            %and3A_177 = arith.andi %get3A_174, %and3A_176 : vector<16xi32>
            %swap3A_178 = arith.constant 64 : index
            %swap3A_179 = tpu.vector_load %arg9[%swap3A_178] {strides = array<i32>} : memref<128xi32, #tpu.memory_space<vmem>>, vector<16xi32>,
            tpu.vector_store %arg9[%swap3A_178], %and3A_177 {strides = array<i32>} : memref<128xi32, #tpu.memory_space<vmem>>, vector<16xi32>,
            %add3A_180 = arith.constant 80 : i32
            %add3A_181 = arith.addi %mul3A_107, %add3A_180 : i32
            %get3A_182 = arith.index_cast %add3A_181 : i32 to index
            %get3A_183 = tpu.vector_load %arg8[%get3A_182] {strides = array<i32>} : memref<8208xi32, #tpu.memory_space<vmem>>, vector<16xi32>,
            %and3A_184 = arith.constant 16383 : i32
            %and3A_185 = vector.broadcast %and3A_184 : i32 to vector<16xi32>
            %and3A_186 = arith.andi %get3A_183, %and3A_185 : vector<16xi32>
            %swap3A_187 = arith.constant 80 : index
            %swap3A_188 = tpu.vector_load %arg9[%swap3A_187] {strides = array<i32>} : memref<128xi32, #tpu.memory_space<vmem>>, vector<16xi32>,
            tpu.vector_store %arg9[%swap3A_187], %and3A_186 {strides = array<i32>} : memref<128xi32, #tpu.memory_space<vmem>>, vector<16xi32>,
            %add3A_189 = arith.constant 96 : i32
            %add3A_190 = arith.addi %mul3A_107, %add3A_189 : i32
            %get3A_191 = arith.index_cast %add3A_190 : i32 to index
            %get3A_192 = tpu.vector_load %arg8[%get3A_191] {strides = array<i32>} : memref<8208xi32, #tpu.memory_space<vmem>>, vector<16xi32>,
            %and3A_193 = arith.constant 16383 : i32
            %and3A_194 = vector.broadcast %and3A_193 : i32 to vector<16xi32>
            %and3A_195 = arith.andi %get3A_192, %and3A_194 : vector<16xi32>
            %swap3A_196 = arith.constant 96 : index
            %swap3A_197 = tpu.vector_load %arg9[%swap3A_196] {strides = array<i32>} : memref<128xi32, #tpu.memory_space<vmem>>, vector<16xi32>,
            tpu.vector_store %arg9[%swap3A_196], %and3A_195 {strides = array<i32>} : memref<128xi32, #tpu.memory_space<vmem>>, vector<16xi32>,
            %add3A_198 = arith.constant 112 : i32
            %add3A_199 = arith.addi %mul3A_107, %add3A_198 : i32
            %get3A_200 = arith.index_cast %add3A_199 : i32 to index
            %get3A_201 = tpu.vector_load %arg8[%get3A_200] {strides = array<i32>} : memref<8208xi32, #tpu.memory_space<vmem>>, vector<16xi32>,
            %and3A_202 = arith.constant 16383 : i32
            %and3A_203 = vector.broadcast %and3A_202 : i32 to vector<16xi32>
            %and3A_204 = arith.andi %get3A_201, %and3A_203 : vector<16xi32>
            %swap3A_205 = arith.constant 112 : index
            %swap3A_206 = tpu.vector_load %arg9[%swap3A_205] {strides = array<i32>} : memref<128xi32, #tpu.memory_space<vmem>>, vector<16xi32>,
            tpu.vector_store %arg9[%swap3A_205], %and3A_204 {strides = array<i32>} : memref<128xi32, #tpu.memory_space<vmem>>, vector<16xi32>,
            %dma_start3A = arith.constant 0 : i32
            %dma_start3A_207 = arith.constant 0 : i32
            %dma_start3A_208 = tpu.memref_slice %arg11[%dma_start3A, %dma_start3A_207] : memref<256x128xf32, #tpu.memory_space<vmem>> -> memref<128x128xf32, #tpu.memory_space<vmem>>
            %dma_start3A_209 = arith.constant 0 : i32
            %dma_start3A_210 = arith.constant 0 : i32
            %dma_start3A_211 = tpu.memref_slice %arg5[%dma_start3A_209, %dma_start3A_210] : memref<10000x128xf32, #tpu.memory_space<hbm>> -> memref<10000x128xf32, #tpu.memory_space<hbm>>
            tpu.enqueue_indirect_dma source(%dma_start3A_211 : memref<10000x128xf32, #tpu.memory_space<hbm>>) target(%dma_start3A_208 : memref<128x128xf32, #tpu.memory_space<vmem>>) offsets(%arg9 : memref<128xi32, #tpu.memory_space<vmem>>) semaphore(%arg18 : memref<!tpu.dma_semaphore, #tpu.memory_space<semaphore_mem>>)
          } else {
          }
          %dma_wait3A = arith.constant 128 : i32
          %dma_wait3A_127 = arith.constant 0 : i32
          %dma_wait3A_128 = tpu.memref_slice %arg11[%dma_wait3A, %dma_wait3A_127] : memref<256x128xf32, #tpu.memory_space<vmem>> -> memref<128x128xf32, #tpu.memory_space<vmem>>
          %dma_wait3A_129 = arith.constant 0 : i32
          %dma_wait3A_130 = arith.constant 0 : i32
          %dma_wait3A_131 = tpu.memref_slice %arg5[%dma_wait3A_129, %dma_wait3A_130] : memref<10000x128xf32, #tpu.memory_space<hbm>> -> memref<10000x128xf32, #tpu.memory_space<hbm>>
          tpu.wait_indirect_dma semaphore(%arg19 : memref<!tpu.dma_semaphore, #tpu.memory_space<semaphore_mem>>) src(%dma_wait3A_131 : memref<10000x128xf32, #tpu.memory_space<hbm>>) dst(%dma_wait3A_128 : memref<128x128xf32, #tpu.memory_space<vmem>>)
          %mul3A_132 = arith.constant 128 : i32
          %mul3A_133 = arith.muli %while3A_102, %mul3A_132 : i32
          %parallel_loop3A_134 = arith.constant 0 : i32
          %parallel_loop3A_135 = arith.constant 128 : i32
          %parallel_loop3A_136 = arith.constant 1 : i32
          scf.for %parallel_loop3A_137 = %parallel_loop3A_134 to %parallel_loop3A_135 step %parallel_loop3A_136  : i32 {
            %parallel_loop3A_138 = arith.addi %mul3A_133, %parallel_loop3A_137 : i32
            %parallel_loop3A_139 = arith.index_cast %parallel_loop3A_138 : i32 to index
            %parallel_loop3A_140 = tpu.vector_load %arg8[%parallel_loop3A_139] {strides = array<i32>} : memref<8208xi32, #tpu.memory_space<vmem>>, vector<16xi32>,
            %parallel_loop3A_141 = vector.extract_strided_slice %parallel_loop3A_140 {offsets = [0], sizes = [1], strides = [1]} : vector<16xi32> to vector<1xi32>
            %parallel_loop3A_142 = vector.extract %parallel_loop3A_141[0] : i32 from vector<1xi32>
            %parallel_loop3A_143 = arith.constant 18 : i32
            %parallel_loop3A_144 = arith.shrsi %parallel_loop3A_142, %parallel_loop3A_143 : i32
            %parallel_loop3A_145 = arith.constant 16383 : i32
            %parallel_loop3A_146 = arith.andi %parallel_loop3A_144, %parallel_loop3A_145 : i32
            %parallel_loop3A_147 = arith.subi %parallel_loop3A_146, %mul3A_13 : i32
            %parallel_loop3A_148 = arith.constant 14 : i32
            %parallel_loop3A_149 = arith.shrsi %parallel_loop3A_142, %parallel_loop3A_148 : i32
            %parallel_loop3A_150 = arith.constant 15 : i32
            %parallel_loop3A_151 = arith.andi %parallel_loop3A_149, %parallel_loop3A_150 : i32
            %parallel_loop3A_152 = arith.constant 4 : i32
            %parallel_loop3A_153 = arith.muli %parallel_loop3A_151, %parallel_loop3A_152 : i32
            %parallel_loop3A_154 = arith.index_cast %parallel_loop3A_153 : i32 to index
            %parallel_loop3A_155 = tpu.vector_load %arg16[%parallel_loop3A_154] {strides = array<i32>} : memref<80xf32, #tpu.memory_space<vmem>>, vector<16xf32>,
            %parallel_loop3A_156 = vector.extract_strided_slice %parallel_loop3A_155 {offsets = [0], sizes = [1], strides = [1]} : vector<16xf32> to vector<1xf32>
            %parallel_loop3A_157 = vector.extract %parallel_loop3A_156[0] : f32 from vector<1xf32>
            %parallel_loop3A_158 = vector.extract_strided_slice %parallel_loop3A_155 {offsets = [1], sizes = [1], strides = [1]} : vector<16xf32> to vector<1xf32>
            %parallel_loop3A_159 = vector.extract %parallel_loop3A_158[0] : f32 from vector<1xf32>
            %parallel_loop3A_160 = vector.extract_strided_slice %parallel_loop3A_155 {offsets = [2], sizes = [1], strides = [1]} : vector<16xf32> to vector<1xf32>
            %parallel_loop3A_161 = vector.extract %parallel_loop3A_160[0] : f32 from vector<1xf32>
            %parallel_loop3A_162 = vector.extract_strided_slice %parallel_loop3A_155 {offsets = [3], sizes = [1], strides = [1]} : vector<16xf32> to vector<1xf32>
            %parallel_loop3A_163 = vector.extract %parallel_loop3A_162[0] : f32 from vector<1xf32>
            %parallel_loop3A_164 = arith.constant 512 : i32
            %parallel_loop3A_165 = arith.muli %parallel_loop3A_147, %parallel_loop3A_164 : i32
            %parallel_loop3A_166 = arith.constant 128 : i32
            %parallel_loop3A_167 = arith.addi %parallel_loop3A_166, %parallel_loop3A_137 : i32
            %parallel_loop3A_168 = arith.index_cast %parallel_loop3A_167 : i32 to index
            %parallel_loop3A_169 = arith.constant 0 : index
            %parallel_loop3A_170 = tpu.vector_load %arg11[%parallel_loop3A_168, %parallel_loop3A_169] {strides = array<i32>} : memref<256x128xf32, #tpu.memory_space<vmem>>, vector<16xf32>,
            %parallel_loop3A_171 = arith.constant 128 : i32
            %parallel_loop3A_172 = arith.addi %parallel_loop3A_171, %parallel_loop3A_137 : i32
            %parallel_loop3A_173 = arith.index_cast %parallel_loop3A_172 : i32 to index
            %parallel_loop3A_174 = arith.constant 16 : index
            %parallel_loop3A_175 = tpu.vector_load %arg11[%parallel_loop3A_173, %parallel_loop3A_174] {strides = array<i32>} : memref<256x128xf32, #tpu.memory_space<vmem>>, vector<16xf32>,
            %parallel_loop3A_176 = arith.constant 128 : i32
            %parallel_loop3A_177 = arith.addi %parallel_loop3A_176, %parallel_loop3A_137 : i32
            %parallel_loop3A_178 = arith.index_cast %parallel_loop3A_177 : i32 to index
            %parallel_loop3A_179 = arith.constant 32 : index
            %parallel_loop3A_180 = tpu.vector_load %arg11[%parallel_loop3A_178, %parallel_loop3A_179] {strides = array<i32>} : memref<256x128xf32, #tpu.memory_space<vmem>>, vector<16xf32>,
            %parallel_loop3A_181 = arith.constant 128 : i32
            %parallel_loop3A_182 = arith.addi %parallel_loop3A_181, %parallel_loop3A_137 : i32
            %parallel_loop3A_183 = arith.index_cast %parallel_loop3A_182 : i32 to index
            %parallel_loop3A_184 = arith.constant 48 : index
            %parallel_loop3A_185 = tpu.vector_load %arg11[%parallel_loop3A_183, %parallel_loop3A_184] {strides = array<i32>} : memref<256x128xf32, #tpu.memory_space<vmem>>, vector<16xf32>,
            %parallel_loop3A_186 = arith.constant 128 : i32
            %parallel_loop3A_187 = arith.addi %parallel_loop3A_186, %parallel_loop3A_137 : i32
            %parallel_loop3A_188 = arith.index_cast %parallel_loop3A_187 : i32 to index
            %parallel_loop3A_189 = arith.constant 64 : index
            %parallel_loop3A_190 = tpu.vector_load %arg11[%parallel_loop3A_188, %parallel_loop3A_189] {strides = array<i32>} : memref<256x128xf32, #tpu.memory_space<vmem>>, vector<16xf32>,
            %parallel_loop3A_191 = arith.constant 128 : i32
            %parallel_loop3A_192 = arith.addi %parallel_loop3A_191, %parallel_loop3A_137 : i32
            %parallel_loop3A_193 = arith.index_cast %parallel_loop3A_192 : i32 to index
            %parallel_loop3A_194 = arith.constant 80 : index
            %parallel_loop3A_195 = tpu.vector_load %arg11[%parallel_loop3A_193, %parallel_loop3A_194] {strides = array<i32>} : memref<256x128xf32, #tpu.memory_space<vmem>>, vector<16xf32>,
            %parallel_loop3A_196 = arith.constant 128 : i32
            %parallel_loop3A_197 = arith.addi %parallel_loop3A_196, %parallel_loop3A_137 : i32
            %parallel_loop3A_198 = arith.index_cast %parallel_loop3A_197 : i32 to index
            %parallel_loop3A_199 = arith.constant 96 : index
            %parallel_loop3A_200 = tpu.vector_load %arg11[%parallel_loop3A_198, %parallel_loop3A_199] {strides = array<i32>} : memref<256x128xf32, #tpu.memory_space<vmem>>, vector<16xf32>,
            %parallel_loop3A_201 = arith.constant 128 : i32
            %parallel_loop3A_202 = arith.addi %parallel_loop3A_201, %parallel_loop3A_137 : i32
            %parallel_loop3A_203 = arith.index_cast %parallel_loop3A_202 : i32 to index
            %parallel_loop3A_204 = arith.constant 112 : index
            %parallel_loop3A_205 = tpu.vector_load %arg11[%parallel_loop3A_203, %parallel_loop3A_204] {strides = array<i32>} : memref<256x128xf32, #tpu.memory_space<vmem>>, vector<16xf32>,
            %parallel_loop3A_206 = arith.constant 0 : i32
            %parallel_loop3A_207 = arith.addi %parallel_loop3A_165, %parallel_loop3A_206 : i32
            %parallel_loop3A_208 = arith.constant 0 : i32
            %parallel_loop3A_209 = arith.addi %parallel_loop3A_207, %parallel_loop3A_208 : i32
            %parallel_loop3A_210 = vector.broadcast %parallel_loop3A_157 : f32 to vector<16xf32>
            %parallel_loop3A_211 = arith.mulf %parallel_loop3A_170, %parallel_loop3A_210 : vector<16xf32>
            %parallel_loop3A_212 = arith.index_cast %parallel_loop3A_209 : i32 to index
            %parallel_loop3A_213 = tpu.vector_load %arg12[%parallel_loop3A_212] {strides = array<i32>} : memref<32768xf32, #tpu.memory_space<vmem>>, vector<16xf32>,
            tpu.vector_store %arg12[%parallel_loop3A_212], %parallel_loop3A_211 {add = true, strides = array<i32>} : memref<32768xf32, #tpu.memory_space<vmem>>, vector<16xf32>,
            %parallel_loop3A_214 = arith.constant 128 : i32
            %parallel_loop3A_215 = arith.addi %parallel_loop3A_165, %parallel_loop3A_214 : i32
            %parallel_loop3A_216 = arith.constant 0 : i32
            %parallel_loop3A_217 = arith.addi %parallel_loop3A_215, %parallel_loop3A_216 : i32
            %parallel_loop3A_218 = vector.broadcast %parallel_loop3A_159 : f32 to vector<16xf32>
            %parallel_loop3A_219 = arith.mulf %parallel_loop3A_170, %parallel_loop3A_218 : vector<16xf32>
            %parallel_loop3A_220 = arith.index_cast %parallel_loop3A_217 : i32 to index
            %parallel_loop3A_221 = tpu.vector_load %arg12[%parallel_loop3A_220] {strides = array<i32>} : memref<32768xf32, #tpu.memory_space<vmem>>, vector<16xf32>,
            tpu.vector_store %arg12[%parallel_loop3A_220], %parallel_loop3A_219 {add = true, strides = array<i32>} : memref<32768xf32, #tpu.memory_space<vmem>>, vector<16xf32>,
            %parallel_loop3A_222 = arith.constant 256 : i32
            %parallel_loop3A_223 = arith.addi %parallel_loop3A_165, %parallel_loop3A_222 : i32
            %parallel_loop3A_224 = arith.constant 0 : i32
            %parallel_loop3A_225 = arith.addi %parallel_loop3A_223, %parallel_loop3A_224 : i32
            %parallel_loop3A_226 = vector.broadcast %parallel_loop3A_161 : f32 to vector<16xf32>
            %parallel_loop3A_227 = arith.mulf %parallel_loop3A_170, %parallel_loop3A_226 : vector<16xf32>
            %parallel_loop3A_228 = arith.index_cast %parallel_loop3A_225 : i32 to index
            %parallel_loop3A_229 = tpu.vector_load %arg12[%parallel_loop3A_228] {strides = array<i32>} : memref<32768xf32, #tpu.memory_space<vmem>>, vector<16xf32>,
            tpu.vector_store %arg12[%parallel_loop3A_228], %parallel_loop3A_227 {add = true, strides = array<i32>} : memref<32768xf32, #tpu.memory_space<vmem>>, vector<16xf32>,
            %parallel_loop3A_230 = arith.constant 384 : i32
            %parallel_loop3A_231 = arith.addi %parallel_loop3A_165, %parallel_loop3A_230 : i32
            %parallel_loop3A_232 = arith.constant 0 : i32
            %parallel_loop3A_233 = arith.addi %parallel_loop3A_231, %parallel_loop3A_232 : i32
            %parallel_loop3A_234 = vector.broadcast %parallel_loop3A_163 : f32 to vector<16xf32>
            %parallel_loop3A_235 = arith.mulf %parallel_loop3A_170, %parallel_loop3A_234 : vector<16xf32>
            %parallel_loop3A_236 = arith.index_cast %parallel_loop3A_233 : i32 to index
            %parallel_loop3A_237 = tpu.vector_load %arg12[%parallel_loop3A_236] {strides = array<i32>} : memref<32768xf32, #tpu.memory_space<vmem>>, vector<16xf32>,
            tpu.vector_store %arg12[%parallel_loop3A_236], %parallel_loop3A_235 {add = true, strides = array<i32>} : memref<32768xf32, #tpu.memory_space<vmem>>, vector<16xf32>,
            %parallel_loop3A_238 = arith.constant 0 : i32
            %parallel_loop3A_239 = arith.addi %parallel_loop3A_165, %parallel_loop3A_238 : i32
            %parallel_loop3A_240 = arith.constant 16 : i32
            %parallel_loop3A_241 = arith.addi %parallel_loop3A_239, %parallel_loop3A_240 : i32
            %parallel_loop3A_242 = vector.broadcast %parallel_loop3A_157 : f32 to vector<16xf32>
            %parallel_loop3A_243 = arith.mulf %parallel_loop3A_175, %parallel_loop3A_242 : vector<16xf32>
            %parallel_loop3A_244 = arith.index_cast %parallel_loop3A_241 : i32 to index
            %parallel_loop3A_245 = tpu.vector_load %arg12[%parallel_loop3A_244] {strides = array<i32>} : memref<32768xf32, #tpu.memory_space<vmem>>, vector<16xf32>,
            tpu.vector_store %arg12[%parallel_loop3A_244], %parallel_loop3A_243 {add = true, strides = array<i32>} : memref<32768xf32, #tpu.memory_space<vmem>>, vector<16xf32>,
            %parallel_loop3A_246 = arith.constant 128 : i32
            %parallel_loop3A_247 = arith.addi %parallel_loop3A_165, %parallel_loop3A_246 : i32
            %parallel_loop3A_248 = arith.constant 16 : i32
            %parallel_loop3A_249 = arith.addi %parallel_loop3A_247, %parallel_loop3A_248 : i32
            %parallel_loop3A_250 = vector.broadcast %parallel_loop3A_159 : f32 to vector<16xf32>
            %parallel_loop3A_251 = arith.mulf %parallel_loop3A_175, %parallel_loop3A_250 : vector<16xf32>
            %parallel_loop3A_252 = arith.index_cast %parallel_loop3A_249 : i32 to index
            %parallel_loop3A_253 = tpu.vector_load %arg12[%parallel_loop3A_252] {strides = array<i32>} : memref<32768xf32, #tpu.memory_space<vmem>>, vector<16xf32>,
            tpu.vector_store %arg12[%parallel_loop3A_252], %parallel_loop3A_251 {add = true, strides = array<i32>} : memref<32768xf32, #tpu.memory_space<vmem>>, vector<16xf32>,
            %parallel_loop3A_254 = arith.constant 256 : i32
            %parallel_loop3A_255 = arith.addi %parallel_loop3A_165, %parallel_loop3A_254 : i32
            %parallel_loop3A_256 = arith.constant 16 : i32
            %parallel_loop3A_257 = arith.addi %parallel_loop3A_255, %parallel_loop3A_256 : i32
            %parallel_loop3A_258 = vector.broadcast %parallel_loop3A_161 : f32 to vector<16xf32>
            %parallel_loop3A_259 = arith.mulf %parallel_loop3A_175, %parallel_loop3A_258 : vector<16xf32>
            %parallel_loop3A_260 = arith.index_cast %parallel_loop3A_257 : i32 to index
            %parallel_loop3A_261 = tpu.vector_load %arg12[%parallel_loop3A_260] {strides = array<i32>} : memref<32768xf32, #tpu.memory_space<vmem>>, vector<16xf32>,
            tpu.vector_store %arg12[%parallel_loop3A_260], %parallel_loop3A_259 {add = true, strides = array<i32>} : memref<32768xf32, #tpu.memory_space<vmem>>, vector<16xf32>,
            %parallel_loop3A_262 = arith.constant 384 : i32
            %parallel_loop3A_263 = arith.addi %parallel_loop3A_165, %parallel_loop3A_262 : i32
            %parallel_loop3A_264 = arith.constant 16 : i32
            %parallel_loop3A_265 = arith.addi %parallel_loop3A_263, %parallel_loop3A_264 : i32
            %parallel_loop3A_266 = vector.broadcast %parallel_loop3A_163 : f32 to vector<16xf32>
            %parallel_loop3A_267 = arith.mulf %parallel_loop3A_175, %parallel_loop3A_266 : vector<16xf32>
            %parallel_loop3A_268 = arith.index_cast %parallel_loop3A_265 : i32 to index
            %parallel_loop3A_269 = tpu.vector_load %arg12[%parallel_loop3A_268] {strides = array<i32>} : memref<32768xf32, #tpu.memory_space<vmem>>, vector<16xf32>,
            tpu.vector_store %arg12[%parallel_loop3A_268], %parallel_loop3A_267 {add = true, strides = array<i32>} : memref<32768xf32, #tpu.memory_space<vmem>>, vector<16xf32>,
            %parallel_loop3A_270 = arith.constant 0 : i32
            %parallel_loop3A_271 = arith.addi %parallel_loop3A_165, %parallel_loop3A_270 : i32
            %parallel_loop3A_272 = arith.constant 32 : i32
            %parallel_loop3A_273 = arith.addi %parallel_loop3A_271, %parallel_loop3A_272 : i32
            %parallel_loop3A_274 = vector.broadcast %parallel_loop3A_157 : f32 to vector<16xf32>
            %parallel_loop3A_275 = arith.mulf %parallel_loop3A_180, %parallel_loop3A_274 : vector<16xf32>
            %parallel_loop3A_276 = arith.index_cast %parallel_loop3A_273 : i32 to index
            %parallel_loop3A_277 = tpu.vector_load %arg12[%parallel_loop3A_276] {strides = array<i32>} : memref<32768xf32, #tpu.memory_space<vmem>>, vector<16xf32>,
            tpu.vector_store %arg12[%parallel_loop3A_276], %parallel_loop3A_275 {add = true, strides = array<i32>} : memref<32768xf32, #tpu.memory_space<vmem>>, vector<16xf32>,
            %parallel_loop3A_278 = arith.constant 128 : i32
            %parallel_loop3A_279 = arith.addi %parallel_loop3A_165, %parallel_loop3A_278 : i32
            %parallel_loop3A_280 = arith.constant 32 : i32
            %parallel_loop3A_281 = arith.addi %parallel_loop3A_279, %parallel_loop3A_280 : i32
            %parallel_loop3A_282 = vector.broadcast %parallel_loop3A_159 : f32 to vector<16xf32>
            %parallel_loop3A_283 = arith.mulf %parallel_loop3A_180, %parallel_loop3A_282 : vector<16xf32>
            %parallel_loop3A_284 = arith.index_cast %parallel_loop3A_281 : i32 to index
            %parallel_loop3A_285 = tpu.vector_load %arg12[%parallel_loop3A_284] {strides = array<i32>} : memref<32768xf32, #tpu.memory_space<vmem>>, vector<16xf32>,
            tpu.vector_store %arg12[%parallel_loop3A_284], %parallel_loop3A_283 {add = true, strides = array<i32>} : memref<32768xf32, #tpu.memory_space<vmem>>, vector<16xf32>,
            %parallel_loop3A_286 = arith.constant 256 : i32
            %parallel_loop3A_287 = arith.addi %parallel_loop3A_165, %parallel_loop3A_286 : i32
            %parallel_loop3A_288 = arith.constant 32 : i32
            %parallel_loop3A_289 = arith.addi %parallel_loop3A_287, %parallel_loop3A_288 : i32
            %parallel_loop3A_290 = vector.broadcast %parallel_loop3A_161 : f32 to vector<16xf32>
            %parallel_loop3A_291 = arith.mulf %parallel_loop3A_180, %parallel_loop3A_290 : vector<16xf32>
            %parallel_loop3A_292 = arith.index_cast %parallel_loop3A_289 : i32 to index
            %parallel_loop3A_293 = tpu.vector_load %arg12[%parallel_loop3A_292] {strides = array<i32>} : memref<32768xf32, #tpu.memory_space<vmem>>, vector<16xf32>,
            tpu.vector_store %arg12[%parallel_loop3A_292], %parallel_loop3A_291 {add = true, strides = array<i32>} : memref<32768xf32, #tpu.memory_space<vmem>>, vector<16xf32>,
            %parallel_loop3A_294 = arith.constant 384 : i32
            %parallel_loop3A_295 = arith.addi %parallel_loop3A_165, %parallel_loop3A_294 : i32
            %parallel_loop3A_296 = arith.constant 32 : i32
            %parallel_loop3A_297 = arith.addi %parallel_loop3A_295, %parallel_loop3A_296 : i32
            %parallel_loop3A_298 = vector.broadcast %parallel_loop3A_163 : f32 to vector<16xf32>
            %parallel_loop3A_299 = arith.mulf %parallel_loop3A_180, %parallel_loop3A_298 : vector<16xf32>
            %parallel_loop3A_300 = arith.index_cast %parallel_loop3A_297 : i32 to index
            %parallel_loop3A_301 = tpu.vector_load %arg12[%parallel_loop3A_300] {strides = array<i32>} : memref<32768xf32, #tpu.memory_space<vmem>>, vector<16xf32>,
            tpu.vector_store %arg12[%parallel_loop3A_300], %parallel_loop3A_299 {add = true, strides = array<i32>} : memref<32768xf32, #tpu.memory_space<vmem>>, vector<16xf32>,
            %parallel_loop3A_302 = arith.constant 0 : i32
            %parallel_loop3A_303 = arith.addi %parallel_loop3A_165, %parallel_loop3A_302 : i32
            %parallel_loop3A_304 = arith.constant 48 : i32
            %parallel_loop3A_305 = arith.addi %parallel_loop3A_303, %parallel_loop3A_304 : i32
            %parallel_loop3A_306 = vector.broadcast %parallel_loop3A_157 : f32 to vector<16xf32>
            %parallel_loop3A_307 = arith.mulf %parallel_loop3A_185, %parallel_loop3A_306 : vector<16xf32>
            %parallel_loop3A_308 = arith.index_cast %parallel_loop3A_305 : i32 to index
            %parallel_loop3A_309 = tpu.vector_load %arg12[%parallel_loop3A_308] {strides = array<i32>} : memref<32768xf32, #tpu.memory_space<vmem>>, vector<16xf32>,
            tpu.vector_store %arg12[%parallel_loop3A_308], %parallel_loop3A_307 {add = true, strides = array<i32>} : memref<32768xf32, #tpu.memory_space<vmem>>, vector<16xf32>,
            %parallel_loop3A_310 = arith.constant 128 : i32
            %parallel_loop3A_311 = arith.addi %parallel_loop3A_165, %parallel_loop3A_310 : i32
            %parallel_loop3A_312 = arith.constant 48 : i32
            %parallel_loop3A_313 = arith.addi %parallel_loop3A_311, %parallel_loop3A_312 : i32
            %parallel_loop3A_314 = vector.broadcast %parallel_loop3A_159 : f32 to vector<16xf32>
            %parallel_loop3A_315 = arith.mulf %parallel_loop3A_185, %parallel_loop3A_314 : vector<16xf32>
            %parallel_loop3A_316 = arith.index_cast %parallel_loop3A_313 : i32 to index
            %parallel_loop3A_317 = tpu.vector_load %arg12[%parallel_loop3A_316] {strides = array<i32>} : memref<32768xf32, #tpu.memory_space<vmem>>, vector<16xf32>,
            tpu.vector_store %arg12[%parallel_loop3A_316], %parallel_loop3A_315 {add = true, strides = array<i32>} : memref<32768xf32, #tpu.memory_space<vmem>>, vector<16xf32>,
            %parallel_loop3A_318 = arith.constant 256 : i32
            %parallel_loop3A_319 = arith.addi %parallel_loop3A_165, %parallel_loop3A_318 : i32
            %parallel_loop3A_320 = arith.constant 48 : i32
            %parallel_loop3A_321 = arith.addi %parallel_loop3A_319, %parallel_loop3A_320 : i32
            %parallel_loop3A_322 = vector.broadcast %parallel_loop3A_161 : f32 to vector<16xf32>
            %parallel_loop3A_323 = arith.mulf %parallel_loop3A_185, %parallel_loop3A_322 : vector<16xf32>
            %parallel_loop3A_324 = arith.index_cast %parallel_loop3A_321 : i32 to index
            %parallel_loop3A_325 = tpu.vector_load %arg12[%parallel_loop3A_324] {strides = array<i32>} : memref<32768xf32, #tpu.memory_space<vmem>>, vector<16xf32>,
            tpu.vector_store %arg12[%parallel_loop3A_324], %parallel_loop3A_323 {add = true, strides = array<i32>} : memref<32768xf32, #tpu.memory_space<vmem>>, vector<16xf32>,
            %parallel_loop3A_326 = arith.constant 384 : i32
            %parallel_loop3A_327 = arith.addi %parallel_loop3A_165, %parallel_loop3A_326 : i32
            %parallel_loop3A_328 = arith.constant 48 : i32
            %parallel_loop3A_329 = arith.addi %parallel_loop3A_327, %parallel_loop3A_328 : i32
            %parallel_loop3A_330 = vector.broadcast %parallel_loop3A_163 : f32 to vector<16xf32>
            %parallel_loop3A_331 = arith.mulf %parallel_loop3A_185, %parallel_loop3A_330 : vector<16xf32>
            %parallel_loop3A_332 = arith.index_cast %parallel_loop3A_329 : i32 to index
            %parallel_loop3A_333 = tpu.vector_load %arg12[%parallel_loop3A_332] {strides = array<i32>} : memref<32768xf32, #tpu.memory_space<vmem>>, vector<16xf32>,
            tpu.vector_store %arg12[%parallel_loop3A_332], %parallel_loop3A_331 {add = true, strides = array<i32>} : memref<32768xf32, #tpu.memory_space<vmem>>, vector<16xf32>,
            %parallel_loop3A_334 = arith.constant 0 : i32
            %parallel_loop3A_335 = arith.addi %parallel_loop3A_165, %parallel_loop3A_334 : i32
            %parallel_loop3A_336 = arith.constant 64 : i32
            %parallel_loop3A_337 = arith.addi %parallel_loop3A_335, %parallel_loop3A_336 : i32
            %parallel_loop3A_338 = vector.broadcast %parallel_loop3A_157 : f32 to vector<16xf32>
            %parallel_loop3A_339 = arith.mulf %parallel_loop3A_190, %parallel_loop3A_338 : vector<16xf32>
            %parallel_loop3A_340 = arith.index_cast %parallel_loop3A_337 : i32 to index
            %parallel_loop3A_341 = tpu.vector_load %arg12[%parallel_loop3A_340] {strides = array<i32>} : memref<32768xf32, #tpu.memory_space<vmem>>, vector<16xf32>,
            tpu.vector_store %arg12[%parallel_loop3A_340], %parallel_loop3A_339 {add = true, strides = array<i32>} : memref<32768xf32, #tpu.memory_space<vmem>>, vector<16xf32>,
            %parallel_loop3A_342 = arith.constant 128 : i32
            %parallel_loop3A_343 = arith.addi %parallel_loop3A_165, %parallel_loop3A_342 : i32
            %parallel_loop3A_344 = arith.constant 64 : i32
            %parallel_loop3A_345 = arith.addi %parallel_loop3A_343, %parallel_loop3A_344 : i32
            %parallel_loop3A_346 = vector.broadcast %parallel_loop3A_159 : f32 to vector<16xf32>
            %parallel_loop3A_347 = arith.mulf %parallel_loop3A_190, %parallel_loop3A_346 : vector<16xf32>
            %parallel_loop3A_348 = arith.index_cast %parallel_loop3A_345 : i32 to index
            %parallel_loop3A_349 = tpu.vector_load %arg12[%parallel_loop3A_348] {strides = array<i32>} : memref<32768xf32, #tpu.memory_space<vmem>>, vector<16xf32>,
            tpu.vector_store %arg12[%parallel_loop3A_348], %parallel_loop3A_347 {add = true, strides = array<i32>} : memref<32768xf32, #tpu.memory_space<vmem>>, vector<16xf32>,
            %parallel_loop3A_350 = arith.constant 256 : i32
            %parallel_loop3A_351 = arith.addi %parallel_loop3A_165, %parallel_loop3A_350 : i32
            %parallel_loop3A_352 = arith.constant 64 : i32
            %parallel_loop3A_353 = arith.addi %parallel_loop3A_351, %parallel_loop3A_352 : i32
            %parallel_loop3A_354 = vector.broadcast %parallel_loop3A_161 : f32 to vector<16xf32>
            %parallel_loop3A_355 = arith.mulf %parallel_loop3A_190, %parallel_loop3A_354 : vector<16xf32>
            %parallel_loop3A_356 = arith.index_cast %parallel_loop3A_353 : i32 to index
            %parallel_loop3A_357 = tpu.vector_load %arg12[%parallel_loop3A_356] {strides = array<i32>} : memref<32768xf32, #tpu.memory_space<vmem>>, vector<16xf32>,
            tpu.vector_store %arg12[%parallel_loop3A_356], %parallel_loop3A_355 {add = true, strides = array<i32>} : memref<32768xf32, #tpu.memory_space<vmem>>, vector<16xf32>,
            %parallel_loop3A_358 = arith.constant 384 : i32
            %parallel_loop3A_359 = arith.addi %parallel_loop3A_165, %parallel_loop3A_358 : i32
            %parallel_loop3A_360 = arith.constant 64 : i32
            %parallel_loop3A_361 = arith.addi %parallel_loop3A_359, %parallel_loop3A_360 : i32
            %parallel_loop3A_362 = vector.broadcast %parallel_loop3A_163 : f32 to vector<16xf32>
            %parallel_loop3A_363 = arith.mulf %parallel_loop3A_190, %parallel_loop3A_362 : vector<16xf32>
            %parallel_loop3A_364 = arith.index_cast %parallel_loop3A_361 : i32 to index
            %parallel_loop3A_365 = tpu.vector_load %arg12[%parallel_loop3A_364] {strides = array<i32>} : memref<32768xf32, #tpu.memory_space<vmem>>, vector<16xf32>,
            tpu.vector_store %arg12[%parallel_loop3A_364], %parallel_loop3A_363 {add = true, strides = array<i32>} : memref<32768xf32, #tpu.memory_space<vmem>>, vector<16xf32>,
            %parallel_loop3A_366 = arith.constant 0 : i32
            %parallel_loop3A_367 = arith.addi %parallel_loop3A_165, %parallel_loop3A_366 : i32
            %parallel_loop3A_368 = arith.constant 80 : i32
            %parallel_loop3A_369 = arith.addi %parallel_loop3A_367, %parallel_loop3A_368 : i32
            %parallel_loop3A_370 = vector.broadcast %parallel_loop3A_157 : f32 to vector<16xf32>
            %parallel_loop3A_371 = arith.mulf %parallel_loop3A_195, %parallel_loop3A_370 : vector<16xf32>
            %parallel_loop3A_372 = arith.index_cast %parallel_loop3A_369 : i32 to index
            %parallel_loop3A_373 = tpu.vector_load %arg12[%parallel_loop3A_372] {strides = array<i32>} : memref<32768xf32, #tpu.memory_space<vmem>>, vector<16xf32>,
            tpu.vector_store %arg12[%parallel_loop3A_372], %parallel_loop3A_371 {add = true, strides = array<i32>} : memref<32768xf32, #tpu.memory_space<vmem>>, vector<16xf32>,
            %parallel_loop3A_374 = arith.constant 128 : i32
            %parallel_loop3A_375 = arith.addi %parallel_loop3A_165, %parallel_loop3A_374 : i32
            %parallel_loop3A_376 = arith.constant 80 : i32
            %parallel_loop3A_377 = arith.addi %parallel_loop3A_375, %parallel_loop3A_376 : i32
            %parallel_loop3A_378 = vector.broadcast %parallel_loop3A_159 : f32 to vector<16xf32>
            %parallel_loop3A_379 = arith.mulf %parallel_loop3A_195, %parallel_loop3A_378 : vector<16xf32>
            %parallel_loop3A_380 = arith.index_cast %parallel_loop3A_377 : i32 to index
            %parallel_loop3A_381 = tpu.vector_load %arg12[%parallel_loop3A_380] {strides = array<i32>} : memref<32768xf32, #tpu.memory_space<vmem>>, vector<16xf32>,
            tpu.vector_store %arg12[%parallel_loop3A_380], %parallel_loop3A_379 {add = true, strides = array<i32>} : memref<32768xf32, #tpu.memory_space<vmem>>, vector<16xf32>,
            %parallel_loop3A_382 = arith.constant 256 : i32
            %parallel_loop3A_383 = arith.addi %parallel_loop3A_165, %parallel_loop3A_382 : i32
            %parallel_loop3A_384 = arith.constant 80 : i32
            %parallel_loop3A_385 = arith.addi %parallel_loop3A_383, %parallel_loop3A_384 : i32
            %parallel_loop3A_386 = vector.broadcast %parallel_loop3A_161 : f32 to vector<16xf32>
            %parallel_loop3A_387 = arith.mulf %parallel_loop3A_195, %parallel_loop3A_386 : vector<16xf32>
            %parallel_loop3A_388 = arith.index_cast %parallel_loop3A_385 : i32 to index
            %parallel_loop3A_389 = tpu.vector_load %arg12[%parallel_loop3A_388] {strides = array<i32>} : memref<32768xf32, #tpu.memory_space<vmem>>, vector<16xf32>,
            tpu.vector_store %arg12[%parallel_loop3A_388], %parallel_loop3A_387 {add = true, strides = array<i32>} : memref<32768xf32, #tpu.memory_space<vmem>>, vector<16xf32>,
            %parallel_loop3A_390 = arith.constant 384 : i32
            %parallel_loop3A_391 = arith.addi %parallel_loop3A_165, %parallel_loop3A_390 : i32
            %parallel_loop3A_392 = arith.constant 80 : i32
            %parallel_loop3A_393 = arith.addi %parallel_loop3A_391, %parallel_loop3A_392 : i32
            %parallel_loop3A_394 = vector.broadcast %parallel_loop3A_163 : f32 to vector<16xf32>
            %parallel_loop3A_395 = arith.mulf %parallel_loop3A_195, %parallel_loop3A_394 : vector<16xf32>
            %parallel_loop3A_396 = arith.index_cast %parallel_loop3A_393 : i32 to index
            %parallel_loop3A_397 = tpu.vector_load %arg12[%parallel_loop3A_396] {strides = array<i32>} : memref<32768xf32, #tpu.memory_space<vmem>>, vector<16xf32>,
            tpu.vector_store %arg12[%parallel_loop3A_396], %parallel_loop3A_395 {add = true, strides = array<i32>} : memref<32768xf32, #tpu.memory_space<vmem>>, vector<16xf32>,
            %parallel_loop3A_398 = arith.constant 0 : i32
            %parallel_loop3A_399 = arith.addi %parallel_loop3A_165, %parallel_loop3A_398 : i32
            %parallel_loop3A_400 = arith.constant 96 : i32
            %parallel_loop3A_401 = arith.addi %parallel_loop3A_399, %parallel_loop3A_400 : i32
            %parallel_loop3A_402 = vector.broadcast %parallel_loop3A_157 : f32 to vector<16xf32>
            %parallel_loop3A_403 = arith.mulf %parallel_loop3A_200, %parallel_loop3A_402 : vector<16xf32>
            %parallel_loop3A_404 = arith.index_cast %parallel_loop3A_401 : i32 to index
            %parallel_loop3A_405 = tpu.vector_load %arg12[%parallel_loop3A_404] {strides = array<i32>} : memref<32768xf32, #tpu.memory_space<vmem>>, vector<16xf32>,
            tpu.vector_store %arg12[%parallel_loop3A_404], %parallel_loop3A_403 {add = true, strides = array<i32>} : memref<32768xf32, #tpu.memory_space<vmem>>, vector<16xf32>,
            %parallel_loop3A_406 = arith.constant 128 : i32
            %parallel_loop3A_407 = arith.addi %parallel_loop3A_165, %parallel_loop3A_406 : i32
            %parallel_loop3A_408 = arith.constant 96 : i32
            %parallel_loop3A_409 = arith.addi %parallel_loop3A_407, %parallel_loop3A_408 : i32
            %parallel_loop3A_410 = vector.broadcast %parallel_loop3A_159 : f32 to vector<16xf32>
            %parallel_loop3A_411 = arith.mulf %parallel_loop3A_200, %parallel_loop3A_410 : vector<16xf32>
            %parallel_loop3A_412 = arith.index_cast %parallel_loop3A_409 : i32 to index
            %parallel_loop3A_413 = tpu.vector_load %arg12[%parallel_loop3A_412] {strides = array<i32>} : memref<32768xf32, #tpu.memory_space<vmem>>, vector<16xf32>,
            tpu.vector_store %arg12[%parallel_loop3A_412], %parallel_loop3A_411 {add = true, strides = array<i32>} : memref<32768xf32, #tpu.memory_space<vmem>>, vector<16xf32>,
            %parallel_loop3A_414 = arith.constant 256 : i32
            %parallel_loop3A_415 = arith.addi %parallel_loop3A_165, %parallel_loop3A_414 : i32
            %parallel_loop3A_416 = arith.constant 96 : i32
            %parallel_loop3A_417 = arith.addi %parallel_loop3A_415, %parallel_loop3A_416 : i32
            %parallel_loop3A_418 = vector.broadcast %parallel_loop3A_161 : f32 to vector<16xf32>
            %parallel_loop3A_419 = arith.mulf %parallel_loop3A_200, %parallel_loop3A_418 : vector<16xf32>
            %parallel_loop3A_420 = arith.index_cast %parallel_loop3A_417 : i32 to index
            %parallel_loop3A_421 = tpu.vector_load %arg12[%parallel_loop3A_420] {strides = array<i32>} : memref<32768xf32, #tpu.memory_space<vmem>>, vector<16xf32>,
            tpu.vector_store %arg12[%parallel_loop3A_420], %parallel_loop3A_419 {add = true, strides = array<i32>} : memref<32768xf32, #tpu.memory_space<vmem>>, vector<16xf32>,
            %parallel_loop3A_422 = arith.constant 384 : i32
            %parallel_loop3A_423 = arith.addi %parallel_loop3A_165, %parallel_loop3A_422 : i32
            %parallel_loop3A_424 = arith.constant 96 : i32
            %parallel_loop3A_425 = arith.addi %parallel_loop3A_423, %parallel_loop3A_424 : i32
            %parallel_loop3A_426 = vector.broadcast %parallel_loop3A_163 : f32 to vector<16xf32>
            %parallel_loop3A_427 = arith.mulf %parallel_loop3A_200, %parallel_loop3A_426 : vector<16xf32>
            %parallel_loop3A_428 = arith.index_cast %parallel_loop3A_425 : i32 to index
            %parallel_loop3A_429 = tpu.vector_load %arg12[%parallel_loop3A_428] {strides = array<i32>} : memref<32768xf32, #tpu.memory_space<vmem>>, vector<16xf32>,
            tpu.vector_store %arg12[%parallel_loop3A_428], %parallel_loop3A_427 {add = true, strides = array<i32>} : memref<32768xf32, #tpu.memory_space<vmem>>, vector<16xf32>,
            %parallel_loop3A_430 = arith.constant 0 : i32
            %parallel_loop3A_431 = arith.addi %parallel_loop3A_165, %parallel_loop3A_430 : i32
            %parallel_loop3A_432 = arith.constant 112 : i32
            %parallel_loop3A_433 = arith.addi %parallel_loop3A_431, %parallel_loop3A_432 : i32
            %parallel_loop3A_434 = vector.broadcast %parallel_loop3A_157 : f32 to vector<16xf32>
            %parallel_loop3A_435 = arith.mulf %parallel_loop3A_205, %parallel_loop3A_434 : vector<16xf32>
            %parallel_loop3A_436 = arith.index_cast %parallel_loop3A_433 : i32 to index
            %parallel_loop3A_437 = tpu.vector_load %arg12[%parallel_loop3A_436] {strides = array<i32>} : memref<32768xf32, #tpu.memory_space<vmem>>, vector<16xf32>,
            tpu.vector_store %arg12[%parallel_loop3A_436], %parallel_loop3A_435 {add = true, strides = array<i32>} : memref<32768xf32, #tpu.memory_space<vmem>>, vector<16xf32>,
            %parallel_loop3A_438 = arith.constant 128 : i32
            %parallel_loop3A_439 = arith.addi %parallel_loop3A_165, %parallel_loop3A_438 : i32
            %parallel_loop3A_440 = arith.constant 112 : i32
            %parallel_loop3A_441 = arith.addi %parallel_loop3A_439, %parallel_loop3A_440 : i32
            %parallel_loop3A_442 = vector.broadcast %parallel_loop3A_159 : f32 to vector<16xf32>
            %parallel_loop3A_443 = arith.mulf %parallel_loop3A_205, %parallel_loop3A_442 : vector<16xf32>
            %parallel_loop3A_444 = arith.index_cast %parallel_loop3A_441 : i32 to index
            %parallel_loop3A_445 = tpu.vector_load %arg12[%parallel_loop3A_444] {strides = array<i32>} : memref<32768xf32, #tpu.memory_space<vmem>>, vector<16xf32>,
            tpu.vector_store %arg12[%parallel_loop3A_444], %parallel_loop3A_443 {add = true, strides = array<i32>} : memref<32768xf32, #tpu.memory_space<vmem>>, vector<16xf32>,
            %parallel_loop3A_446 = arith.constant 256 : i32
            %parallel_loop3A_447 = arith.addi %parallel_loop3A_165, %parallel_loop3A_446 : i32
            %parallel_loop3A_448 = arith.constant 112 : i32
            %parallel_loop3A_449 = arith.addi %parallel_loop3A_447, %parallel_loop3A_448 : i32
            %parallel_loop3A_450 = vector.broadcast %parallel_loop3A_161 : f32 to vector<16xf32>
            %parallel_loop3A_451 = arith.mulf %parallel_loop3A_205, %parallel_loop3A_450 : vector<16xf32>
            %parallel_loop3A_452 = arith.index_cast %parallel_loop3A_449 : i32 to index
            %parallel_loop3A_453 = tpu.vector_load %arg12[%parallel_loop3A_452] {strides = array<i32>} : memref<32768xf32, #tpu.memory_space<vmem>>, vector<16xf32>,
            tpu.vector_store %arg12[%parallel_loop3A_452], %parallel_loop3A_451 {add = true, strides = array<i32>} : memref<32768xf32, #tpu.memory_space<vmem>>, vector<16xf32>,
            %parallel_loop3A_454 = arith.constant 384 : i32
            %parallel_loop3A_455 = arith.addi %parallel_loop3A_165, %parallel_loop3A_454 : i32
            %parallel_loop3A_456 = arith.constant 112 : i32
            %parallel_loop3A_457 = arith.addi %parallel_loop3A_455, %parallel_loop3A_456 : i32
            %parallel_loop3A_458 = vector.broadcast %parallel_loop3A_163 : f32 to vector<16xf32>
            %parallel_loop3A_459 = arith.mulf %parallel_loop3A_205, %parallel_loop3A_458 : vector<16xf32>
            %parallel_loop3A_460 = arith.index_cast %parallel_loop3A_457 : i32 to index
            %parallel_loop3A_461 = tpu.vector_load %arg12[%parallel_loop3A_460] {strides = array<i32>} : memref<32768xf32, #tpu.memory_space<vmem>>, vector<16xf32>,
            tpu.vector_store %arg12[%parallel_loop3A_460], %parallel_loop3A_459 {add = true, strides = array<i32>} : memref<32768xf32, #tpu.memory_space<vmem>>, vector<16xf32>,
          } {sc.loop_unroll_factor = 2 : i64, sc.parallel_access}
        } else {
        }
        %while3A_121 = arith.constant 0 : i32
        scf.yield %while3A_121 : i32
      }
      %while3A_71 = arith.constant 1 : i32
      %while3A_72 = scf.for %while3A_102 = %while3A_68 to %while3A_64 step %while3A_71 iter_args(%while3A_103 = %while3A_70) -> (i32)  : i32 {
        %add3A_104 = arith.constant 1 : i32
        %add3A_105 = arith.addi %while3A_102, %add3A_104 : i32
        %mul3A_106 = arith.constant 128 : i32
        %mul3A_107 = arith.muli %add3A_105, %mul3A_106 : i32
        %and3A_108 = arith.constant 1 : i32
        %and3A_109 = arith.andi %while3A_102, %and3A_108 : i32
        %eq3A = arith.constant 0 : i32
        %eq3A_110 = arith.cmpi eq, %and3A_109, %eq3A : i32
        %convert_element_type3A_111 = arith.extui %eq3A_110 : i1 to i32
        %cond3A_112 = arith.constant 0 : i32
        %cond3A_113 = arith.cmpi ne, %convert_element_type3A_111, %cond3A_112 : i32
        scf.if %cond3A_113 {
          %add3A_122 = arith.constant 1 : i32
          %add3A_123 = arith.addi %while3A_102, %add3A_122 : i32
          %lt3A = arith.cmpi slt, %add3A_123, %select_n3A : i32
          %convert_element_type3A_124 = arith.extui %lt3A : i1 to i32
          %cond3A_125 = arith.constant 0 : i32
          %cond3A_126 = arith.cmpi ne, %convert_element_type3A_124, %cond3A_125 : i32
          scf.if %cond3A_126 {
            %add3A_137 = arith.constant 0 : i32
            %add3A_138 = arith.addi %mul3A_107, %add3A_137 : i32
            %get3A = arith.index_cast %add3A_138 : i32 to index
            %get3A_139 = tpu.vector_load %arg8[%get3A] {strides = array<i32>} : memref<8208xi32, #tpu.memory_space<vmem>>, vector<16xi32>,
            %and3A_140 = arith.constant 16383 : i32
            %and3A_141 = vector.broadcast %and3A_140 : i32 to vector<16xi32>
            %and3A_142 = arith.andi %get3A_139, %and3A_141 : vector<16xi32>
            %swap3A = arith.constant 0 : index
            %swap3A_143 = tpu.vector_load %arg10[%swap3A] {strides = array<i32>} : memref<128xi32, #tpu.memory_space<vmem>>, vector<16xi32>,
            tpu.vector_store %arg10[%swap3A], %and3A_142 {strides = array<i32>} : memref<128xi32, #tpu.memory_space<vmem>>, vector<16xi32>,
            %add3A_144 = arith.constant 16 : i32
            %add3A_145 = arith.addi %mul3A_107, %add3A_144 : i32
            %get3A_146 = arith.index_cast %add3A_145 : i32 to index
            %get3A_147 = tpu.vector_load %arg8[%get3A_146] {strides = array<i32>} : memref<8208xi32, #tpu.memory_space<vmem>>, vector<16xi32>,
            %and3A_148 = arith.constant 16383 : i32
            %and3A_149 = vector.broadcast %and3A_148 : i32 to vector<16xi32>
            %and3A_150 = arith.andi %get3A_147, %and3A_149 : vector<16xi32>
            %swap3A_151 = arith.constant 16 : index
            %swap3A_152 = tpu.vector_load %arg10[%swap3A_151] {strides = array<i32>} : memref<128xi32, #tpu.memory_space<vmem>>, vector<16xi32>,
            tpu.vector_store %arg10[%swap3A_151], %and3A_150 {strides = array<i32>} : memref<128xi32, #tpu.memory_space<vmem>>, vector<16xi32>,
            %add3A_153 = arith.constant 32 : i32
            %add3A_154 = arith.addi %mul3A_107, %add3A_153 : i32
            %get3A_155 = arith.index_cast %add3A_154 : i32 to index
            %get3A_156 = tpu.vector_load %arg8[%get3A_155] {strides = array<i32>} : memref<8208xi32, #tpu.memory_space<vmem>>, vector<16xi32>,
            %and3A_157 = arith.constant 16383 : i32
            %and3A_158 = vector.broadcast %and3A_157 : i32 to vector<16xi32>
            %and3A_159 = arith.andi %get3A_156, %and3A_158 : vector<16xi32>
            %swap3A_160 = arith.constant 32 : index
            %swap3A_161 = tpu.vector_load %arg10[%swap3A_160] {strides = array<i32>} : memref<128xi32, #tpu.memory_space<vmem>>, vector<16xi32>,
            tpu.vector_store %arg10[%swap3A_160], %and3A_159 {strides = array<i32>} : memref<128xi32, #tpu.memory_space<vmem>>, vector<16xi32>,
            %add3A_162 = arith.constant 48 : i32
            %add3A_163 = arith.addi %mul3A_107, %add3A_162 : i32
            %get3A_164 = arith.index_cast %add3A_163 : i32 to index
            %get3A_165 = tpu.vector_load %arg8[%get3A_164] {strides = array<i32>} : memref<8208xi32, #tpu.memory_space<vmem>>, vector<16xi32>,
            %and3A_166 = arith.constant 16383 : i32
            %and3A_167 = vector.broadcast %and3A_166 : i32 to vector<16xi32>
            %and3A_168 = arith.andi %get3A_165, %and3A_167 : vector<16xi32>
            %swap3A_169 = arith.constant 48 : index
            %swap3A_170 = tpu.vector_load %arg10[%swap3A_169] {strides = array<i32>} : memref<128xi32, #tpu.memory_space<vmem>>, vector<16xi32>,
            tpu.vector_store %arg10[%swap3A_169], %and3A_168 {strides = array<i32>} : memref<128xi32, #tpu.memory_space<vmem>>, vector<16xi32>,
            %add3A_171 = arith.constant 64 : i32
            %add3A_172 = arith.addi %mul3A_107, %add3A_171 : i32
            %get3A_173 = arith.index_cast %add3A_172 : i32 to index
            %get3A_174 = tpu.vector_load %arg8[%get3A_173] {strides = array<i32>} : memref<8208xi32, #tpu.memory_space<vmem>>, vector<16xi32>,
            %and3A_175 = arith.constant 16383 : i32
            %and3A_176 = vector.broadcast %and3A_175 : i32 to vector<16xi32>
            %and3A_177 = arith.andi %get3A_174, %and3A_176 : vector<16xi32>
            %swap3A_178 = arith.constant 64 : index
            %swap3A_179 = tpu.vector_load %arg10[%swap3A_178] {strides = array<i32>} : memref<128xi32, #tpu.memory_space<vmem>>, vector<16xi32>,
            tpu.vector_store %arg10[%swap3A_178], %and3A_177 {strides = array<i32>} : memref<128xi32, #tpu.memory_space<vmem>>, vector<16xi32>,
            %add3A_180 = arith.constant 80 : i32
            %add3A_181 = arith.addi %mul3A_107, %add3A_180 : i32
            %get3A_182 = arith.index_cast %add3A_181 : i32 to index
            %get3A_183 = tpu.vector_load %arg8[%get3A_182] {strides = array<i32>} : memref<8208xi32, #tpu.memory_space<vmem>>, vector<16xi32>,
            %and3A_184 = arith.constant 16383 : i32
            %and3A_185 = vector.broadcast %and3A_184 : i32 to vector<16xi32>
            %and3A_186 = arith.andi %get3A_183, %and3A_185 : vector<16xi32>
            %swap3A_187 = arith.constant 80 : index
            %swap3A_188 = tpu.vector_load %arg10[%swap3A_187] {strides = array<i32>} : memref<128xi32, #tpu.memory_space<vmem>>, vector<16xi32>,
            tpu.vector_store %arg10[%swap3A_187], %and3A_186 {strides = array<i32>} : memref<128xi32, #tpu.memory_space<vmem>>, vector<16xi32>,
            %add3A_189 = arith.constant 96 : i32
            %add3A_190 = arith.addi %mul3A_107, %add3A_189 : i32
            %get3A_191 = arith.index_cast %add3A_190 : i32 to index
            %get3A_192 = tpu.vector_load %arg8[%get3A_191] {strides = array<i32>} : memref<8208xi32, #tpu.memory_space<vmem>>, vector<16xi32>,
            %and3A_193 = arith.constant 16383 : i32
            %and3A_194 = vector.broadcast %and3A_193 : i32 to vector<16xi32>
            %and3A_195 = arith.andi %get3A_192, %and3A_194 : vector<16xi32>
            %swap3A_196 = arith.constant 96 : index
            %swap3A_197 = tpu.vector_load %arg10[%swap3A_196] {strides = array<i32>} : memref<128xi32, #tpu.memory_space<vmem>>, vector<16xi32>,
            tpu.vector_store %arg10[%swap3A_196], %and3A_195 {strides = array<i32>} : memref<128xi32, #tpu.memory_space<vmem>>, vector<16xi32>,
            %add3A_198 = arith.constant 112 : i32
            %add3A_199 = arith.addi %mul3A_107, %add3A_198 : i32
            %get3A_200 = arith.index_cast %add3A_199 : i32 to index
            %get3A_201 = tpu.vector_load %arg8[%get3A_200] {strides = array<i32>} : memref<8208xi32, #tpu.memory_space<vmem>>, vector<16xi32>,
            %and3A_202 = arith.constant 16383 : i32
            %and3A_203 = vector.broadcast %and3A_202 : i32 to vector<16xi32>
            %and3A_204 = arith.andi %get3A_201, %and3A_203 : vector<16xi32>
            %swap3A_205 = arith.constant 112 : index
            %swap3A_206 = tpu.vector_load %arg10[%swap3A_205] {strides = array<i32>} : memref<128xi32, #tpu.memory_space<vmem>>, vector<16xi32>,
            tpu.vector_store %arg10[%swap3A_205], %and3A_204 {strides = array<i32>} : memref<128xi32, #tpu.memory_space<vmem>>, vector<16xi32>,
            %dma_start3A = arith.constant 128 : i32
            %dma_start3A_207 = arith.constant 0 : i32
            %dma_start3A_208 = tpu.memref_slice %arg11[%dma_start3A, %dma_start3A_207] : memref<256x128xf32, #tpu.memory_space<vmem>> -> memref<128x128xf32, #tpu.memory_space<vmem>>
            %dma_start3A_209 = arith.constant 0 : i32
            %dma_start3A_210 = arith.constant 0 : i32
            %dma_start3A_211 = tpu.memref_slice %arg5[%dma_start3A_209, %dma_start3A_210] : memref<10000x128xf32, #tpu.memory_space<hbm>> -> memref<10000x128xf32, #tpu.memory_space<hbm>>
            tpu.enqueue_indirect_dma source(%dma_start3A_211 : memref<10000x128xf32, #tpu.memory_space<hbm>>) target(%dma_start3A_208 : memref<128x128xf32, #tpu.memory_space<vmem>>) offsets(%arg10 : memref<128xi32, #tpu.memory_space<vmem>>) semaphore(%arg19 : memref<!tpu.dma_semaphore, #tpu.memory_space<semaphore_mem>>)
          } else {
          }
          %dma_wait3A = arith.constant 0 : i32
          %dma_wait3A_127 = arith.constant 0 : i32
          %dma_wait3A_128 = tpu.memref_slice %arg11[%dma_wait3A, %dma_wait3A_127] : memref<256x128xf32, #tpu.memory_space<vmem>> -> memref<128x128xf32, #tpu.memory_space<vmem>>
          %dma_wait3A_129 = arith.constant 0 : i32
          %dma_wait3A_130 = arith.constant 0 : i32
          %dma_wait3A_131 = tpu.memref_slice %arg5[%dma_wait3A_129, %dma_wait3A_130] : memref<10000x128xf32, #tpu.memory_space<hbm>> -> memref<10000x128xf32, #tpu.memory_space<hbm>>
          tpu.wait_indirect_dma semaphore(%arg18 : memref<!tpu.dma_semaphore, #tpu.memory_space<semaphore_mem>>) src(%dma_wait3A_131 : memref<10000x128xf32, #tpu.memory_space<hbm>>) dst(%dma_wait3A_128 : memref<128x128xf32, #tpu.memory_space<vmem>>)
          %mul3A_132 = arith.constant 128 : i32
          %mul3A_133 = arith.muli %while3A_102, %mul3A_132 : i32
          %parallel_loop3A_134 = arith.constant 0 : i32
          %parallel_loop3A_135 = arith.constant 128 : i32
          %parallel_loop3A_136 = arith.constant 1 : i32
          scf.for %parallel_loop3A_137 = %parallel_loop3A_134 to %parallel_loop3A_135 step %parallel_loop3A_136  : i32 {
            %parallel_loop3A_138 = arith.addi %mul3A_133, %parallel_loop3A_137 : i32
            %parallel_loop3A_139 = arith.index_cast %parallel_loop3A_138 : i32 to index
            %parallel_loop3A_140 = tpu.vector_load %arg8[%parallel_loop3A_139] {strides = array<i32>} : memref<8208xi32, #tpu.memory_space<vmem>>, vector<16xi32>,
            %parallel_loop3A_141 = vector.extract_strided_slice %parallel_loop3A_140 {offsets = [0], sizes = [1], strides = [1]} : vector<16xi32> to vector<1xi32>
            %parallel_loop3A_142 = vector.extract %parallel_loop3A_141[0] : i32 from vector<1xi32>
            %parallel_loop3A_143 = arith.constant 18 : i32
            %parallel_loop3A_144 = arith.shrsi %parallel_loop3A_142, %parallel_loop3A_143 : i32
            %parallel_loop3A_145 = arith.constant 16383 : i32
            %parallel_loop3A_146 = arith.andi %parallel_loop3A_144, %parallel_loop3A_145 : i32
            %parallel_loop3A_147 = arith.subi %parallel_loop3A_146, %mul3A_13 : i32
            %parallel_loop3A_148 = arith.constant 14 : i32
            %parallel_loop3A_149 = arith.shrsi %parallel_loop3A_142, %parallel_loop3A_148 : i32
            %parallel_loop3A_150 = arith.constant 15 : i32
            %parallel_loop3A_151 = arith.andi %parallel_loop3A_149, %parallel_loop3A_150 : i32
            %parallel_loop3A_152 = arith.constant 4 : i32
            %parallel_loop3A_153 = arith.muli %parallel_loop3A_151, %parallel_loop3A_152 : i32
            %parallel_loop3A_154 = arith.index_cast %parallel_loop3A_153 : i32 to index
            %parallel_loop3A_155 = tpu.vector_load %arg16[%parallel_loop3A_154] {strides = array<i32>} : memref<80xf32, #tpu.memory_space<vmem>>, vector<16xf32>,
            %parallel_loop3A_156 = vector.extract_strided_slice %parallel_loop3A_155 {offsets = [0], sizes = [1], strides = [1]} : vector<16xf32> to vector<1xf32>
            %parallel_loop3A_157 = vector.extract %parallel_loop3A_156[0] : f32 from vector<1xf32>
            %parallel_loop3A_158 = vector.extract_strided_slice %parallel_loop3A_155 {offsets = [1], sizes = [1], strides = [1]} : vector<16xf32> to vector<1xf32>
            %parallel_loop3A_159 = vector.extract %parallel_loop3A_158[0] : f32 from vector<1xf32>
            %parallel_loop3A_160 = vector.extract_strided_slice %parallel_loop3A_155 {offsets = [2], sizes = [1], strides = [1]} : vector<16xf32> to vector<1xf32>
            %parallel_loop3A_161 = vector.extract %parallel_loop3A_160[0] : f32 from vector<1xf32>
            %parallel_loop3A_162 = vector.extract_strided_slice %parallel_loop3A_155 {offsets = [3], sizes = [1], strides = [1]} : vector<16xf32> to vector<1xf32>
            %parallel_loop3A_163 = vector.extract %parallel_loop3A_162[0] : f32 from vector<1xf32>
            %parallel_loop3A_164 = arith.constant 512 : i32
            %parallel_loop3A_165 = arith.muli %parallel_loop3A_147, %parallel_loop3A_164 : i32
            %parallel_loop3A_166 = arith.constant 0 : i32
            %parallel_loop3A_167 = arith.addi %parallel_loop3A_166, %parallel_loop3A_137 : i32
            %parallel_loop3A_168 = arith.index_cast %parallel_loop3A_167 : i32 to index
            %parallel_loop3A_169 = arith.constant 0 : index
            %parallel_loop3A_170 = tpu.vector_load %arg11[%parallel_loop3A_168, %parallel_loop3A_169] {strides = array<i32>} : memref<256x128xf32, #tpu.memory_space<vmem>>, vector<16xf32>,
            %parallel_loop3A_171 = arith.constant 0 : i32
            %parallel_loop3A_172 = arith.addi %parallel_loop3A_171, %parallel_loop3A_137 : i32
            %parallel_loop3A_173 = arith.index_cast %parallel_loop3A_172 : i32 to index
            %parallel_loop3A_174 = arith.constant 16 : index
            %parallel_loop3A_175 = tpu.vector_load %arg11[%parallel_loop3A_173, %parallel_loop3A_174] {strides = array<i32>} : memref<256x128xf32, #tpu.memory_space<vmem>>, vector<16xf32>,
            %parallel_loop3A_176 = arith.constant 0 : i32
            %parallel_loop3A_177 = arith.addi %parallel_loop3A_176, %parallel_loop3A_137 : i32
            %parallel_loop3A_178 = arith.index_cast %parallel_loop3A_177 : i32 to index
            %parallel_loop3A_179 = arith.constant 32 : index
            %parallel_loop3A_180 = tpu.vector_load %arg11[%parallel_loop3A_178, %parallel_loop3A_179] {strides = array<i32>} : memref<256x128xf32, #tpu.memory_space<vmem>>, vector<16xf32>,
            %parallel_loop3A_181 = arith.constant 0 : i32
            %parallel_loop3A_182 = arith.addi %parallel_loop3A_181, %parallel_loop3A_137 : i32
            %parallel_loop3A_183 = arith.index_cast %parallel_loop3A_182 : i32 to index
            %parallel_loop3A_184 = arith.constant 48 : index
            %parallel_loop3A_185 = tpu.vector_load %arg11[%parallel_loop3A_183, %parallel_loop3A_184] {strides = array<i32>} : memref<256x128xf32, #tpu.memory_space<vmem>>, vector<16xf32>,
            %parallel_loop3A_186 = arith.constant 0 : i32
            %parallel_loop3A_187 = arith.addi %parallel_loop3A_186, %parallel_loop3A_137 : i32
            %parallel_loop3A_188 = arith.index_cast %parallel_loop3A_187 : i32 to index
            %parallel_loop3A_189 = arith.constant 64 : index
            %parallel_loop3A_190 = tpu.vector_load %arg11[%parallel_loop3A_188, %parallel_loop3A_189] {strides = array<i32>} : memref<256x128xf32, #tpu.memory_space<vmem>>, vector<16xf32>,
            %parallel_loop3A_191 = arith.constant 0 : i32
            %parallel_loop3A_192 = arith.addi %parallel_loop3A_191, %parallel_loop3A_137 : i32
            %parallel_loop3A_193 = arith.index_cast %parallel_loop3A_192 : i32 to index
            %parallel_loop3A_194 = arith.constant 80 : index
            %parallel_loop3A_195 = tpu.vector_load %arg11[%parallel_loop3A_193, %parallel_loop3A_194] {strides = array<i32>} : memref<256x128xf32, #tpu.memory_space<vmem>>, vector<16xf32>,
            %parallel_loop3A_196 = arith.constant 0 : i32
            %parallel_loop3A_197 = arith.addi %parallel_loop3A_196, %parallel_loop3A_137 : i32
            %parallel_loop3A_198 = arith.index_cast %parallel_loop3A_197 : i32 to index
            %parallel_loop3A_199 = arith.constant 96 : index
            %parallel_loop3A_200 = tpu.vector_load %arg11[%parallel_loop3A_198, %parallel_loop3A_199] {strides = array<i32>} : memref<256x128xf32, #tpu.memory_space<vmem>>, vector<16xf32>,
            %parallel_loop3A_201 = arith.constant 0 : i32
            %parallel_loop3A_202 = arith.addi %parallel_loop3A_201, %parallel_loop3A_137 : i32
            %parallel_loop3A_203 = arith.index_cast %parallel_loop3A_202 : i32 to index
            %parallel_loop3A_204 = arith.constant 112 : index
            %parallel_loop3A_205 = tpu.vector_load %arg11[%parallel_loop3A_203, %parallel_loop3A_204] {strides = array<i32>} : memref<256x128xf32, #tpu.memory_space<vmem>>, vector<16xf32>,
            %parallel_loop3A_206 = arith.constant 0 : i32
            %parallel_loop3A_207 = arith.addi %parallel_loop3A_165, %parallel_loop3A_206 : i32
            %parallel_loop3A_208 = arith.constant 0 : i32
            %parallel_loop3A_209 = arith.addi %parallel_loop3A_207, %parallel_loop3A_208 : i32
            %parallel_loop3A_210 = vector.broadcast %parallel_loop3A_157 : f32 to vector<16xf32>
            %parallel_loop3A_211 = arith.mulf %parallel_loop3A_170, %parallel_loop3A_210 : vector<16xf32>
            %parallel_loop3A_212 = arith.index_cast %parallel_loop3A_209 : i32 to index
            %parallel_loop3A_213 = tpu.vector_load %arg12[%parallel_loop3A_212] {strides = array<i32>} : memref<32768xf32, #tpu.memory_space<vmem>>, vector<16xf32>,
            tpu.vector_store %arg12[%parallel_loop3A_212], %parallel_loop3A_211 {add = true, strides = array<i32>} : memref<32768xf32, #tpu.memory_space<vmem>>, vector<16xf32>,
            %parallel_loop3A_214 = arith.constant 128 : i32
            %parallel_loop3A_215 = arith.addi %parallel_loop3A_165, %parallel_loop3A_214 : i32
            %parallel_loop3A_216 = arith.constant 0 : i32
            %parallel_loop3A_217 = arith.addi %parallel_loop3A_215, %parallel_loop3A_216 : i32
            %parallel_loop3A_218 = vector.broadcast %parallel_loop3A_159 : f32 to vector<16xf32>
            %parallel_loop3A_219 = arith.mulf %parallel_loop3A_170, %parallel_loop3A_218 : vector<16xf32>
            %parallel_loop3A_220 = arith.index_cast %parallel_loop3A_217 : i32 to index
            %parallel_loop3A_221 = tpu.vector_load %arg12[%parallel_loop3A_220] {strides = array<i32>} : memref<32768xf32, #tpu.memory_space<vmem>>, vector<16xf32>,
            tpu.vector_store %arg12[%parallel_loop3A_220], %parallel_loop3A_219 {add = true, strides = array<i32>} : memref<32768xf32, #tpu.memory_space<vmem>>, vector<16xf32>,
            %parallel_loop3A_222 = arith.constant 256 : i32
            %parallel_loop3A_223 = arith.addi %parallel_loop3A_165, %parallel_loop3A_222 : i32
            %parallel_loop3A_224 = arith.constant 0 : i32
            %parallel_loop3A_225 = arith.addi %parallel_loop3A_223, %parallel_loop3A_224 : i32
            %parallel_loop3A_226 = vector.broadcast %parallel_loop3A_161 : f32 to vector<16xf32>
            %parallel_loop3A_227 = arith.mulf %parallel_loop3A_170, %parallel_loop3A_226 : vector<16xf32>
            %parallel_loop3A_228 = arith.index_cast %parallel_loop3A_225 : i32 to index
            %parallel_loop3A_229 = tpu.vector_load %arg12[%parallel_loop3A_228] {strides = array<i32>} : memref<32768xf32, #tpu.memory_space<vmem>>, vector<16xf32>,
            tpu.vector_store %arg12[%parallel_loop3A_228], %parallel_loop3A_227 {add = true, strides = array<i32>} : memref<32768xf32, #tpu.memory_space<vmem>>, vector<16xf32>,
            %parallel_loop3A_230 = arith.constant 384 : i32
            %parallel_loop3A_231 = arith.addi %parallel_loop3A_165, %parallel_loop3A_230 : i32
            %parallel_loop3A_232 = arith.constant 0 : i32
            %parallel_loop3A_233 = arith.addi %parallel_loop3A_231, %parallel_loop3A_232 : i32
            %parallel_loop3A_234 = vector.broadcast %parallel_loop3A_163 : f32 to vector<16xf32>
            %parallel_loop3A_235 = arith.mulf %parallel_loop3A_170, %parallel_loop3A_234 : vector<16xf32>
            %parallel_loop3A_236 = arith.index_cast %parallel_loop3A_233 : i32 to index
            %parallel_loop3A_237 = tpu.vector_load %arg12[%parallel_loop3A_236] {strides = array<i32>} : memref<32768xf32, #tpu.memory_space<vmem>>, vector<16xf32>,
            tpu.vector_store %arg12[%parallel_loop3A_236], %parallel_loop3A_235 {add = true, strides = array<i32>} : memref<32768xf32, #tpu.memory_space<vmem>>, vector<16xf32>,
            %parallel_loop3A_238 = arith.constant 0 : i32
            %parallel_loop3A_239 = arith.addi %parallel_loop3A_165, %parallel_loop3A_238 : i32
            %parallel_loop3A_240 = arith.constant 16 : i32
            %parallel_loop3A_241 = arith.addi %parallel_loop3A_239, %parallel_loop3A_240 : i32
            %parallel_loop3A_242 = vector.broadcast %parallel_loop3A_157 : f32 to vector<16xf32>
            %parallel_loop3A_243 = arith.mulf %parallel_loop3A_175, %parallel_loop3A_242 : vector<16xf32>
            %parallel_loop3A_244 = arith.index_cast %parallel_loop3A_241 : i32 to index
            %parallel_loop3A_245 = tpu.vector_load %arg12[%parallel_loop3A_244] {strides = array<i32>} : memref<32768xf32, #tpu.memory_space<vmem>>, vector<16xf32>,
            tpu.vector_store %arg12[%parallel_loop3A_244], %parallel_loop3A_243 {add = true, strides = array<i32>} : memref<32768xf32, #tpu.memory_space<vmem>>, vector<16xf32>,
            %parallel_loop3A_246 = arith.constant 128 : i32
            %parallel_loop3A_247 = arith.addi %parallel_loop3A_165, %parallel_loop3A_246 : i32
            %parallel_loop3A_248 = arith.constant 16 : i32
            %parallel_loop3A_249 = arith.addi %parallel_loop3A_247, %parallel_loop3A_248 : i32
            %parallel_loop3A_250 = vector.broadcast %parallel_loop3A_159 : f32 to vector<16xf32>
            %parallel_loop3A_251 = arith.mulf %parallel_loop3A_175, %parallel_loop3A_250 : vector<16xf32>
            %parallel_loop3A_252 = arith.index_cast %parallel_loop3A_249 : i32 to index
            %parallel_loop3A_253 = tpu.vector_load %arg12[%parallel_loop3A_252] {strides = array<i32>} : memref<32768xf32, #tpu.memory_space<vmem>>, vector<16xf32>,
            tpu.vector_store %arg12[%parallel_loop3A_252], %parallel_loop3A_251 {add = true, strides = array<i32>} : memref<32768xf32, #tpu.memory_space<vmem>>, vector<16xf32>,
            %parallel_loop3A_254 = arith.constant 256 : i32
            %parallel_loop3A_255 = arith.addi %parallel_loop3A_165, %parallel_loop3A_254 : i32
            %parallel_loop3A_256 = arith.constant 16 : i32
            %parallel_loop3A_257 = arith.addi %parallel_loop3A_255, %parallel_loop3A_256 : i32
            %parallel_loop3A_258 = vector.broadcast %parallel_loop3A_161 : f32 to vector<16xf32>
            %parallel_loop3A_259 = arith.mulf %parallel_loop3A_175, %parallel_loop3A_258 : vector<16xf32>
            %parallel_loop3A_260 = arith.index_cast %parallel_loop3A_257 : i32 to index
            %parallel_loop3A_261 = tpu.vector_load %arg12[%parallel_loop3A_260] {strides = array<i32>} : memref<32768xf32, #tpu.memory_space<vmem>>, vector<16xf32>,
            tpu.vector_store %arg12[%parallel_loop3A_260], %parallel_loop3A_259 {add = true, strides = array<i32>} : memref<32768xf32, #tpu.memory_space<vmem>>, vector<16xf32>,
            %parallel_loop3A_262 = arith.constant 384 : i32
            %parallel_loop3A_263 = arith.addi %parallel_loop3A_165, %parallel_loop3A_262 : i32
            %parallel_loop3A_264 = arith.constant 16 : i32
            %parallel_loop3A_265 = arith.addi %parallel_loop3A_263, %parallel_loop3A_264 : i32
            %parallel_loop3A_266 = vector.broadcast %parallel_loop3A_163 : f32 to vector<16xf32>
            %parallel_loop3A_267 = arith.mulf %parallel_loop3A_175, %parallel_loop3A_266 : vector<16xf32>
            %parallel_loop3A_268 = arith.index_cast %parallel_loop3A_265 : i32 to index
            %parallel_loop3A_269 = tpu.vector_load %arg12[%parallel_loop3A_268] {strides = array<i32>} : memref<32768xf32, #tpu.memory_space<vmem>>, vector<16xf32>,
            tpu.vector_store %arg12[%parallel_loop3A_268], %parallel_loop3A_267 {add = true, strides = array<i32>} : memref<32768xf32, #tpu.memory_space<vmem>>, vector<16xf32>,
            %parallel_loop3A_270 = arith.constant 0 : i32
            %parallel_loop3A_271 = arith.addi %parallel_loop3A_165, %parallel_loop3A_270 : i32
            %parallel_loop3A_272 = arith.constant 32 : i32
            %parallel_loop3A_273 = arith.addi %parallel_loop3A_271, %parallel_loop3A_272 : i32
            %parallel_loop3A_274 = vector.broadcast %parallel_loop3A_157 : f32 to vector<16xf32>
            %parallel_loop3A_275 = arith.mulf %parallel_loop3A_180, %parallel_loop3A_274 : vector<16xf32>
            %parallel_loop3A_276 = arith.index_cast %parallel_loop3A_273 : i32 to index
            %parallel_loop3A_277 = tpu.vector_load %arg12[%parallel_loop3A_276] {strides = array<i32>} : memref<32768xf32, #tpu.memory_space<vmem>>, vector<16xf32>,
            tpu.vector_store %arg12[%parallel_loop3A_276], %parallel_loop3A_275 {add = true, strides = array<i32>} : memref<32768xf32, #tpu.memory_space<vmem>>, vector<16xf32>,
            %parallel_loop3A_278 = arith.constant 128 : i32
            %parallel_loop3A_279 = arith.addi %parallel_loop3A_165, %parallel_loop3A_278 : i32
            %parallel_loop3A_280 = arith.constant 32 : i32
            %parallel_loop3A_281 = arith.addi %parallel_loop3A_279, %parallel_loop3A_280 : i32
            %parallel_loop3A_282 = vector.broadcast %parallel_loop3A_159 : f32 to vector<16xf32>
            %parallel_loop3A_283 = arith.mulf %parallel_loop3A_180, %parallel_loop3A_282 : vector<16xf32>
            %parallel_loop3A_284 = arith.index_cast %parallel_loop3A_281 : i32 to index
            %parallel_loop3A_285 = tpu.vector_load %arg12[%parallel_loop3A_284] {strides = array<i32>} : memref<32768xf32, #tpu.memory_space<vmem>>, vector<16xf32>,
            tpu.vector_store %arg12[%parallel_loop3A_284], %parallel_loop3A_283 {add = true, strides = array<i32>} : memref<32768xf32, #tpu.memory_space<vmem>>, vector<16xf32>,
            %parallel_loop3A_286 = arith.constant 256 : i32
            %parallel_loop3A_287 = arith.addi %parallel_loop3A_165, %parallel_loop3A_286 : i32
            %parallel_loop3A_288 = arith.constant 32 : i32
            %parallel_loop3A_289 = arith.addi %parallel_loop3A_287, %parallel_loop3A_288 : i32
            %parallel_loop3A_290 = vector.broadcast %parallel_loop3A_161 : f32 to vector<16xf32>
            %parallel_loop3A_291 = arith.mulf %parallel_loop3A_180, %parallel_loop3A_290 : vector<16xf32>
            %parallel_loop3A_292 = arith.index_cast %parallel_loop3A_289 : i32 to index
            %parallel_loop3A_293 = tpu.vector_load %arg12[%parallel_loop3A_292] {strides = array<i32>} : memref<32768xf32, #tpu.memory_space<vmem>>, vector<16xf32>,
            tpu.vector_store %arg12[%parallel_loop3A_292], %parallel_loop3A_291 {add = true, strides = array<i32>} : memref<32768xf32, #tpu.memory_space<vmem>>, vector<16xf32>,
            %parallel_loop3A_294 = arith.constant 384 : i32
            %parallel_loop3A_295 = arith.addi %parallel_loop3A_165, %parallel_loop3A_294 : i32
            %parallel_loop3A_296 = arith.constant 32 : i32
            %parallel_loop3A_297 = arith.addi %parallel_loop3A_295, %parallel_loop3A_296 : i32
            %parallel_loop3A_298 = vector.broadcast %parallel_loop3A_163 : f32 to vector<16xf32>
            %parallel_loop3A_299 = arith.mulf %parallel_loop3A_180, %parallel_loop3A_298 : vector<16xf32>
            %parallel_loop3A_300 = arith.index_cast %parallel_loop3A_297 : i32 to index
            %parallel_loop3A_301 = tpu.vector_load %arg12[%parallel_loop3A_300] {strides = array<i32>} : memref<32768xf32, #tpu.memory_space<vmem>>, vector<16xf32>,
            tpu.vector_store %arg12[%parallel_loop3A_300], %parallel_loop3A_299 {add = true, strides = array<i32>} : memref<32768xf32, #tpu.memory_space<vmem>>, vector<16xf32>,
            %parallel_loop3A_302 = arith.constant 0 : i32
            %parallel_loop3A_303 = arith.addi %parallel_loop3A_165, %parallel_loop3A_302 : i32
            %parallel_loop3A_304 = arith.constant 48 : i32
            %parallel_loop3A_305 = arith.addi %parallel_loop3A_303, %parallel_loop3A_304 : i32
            %parallel_loop3A_306 = vector.broadcast %parallel_loop3A_157 : f32 to vector<16xf32>
            %parallel_loop3A_307 = arith.mulf %parallel_loop3A_185, %parallel_loop3A_306 : vector<16xf32>
            %parallel_loop3A_308 = arith.index_cast %parallel_loop3A_305 : i32 to index
            %parallel_loop3A_309 = tpu.vector_load %arg12[%parallel_loop3A_308] {strides = array<i32>} : memref<32768xf32, #tpu.memory_space<vmem>>, vector<16xf32>,
            tpu.vector_store %arg12[%parallel_loop3A_308], %parallel_loop3A_307 {add = true, strides = array<i32>} : memref<32768xf32, #tpu.memory_space<vmem>>, vector<16xf32>,
            %parallel_loop3A_310 = arith.constant 128 : i32
            %parallel_loop3A_311 = arith.addi %parallel_loop3A_165, %parallel_loop3A_310 : i32
            %parallel_loop3A_312 = arith.constant 48 : i32
            %parallel_loop3A_313 = arith.addi %parallel_loop3A_311, %parallel_loop3A_312 : i32
            %parallel_loop3A_314 = vector.broadcast %parallel_loop3A_159 : f32 to vector<16xf32>
            %parallel_loop3A_315 = arith.mulf %parallel_loop3A_185, %parallel_loop3A_314 : vector<16xf32>
            %parallel_loop3A_316 = arith.index_cast %parallel_loop3A_313 : i32 to index
            %parallel_loop3A_317 = tpu.vector_load %arg12[%parallel_loop3A_316] {strides = array<i32>} : memref<32768xf32, #tpu.memory_space<vmem>>, vector<16xf32>,
            tpu.vector_store %arg12[%parallel_loop3A_316], %parallel_loop3A_315 {add = true, strides = array<i32>} : memref<32768xf32, #tpu.memory_space<vmem>>, vector<16xf32>,
            %parallel_loop3A_318 = arith.constant 256 : i32
            %parallel_loop3A_319 = arith.addi %parallel_loop3A_165, %parallel_loop3A_318 : i32
            %parallel_loop3A_320 = arith.constant 48 : i32
            %parallel_loop3A_321 = arith.addi %parallel_loop3A_319, %parallel_loop3A_320 : i32
            %parallel_loop3A_322 = vector.broadcast %parallel_loop3A_161 : f32 to vector<16xf32>
            %parallel_loop3A_323 = arith.mulf %parallel_loop3A_185, %parallel_loop3A_322 : vector<16xf32>
            %parallel_loop3A_324 = arith.index_cast %parallel_loop3A_321 : i32 to index
            %parallel_loop3A_325 = tpu.vector_load %arg12[%parallel_loop3A_324] {strides = array<i32>} : memref<32768xf32, #tpu.memory_space<vmem>>, vector<16xf32>,
            tpu.vector_store %arg12[%parallel_loop3A_324], %parallel_loop3A_323 {add = true, strides = array<i32>} : memref<32768xf32, #tpu.memory_space<vmem>>, vector<16xf32>,
            %parallel_loop3A_326 = arith.constant 384 : i32
            %parallel_loop3A_327 = arith.addi %parallel_loop3A_165, %parallel_loop3A_326 : i32
            %parallel_loop3A_328 = arith.constant 48 : i32
            %parallel_loop3A_329 = arith.addi %parallel_loop3A_327, %parallel_loop3A_328 : i32
            %parallel_loop3A_330 = vector.broadcast %parallel_loop3A_163 : f32 to vector<16xf32>
            %parallel_loop3A_331 = arith.mulf %parallel_loop3A_185, %parallel_loop3A_330 : vector<16xf32>
            %parallel_loop3A_332 = arith.index_cast %parallel_loop3A_329 : i32 to index
            %parallel_loop3A_333 = tpu.vector_load %arg12[%parallel_loop3A_332] {strides = array<i32>} : memref<32768xf32, #tpu.memory_space<vmem>>, vector<16xf32>,
            tpu.vector_store %arg12[%parallel_loop3A_332], %parallel_loop3A_331 {add = true, strides = array<i32>} : memref<32768xf32, #tpu.memory_space<vmem>>, vector<16xf32>,
            %parallel_loop3A_334 = arith.constant 0 : i32
            %parallel_loop3A_335 = arith.addi %parallel_loop3A_165, %parallel_loop3A_334 : i32
            %parallel_loop3A_336 = arith.constant 64 : i32
            %parallel_loop3A_337 = arith.addi %parallel_loop3A_335, %parallel_loop3A_336 : i32
            %parallel_loop3A_338 = vector.broadcast %parallel_loop3A_157 : f32 to vector<16xf32>
            %parallel_loop3A_339 = arith.mulf %parallel_loop3A_190, %parallel_loop3A_338 : vector<16xf32>
            %parallel_loop3A_340 = arith.index_cast %parallel_loop3A_337 : i32 to index
            %parallel_loop3A_341 = tpu.vector_load %arg12[%parallel_loop3A_340] {strides = array<i32>} : memref<32768xf32, #tpu.memory_space<vmem>>, vector<16xf32>,
            tpu.vector_store %arg12[%parallel_loop3A_340], %parallel_loop3A_339 {add = true, strides = array<i32>} : memref<32768xf32, #tpu.memory_space<vmem>>, vector<16xf32>,
            %parallel_loop3A_342 = arith.constant 128 : i32
            %parallel_loop3A_343 = arith.addi %parallel_loop3A_165, %parallel_loop3A_342 : i32
            %parallel_loop3A_344 = arith.constant 64 : i32
            %parallel_loop3A_345 = arith.addi %parallel_loop3A_343, %parallel_loop3A_344 : i32
            %parallel_loop3A_346 = vector.broadcast %parallel_loop3A_159 : f32 to vector<16xf32>
            %parallel_loop3A_347 = arith.mulf %parallel_loop3A_190, %parallel_loop3A_346 : vector<16xf32>
            %parallel_loop3A_348 = arith.index_cast %parallel_loop3A_345 : i32 to index
            %parallel_loop3A_349 = tpu.vector_load %arg12[%parallel_loop3A_348] {strides = array<i32>} : memref<32768xf32, #tpu.memory_space<vmem>>, vector<16xf32>,
            tpu.vector_store %arg12[%parallel_loop3A_348], %parallel_loop3A_347 {add = true, strides = array<i32>} : memref<32768xf32, #tpu.memory_space<vmem>>, vector<16xf32>,
            %parallel_loop3A_350 = arith.constant 256 : i32
            %parallel_loop3A_351 = arith.addi %parallel_loop3A_165, %parallel_loop3A_350 : i32
            %parallel_loop3A_352 = arith.constant 64 : i32
            %parallel_loop3A_353 = arith.addi %parallel_loop3A_351, %parallel_loop3A_352 : i32
            %parallel_loop3A_354 = vector.broadcast %parallel_loop3A_161 : f32 to vector<16xf32>
            %parallel_loop3A_355 = arith.mulf %parallel_loop3A_190, %parallel_loop3A_354 : vector<16xf32>
            %parallel_loop3A_356 = arith.index_cast %parallel_loop3A_353 : i32 to index
            %parallel_loop3A_357 = tpu.vector_load %arg12[%parallel_loop3A_356] {strides = array<i32>} : memref<32768xf32, #tpu.memory_space<vmem>>, vector<16xf32>,
            tpu.vector_store %arg12[%parallel_loop3A_356], %parallel_loop3A_355 {add = true, strides = array<i32>} : memref<32768xf32, #tpu.memory_space<vmem>>, vector<16xf32>,
            %parallel_loop3A_358 = arith.constant 384 : i32
            %parallel_loop3A_359 = arith.addi %parallel_loop3A_165, %parallel_loop3A_358 : i32
            %parallel_loop3A_360 = arith.constant 64 : i32
            %parallel_loop3A_361 = arith.addi %parallel_loop3A_359, %parallel_loop3A_360 : i32
            %parallel_loop3A_362 = vector.broadcast %parallel_loop3A_163 : f32 to vector<16xf32>
            %parallel_loop3A_363 = arith.mulf %parallel_loop3A_190, %parallel_loop3A_362 : vector<16xf32>
            %parallel_loop3A_364 = arith.index_cast %parallel_loop3A_361 : i32 to index
            %parallel_loop3A_365 = tpu.vector_load %arg12[%parallel_loop3A_364] {strides = array<i32>} : memref<32768xf32, #tpu.memory_space<vmem>>, vector<16xf32>,
            tpu.vector_store %arg12[%parallel_loop3A_364], %parallel_loop3A_363 {add = true, strides = array<i32>} : memref<32768xf32, #tpu.memory_space<vmem>>, vector<16xf32>,
            %parallel_loop3A_366 = arith.constant 0 : i32
            %parallel_loop3A_367 = arith.addi %parallel_loop3A_165, %parallel_loop3A_366 : i32
            %parallel_loop3A_368 = arith.constant 80 : i32
            %parallel_loop3A_369 = arith.addi %parallel_loop3A_367, %parallel_loop3A_368 : i32
            %parallel_loop3A_370 = vector.broadcast %parallel_loop3A_157 : f32 to vector<16xf32>
            %parallel_loop3A_371 = arith.mulf %parallel_loop3A_195, %parallel_loop3A_370 : vector<16xf32>
            %parallel_loop3A_372 = arith.index_cast %parallel_loop3A_369 : i32 to index
            %parallel_loop3A_373 = tpu.vector_load %arg12[%parallel_loop3A_372] {strides = array<i32>} : memref<32768xf32, #tpu.memory_space<vmem>>, vector<16xf32>,
            tpu.vector_store %arg12[%parallel_loop3A_372], %parallel_loop3A_371 {add = true, strides = array<i32>} : memref<32768xf32, #tpu.memory_space<vmem>>, vector<16xf32>,
            %parallel_loop3A_374 = arith.constant 128 : i32
            %parallel_loop3A_375 = arith.addi %parallel_loop3A_165, %parallel_loop3A_374 : i32
            %parallel_loop3A_376 = arith.constant 80 : i32
            %parallel_loop3A_377 = arith.addi %parallel_loop3A_375, %parallel_loop3A_376 : i32
            %parallel_loop3A_378 = vector.broadcast %parallel_loop3A_159 : f32 to vector<16xf32>
            %parallel_loop3A_379 = arith.mulf %parallel_loop3A_195, %parallel_loop3A_378 : vector<16xf32>
            %parallel_loop3A_380 = arith.index_cast %parallel_loop3A_377 : i32 to index
            %parallel_loop3A_381 = tpu.vector_load %arg12[%parallel_loop3A_380] {strides = array<i32>} : memref<32768xf32, #tpu.memory_space<vmem>>, vector<16xf32>,
            tpu.vector_store %arg12[%parallel_loop3A_380], %parallel_loop3A_379 {add = true, strides = array<i32>} : memref<32768xf32, #tpu.memory_space<vmem>>, vector<16xf32>,
            %parallel_loop3A_382 = arith.constant 256 : i32
            %parallel_loop3A_383 = arith.addi %parallel_loop3A_165, %parallel_loop3A_382 : i32
            %parallel_loop3A_384 = arith.constant 80 : i32
            %parallel_loop3A_385 = arith.addi %parallel_loop3A_383, %parallel_loop3A_384 : i32
            %parallel_loop3A_386 = vector.broadcast %parallel_loop3A_161 : f32 to vector<16xf32>
            %parallel_loop3A_387 = arith.mulf %parallel_loop3A_195, %parallel_loop3A_386 : vector<16xf32>
            %parallel_loop3A_388 = arith.index_cast %parallel_loop3A_385 : i32 to index
            %parallel_loop3A_389 = tpu.vector_load %arg12[%parallel_loop3A_388] {strides = array<i32>} : memref<32768xf32, #tpu.memory_space<vmem>>, vector<16xf32>,
            tpu.vector_store %arg12[%parallel_loop3A_388], %parallel_loop3A_387 {add = true, strides = array<i32>} : memref<32768xf32, #tpu.memory_space<vmem>>, vector<16xf32>,
            %parallel_loop3A_390 = arith.constant 384 : i32
            %parallel_loop3A_391 = arith.addi %parallel_loop3A_165, %parallel_loop3A_390 : i32
            %parallel_loop3A_392 = arith.constant 80 : i32
            %parallel_loop3A_393 = arith.addi %parallel_loop3A_391, %parallel_loop3A_392 : i32
            %parallel_loop3A_394 = vector.broadcast %parallel_loop3A_163 : f32 to vector<16xf32>
            %parallel_loop3A_395 = arith.mulf %parallel_loop3A_195, %parallel_loop3A_394 : vector<16xf32>
            %parallel_loop3A_396 = arith.index_cast %parallel_loop3A_393 : i32 to index
            %parallel_loop3A_397 = tpu.vector_load %arg12[%parallel_loop3A_396] {strides = array<i32>} : memref<32768xf32, #tpu.memory_space<vmem>>, vector<16xf32>,
            tpu.vector_store %arg12[%parallel_loop3A_396], %parallel_loop3A_395 {add = true, strides = array<i32>} : memref<32768xf32, #tpu.memory_space<vmem>>, vector<16xf32>,
            %parallel_loop3A_398 = arith.constant 0 : i32
            %parallel_loop3A_399 = arith.addi %parallel_loop3A_165, %parallel_loop3A_398 : i32
            %parallel_loop3A_400 = arith.constant 96 : i32
            %parallel_loop3A_401 = arith.addi %parallel_loop3A_399, %parallel_loop3A_400 : i32
            %parallel_loop3A_402 = vector.broadcast %parallel_loop3A_157 : f32 to vector<16xf32>
            %parallel_loop3A_403 = arith.mulf %parallel_loop3A_200, %parallel_loop3A_402 : vector<16xf32>
            %parallel_loop3A_404 = arith.index_cast %parallel_loop3A_401 : i32 to index
            %parallel_loop3A_405 = tpu.vector_load %arg12[%parallel_loop3A_404] {strides = array<i32>} : memref<32768xf32, #tpu.memory_space<vmem>>, vector<16xf32>,
            tpu.vector_store %arg12[%parallel_loop3A_404], %parallel_loop3A_403 {add = true, strides = array<i32>} : memref<32768xf32, #tpu.memory_space<vmem>>, vector<16xf32>,
            %parallel_loop3A_406 = arith.constant 128 : i32
            %parallel_loop3A_407 = arith.addi %parallel_loop3A_165, %parallel_loop3A_406 : i32
            %parallel_loop3A_408 = arith.constant 96 : i32
            %parallel_loop3A_409 = arith.addi %parallel_loop3A_407, %parallel_loop3A_408 : i32
            %parallel_loop3A_410 = vector.broadcast %parallel_loop3A_159 : f32 to vector<16xf32>
            %parallel_loop3A_411 = arith.mulf %parallel_loop3A_200, %parallel_loop3A_410 : vector<16xf32>
            %parallel_loop3A_412 = arith.index_cast %parallel_loop3A_409 : i32 to index
            %parallel_loop3A_413 = tpu.vector_load %arg12[%parallel_loop3A_412] {strides = array<i32>} : memref<32768xf32, #tpu.memory_space<vmem>>, vector<16xf32>,
            tpu.vector_store %arg12[%parallel_loop3A_412], %parallel_loop3A_411 {add = true, strides = array<i32>} : memref<32768xf32, #tpu.memory_space<vmem>>, vector<16xf32>,
            %parallel_loop3A_414 = arith.constant 256 : i32
            %parallel_loop3A_415 = arith.addi %parallel_loop3A_165, %parallel_loop3A_414 : i32
            %parallel_loop3A_416 = arith.constant 96 : i32
            %parallel_loop3A_417 = arith.addi %parallel_loop3A_415, %parallel_loop3A_416 : i32
            %parallel_loop3A_418 = vector.broadcast %parallel_loop3A_161 : f32 to vector<16xf32>
            %parallel_loop3A_419 = arith.mulf %parallel_loop3A_200, %parallel_loop3A_418 : vector<16xf32>
            %parallel_loop3A_420 = arith.index_cast %parallel_loop3A_417 : i32 to index
            %parallel_loop3A_421 = tpu.vector_load %arg12[%parallel_loop3A_420] {strides = array<i32>} : memref<32768xf32, #tpu.memory_space<vmem>>, vector<16xf32>,
            tpu.vector_store %arg12[%parallel_loop3A_420], %parallel_loop3A_419 {add = true, strides = array<i32>} : memref<32768xf32, #tpu.memory_space<vmem>>, vector<16xf32>,
            %parallel_loop3A_422 = arith.constant 384 : i32
            %parallel_loop3A_423 = arith.addi %parallel_loop3A_165, %parallel_loop3A_422 : i32
            %parallel_loop3A_424 = arith.constant 96 : i32
            %parallel_loop3A_425 = arith.addi %parallel_loop3A_423, %parallel_loop3A_424 : i32
            %parallel_loop3A_426 = vector.broadcast %parallel_loop3A_163 : f32 to vector<16xf32>
            %parallel_loop3A_427 = arith.mulf %parallel_loop3A_200, %parallel_loop3A_426 : vector<16xf32>
            %parallel_loop3A_428 = arith.index_cast %parallel_loop3A_425 : i32 to index
            %parallel_loop3A_429 = tpu.vector_load %arg12[%parallel_loop3A_428] {strides = array<i32>} : memref<32768xf32, #tpu.memory_space<vmem>>, vector<16xf32>,
            tpu.vector_store %arg12[%parallel_loop3A_428], %parallel_loop3A_427 {add = true, strides = array<i32>} : memref<32768xf32, #tpu.memory_space<vmem>>, vector<16xf32>,
            %parallel_loop3A_430 = arith.constant 0 : i32
            %parallel_loop3A_431 = arith.addi %parallel_loop3A_165, %parallel_loop3A_430 : i32
            %parallel_loop3A_432 = arith.constant 112 : i32
            %parallel_loop3A_433 = arith.addi %parallel_loop3A_431, %parallel_loop3A_432 : i32
            %parallel_loop3A_434 = vector.broadcast %parallel_loop3A_157 : f32 to vector<16xf32>
            %parallel_loop3A_435 = arith.mulf %parallel_loop3A_205, %parallel_loop3A_434 : vector<16xf32>
            %parallel_loop3A_436 = arith.index_cast %parallel_loop3A_433 : i32 to index
            %parallel_loop3A_437 = tpu.vector_load %arg12[%parallel_loop3A_436] {strides = array<i32>} : memref<32768xf32, #tpu.memory_space<vmem>>, vector<16xf32>,
            tpu.vector_store %arg12[%parallel_loop3A_436], %parallel_loop3A_435 {add = true, strides = array<i32>} : memref<32768xf32, #tpu.memory_space<vmem>>, vector<16xf32>,
            %parallel_loop3A_438 = arith.constant 128 : i32
            %parallel_loop3A_439 = arith.addi %parallel_loop3A_165, %parallel_loop3A_438 : i32
            %parallel_loop3A_440 = arith.constant 112 : i32
            %parallel_loop3A_441 = arith.addi %parallel_loop3A_439, %parallel_loop3A_440 : i32
            %parallel_loop3A_442 = vector.broadcast %parallel_loop3A_159 : f32 to vector<16xf32>
            %parallel_loop3A_443 = arith.mulf %parallel_loop3A_205, %parallel_loop3A_442 : vector<16xf32>
            %parallel_loop3A_444 = arith.index_cast %parallel_loop3A_441 : i32 to index
            %parallel_loop3A_445 = tpu.vector_load %arg12[%parallel_loop3A_444] {strides = array<i32>} : memref<32768xf32, #tpu.memory_space<vmem>>, vector<16xf32>,
            tpu.vector_store %arg12[%parallel_loop3A_444], %parallel_loop3A_443 {add = true, strides = array<i32>} : memref<32768xf32, #tpu.memory_space<vmem>>, vector<16xf32>,
            %parallel_loop3A_446 = arith.constant 256 : i32
            %parallel_loop3A_447 = arith.addi %parallel_loop3A_165, %parallel_loop3A_446 : i32
            %parallel_loop3A_448 = arith.constant 112 : i32
            %parallel_loop3A_449 = arith.addi %parallel_loop3A_447, %parallel_loop3A_448 : i32
            %parallel_loop3A_450 = vector.broadcast %parallel_loop3A_161 : f32 to vector<16xf32>
            %parallel_loop3A_451 = arith.mulf %parallel_loop3A_205, %parallel_loop3A_450 : vector<16xf32>
            %parallel_loop3A_452 = arith.index_cast %parallel_loop3A_449 : i32 to index
            %parallel_loop3A_453 = tpu.vector_load %arg12[%parallel_loop3A_452] {strides = array<i32>} : memref<32768xf32, #tpu.memory_space<vmem>>, vector<16xf32>,
            tpu.vector_store %arg12[%parallel_loop3A_452], %parallel_loop3A_451 {add = true, strides = array<i32>} : memref<32768xf32, #tpu.memory_space<vmem>>, vector<16xf32>,
            %parallel_loop3A_454 = arith.constant 384 : i32
            %parallel_loop3A_455 = arith.addi %parallel_loop3A_165, %parallel_loop3A_454 : i32
            %parallel_loop3A_456 = arith.constant 112 : i32
            %parallel_loop3A_457 = arith.addi %parallel_loop3A_455, %parallel_loop3A_456 : i32
            %parallel_loop3A_458 = vector.broadcast %parallel_loop3A_163 : f32 to vector<16xf32>
            %parallel_loop3A_459 = arith.mulf %parallel_loop3A_205, %parallel_loop3A_458 : vector<16xf32>
            %parallel_loop3A_460 = arith.index_cast %parallel_loop3A_457 : i32 to index
            %parallel_loop3A_461 = tpu.vector_load %arg12[%parallel_loop3A_460] {strides = array<i32>} : memref<32768xf32, #tpu.memory_space<vmem>>, vector<16xf32>,
            tpu.vector_store %arg12[%parallel_loop3A_460], %parallel_loop3A_459 {add = true, strides = array<i32>} : memref<32768xf32, #tpu.memory_space<vmem>>, vector<16xf32>,
          } {sc.loop_unroll_factor = 2 : i64, sc.parallel_access}
        } else {
        }
        %and3A_114 = arith.constant 1 : i32
        %and3A_115 = arith.andi %while3A_102, %and3A_114 : i32
        %eq3A_116 = arith.constant 1 : i32
        %eq3A_117 = arith.cmpi eq, %and3A_115, %eq3A_116 : i32
        %convert_element_type3A_118 = arith.extui %eq3A_117 : i1 to i32
        %cond3A_119 = arith.constant 0 : i32
        %cond3A_120 = arith.cmpi ne, %convert_element_type3A_118, %cond3A_119 : i32
        scf.if %cond3A_120 {
          %add3A_122 = arith.constant 1 : i32
          %add3A_123 = arith.addi %while3A_102, %add3A_122 : i32
          %lt3A = arith.cmpi slt, %add3A_123, %select_n3A : i32
          %convert_element_type3A_124 = arith.extui %lt3A : i1 to i32
          %cond3A_125 = arith.constant 0 : i32
          %cond3A_126 = arith.cmpi ne, %convert_element_type3A_124, %cond3A_125 : i32
          scf.if %cond3A_126 {
            %add3A_137 = arith.constant 0 : i32
            %add3A_138 = arith.addi %mul3A_107, %add3A_137 : i32
            %get3A = arith.index_cast %add3A_138 : i32 to index
            %get3A_139 = tpu.vector_load %arg8[%get3A] {strides = array<i32>} : memref<8208xi32, #tpu.memory_space<vmem>>, vector<16xi32>,
            %and3A_140 = arith.constant 16383 : i32
            %and3A_141 = vector.broadcast %and3A_140 : i32 to vector<16xi32>
            %and3A_142 = arith.andi %get3A_139, %and3A_141 : vector<16xi32>
            %swap3A = arith.constant 0 : index
            %swap3A_143 = tpu.vector_load %arg9[%swap3A] {strides = array<i32>} : memref<128xi32, #tpu.memory_space<vmem>>, vector<16xi32>,
            tpu.vector_store %arg9[%swap3A], %and3A_142 {strides = array<i32>} : memref<128xi32, #tpu.memory_space<vmem>>, vector<16xi32>,
            %add3A_144 = arith.constant 16 : i32
            %add3A_145 = arith.addi %mul3A_107, %add3A_144 : i32
            %get3A_146 = arith.index_cast %add3A_145 : i32 to index
            %get3A_147 = tpu.vector_load %arg8[%get3A_146] {strides = array<i32>} : memref<8208xi32, #tpu.memory_space<vmem>>, vector<16xi32>,
            %and3A_148 = arith.constant 16383 : i32
            %and3A_149 = vector.broadcast %and3A_148 : i32 to vector<16xi32>
            %and3A_150 = arith.andi %get3A_147, %and3A_149 : vector<16xi32>
            %swap3A_151 = arith.constant 16 : index
            %swap3A_152 = tpu.vector_load %arg9[%swap3A_151] {strides = array<i32>} : memref<128xi32, #tpu.memory_space<vmem>>, vector<16xi32>,
            tpu.vector_store %arg9[%swap3A_151], %and3A_150 {strides = array<i32>} : memref<128xi32, #tpu.memory_space<vmem>>, vector<16xi32>,
            %add3A_153 = arith.constant 32 : i32
            %add3A_154 = arith.addi %mul3A_107, %add3A_153 : i32
            %get3A_155 = arith.index_cast %add3A_154 : i32 to index
            %get3A_156 = tpu.vector_load %arg8[%get3A_155] {strides = array<i32>} : memref<8208xi32, #tpu.memory_space<vmem>>, vector<16xi32>,
            %and3A_157 = arith.constant 16383 : i32
            %and3A_158 = vector.broadcast %and3A_157 : i32 to vector<16xi32>
            %and3A_159 = arith.andi %get3A_156, %and3A_158 : vector<16xi32>
            %swap3A_160 = arith.constant 32 : index
            %swap3A_161 = tpu.vector_load %arg9[%swap3A_160] {strides = array<i32>} : memref<128xi32, #tpu.memory_space<vmem>>, vector<16xi32>,
            tpu.vector_store %arg9[%swap3A_160], %and3A_159 {strides = array<i32>} : memref<128xi32, #tpu.memory_space<vmem>>, vector<16xi32>,
            %add3A_162 = arith.constant 48 : i32
            %add3A_163 = arith.addi %mul3A_107, %add3A_162 : i32
            %get3A_164 = arith.index_cast %add3A_163 : i32 to index
            %get3A_165 = tpu.vector_load %arg8[%get3A_164] {strides = array<i32>} : memref<8208xi32, #tpu.memory_space<vmem>>, vector<16xi32>,
            %and3A_166 = arith.constant 16383 : i32
            %and3A_167 = vector.broadcast %and3A_166 : i32 to vector<16xi32>
            %and3A_168 = arith.andi %get3A_165, %and3A_167 : vector<16xi32>
            %swap3A_169 = arith.constant 48 : index
            %swap3A_170 = tpu.vector_load %arg9[%swap3A_169] {strides = array<i32>} : memref<128xi32, #tpu.memory_space<vmem>>, vector<16xi32>,
            tpu.vector_store %arg9[%swap3A_169], %and3A_168 {strides = array<i32>} : memref<128xi32, #tpu.memory_space<vmem>>, vector<16xi32>,
            %add3A_171 = arith.constant 64 : i32
            %add3A_172 = arith.addi %mul3A_107, %add3A_171 : i32
            %get3A_173 = arith.index_cast %add3A_172 : i32 to index
            %get3A_174 = tpu.vector_load %arg8[%get3A_173] {strides = array<i32>} : memref<8208xi32, #tpu.memory_space<vmem>>, vector<16xi32>,
            %and3A_175 = arith.constant 16383 : i32
            %and3A_176 = vector.broadcast %and3A_175 : i32 to vector<16xi32>
            %and3A_177 = arith.andi %get3A_174, %and3A_176 : vector<16xi32>
            %swap3A_178 = arith.constant 64 : index
            %swap3A_179 = tpu.vector_load %arg9[%swap3A_178] {strides = array<i32>} : memref<128xi32, #tpu.memory_space<vmem>>, vector<16xi32>,
            tpu.vector_store %arg9[%swap3A_178], %and3A_177 {strides = array<i32>} : memref<128xi32, #tpu.memory_space<vmem>>, vector<16xi32>,
            %add3A_180 = arith.constant 80 : i32
            %add3A_181 = arith.addi %mul3A_107, %add3A_180 : i32
            %get3A_182 = arith.index_cast %add3A_181 : i32 to index
            %get3A_183 = tpu.vector_load %arg8[%get3A_182] {strides = array<i32>} : memref<8208xi32, #tpu.memory_space<vmem>>, vector<16xi32>,
            %and3A_184 = arith.constant 16383 : i32
            %and3A_185 = vector.broadcast %and3A_184 : i32 to vector<16xi32>
            %and3A_186 = arith.andi %get3A_183, %and3A_185 : vector<16xi32>
            %swap3A_187 = arith.constant 80 : index
            %swap3A_188 = tpu.vector_load %arg9[%swap3A_187] {strides = array<i32>} : memref<128xi32, #tpu.memory_space<vmem>>, vector<16xi32>,
            tpu.vector_store %arg9[%swap3A_187], %and3A_186 {strides = array<i32>} : memref<128xi32, #tpu.memory_space<vmem>>, vector<16xi32>,
            %add3A_189 = arith.constant 96 : i32
            %add3A_190 = arith.addi %mul3A_107, %add3A_189 : i32
            %get3A_191 = arith.index_cast %add3A_190 : i32 to index
            %get3A_192 = tpu.vector_load %arg8[%get3A_191] {strides = array<i32>} : memref<8208xi32, #tpu.memory_space<vmem>>, vector<16xi32>,
            %and3A_193 = arith.constant 16383 : i32
            %and3A_194 = vector.broadcast %and3A_193 : i32 to vector<16xi32>
            %and3A_195 = arith.andi %get3A_192, %and3A_194 : vector<16xi32>
            %swap3A_196 = arith.constant 96 : index
            %swap3A_197 = tpu.vector_load %arg9[%swap3A_196] {strides = array<i32>} : memref<128xi32, #tpu.memory_space<vmem>>, vector<16xi32>,
            tpu.vector_store %arg9[%swap3A_196], %and3A_195 {strides = array<i32>} : memref<128xi32, #tpu.memory_space<vmem>>, vector<16xi32>,
            %add3A_198 = arith.constant 112 : i32
            %add3A_199 = arith.addi %mul3A_107, %add3A_198 : i32
            %get3A_200 = arith.index_cast %add3A_199 : i32 to index
            %get3A_201 = tpu.vector_load %arg8[%get3A_200] {strides = array<i32>} : memref<8208xi32, #tpu.memory_space<vmem>>, vector<16xi32>,
            %and3A_202 = arith.constant 16383 : i32
            %and3A_203 = vector.broadcast %and3A_202 : i32 to vector<16xi32>
            %and3A_204 = arith.andi %get3A_201, %and3A_203 : vector<16xi32>
            %swap3A_205 = arith.constant 112 : index
            %swap3A_206 = tpu.vector_load %arg9[%swap3A_205] {strides = array<i32>} : memref<128xi32, #tpu.memory_space<vmem>>, vector<16xi32>,
            tpu.vector_store %arg9[%swap3A_205], %and3A_204 {strides = array<i32>} : memref<128xi32, #tpu.memory_space<vmem>>, vector<16xi32>,
            %dma_start3A = arith.constant 0 : i32
            %dma_start3A_207 = arith.constant 0 : i32
            %dma_start3A_208 = tpu.memref_slice %arg11[%dma_start3A, %dma_start3A_207] : memref<256x128xf32, #tpu.memory_space<vmem>> -> memref<128x128xf32, #tpu.memory_space<vmem>>
            %dma_start3A_209 = arith.constant 0 : i32
            %dma_start3A_210 = arith.constant 0 : i32
            %dma_start3A_211 = tpu.memref_slice %arg5[%dma_start3A_209, %dma_start3A_210] : memref<10000x128xf32, #tpu.memory_space<hbm>> -> memref<10000x128xf32, #tpu.memory_space<hbm>>
            tpu.enqueue_indirect_dma source(%dma_start3A_211 : memref<10000x128xf32, #tpu.memory_space<hbm>>) target(%dma_start3A_208 : memref<128x128xf32, #tpu.memory_space<vmem>>) offsets(%arg9 : memref<128xi32, #tpu.memory_space<vmem>>) semaphore(%arg18 : memref<!tpu.dma_semaphore, #tpu.memory_space<semaphore_mem>>)
          } else {
          }
          %dma_wait3A = arith.constant 128 : i32
          %dma_wait3A_127 = arith.constant 0 : i32
          %dma_wait3A_128 = tpu.memref_slice %arg11[%dma_wait3A, %dma_wait3A_127] : memref<256x128xf32, #tpu.memory_space<vmem>> -> memref<128x128xf32, #tpu.memory_space<vmem>>
          %dma_wait3A_129 = arith.constant 0 : i32
          %dma_wait3A_130 = arith.constant 0 : i32
          %dma_wait3A_131 = tpu.memref_slice %arg5[%dma_wait3A_129, %dma_wait3A_130] : memref<10000x128xf32, #tpu.memory_space<hbm>> -> memref<10000x128xf32, #tpu.memory_space<hbm>>
          tpu.wait_indirect_dma semaphore(%arg19 : memref<!tpu.dma_semaphore, #tpu.memory_space<semaphore_mem>>) src(%dma_wait3A_131 : memref<10000x128xf32, #tpu.memory_space<hbm>>) dst(%dma_wait3A_128 : memref<128x128xf32, #tpu.memory_space<vmem>>)
          %mul3A_132 = arith.constant 128 : i32
          %mul3A_133 = arith.muli %while3A_102, %mul3A_132 : i32
          %parallel_loop3A_134 = arith.constant 0 : i32
          %parallel_loop3A_135 = arith.constant 128 : i32
          %parallel_loop3A_136 = arith.constant 1 : i32
          scf.for %parallel_loop3A_137 = %parallel_loop3A_134 to %parallel_loop3A_135 step %parallel_loop3A_136  : i32 {
            %parallel_loop3A_138 = arith.addi %mul3A_133, %parallel_loop3A_137 : i32
            %parallel_loop3A_139 = arith.index_cast %parallel_loop3A_138 : i32 to index
            %parallel_loop3A_140 = tpu.vector_load %arg8[%parallel_loop3A_139] {strides = array<i32>} : memref<8208xi32, #tpu.memory_space<vmem>>, vector<16xi32>,
            %parallel_loop3A_141 = vector.extract_strided_slice %parallel_loop3A_140 {offsets = [0], sizes = [1], strides = [1]} : vector<16xi32> to vector<1xi32>
            %parallel_loop3A_142 = vector.extract %parallel_loop3A_141[0] : i32 from vector<1xi32>
            %parallel_loop3A_143 = arith.constant 18 : i32
            %parallel_loop3A_144 = arith.shrsi %parallel_loop3A_142, %parallel_loop3A_143 : i32
            %parallel_loop3A_145 = arith.constant 16383 : i32
            %parallel_loop3A_146 = arith.andi %parallel_loop3A_144, %parallel_loop3A_145 : i32
            %parallel_loop3A_147 = arith.subi %parallel_loop3A_146, %mul3A_13 : i32
            %parallel_loop3A_148 = arith.constant 14 : i32
            %parallel_loop3A_149 = arith.shrsi %parallel_loop3A_142, %parallel_loop3A_148 : i32
            %parallel_loop3A_150 = arith.constant 15 : i32
            %parallel_loop3A_151 = arith.andi %parallel_loop3A_149, %parallel_loop3A_150 : i32
            %parallel_loop3A_152 = arith.constant 4 : i32
            %parallel_loop3A_153 = arith.muli %parallel_loop3A_151, %parallel_loop3A_152 : i32
            %parallel_loop3A_154 = arith.index_cast %parallel_loop3A_153 : i32 to index
            %parallel_loop3A_155 = tpu.vector_load %arg16[%parallel_loop3A_154] {strides = array<i32>} : memref<80xf32, #tpu.memory_space<vmem>>, vector<16xf32>,
            %parallel_loop3A_156 = vector.extract_strided_slice %parallel_loop3A_155 {offsets = [0], sizes = [1], strides = [1]} : vector<16xf32> to vector<1xf32>
            %parallel_loop3A_157 = vector.extract %parallel_loop3A_156[0] : f32 from vector<1xf32>
            %parallel_loop3A_158 = vector.extract_strided_slice %parallel_loop3A_155 {offsets = [1], sizes = [1], strides = [1]} : vector<16xf32> to vector<1xf32>
            %parallel_loop3A_159 = vector.extract %parallel_loop3A_158[0] : f32 from vector<1xf32>
            %parallel_loop3A_160 = vector.extract_strided_slice %parallel_loop3A_155 {offsets = [2], sizes = [1], strides = [1]} : vector<16xf32> to vector<1xf32>
            %parallel_loop3A_161 = vector.extract %parallel_loop3A_160[0] : f32 from vector<1xf32>
            %parallel_loop3A_162 = vector.extract_strided_slice %parallel_loop3A_155 {offsets = [3], sizes = [1], strides = [1]} : vector<16xf32> to vector<1xf32>
            %parallel_loop3A_163 = vector.extract %parallel_loop3A_162[0] : f32 from vector<1xf32>
            %parallel_loop3A_164 = arith.constant 512 : i32
            %parallel_loop3A_165 = arith.muli %parallel_loop3A_147, %parallel_loop3A_164 : i32
            %parallel_loop3A_166 = arith.constant 128 : i32
            %parallel_loop3A_167 = arith.addi %parallel_loop3A_166, %parallel_loop3A_137 : i32
            %parallel_loop3A_168 = arith.index_cast %parallel_loop3A_167 : i32 to index
            %parallel_loop3A_169 = arith.constant 0 : index
            %parallel_loop3A_170 = tpu.vector_load %arg11[%parallel_loop3A_168, %parallel_loop3A_169] {strides = array<i32>} : memref<256x128xf32, #tpu.memory_space<vmem>>, vector<16xf32>,
            %parallel_loop3A_171 = arith.constant 128 : i32
            %parallel_loop3A_172 = arith.addi %parallel_loop3A_171, %parallel_loop3A_137 : i32
            %parallel_loop3A_173 = arith.index_cast %parallel_loop3A_172 : i32 to index
            %parallel_loop3A_174 = arith.constant 16 : index
            %parallel_loop3A_175 = tpu.vector_load %arg11[%parallel_loop3A_173, %parallel_loop3A_174] {strides = array<i32>} : memref<256x128xf32, #tpu.memory_space<vmem>>, vector<16xf32>,
            %parallel_loop3A_176 = arith.constant 128 : i32
            %parallel_loop3A_177 = arith.addi %parallel_loop3A_176, %parallel_loop3A_137 : i32
            %parallel_loop3A_178 = arith.index_cast %parallel_loop3A_177 : i32 to index
            %parallel_loop3A_179 = arith.constant 32 : index
            %parallel_loop3A_180 = tpu.vector_load %arg11[%parallel_loop3A_178, %parallel_loop3A_179] {strides = array<i32>} : memref<256x128xf32, #tpu.memory_space<vmem>>, vector<16xf32>,
            %parallel_loop3A_181 = arith.constant 128 : i32
            %parallel_loop3A_182 = arith.addi %parallel_loop3A_181, %parallel_loop3A_137 : i32
            %parallel_loop3A_183 = arith.index_cast %parallel_loop3A_182 : i32 to index
            %parallel_loop3A_184 = arith.constant 48 : index
            %parallel_loop3A_185 = tpu.vector_load %arg11[%parallel_loop3A_183, %parallel_loop3A_184] {strides = array<i32>} : memref<256x128xf32, #tpu.memory_space<vmem>>, vector<16xf32>,
            %parallel_loop3A_186 = arith.constant 128 : i32
            %parallel_loop3A_187 = arith.addi %parallel_loop3A_186, %parallel_loop3A_137 : i32
            %parallel_loop3A_188 = arith.index_cast %parallel_loop3A_187 : i32 to index
            %parallel_loop3A_189 = arith.constant 64 : index
            %parallel_loop3A_190 = tpu.vector_load %arg11[%parallel_loop3A_188, %parallel_loop3A_189] {strides = array<i32>} : memref<256x128xf32, #tpu.memory_space<vmem>>, vector<16xf32>,
            %parallel_loop3A_191 = arith.constant 128 : i32
            %parallel_loop3A_192 = arith.addi %parallel_loop3A_191, %parallel_loop3A_137 : i32
            %parallel_loop3A_193 = arith.index_cast %parallel_loop3A_192 : i32 to index
            %parallel_loop3A_194 = arith.constant 80 : index
            %parallel_loop3A_195 = tpu.vector_load %arg11[%parallel_loop3A_193, %parallel_loop3A_194] {strides = array<i32>} : memref<256x128xf32, #tpu.memory_space<vmem>>, vector<16xf32>,
            %parallel_loop3A_196 = arith.constant 128 : i32
            %parallel_loop3A_197 = arith.addi %parallel_loop3A_196, %parallel_loop3A_137 : i32
            %parallel_loop3A_198 = arith.index_cast %parallel_loop3A_197 : i32 to index
            %parallel_loop3A_199 = arith.constant 96 : index
            %parallel_loop3A_200 = tpu.vector_load %arg11[%parallel_loop3A_198, %parallel_loop3A_199] {strides = array<i32>} : memref<256x128xf32, #tpu.memory_space<vmem>>, vector<16xf32>,
            %parallel_loop3A_201 = arith.constant 128 : i32
            %parallel_loop3A_202 = arith.addi %parallel_loop3A_201, %parallel_loop3A_137 : i32
            %parallel_loop3A_203 = arith.index_cast %parallel_loop3A_202 : i32 to index
            %parallel_loop3A_204 = arith.constant 112 : index
            %parallel_loop3A_205 = tpu.vector_load %arg11[%parallel_loop3A_203, %parallel_loop3A_204] {strides = array<i32>} : memref<256x128xf32, #tpu.memory_space<vmem>>, vector<16xf32>,
            %parallel_loop3A_206 = arith.constant 0 : i32
            %parallel_loop3A_207 = arith.addi %parallel_loop3A_165, %parallel_loop3A_206 : i32
            %parallel_loop3A_208 = arith.constant 0 : i32
            %parallel_loop3A_209 = arith.addi %parallel_loop3A_207, %parallel_loop3A_208 : i32
            %parallel_loop3A_210 = vector.broadcast %parallel_loop3A_157 : f32 to vector<16xf32>
            %parallel_loop3A_211 = arith.mulf %parallel_loop3A_170, %parallel_loop3A_210 : vector<16xf32>
            %parallel_loop3A_212 = arith.index_cast %parallel_loop3A_209 : i32 to index
            %parallel_loop3A_213 = tpu.vector_load %arg12[%parallel_loop3A_212] {strides = array<i32>} : memref<32768xf32, #tpu.memory_space<vmem>>, vector<16xf32>,
            tpu.vector_store %arg12[%parallel_loop3A_212], %parallel_loop3A_211 {add = true, strides = array<i32>} : memref<32768xf32, #tpu.memory_space<vmem>>, vector<16xf32>,
            %parallel_loop3A_214 = arith.constant 128 : i32
            %parallel_loop3A_215 = arith.addi %parallel_loop3A_165, %parallel_loop3A_214 : i32
            %parallel_loop3A_216 = arith.constant 0 : i32
            %parallel_loop3A_217 = arith.addi %parallel_loop3A_215, %parallel_loop3A_216 : i32
            %parallel_loop3A_218 = vector.broadcast %parallel_loop3A_159 : f32 to vector<16xf32>
            %parallel_loop3A_219 = arith.mulf %parallel_loop3A_170, %parallel_loop3A_218 : vector<16xf32>
            %parallel_loop3A_220 = arith.index_cast %parallel_loop3A_217 : i32 to index
            %parallel_loop3A_221 = tpu.vector_load %arg12[%parallel_loop3A_220] {strides = array<i32>} : memref<32768xf32, #tpu.memory_space<vmem>>, vector<16xf32>,
            tpu.vector_store %arg12[%parallel_loop3A_220], %parallel_loop3A_219 {add = true, strides = array<i32>} : memref<32768xf32, #tpu.memory_space<vmem>>, vector<16xf32>,
            %parallel_loop3A_222 = arith.constant 256 : i32
            %parallel_loop3A_223 = arith.addi %parallel_loop3A_165, %parallel_loop3A_222 : i32
            %parallel_loop3A_224 = arith.constant 0 : i32
            %parallel_loop3A_225 = arith.addi %parallel_loop3A_223, %parallel_loop3A_224 : i32
            %parallel_loop3A_226 = vector.broadcast %parallel_loop3A_161 : f32 to vector<16xf32>
            %parallel_loop3A_227 = arith.mulf %parallel_loop3A_170, %parallel_loop3A_226 : vector<16xf32>
            %parallel_loop3A_228 = arith.index_cast %parallel_loop3A_225 : i32 to index
            %parallel_loop3A_229 = tpu.vector_load %arg12[%parallel_loop3A_228] {strides = array<i32>} : memref<32768xf32, #tpu.memory_space<vmem>>, vector<16xf32>,
            tpu.vector_store %arg12[%parallel_loop3A_228], %parallel_loop3A_227 {add = true, strides = array<i32>} : memref<32768xf32, #tpu.memory_space<vmem>>, vector<16xf32>,
            %parallel_loop3A_230 = arith.constant 384 : i32
            %parallel_loop3A_231 = arith.addi %parallel_loop3A_165, %parallel_loop3A_230 : i32
            %parallel_loop3A_232 = arith.constant 0 : i32
            %parallel_loop3A_233 = arith.addi %parallel_loop3A_231, %parallel_loop3A_232 : i32
            %parallel_loop3A_234 = vector.broadcast %parallel_loop3A_163 : f32 to vector<16xf32>
            %parallel_loop3A_235 = arith.mulf %parallel_loop3A_170, %parallel_loop3A_234 : vector<16xf32>
            %parallel_loop3A_236 = arith.index_cast %parallel_loop3A_233 : i32 to index
            %parallel_loop3A_237 = tpu.vector_load %arg12[%parallel_loop3A_236] {strides = array<i32>} : memref<32768xf32, #tpu.memory_space<vmem>>, vector<16xf32>,
            tpu.vector_store %arg12[%parallel_loop3A_236], %parallel_loop3A_235 {add = true, strides = array<i32>} : memref<32768xf32, #tpu.memory_space<vmem>>, vector<16xf32>,
            %parallel_loop3A_238 = arith.constant 0 : i32
            %parallel_loop3A_239 = arith.addi %parallel_loop3A_165, %parallel_loop3A_238 : i32
            %parallel_loop3A_240 = arith.constant 16 : i32
            %parallel_loop3A_241 = arith.addi %parallel_loop3A_239, %parallel_loop3A_240 : i32
            %parallel_loop3A_242 = vector.broadcast %parallel_loop3A_157 : f32 to vector<16xf32>
            %parallel_loop3A_243 = arith.mulf %parallel_loop3A_175, %parallel_loop3A_242 : vector<16xf32>
            %parallel_loop3A_244 = arith.index_cast %parallel_loop3A_241 : i32 to index
            %parallel_loop3A_245 = tpu.vector_load %arg12[%parallel_loop3A_244] {strides = array<i32>} : memref<32768xf32, #tpu.memory_space<vmem>>, vector<16xf32>,
            tpu.vector_store %arg12[%parallel_loop3A_244], %parallel_loop3A_243 {add = true, strides = array<i32>} : memref<32768xf32, #tpu.memory_space<vmem>>, vector<16xf32>,
            %parallel_loop3A_246 = arith.constant 128 : i32
            %parallel_loop3A_247 = arith.addi %parallel_loop3A_165, %parallel_loop3A_246 : i32
            %parallel_loop3A_248 = arith.constant 16 : i32
            %parallel_loop3A_249 = arith.addi %parallel_loop3A_247, %parallel_loop3A_248 : i32
            %parallel_loop3A_250 = vector.broadcast %parallel_loop3A_159 : f32 to vector<16xf32>
            %parallel_loop3A_251 = arith.mulf %parallel_loop3A_175, %parallel_loop3A_250 : vector<16xf32>
            %parallel_loop3A_252 = arith.index_cast %parallel_loop3A_249 : i32 to index
            %parallel_loop3A_253 = tpu.vector_load %arg12[%parallel_loop3A_252] {strides = array<i32>} : memref<32768xf32, #tpu.memory_space<vmem>>, vector<16xf32>,
            tpu.vector_store %arg12[%parallel_loop3A_252], %parallel_loop3A_251 {add = true, strides = array<i32>} : memref<32768xf32, #tpu.memory_space<vmem>>, vector<16xf32>,
            %parallel_loop3A_254 = arith.constant 256 : i32
            %parallel_loop3A_255 = arith.addi %parallel_loop3A_165, %parallel_loop3A_254 : i32
            %parallel_loop3A_256 = arith.constant 16 : i32
            %parallel_loop3A_257 = arith.addi %parallel_loop3A_255, %parallel_loop3A_256 : i32
            %parallel_loop3A_258 = vector.broadcast %parallel_loop3A_161 : f32 to vector<16xf32>
            %parallel_loop3A_259 = arith.mulf %parallel_loop3A_175, %parallel_loop3A_258 : vector<16xf32>
            %parallel_loop3A_260 = arith.index_cast %parallel_loop3A_257 : i32 to index
            %parallel_loop3A_261 = tpu.vector_load %arg12[%parallel_loop3A_260] {strides = array<i32>} : memref<32768xf32, #tpu.memory_space<vmem>>, vector<16xf32>,
            tpu.vector_store %arg12[%parallel_loop3A_260], %parallel_loop3A_259 {add = true, strides = array<i32>} : memref<32768xf32, #tpu.memory_space<vmem>>, vector<16xf32>,
            %parallel_loop3A_262 = arith.constant 384 : i32
            %parallel_loop3A_263 = arith.addi %parallel_loop3A_165, %parallel_loop3A_262 : i32
            %parallel_loop3A_264 = arith.constant 16 : i32
            %parallel_loop3A_265 = arith.addi %parallel_loop3A_263, %parallel_loop3A_264 : i32
            %parallel_loop3A_266 = vector.broadcast %parallel_loop3A_163 : f32 to vector<16xf32>
            %parallel_loop3A_267 = arith.mulf %parallel_loop3A_175, %parallel_loop3A_266 : vector<16xf32>
            %parallel_loop3A_268 = arith.index_cast %parallel_loop3A_265 : i32 to index
            %parallel_loop3A_269 = tpu.vector_load %arg12[%parallel_loop3A_268] {strides = array<i32>} : memref<32768xf32, #tpu.memory_space<vmem>>, vector<16xf32>,
            tpu.vector_store %arg12[%parallel_loop3A_268], %parallel_loop3A_267 {add = true, strides = array<i32>} : memref<32768xf32, #tpu.memory_space<vmem>>, vector<16xf32>,
            %parallel_loop3A_270 = arith.constant 0 : i32
            %parallel_loop3A_271 = arith.addi %parallel_loop3A_165, %parallel_loop3A_270 : i32
            %parallel_loop3A_272 = arith.constant 32 : i32
            %parallel_loop3A_273 = arith.addi %parallel_loop3A_271, %parallel_loop3A_272 : i32
            %parallel_loop3A_274 = vector.broadcast %parallel_loop3A_157 : f32 to vector<16xf32>
            %parallel_loop3A_275 = arith.mulf %parallel_loop3A_180, %parallel_loop3A_274 : vector<16xf32>
            %parallel_loop3A_276 = arith.index_cast %parallel_loop3A_273 : i32 to index
            %parallel_loop3A_277 = tpu.vector_load %arg12[%parallel_loop3A_276] {strides = array<i32>} : memref<32768xf32, #tpu.memory_space<vmem>>, vector<16xf32>,
            tpu.vector_store %arg12[%parallel_loop3A_276], %parallel_loop3A_275 {add = true, strides = array<i32>} : memref<32768xf32, #tpu.memory_space<vmem>>, vector<16xf32>,
            %parallel_loop3A_278 = arith.constant 128 : i32
            %parallel_loop3A_279 = arith.addi %parallel_loop3A_165, %parallel_loop3A_278 : i32
            %parallel_loop3A_280 = arith.constant 32 : i32
            %parallel_loop3A_281 = arith.addi %parallel_loop3A_279, %parallel_loop3A_280 : i32
            %parallel_loop3A_282 = vector.broadcast %parallel_loop3A_159 : f32 to vector<16xf32>
            %parallel_loop3A_283 = arith.mulf %parallel_loop3A_180, %parallel_loop3A_282 : vector<16xf32>
            %parallel_loop3A_284 = arith.index_cast %parallel_loop3A_281 : i32 to index
            %parallel_loop3A_285 = tpu.vector_load %arg12[%parallel_loop3A_284] {strides = array<i32>} : memref<32768xf32, #tpu.memory_space<vmem>>, vector<16xf32>,
            tpu.vector_store %arg12[%parallel_loop3A_284], %parallel_loop3A_283 {add = true, strides = array<i32>} : memref<32768xf32, #tpu.memory_space<vmem>>, vector<16xf32>,
            %parallel_loop3A_286 = arith.constant 256 : i32
            %parallel_loop3A_287 = arith.addi %parallel_loop3A_165, %parallel_loop3A_286 : i32
            %parallel_loop3A_288 = arith.constant 32 : i32
            %parallel_loop3A_289 = arith.addi %parallel_loop3A_287, %parallel_loop3A_288 : i32
            %parallel_loop3A_290 = vector.broadcast %parallel_loop3A_161 : f32 to vector<16xf32>
            %parallel_loop3A_291 = arith.mulf %parallel_loop3A_180, %parallel_loop3A_290 : vector<16xf32>
            %parallel_loop3A_292 = arith.index_cast %parallel_loop3A_289 : i32 to index
            %parallel_loop3A_293 = tpu.vector_load %arg12[%parallel_loop3A_292] {strides = array<i32>} : memref<32768xf32, #tpu.memory_space<vmem>>, vector<16xf32>,
            tpu.vector_store %arg12[%parallel_loop3A_292], %parallel_loop3A_291 {add = true, strides = array<i32>} : memref<32768xf32, #tpu.memory_space<vmem>>, vector<16xf32>,
            %parallel_loop3A_294 = arith.constant 384 : i32
            %parallel_loop3A_295 = arith.addi %parallel_loop3A_165, %parallel_loop3A_294 : i32
            %parallel_loop3A_296 = arith.constant 32 : i32
            %parallel_loop3A_297 = arith.addi %parallel_loop3A_295, %parallel_loop3A_296 : i32
            %parallel_loop3A_298 = vector.broadcast %parallel_loop3A_163 : f32 to vector<16xf32>
            %parallel_loop3A_299 = arith.mulf %parallel_loop3A_180, %parallel_loop3A_298 : vector<16xf32>
            %parallel_loop3A_300 = arith.index_cast %parallel_loop3A_297 : i32 to index
            %parallel_loop3A_301 = tpu.vector_load %arg12[%parallel_loop3A_300] {strides = array<i32>} : memref<32768xf32, #tpu.memory_space<vmem>>, vector<16xf32>,
            tpu.vector_store %arg12[%parallel_loop3A_300], %parallel_loop3A_299 {add = true, strides = array<i32>} : memref<32768xf32, #tpu.memory_space<vmem>>, vector<16xf32>,
            %parallel_loop3A_302 = arith.constant 0 : i32
            %parallel_loop3A_303 = arith.addi %parallel_loop3A_165, %parallel_loop3A_302 : i32
            %parallel_loop3A_304 = arith.constant 48 : i32
            %parallel_loop3A_305 = arith.addi %parallel_loop3A_303, %parallel_loop3A_304 : i32
            %parallel_loop3A_306 = vector.broadcast %parallel_loop3A_157 : f32 to vector<16xf32>
            %parallel_loop3A_307 = arith.mulf %parallel_loop3A_185, %parallel_loop3A_306 : vector<16xf32>
            %parallel_loop3A_308 = arith.index_cast %parallel_loop3A_305 : i32 to index
            %parallel_loop3A_309 = tpu.vector_load %arg12[%parallel_loop3A_308] {strides = array<i32>} : memref<32768xf32, #tpu.memory_space<vmem>>, vector<16xf32>,
            tpu.vector_store %arg12[%parallel_loop3A_308], %parallel_loop3A_307 {add = true, strides = array<i32>} : memref<32768xf32, #tpu.memory_space<vmem>>, vector<16xf32>,
            %parallel_loop3A_310 = arith.constant 128 : i32
            %parallel_loop3A_311 = arith.addi %parallel_loop3A_165, %parallel_loop3A_310 : i32
            %parallel_loop3A_312 = arith.constant 48 : i32
            %parallel_loop3A_313 = arith.addi %parallel_loop3A_311, %parallel_loop3A_312 : i32
            %parallel_loop3A_314 = vector.broadcast %parallel_loop3A_159 : f32 to vector<16xf32>
            %parallel_loop3A_315 = arith.mulf %parallel_loop3A_185, %parallel_loop3A_314 : vector<16xf32>
            %parallel_loop3A_316 = arith.index_cast %parallel_loop3A_313 : i32 to index
            %parallel_loop3A_317 = tpu.vector_load %arg12[%parallel_loop3A_316] {strides = array<i32>} : memref<32768xf32, #tpu.memory_space<vmem>>, vector<16xf32>,
            tpu.vector_store %arg12[%parallel_loop3A_316], %parallel_loop3A_315 {add = true, strides = array<i32>} : memref<32768xf32, #tpu.memory_space<vmem>>, vector<16xf32>,
            %parallel_loop3A_318 = arith.constant 256 : i32
            %parallel_loop3A_319 = arith.addi %parallel_loop3A_165, %parallel_loop3A_318 : i32
            %parallel_loop3A_320 = arith.constant 48 : i32
            %parallel_loop3A_321 = arith.addi %parallel_loop3A_319, %parallel_loop3A_320 : i32
            %parallel_loop3A_322 = vector.broadcast %parallel_loop3A_161 : f32 to vector<16xf32>
            %parallel_loop3A_323 = arith.mulf %parallel_loop3A_185, %parallel_loop3A_322 : vector<16xf32>
            %parallel_loop3A_324 = arith.index_cast %parallel_loop3A_321 : i32 to index
            %parallel_loop3A_325 = tpu.vector_load %arg12[%parallel_loop3A_324] {strides = array<i32>} : memref<32768xf32, #tpu.memory_space<vmem>>, vector<16xf32>,
            tpu.vector_store %arg12[%parallel_loop3A_324], %parallel_loop3A_323 {add = true, strides = array<i32>} : memref<32768xf32, #tpu.memory_space<vmem>>, vector<16xf32>,
            %parallel_loop3A_326 = arith.constant 384 : i32
            %parallel_loop3A_327 = arith.addi %parallel_loop3A_165, %parallel_loop3A_326 : i32
            %parallel_loop3A_328 = arith.constant 48 : i32
            %parallel_loop3A_329 = arith.addi %parallel_loop3A_327, %parallel_loop3A_328 : i32
            %parallel_loop3A_330 = vector.broadcast %parallel_loop3A_163 : f32 to vector<16xf32>
            %parallel_loop3A_331 = arith.mulf %parallel_loop3A_185, %parallel_loop3A_330 : vector<16xf32>
            %parallel_loop3A_332 = arith.index_cast %parallel_loop3A_329 : i32 to index
            %parallel_loop3A_333 = tpu.vector_load %arg12[%parallel_loop3A_332] {strides = array<i32>} : memref<32768xf32, #tpu.memory_space<vmem>>, vector<16xf32>,
            tpu.vector_store %arg12[%parallel_loop3A_332], %parallel_loop3A_331 {add = true, strides = array<i32>} : memref<32768xf32, #tpu.memory_space<vmem>>, vector<16xf32>,
            %parallel_loop3A_334 = arith.constant 0 : i32
            %parallel_loop3A_335 = arith.addi %parallel_loop3A_165, %parallel_loop3A_334 : i32
            %parallel_loop3A_336 = arith.constant 64 : i32
            %parallel_loop3A_337 = arith.addi %parallel_loop3A_335, %parallel_loop3A_336 : i32
            %parallel_loop3A_338 = vector.broadcast %parallel_loop3A_157 : f32 to vector<16xf32>
            %parallel_loop3A_339 = arith.mulf %parallel_loop3A_190, %parallel_loop3A_338 : vector<16xf32>
            %parallel_loop3A_340 = arith.index_cast %parallel_loop3A_337 : i32 to index
            %parallel_loop3A_341 = tpu.vector_load %arg12[%parallel_loop3A_340] {strides = array<i32>} : memref<32768xf32, #tpu.memory_space<vmem>>, vector<16xf32>,
            tpu.vector_store %arg12[%parallel_loop3A_340], %parallel_loop3A_339 {add = true, strides = array<i32>} : memref<32768xf32, #tpu.memory_space<vmem>>, vector<16xf32>,
            %parallel_loop3A_342 = arith.constant 128 : i32
            %parallel_loop3A_343 = arith.addi %parallel_loop3A_165, %parallel_loop3A_342 : i32
            %parallel_loop3A_344 = arith.constant 64 : i32
            %parallel_loop3A_345 = arith.addi %parallel_loop3A_343, %parallel_loop3A_344 : i32
            %parallel_loop3A_346 = vector.broadcast %parallel_loop3A_159 : f32 to vector<16xf32>
            %parallel_loop3A_347 = arith.mulf %parallel_loop3A_190, %parallel_loop3A_346 : vector<16xf32>
            %parallel_loop3A_348 = arith.index_cast %parallel_loop3A_345 : i32 to index
            %parallel_loop3A_349 = tpu.vector_load %arg12[%parallel_loop3A_348] {strides = array<i32>} : memref<32768xf32, #tpu.memory_space<vmem>>, vector<16xf32>,
            tpu.vector_store %arg12[%parallel_loop3A_348], %parallel_loop3A_347 {add = true, strides = array<i32>} : memref<32768xf32, #tpu.memory_space<vmem>>, vector<16xf32>,
            %parallel_loop3A_350 = arith.constant 256 : i32
            %parallel_loop3A_351 = arith.addi %parallel_loop3A_165, %parallel_loop3A_350 : i32
            %parallel_loop3A_352 = arith.constant 64 : i32
            %parallel_loop3A_353 = arith.addi %parallel_loop3A_351, %parallel_loop3A_352 : i32
            %parallel_loop3A_354 = vector.broadcast %parallel_loop3A_161 : f32 to vector<16xf32>
            %parallel_loop3A_355 = arith.mulf %parallel_loop3A_190, %parallel_loop3A_354 : vector<16xf32>
            %parallel_loop3A_356 = arith.index_cast %parallel_loop3A_353 : i32 to index
            %parallel_loop3A_357 = tpu.vector_load %arg12[%parallel_loop3A_356] {strides = array<i32>} : memref<32768xf32, #tpu.memory_space<vmem>>, vector<16xf32>,
            tpu.vector_store %arg12[%parallel_loop3A_356], %parallel_loop3A_355 {add = true, strides = array<i32>} : memref<32768xf32, #tpu.memory_space<vmem>>, vector<16xf32>,
            %parallel_loop3A_358 = arith.constant 384 : i32
            %parallel_loop3A_359 = arith.addi %parallel_loop3A_165, %parallel_loop3A_358 : i32
            %parallel_loop3A_360 = arith.constant 64 : i32
            %parallel_loop3A_361 = arith.addi %parallel_loop3A_359, %parallel_loop3A_360 : i32
            %parallel_loop3A_362 = vector.broadcast %parallel_loop3A_163 : f32 to vector<16xf32>
            %parallel_loop3A_363 = arith.mulf %parallel_loop3A_190, %parallel_loop3A_362 : vector<16xf32>
            %parallel_loop3A_364 = arith.index_cast %parallel_loop3A_361 : i32 to index
            %parallel_loop3A_365 = tpu.vector_load %arg12[%parallel_loop3A_364] {strides = array<i32>} : memref<32768xf32, #tpu.memory_space<vmem>>, vector<16xf32>,
            tpu.vector_store %arg12[%parallel_loop3A_364], %parallel_loop3A_363 {add = true, strides = array<i32>} : memref<32768xf32, #tpu.memory_space<vmem>>, vector<16xf32>,
            %parallel_loop3A_366 = arith.constant 0 : i32
            %parallel_loop3A_367 = arith.addi %parallel_loop3A_165, %parallel_loop3A_366 : i32
            %parallel_loop3A_368 = arith.constant 80 : i32
            %parallel_loop3A_369 = arith.addi %parallel_loop3A_367, %parallel_loop3A_368 : i32
            %parallel_loop3A_370 = vector.broadcast %parallel_loop3A_157 : f32 to vector<16xf32>
            %parallel_loop3A_371 = arith.mulf %parallel_loop3A_195, %parallel_loop3A_370 : vector<16xf32>
            %parallel_loop3A_372 = arith.index_cast %parallel_loop3A_369 : i32 to index
            %parallel_loop3A_373 = tpu.vector_load %arg12[%parallel_loop3A_372] {strides = array<i32>} : memref<32768xf32, #tpu.memory_space<vmem>>, vector<16xf32>,
            tpu.vector_store %arg12[%parallel_loop3A_372], %parallel_loop3A_371 {add = true, strides = array<i32>} : memref<32768xf32, #tpu.memory_space<vmem>>, vector<16xf32>,
            %parallel_loop3A_374 = arith.constant 128 : i32
            %parallel_loop3A_375 = arith.addi %parallel_loop3A_165, %parallel_loop3A_374 : i32
            %parallel_loop3A_376 = arith.constant 80 : i32
            %parallel_loop3A_377 = arith.addi %parallel_loop3A_375, %parallel_loop3A_376 : i32
            %parallel_loop3A_378 = vector.broadcast %parallel_loop3A_159 : f32 to vector<16xf32>
            %parallel_loop3A_379 = arith.mulf %parallel_loop3A_195, %parallel_loop3A_378 : vector<16xf32>
            %parallel_loop3A_380 = arith.index_cast %parallel_loop3A_377 : i32 to index
            %parallel_loop3A_381 = tpu.vector_load %arg12[%parallel_loop3A_380] {strides = array<i32>} : memref<32768xf32, #tpu.memory_space<vmem>>, vector<16xf32>,
            tpu.vector_store %arg12[%parallel_loop3A_380], %parallel_loop3A_379 {add = true, strides = array<i32>} : memref<32768xf32, #tpu.memory_space<vmem>>, vector<16xf32>,
            %parallel_loop3A_382 = arith.constant 256 : i32
            %parallel_loop3A_383 = arith.addi %parallel_loop3A_165, %parallel_loop3A_382 : i32
            %parallel_loop3A_384 = arith.constant 80 : i32
            %parallel_loop3A_385 = arith.addi %parallel_loop3A_383, %parallel_loop3A_384 : i32
            %parallel_loop3A_386 = vector.broadcast %parallel_loop3A_161 : f32 to vector<16xf32>
            %parallel_loop3A_387 = arith.mulf %parallel_loop3A_195, %parallel_loop3A_386 : vector<16xf32>
            %parallel_loop3A_388 = arith.index_cast %parallel_loop3A_385 : i32 to index
            %parallel_loop3A_389 = tpu.vector_load %arg12[%parallel_loop3A_388] {strides = array<i32>} : memref<32768xf32, #tpu.memory_space<vmem>>, vector<16xf32>,
            tpu.vector_store %arg12[%parallel_loop3A_388], %parallel_loop3A_387 {add = true, strides = array<i32>} : memref<32768xf32, #tpu.memory_space<vmem>>, vector<16xf32>,
            %parallel_loop3A_390 = arith.constant 384 : i32
            %parallel_loop3A_391 = arith.addi %parallel_loop3A_165, %parallel_loop3A_390 : i32
            %parallel_loop3A_392 = arith.constant 80 : i32
            %parallel_loop3A_393 = arith.addi %parallel_loop3A_391, %parallel_loop3A_392 : i32
            %parallel_loop3A_394 = vector.broadcast %parallel_loop3A_163 : f32 to vector<16xf32>
            %parallel_loop3A_395 = arith.mulf %parallel_loop3A_195, %parallel_loop3A_394 : vector<16xf32>
            %parallel_loop3A_396 = arith.index_cast %parallel_loop3A_393 : i32 to index
            %parallel_loop3A_397 = tpu.vector_load %arg12[%parallel_loop3A_396] {strides = array<i32>} : memref<32768xf32, #tpu.memory_space<vmem>>, vector<16xf32>,
            tpu.vector_store %arg12[%parallel_loop3A_396], %parallel_loop3A_395 {add = true, strides = array<i32>} : memref<32768xf32, #tpu.memory_space<vmem>>, vector<16xf32>,
            %parallel_loop3A_398 = arith.constant 0 : i32
            %parallel_loop3A_399 = arith.addi %parallel_loop3A_165, %parallel_loop3A_398 : i32
            %parallel_loop3A_400 = arith.constant 96 : i32
            %parallel_loop3A_401 = arith.addi %parallel_loop3A_399, %parallel_loop3A_400 : i32
            %parallel_loop3A_402 = vector.broadcast %parallel_loop3A_157 : f32 to vector<16xf32>
            %parallel_loop3A_403 = arith.mulf %parallel_loop3A_200, %parallel_loop3A_402 : vector<16xf32>
            %parallel_loop3A_404 = arith.index_cast %parallel_loop3A_401 : i32 to index
            %parallel_loop3A_405 = tpu.vector_load %arg12[%parallel_loop3A_404] {strides = array<i32>} : memref<32768xf32, #tpu.memory_space<vmem>>, vector<16xf32>,
            tpu.vector_store %arg12[%parallel_loop3A_404], %parallel_loop3A_403 {add = true, strides = array<i32>} : memref<32768xf32, #tpu.memory_space<vmem>>, vector<16xf32>,
            %parallel_loop3A_406 = arith.constant 128 : i32
            %parallel_loop3A_407 = arith.addi %parallel_loop3A_165, %parallel_loop3A_406 : i32
            %parallel_loop3A_408 = arith.constant 96 : i32
            %parallel_loop3A_409 = arith.addi %parallel_loop3A_407, %parallel_loop3A_408 : i32
            %parallel_loop3A_410 = vector.broadcast %parallel_loop3A_159 : f32 to vector<16xf32>
            %parallel_loop3A_411 = arith.mulf %parallel_loop3A_200, %parallel_loop3A_410 : vector<16xf32>
            %parallel_loop3A_412 = arith.index_cast %parallel_loop3A_409 : i32 to index
            %parallel_loop3A_413 = tpu.vector_load %arg12[%parallel_loop3A_412] {strides = array<i32>} : memref<32768xf32, #tpu.memory_space<vmem>>, vector<16xf32>,
            tpu.vector_store %arg12[%parallel_loop3A_412], %parallel_loop3A_411 {add = true, strides = array<i32>} : memref<32768xf32, #tpu.memory_space<vmem>>, vector<16xf32>,
            %parallel_loop3A_414 = arith.constant 256 : i32
            %parallel_loop3A_415 = arith.addi %parallel_loop3A_165, %parallel_loop3A_414 : i32
            %parallel_loop3A_416 = arith.constant 96 : i32
            %parallel_loop3A_417 = arith.addi %parallel_loop3A_415, %parallel_loop3A_416 : i32
            %parallel_loop3A_418 = vector.broadcast %parallel_loop3A_161 : f32 to vector<16xf32>
            %parallel_loop3A_419 = arith.mulf %parallel_loop3A_200, %parallel_loop3A_418 : vector<16xf32>
            %parallel_loop3A_420 = arith.index_cast %parallel_loop3A_417 : i32 to index
            %parallel_loop3A_421 = tpu.vector_load %arg12[%parallel_loop3A_420] {strides = array<i32>} : memref<32768xf32, #tpu.memory_space<vmem>>, vector<16xf32>,
            tpu.vector_store %arg12[%parallel_loop3A_420], %parallel_loop3A_419 {add = true, strides = array<i32>} : memref<32768xf32, #tpu.memory_space<vmem>>, vector<16xf32>,
            %parallel_loop3A_422 = arith.constant 384 : i32
            %parallel_loop3A_423 = arith.addi %parallel_loop3A_165, %parallel_loop3A_422 : i32
            %parallel_loop3A_424 = arith.constant 96 : i32
            %parallel_loop3A_425 = arith.addi %parallel_loop3A_423, %parallel_loop3A_424 : i32
            %parallel_loop3A_426 = vector.broadcast %parallel_loop3A_163 : f32 to vector<16xf32>
            %parallel_loop3A_427 = arith.mulf %parallel_loop3A_200, %parallel_loop3A_426 : vector<16xf32>
            %parallel_loop3A_428 = arith.index_cast %parallel_loop3A_425 : i32 to index
            %parallel_loop3A_429 = tpu.vector_load %arg12[%parallel_loop3A_428] {strides = array<i32>} : memref<32768xf32, #tpu.memory_space<vmem>>, vector<16xf32>,
            tpu.vector_store %arg12[%parallel_loop3A_428], %parallel_loop3A_427 {add = true, strides = array<i32>} : memref<32768xf32, #tpu.memory_space<vmem>>, vector<16xf32>,
            %parallel_loop3A_430 = arith.constant 0 : i32
            %parallel_loop3A_431 = arith.addi %parallel_loop3A_165, %parallel_loop3A_430 : i32
            %parallel_loop3A_432 = arith.constant 112 : i32
            %parallel_loop3A_433 = arith.addi %parallel_loop3A_431, %parallel_loop3A_432 : i32
            %parallel_loop3A_434 = vector.broadcast %parallel_loop3A_157 : f32 to vector<16xf32>
            %parallel_loop3A_435 = arith.mulf %parallel_loop3A_205, %parallel_loop3A_434 : vector<16xf32>
            %parallel_loop3A_436 = arith.index_cast %parallel_loop3A_433 : i32 to index
            %parallel_loop3A_437 = tpu.vector_load %arg12[%parallel_loop3A_436] {strides = array<i32>} : memref<32768xf32, #tpu.memory_space<vmem>>, vector<16xf32>,
            tpu.vector_store %arg12[%parallel_loop3A_436], %parallel_loop3A_435 {add = true, strides = array<i32>} : memref<32768xf32, #tpu.memory_space<vmem>>, vector<16xf32>,
            %parallel_loop3A_438 = arith.constant 128 : i32
            %parallel_loop3A_439 = arith.addi %parallel_loop3A_165, %parallel_loop3A_438 : i32
            %parallel_loop3A_440 = arith.constant 112 : i32
            %parallel_loop3A_441 = arith.addi %parallel_loop3A_439, %parallel_loop3A_440 : i32
            %parallel_loop3A_442 = vector.broadcast %parallel_loop3A_159 : f32 to vector<16xf32>
            %parallel_loop3A_443 = arith.mulf %parallel_loop3A_205, %parallel_loop3A_442 : vector<16xf32>
            %parallel_loop3A_444 = arith.index_cast %parallel_loop3A_441 : i32 to index
            %parallel_loop3A_445 = tpu.vector_load %arg12[%parallel_loop3A_444] {strides = array<i32>} : memref<32768xf32, #tpu.memory_space<vmem>>, vector<16xf32>,
            tpu.vector_store %arg12[%parallel_loop3A_444], %parallel_loop3A_443 {add = true, strides = array<i32>} : memref<32768xf32, #tpu.memory_space<vmem>>, vector<16xf32>,
            %parallel_loop3A_446 = arith.constant 256 : i32
            %parallel_loop3A_447 = arith.addi %parallel_loop3A_165, %parallel_loop3A_446 : i32
            %parallel_loop3A_448 = arith.constant 112 : i32
            %parallel_loop3A_449 = arith.addi %parallel_loop3A_447, %parallel_loop3A_448 : i32
            %parallel_loop3A_450 = vector.broadcast %parallel_loop3A_161 : f32 to vector<16xf32>
            %parallel_loop3A_451 = arith.mulf %parallel_loop3A_205, %parallel_loop3A_450 : vector<16xf32>
            %parallel_loop3A_452 = arith.index_cast %parallel_loop3A_449 : i32 to index
            %parallel_loop3A_453 = tpu.vector_load %arg12[%parallel_loop3A_452] {strides = array<i32>} : memref<32768xf32, #tpu.memory_space<vmem>>, vector<16xf32>,
            tpu.vector_store %arg12[%parallel_loop3A_452], %parallel_loop3A_451 {add = true, strides = array<i32>} : memref<32768xf32, #tpu.memory_space<vmem>>, vector<16xf32>,
            %parallel_loop3A_454 = arith.constant 384 : i32
            %parallel_loop3A_455 = arith.addi %parallel_loop3A_165, %parallel_loop3A_454 : i32
            %parallel_loop3A_456 = arith.constant 112 : i32
            %parallel_loop3A_457 = arith.addi %parallel_loop3A_455, %parallel_loop3A_456 : i32
            %parallel_loop3A_458 = vector.broadcast %parallel_loop3A_163 : f32 to vector<16xf32>
            %parallel_loop3A_459 = arith.mulf %parallel_loop3A_205, %parallel_loop3A_458 : vector<16xf32>
            %parallel_loop3A_460 = arith.index_cast %parallel_loop3A_457 : i32 to index
            %parallel_loop3A_461 = tpu.vector_load %arg12[%parallel_loop3A_460] {strides = array<i32>} : memref<32768xf32, #tpu.memory_space<vmem>>, vector<16xf32>,
            tpu.vector_store %arg12[%parallel_loop3A_460], %parallel_loop3A_459 {add = true, strides = array<i32>} : memref<32768xf32, #tpu.memory_space<vmem>>, vector<16xf32>,
          } {sc.loop_unroll_factor = 2 : i64, sc.parallel_access}
        } else {
        }
        %while3A_121 = arith.constant 0 : i32
        scf.yield %while3A_121 : i32
      }
      %mul3A_73 = arith.constant 128 : i32
      %mul3A_74 = arith.muli %select_n3A, %mul3A_73 : i32
      %scan3A_75 = arith.constant 0 : i32
      %scan3A_76 = arith.constant 32 : i32
      %scan3A_77 = arith.addi %scan3A_75, %scan3A_76 : i32
      %scan3A_78 = arith.constant 1 : i32
      %scan3A_79:2 = scf.for %scan3A_102 = %scan3A_75 to %scan3A_77 step %scan3A_78 iter_args(%scan3A_103 = %parallel_loop3A_36, %scan3A_104 = %mul3A_74) -> (vector<16xi32>, i32)  : i32 {
        %mul3A_105 = arith.constant 16 : i32
        %mul3A_106 = arith.muli %scan3A_102, %mul3A_105 : i32
        %get3A = arith.index_cast %mul3A_106 : i32 to index
        %get3A_107 = tpu.vector_load %arg15[%get3A] {strides = array<i32>} : memref<512xi32, #tpu.memory_space<vmem>>, vector<16xi32>,
        %slice3A = vector.extract_strided_slice %get3A_107 {offsets = [0], sizes = [1], strides = [1]} : vector<16xi32> to vector<1xi32>
        %squeeze3A = vector.extract %slice3A[0] : i32 from vector<1xi32>
        %add3A_108 = arith.constant 16 : i32
        %add3A_109 = arith.addi %squeeze3A, %add3A_108 : i32
        %sub3A_110 = arith.constant 1 : i32
        %sub3A_111 = arith.subi %add3A_109, %sub3A_110 : i32
        %shift_right_arithmetic3A = arith.constant 4 : i32
        %shift_right_arithmetic3A_112 = arith.shrsi %sub3A_111, %shift_right_arithmetic3A : i32
        %add3A_113 = arith.constant 125 : i32
        %add3A_114 = arith.addi %shift_right_arithmetic3A_112, %add3A_113 : i32
        %sub3A_115 = arith.constant 1 : i32
        %sub3A_116 = arith.subi %add3A_114, %sub3A_115 : i32
        %jit3A_117 = arith.constant 125 : i32
        %div3A_118 = arith.divsi %sub3A_116, %jit3A_117 : i32
        %sign3A_119 = arith.constant 0 : i32
        %sign3A_120 = arith.cmpi sgt, %sub3A_116, %sign3A_119 : i32
        %sign3A_121 = arith.extui %sign3A_120 : i1 to i32
        %sign3A_122 = arith.constant 0 : i32
        %sign3A_123 = arith.cmpi slt, %sub3A_116, %sign3A_122 : i32
        %sign3A_124 = arith.extui %sign3A_123 : i1 to i32
        %sign3A_125 = arith.subi %sign3A_121, %sign3A_124 : i32
        %sign3A_126 = arith.constant 0 : i32
        %sign3A_127 = arith.cmpi sgt, %jit3A_117, %sign3A_126 : i32
        %sign3A_128 = arith.extui %sign3A_127 : i1 to i32
        %sign3A_129 = arith.constant 0 : i32
        %sign3A_130 = arith.cmpi slt, %jit3A_117, %sign3A_129 : i32
        %sign3A_131 = arith.extui %sign3A_130 : i1 to i32
        %sign3A_132 = arith.subi %sign3A_128, %sign3A_131 : i32
        %ne3A_133 = arith.cmpi ne, %sign3A_125, %sign3A_132 : i32
        %rem3A_134 = arith.remsi %sub3A_116, %jit3A_117 : i32
        %ne3A_135 = arith.constant 0 : i32
        %ne3A_136 = arith.cmpi ne, %rem3A_134, %ne3A_135 : i32
        %and3A_137 = arith.andi %ne3A_133, %ne3A_136 : i1
        %sub3A_138 = arith.constant 1 : i32
        %sub3A_139 = arith.subi %div3A_118, %sub3A_138 : i32
        %select_n3A_140 = arith.select %and3A_137, %sub3A_139, %div3A_118 : i32
        %while3A_141 = arith.constant 0 : i32
        %while3A_142 = arith.subi %select_n3A_140, %while3A_141 : i32
        %while3A_143 = arith.addi %while3A_141, %while3A_142 : i32
        %while3A_144 = arith.constant 1 : i32
        %while3A_145 = arith.divsi %while3A_142, %while3A_144 : i32
        %while3A_146 = arith.muli %while3A_145, %while3A_144 : i32
        %while3A_147 = arith.addi %while3A_141, %while3A_146 : i32
        %while3A_148 = arith.constant 1 : i32
        %while3A_149:2 = scf.for %while3A_152 = %while3A_141 to %while3A_147 step %while3A_148 iter_args(%while3A_153 = %scan3A_103, %while3A_154 = %scan3A_104) -> (vector<16xi32>, i32)  : i32 {
          %mul3A_155 = arith.constant 10240 : i32
          %mul3A_156 = arith.muli %scan3A_102, %mul3A_155 : i32
          %mul3A_157 = arith.constant 2000 : i32
          %mul3A_158 = arith.muli %while3A_152, %mul3A_157 : i32
          %add3A_159 = arith.addi %mul3A_156, %mul3A_158 : i32
          "tpu.region"() ({
            %run_scoped3A = tpu.sem_alloc : memref<!tpu.dma_semaphore, #tpu.memory_space<semaphore_mem>>
            %dma_start3A = tpu.memref_slice %arg3[%add3A_159] : memref<327680xi32, #tpu.memory_space<hbm>> -> memref<2000xi32, #tpu.memory_space<hbm>>
            %dma_start3A_184 = tpu.memref_slice %arg3[%add3A_159] : memref<327680xi32, #tpu.memory_space<hbm>> -> memref<2000xi32, #tpu.memory_space<hbm>>
            tpu.enqueue_dma source(%dma_start3A_184 : memref<2000xi32, #tpu.memory_space<hbm>>) target(%arg14 : memref<2000xi32, #tpu.memory_space<vmem>>) target_semaphore(%run_scoped3A : memref<!tpu.dma_semaphore, #tpu.memory_space<semaphore_mem>>)
            %dma_wait3A = tpu.memref_slice %arg3[%add3A_159] : memref<327680xi32, #tpu.memory_space<hbm>> -> memref<2000xi32, #tpu.memory_space<hbm>>
            %dma_wait3A_185 = tpu.memref_slice %arg3[%add3A_159] : memref<327680xi32, #tpu.memory_space<hbm>> -> memref<2000xi32, #tpu.memory_space<hbm>>
            tpu.wait_dma2 semaphore(%run_scoped3A : memref<!tpu.dma_semaphore, #tpu.memory_space<semaphore_mem>>) src(%dma_wait3A_185 : memref<2000xi32, #tpu.memory_space<hbm>>) dst(%arg14 : memref<2000xi32, #tpu.memory_space<vmem>>)
            tpu.yield
          }) : () -> ()
          %mul3A_160 = arith.constant 125 : i32
          %mul3A_161 = arith.muli %while3A_152, %mul3A_160 : i32
          %sub3A_162 = arith.subi %shift_right_arithmetic3A_112, %mul3A_161 : i32
          %min3A = arith.constant 125 : i32
          %min3A_163 = arith.minsi %sub3A_162, %min3A : i32
          %while3A_164 = arith.constant 0 : i32
          %while3A_165 = arith.subi %min3A_163, %while3A_164 : i32
          %while3A_166 = arith.addi %while3A_164, %while3A_165 : i32
          %while3A_167 = arith.constant 1 : i32
          %while3A_168 = arith.divsi %while3A_165, %while3A_167 : i32
          %while3A_169 = arith.muli %while3A_168, %while3A_167 : i32
          %while3A_170 = arith.addi %while3A_164, %while3A_169 : i32
          %while3A_171 = arith.constant 1 : i32
          %while3A_172 = scf.for %while3A_184 = %while3A_164 to %while3A_170 step %while3A_171 iter_args(%while3A_185 = %while3A_153) -> (vector<16xi32>)  : i32 {
            %mul3A_186 = arith.constant 16 : i32
            %mul3A_187 = arith.muli %while3A_184, %mul3A_186 : i32
            %get3A_188 = arith.index_cast %mul3A_187 : i32 to index
            %get3A_189 = tpu.vector_load %arg14[%get3A_188] {strides = array<i32>} : memref<2000xi32, #tpu.memory_space<vmem>>, vector<16xi32>,
            %shift_right_arithmetic3A_190 = arith.constant 18 : i32
            %shift_right_arithmetic3A_191 = vector.broadcast %shift_right_arithmetic3A_190 : i32 to vector<16xi32>
            %shift_right_arithmetic3A_192 = arith.shrsi %get3A_189, %shift_right_arithmetic3A_191 : vector<16xi32>
            %and3A_193 = arith.constant 16383 : i32
            %and3A_194 = vector.broadcast %and3A_193 : i32 to vector<16xi32>
            %and3A_195 = arith.andi %shift_right_arithmetic3A_192, %and3A_194 : vector<16xi32>
            %ge3A = vector.broadcast %mul3A_13 : i32 to vector<16xi32>
            %ge3A_196 = arith.cmpi sge, %and3A_195, %ge3A : vector<16xi32>
            %add3A_197 = arith.constant 64 : i32
            %add3A_198 = arith.addi %mul3A_13, %add3A_197 : i32
            %lt3A = vector.broadcast %add3A_198 : i32 to vector<16xi32>
            %lt3A_199 = arith.cmpi slt, %and3A_195, %lt3A : vector<16xi32>
            %and3A_200 = arith.andi %ge3A_196, %lt3A_199 : vector<16xi1>
            %convert_element_type3A_201 = arith.extui %and3A_200 : vector<16xi1> to vector<16xi32>
            %broadcast_in_dim3A_202 = arith.constant true
            %broadcast_in_dim3A_203 = vector.broadcast %broadcast_in_dim3A_202 : i1 to vector<16xi1>
            %masked_cumsum3A = tpu.scan <sum>, %convert_element_type3A_201 masked %broadcast_in_dim3A_203 : vector<16xi32>, vector<16xi1> -> vector<16xi32>
            %add3A_204 = arith.addi %while3A_185, %masked_cumsum3A : vector<16xi32>
            %sub3A_205 = arith.constant 1 : i32
            %sub3A_206 = vector.broadcast %sub3A_205 : i32 to vector<16xi32>
            %sub3A_207 = arith.subi %add3A_204, %sub3A_206 : vector<16xi32>
            %and3A_208 = arith.constant 8191 : i32
            %and3A_209 = vector.broadcast %and3A_208 : i32 to vector<16xi32>
            %and3A_210 = arith.andi %sub3A_207, %and3A_209 : vector<16xi32>
            tpu.vector_store_idx %arg8[%and3A_210], %get3A_189 masked %and3A_200 : memref<8208xi32, #tpu.memory_space<vmem>>[vector<16xi32>], vector<16xi32>, vector<16xi1>
            %all_reduce_population_count3A = tpu.all_reduce %and3A_200 {dim = 0 : i64, kind = #tpu.reduction_kind<sum>} : vector<16xi1> -> vector<16xi32>
            %add3A_211 = arith.addi %while3A_185, %all_reduce_population_count3A : vector<16xi32>
            scf.yield %add3A_211 : vector<16xi32>
          }
          %while3A_173 = arith.constant 1 : i32
          %while3A_174 = scf.for %while3A_184 = %while3A_170 to %while3A_166 step %while3A_173 iter_args(%while3A_185 = %while3A_172) -> (vector<16xi32>)  : i32 {
            %mul3A_186 = arith.constant 16 : i32
            %mul3A_187 = arith.muli %while3A_184, %mul3A_186 : i32
            %get3A_188 = arith.index_cast %mul3A_187 : i32 to index
            %get3A_189 = tpu.vector_load %arg14[%get3A_188] {strides = array<i32>} : memref<2000xi32, #tpu.memory_space<vmem>>, vector<16xi32>,
            %shift_right_arithmetic3A_190 = arith.constant 18 : i32
            %shift_right_arithmetic3A_191 = vector.broadcast %shift_right_arithmetic3A_190 : i32 to vector<16xi32>
            %shift_right_arithmetic3A_192 = arith.shrsi %get3A_189, %shift_right_arithmetic3A_191 : vector<16xi32>
            %and3A_193 = arith.constant 16383 : i32
            %and3A_194 = vector.broadcast %and3A_193 : i32 to vector<16xi32>
            %and3A_195 = arith.andi %shift_right_arithmetic3A_192, %and3A_194 : vector<16xi32>
            %ge3A = vector.broadcast %mul3A_13 : i32 to vector<16xi32>
            %ge3A_196 = arith.cmpi sge, %and3A_195, %ge3A : vector<16xi32>
            %add3A_197 = arith.constant 64 : i32
            %add3A_198 = arith.addi %mul3A_13, %add3A_197 : i32
            %lt3A = vector.broadcast %add3A_198 : i32 to vector<16xi32>
            %lt3A_199 = arith.cmpi slt, %and3A_195, %lt3A : vector<16xi32>
            %and3A_200 = arith.andi %ge3A_196, %lt3A_199 : vector<16xi1>
            %convert_element_type3A_201 = arith.extui %and3A_200 : vector<16xi1> to vector<16xi32>
            %broadcast_in_dim3A_202 = arith.constant true
            %broadcast_in_dim3A_203 = vector.broadcast %broadcast_in_dim3A_202 : i1 to vector<16xi1>
            %masked_cumsum3A = tpu.scan <sum>, %convert_element_type3A_201 masked %broadcast_in_dim3A_203 : vector<16xi32>, vector<16xi1> -> vector<16xi32>
            %add3A_204 = arith.addi %while3A_185, %masked_cumsum3A : vector<16xi32>
            %sub3A_205 = arith.constant 1 : i32
            %sub3A_206 = vector.broadcast %sub3A_205 : i32 to vector<16xi32>
            %sub3A_207 = arith.subi %add3A_204, %sub3A_206 : vector<16xi32>
            %and3A_208 = arith.constant 8191 : i32
            %and3A_209 = vector.broadcast %and3A_208 : i32 to vector<16xi32>
            %and3A_210 = arith.andi %sub3A_207, %and3A_209 : vector<16xi32>
            tpu.vector_store_idx %arg8[%and3A_210], %get3A_189 masked %and3A_200 : memref<8208xi32, #tpu.memory_space<vmem>>[vector<16xi32>], vector<16xi32>, vector<16xi1>
            %all_reduce_population_count3A = tpu.all_reduce %and3A_200 {dim = 0 : i64, kind = #tpu.reduction_kind<sum>} : vector<16xi1> -> vector<16xi32>
            %add3A_211 = arith.addi %while3A_185, %all_reduce_population_count3A : vector<16xi32>
            scf.yield %add3A_211 : vector<16xi32>
          }
          %reduce_max3A_175 = arith.constant true
          %reduce_max3A_176 = vector.broadcast %reduce_max3A_175 : i1 to vector<16xi1>
          %reduce_max3A_177 = arith.constant -2147483648 : i32
          %reduce_max3A_178 = vector.broadcast %reduce_max3A_177 : i32 to vector<16xi32>
          %reduce_max3A_179 = arith.xori %while3A_174, %reduce_max3A_178 : vector<16xi32>
          %reduce_max3A_180 = tpu.scan <max>, %reduce_max3A_179 masked %reduce_max3A_176 : vector<16xi32>, vector<16xi1> -> vector<16xi32>
          %reduce_max3A_181 = arith.xori %reduce_max3A_180, %reduce_max3A_178 : vector<16xi32>
          %reduce_max3A_182 = vector.extract %reduce_max3A_181[15] : i32 from vector<16xi32>
          %while3A_183 = scf.while (%while3A_184 = %while3A_154) : (i32) -> i32 {
            %add3A_185 = arith.constant 128 : i32
            %add3A_186 = arith.addi %while3A_184, %add3A_185 : i32
            %le3A = arith.cmpi sle, %add3A_186, %reduce_max3A_182 : i32
            scf.condition(%le3A) %while3A_184 : i32
          } do {
          ^bb0(%while3A_184: i32):
            %and3A_185 = arith.constant 8191 : i32
            %and3A_186 = arith.andi %while3A_184, %and3A_185 : i32
            %multiple_of3A_187 = tpu.assume_multiple %and3A_186, 128 : i32
            %add3A_188 = arith.constant 0 : i32
            %add3A_189 = arith.addi %multiple_of3A_187, %add3A_188 : i32
            %get3A_190 = arith.index_cast %add3A_189 : i32 to index
            %get3A_191 = tpu.vector_load %arg8[%get3A_190] {strides = array<i32>} : memref<8208xi32, #tpu.memory_space<vmem>>, vector<16xi32>,
            %and3A_192 = arith.constant 16383 : i32
            %and3A_193 = vector.broadcast %and3A_192 : i32 to vector<16xi32>
            %and3A_194 = arith.andi %get3A_191, %and3A_193 : vector<16xi32>
            %swap3A = arith.constant 0 : index
            %swap3A_195 = tpu.vector_load %arg9[%swap3A] {strides = array<i32>} : memref<128xi32, #tpu.memory_space<vmem>>, vector<16xi32>,
            tpu.vector_store %arg9[%swap3A], %and3A_194 {strides = array<i32>} : memref<128xi32, #tpu.memory_space<vmem>>, vector<16xi32>,
            %add3A_196 = arith.constant 16 : i32
            %add3A_197 = arith.addi %multiple_of3A_187, %add3A_196 : i32
            %get3A_198 = arith.index_cast %add3A_197 : i32 to index
            %get3A_199 = tpu.vector_load %arg8[%get3A_198] {strides = array<i32>} : memref<8208xi32, #tpu.memory_space<vmem>>, vector<16xi32>,
            %and3A_200 = arith.constant 16383 : i32
            %and3A_201 = vector.broadcast %and3A_200 : i32 to vector<16xi32>
            %and3A_202 = arith.andi %get3A_199, %and3A_201 : vector<16xi32>
            %swap3A_203 = arith.constant 16 : index
            %swap3A_204 = tpu.vector_load %arg9[%swap3A_203] {strides = array<i32>} : memref<128xi32, #tpu.memory_space<vmem>>, vector<16xi32>,
            tpu.vector_store %arg9[%swap3A_203], %and3A_202 {strides = array<i32>} : memref<128xi32, #tpu.memory_space<vmem>>, vector<16xi32>,
            %add3A_205 = arith.constant 32 : i32
            %add3A_206 = arith.addi %multiple_of3A_187, %add3A_205 : i32
            %get3A_207 = arith.index_cast %add3A_206 : i32 to index
            %get3A_208 = tpu.vector_load %arg8[%get3A_207] {strides = array<i32>} : memref<8208xi32, #tpu.memory_space<vmem>>, vector<16xi32>,
            %and3A_209 = arith.constant 16383 : i32
            %and3A_210 = vector.broadcast %and3A_209 : i32 to vector<16xi32>
            %and3A_211 = arith.andi %get3A_208, %and3A_210 : vector<16xi32>
            %swap3A_212 = arith.constant 32 : index
            %swap3A_213 = tpu.vector_load %arg9[%swap3A_212] {strides = array<i32>} : memref<128xi32, #tpu.memory_space<vmem>>, vector<16xi32>,
            tpu.vector_store %arg9[%swap3A_212], %and3A_211 {strides = array<i32>} : memref<128xi32, #tpu.memory_space<vmem>>, vector<16xi32>,
            %add3A_214 = arith.constant 48 : i32
            %add3A_215 = arith.addi %multiple_of3A_187, %add3A_214 : i32
            %get3A_216 = arith.index_cast %add3A_215 : i32 to index
            %get3A_217 = tpu.vector_load %arg8[%get3A_216] {strides = array<i32>} : memref<8208xi32, #tpu.memory_space<vmem>>, vector<16xi32>,
            %and3A_218 = arith.constant 16383 : i32
            %and3A_219 = vector.broadcast %and3A_218 : i32 to vector<16xi32>
            %and3A_220 = arith.andi %get3A_217, %and3A_219 : vector<16xi32>
            %swap3A_221 = arith.constant 48 : index
            %swap3A_222 = tpu.vector_load %arg9[%swap3A_221] {strides = array<i32>} : memref<128xi32, #tpu.memory_space<vmem>>, vector<16xi32>,
            tpu.vector_store %arg9[%swap3A_221], %and3A_220 {strides = array<i32>} : memref<128xi32, #tpu.memory_space<vmem>>, vector<16xi32>,
            %add3A_223 = arith.constant 64 : i32
            %add3A_224 = arith.addi %multiple_of3A_187, %add3A_223 : i32
            %get3A_225 = arith.index_cast %add3A_224 : i32 to index
            %get3A_226 = tpu.vector_load %arg8[%get3A_225] {strides = array<i32>} : memref<8208xi32, #tpu.memory_space<vmem>>, vector<16xi32>,
            %and3A_227 = arith.constant 16383 : i32
            %and3A_228 = vector.broadcast %and3A_227 : i32 to vector<16xi32>
            %and3A_229 = arith.andi %get3A_226, %and3A_228 : vector<16xi32>
            %swap3A_230 = arith.constant 64 : index
            %swap3A_231 = tpu.vector_load %arg9[%swap3A_230] {strides = array<i32>} : memref<128xi32, #tpu.memory_space<vmem>>, vector<16xi32>,
            tpu.vector_store %arg9[%swap3A_230], %and3A_229 {strides = array<i32>} : memref<128xi32, #tpu.memory_space<vmem>>, vector<16xi32>,
            %add3A_232 = arith.constant 80 : i32
            %add3A_233 = arith.addi %multiple_of3A_187, %add3A_232 : i32
            %get3A_234 = arith.index_cast %add3A_233 : i32 to index
            %get3A_235 = tpu.vector_load %arg8[%get3A_234] {strides = array<i32>} : memref<8208xi32, #tpu.memory_space<vmem>>, vector<16xi32>,
            %and3A_236 = arith.constant 16383 : i32
            %and3A_237 = vector.broadcast %and3A_236 : i32 to vector<16xi32>
            %and3A_238 = arith.andi %get3A_235, %and3A_237 : vector<16xi32>
            %swap3A_239 = arith.constant 80 : index
            %swap3A_240 = tpu.vector_load %arg9[%swap3A_239] {strides = array<i32>} : memref<128xi32, #tpu.memory_space<vmem>>, vector<16xi32>,
            tpu.vector_store %arg9[%swap3A_239], %and3A_238 {strides = array<i32>} : memref<128xi32, #tpu.memory_space<vmem>>, vector<16xi32>,
            %add3A_241 = arith.constant 96 : i32
            %add3A_242 = arith.addi %multiple_of3A_187, %add3A_241 : i32
            %get3A_243 = arith.index_cast %add3A_242 : i32 to index
            %get3A_244 = tpu.vector_load %arg8[%get3A_243] {strides = array<i32>} : memref<8208xi32, #tpu.memory_space<vmem>>, vector<16xi32>,
            %and3A_245 = arith.constant 16383 : i32
            %and3A_246 = vector.broadcast %and3A_245 : i32 to vector<16xi32>
            %and3A_247 = arith.andi %get3A_244, %and3A_246 : vector<16xi32>
            %swap3A_248 = arith.constant 96 : index
            %swap3A_249 = tpu.vector_load %arg9[%swap3A_248] {strides = array<i32>} : memref<128xi32, #tpu.memory_space<vmem>>, vector<16xi32>,
            tpu.vector_store %arg9[%swap3A_248], %and3A_247 {strides = array<i32>} : memref<128xi32, #tpu.memory_space<vmem>>, vector<16xi32>,
            %add3A_250 = arith.constant 112 : i32
            %add3A_251 = arith.addi %multiple_of3A_187, %add3A_250 : i32
            %get3A_252 = arith.index_cast %add3A_251 : i32 to index
            %get3A_253 = tpu.vector_load %arg8[%get3A_252] {strides = array<i32>} : memref<8208xi32, #tpu.memory_space<vmem>>, vector<16xi32>,
            %and3A_254 = arith.constant 16383 : i32
            %and3A_255 = vector.broadcast %and3A_254 : i32 to vector<16xi32>
            %and3A_256 = arith.andi %get3A_253, %and3A_255 : vector<16xi32>
            %swap3A_257 = arith.constant 112 : index
            %swap3A_258 = tpu.vector_load %arg9[%swap3A_257] {strides = array<i32>} : memref<128xi32, #tpu.memory_space<vmem>>, vector<16xi32>,
            tpu.vector_store %arg9[%swap3A_257], %and3A_256 {strides = array<i32>} : memref<128xi32, #tpu.memory_space<vmem>>, vector<16xi32>,
            %dma_start3A = arith.constant 0 : i32
            %dma_start3A_259 = arith.constant 0 : i32
            %dma_start3A_260 = tpu.memref_slice %arg11[%dma_start3A, %dma_start3A_259] : memref<256x128xf32, #tpu.memory_space<vmem>> -> memref<128x128xf32, #tpu.memory_space<vmem>>
            %dma_start3A_261 = arith.constant 0 : i32
            %dma_start3A_262 = arith.constant 0 : i32
            %dma_start3A_263 = tpu.memref_slice %arg5[%dma_start3A_261, %dma_start3A_262] : memref<10000x128xf32, #tpu.memory_space<hbm>> -> memref<10000x128xf32, #tpu.memory_space<hbm>>
            tpu.enqueue_indirect_dma source(%dma_start3A_263 : memref<10000x128xf32, #tpu.memory_space<hbm>>) target(%dma_start3A_260 : memref<128x128xf32, #tpu.memory_space<vmem>>) offsets(%arg9 : memref<128xi32, #tpu.memory_space<vmem>>) semaphore(%arg18 : memref<!tpu.dma_semaphore, #tpu.memory_space<semaphore_mem>>)
            %dma_wait3A = arith.constant 0 : i32
            %dma_wait3A_264 = arith.constant 0 : i32
            %dma_wait3A_265 = tpu.memref_slice %arg11[%dma_wait3A, %dma_wait3A_264] : memref<256x128xf32, #tpu.memory_space<vmem>> -> memref<128x128xf32, #tpu.memory_space<vmem>>
            %dma_wait3A_266 = arith.constant 0 : i32
            %dma_wait3A_267 = arith.constant 0 : i32
            %dma_wait3A_268 = tpu.memref_slice %arg5[%dma_wait3A_266, %dma_wait3A_267] : memref<10000x128xf32, #tpu.memory_space<hbm>> -> memref<10000x128xf32, #tpu.memory_space<hbm>>
            tpu.wait_indirect_dma semaphore(%arg18 : memref<!tpu.dma_semaphore, #tpu.memory_space<semaphore_mem>>) src(%dma_wait3A_268 : memref<10000x128xf32, #tpu.memory_space<hbm>>) dst(%dma_wait3A_265 : memref<128x128xf32, #tpu.memory_space<vmem>>)
            %parallel_loop3A_269 = arith.constant 0 : i32
            %parallel_loop3A_270 = arith.constant 128 : i32
            %parallel_loop3A_271 = arith.constant 1 : i32
            scf.for %parallel_loop3A_274 = %parallel_loop3A_269 to %parallel_loop3A_270 step %parallel_loop3A_271  : i32 {
              %parallel_loop3A_275 = arith.addi %multiple_of3A_187, %parallel_loop3A_274 : i32
              %parallel_loop3A_276 = arith.index_cast %parallel_loop3A_275 : i32 to index
              %parallel_loop3A_277 = tpu.vector_load %arg8[%parallel_loop3A_276] {strides = array<i32>} : memref<8208xi32, #tpu.memory_space<vmem>>, vector<16xi32>,
              %parallel_loop3A_278 = vector.extract_strided_slice %parallel_loop3A_277 {offsets = [0], sizes = [1], strides = [1]} : vector<16xi32> to vector<1xi32>
              %parallel_loop3A_279 = vector.extract %parallel_loop3A_278[0] : i32 from vector<1xi32>
              %parallel_loop3A_280 = arith.constant 18 : i32
              %parallel_loop3A_281 = arith.shrsi %parallel_loop3A_279, %parallel_loop3A_280 : i32
              %parallel_loop3A_282 = arith.constant 16383 : i32
              %parallel_loop3A_283 = arith.andi %parallel_loop3A_281, %parallel_loop3A_282 : i32
              %parallel_loop3A_284 = arith.subi %parallel_loop3A_283, %mul3A_13 : i32
              %parallel_loop3A_285 = arith.constant 14 : i32
              %parallel_loop3A_286 = arith.shrsi %parallel_loop3A_279, %parallel_loop3A_285 : i32
              %parallel_loop3A_287 = arith.constant 15 : i32
              %parallel_loop3A_288 = arith.andi %parallel_loop3A_286, %parallel_loop3A_287 : i32
              %parallel_loop3A_289 = arith.constant 4 : i32
              %parallel_loop3A_290 = arith.muli %parallel_loop3A_288, %parallel_loop3A_289 : i32
              %parallel_loop3A_291 = arith.index_cast %parallel_loop3A_290 : i32 to index
              %parallel_loop3A_292 = tpu.vector_load %arg16[%parallel_loop3A_291] {strides = array<i32>} : memref<80xf32, #tpu.memory_space<vmem>>, vector<16xf32>,
              %parallel_loop3A_293 = vector.extract_strided_slice %parallel_loop3A_292 {offsets = [0], sizes = [1], strides = [1]} : vector<16xf32> to vector<1xf32>
              %parallel_loop3A_294 = vector.extract %parallel_loop3A_293[0] : f32 from vector<1xf32>
              %parallel_loop3A_295 = vector.extract_strided_slice %parallel_loop3A_292 {offsets = [1], sizes = [1], strides = [1]} : vector<16xf32> to vector<1xf32>
              %parallel_loop3A_296 = vector.extract %parallel_loop3A_295[0] : f32 from vector<1xf32>
              %parallel_loop3A_297 = vector.extract_strided_slice %parallel_loop3A_292 {offsets = [2], sizes = [1], strides = [1]} : vector<16xf32> to vector<1xf32>
              %parallel_loop3A_298 = vector.extract %parallel_loop3A_297[0] : f32 from vector<1xf32>
              %parallel_loop3A_299 = vector.extract_strided_slice %parallel_loop3A_292 {offsets = [3], sizes = [1], strides = [1]} : vector<16xf32> to vector<1xf32>
              %parallel_loop3A_300 = vector.extract %parallel_loop3A_299[0] : f32 from vector<1xf32>
              %parallel_loop3A_301 = arith.constant 512 : i32
              %parallel_loop3A_302 = arith.muli %parallel_loop3A_284, %parallel_loop3A_301 : i32
              %parallel_loop3A_303 = arith.constant 0 : i32
              %parallel_loop3A_304 = arith.addi %parallel_loop3A_303, %parallel_loop3A_274 : i32
              %parallel_loop3A_305 = arith.index_cast %parallel_loop3A_304 : i32 to index
              %parallel_loop3A_306 = arith.constant 0 : index
              %parallel_loop3A_307 = tpu.vector_load %arg11[%parallel_loop3A_305, %parallel_loop3A_306] {strides = array<i32>} : memref<256x128xf32, #tpu.memory_space<vmem>>, vector<16xf32>,
              %parallel_loop3A_308 = arith.constant 0 : i32
              %parallel_loop3A_309 = arith.addi %parallel_loop3A_308, %parallel_loop3A_274 : i32
              %parallel_loop3A_310 = arith.index_cast %parallel_loop3A_309 : i32 to index
              %parallel_loop3A_311 = arith.constant 16 : index
              %parallel_loop3A_312 = tpu.vector_load %arg11[%parallel_loop3A_310, %parallel_loop3A_311] {strides = array<i32>} : memref<256x128xf32, #tpu.memory_space<vmem>>, vector<16xf32>,
              %parallel_loop3A_313 = arith.constant 0 : i32
              %parallel_loop3A_314 = arith.addi %parallel_loop3A_313, %parallel_loop3A_274 : i32
              %parallel_loop3A_315 = arith.index_cast %parallel_loop3A_314 : i32 to index
              %parallel_loop3A_316 = arith.constant 32 : index
              %parallel_loop3A_317 = tpu.vector_load %arg11[%parallel_loop3A_315, %parallel_loop3A_316] {strides = array<i32>} : memref<256x128xf32, #tpu.memory_space<vmem>>, vector<16xf32>,
              %parallel_loop3A_318 = arith.constant 0 : i32
              %parallel_loop3A_319 = arith.addi %parallel_loop3A_318, %parallel_loop3A_274 : i32
              %parallel_loop3A_320 = arith.index_cast %parallel_loop3A_319 : i32 to index
              %parallel_loop3A_321 = arith.constant 48 : index
              %parallel_loop3A_322 = tpu.vector_load %arg11[%parallel_loop3A_320, %parallel_loop3A_321] {strides = array<i32>} : memref<256x128xf32, #tpu.memory_space<vmem>>, vector<16xf32>,
              %parallel_loop3A_323 = arith.constant 0 : i32
              %parallel_loop3A_324 = arith.addi %parallel_loop3A_323, %parallel_loop3A_274 : i32
              %parallel_loop3A_325 = arith.index_cast %parallel_loop3A_324 : i32 to index
              %parallel_loop3A_326 = arith.constant 64 : index
              %parallel_loop3A_327 = tpu.vector_load %arg11[%parallel_loop3A_325, %parallel_loop3A_326] {strides = array<i32>} : memref<256x128xf32, #tpu.memory_space<vmem>>, vector<16xf32>,
              %parallel_loop3A_328 = arith.constant 0 : i32
              %parallel_loop3A_329 = arith.addi %parallel_loop3A_328, %parallel_loop3A_274 : i32
              %parallel_loop3A_330 = arith.index_cast %parallel_loop3A_329 : i32 to index
              %parallel_loop3A_331 = arith.constant 80 : index
              %parallel_loop3A_332 = tpu.vector_load %arg11[%parallel_loop3A_330, %parallel_loop3A_331] {strides = array<i32>} : memref<256x128xf32, #tpu.memory_space<vmem>>, vector<16xf32>,
              %parallel_loop3A_333 = arith.constant 0 : i32
              %parallel_loop3A_334 = arith.addi %parallel_loop3A_333, %parallel_loop3A_274 : i32
              %parallel_loop3A_335 = arith.index_cast %parallel_loop3A_334 : i32 to index
              %parallel_loop3A_336 = arith.constant 96 : index
              %parallel_loop3A_337 = tpu.vector_load %arg11[%parallel_loop3A_335, %parallel_loop3A_336] {strides = array<i32>} : memref<256x128xf32, #tpu.memory_space<vmem>>, vector<16xf32>,
              %parallel_loop3A_338 = arith.constant 0 : i32
              %parallel_loop3A_339 = arith.addi %parallel_loop3A_338, %parallel_loop3A_274 : i32
              %parallel_loop3A_340 = arith.index_cast %parallel_loop3A_339 : i32 to index
              %parallel_loop3A_341 = arith.constant 112 : index
              %parallel_loop3A_342 = tpu.vector_load %arg11[%parallel_loop3A_340, %parallel_loop3A_341] {strides = array<i32>} : memref<256x128xf32, #tpu.memory_space<vmem>>, vector<16xf32>,
              %parallel_loop3A_343 = arith.constant 0 : i32
              %parallel_loop3A_344 = arith.addi %parallel_loop3A_302, %parallel_loop3A_343 : i32
              %parallel_loop3A_345 = arith.constant 0 : i32
              %parallel_loop3A_346 = arith.addi %parallel_loop3A_344, %parallel_loop3A_345 : i32
              %parallel_loop3A_347 = vector.broadcast %parallel_loop3A_294 : f32 to vector<16xf32>
              %parallel_loop3A_348 = arith.mulf %parallel_loop3A_307, %parallel_loop3A_347 : vector<16xf32>
              %parallel_loop3A_349 = arith.index_cast %parallel_loop3A_346 : i32 to index
              %parallel_loop3A_350 = tpu.vector_load %arg12[%parallel_loop3A_349] {strides = array<i32>} : memref<32768xf32, #tpu.memory_space<vmem>>, vector<16xf32>,
              tpu.vector_store %arg12[%parallel_loop3A_349], %parallel_loop3A_348 {add = true, strides = array<i32>} : memref<32768xf32, #tpu.memory_space<vmem>>, vector<16xf32>,
              %parallel_loop3A_351 = arith.constant 128 : i32
              %parallel_loop3A_352 = arith.addi %parallel_loop3A_302, %parallel_loop3A_351 : i32
              %parallel_loop3A_353 = arith.constant 0 : i32
              %parallel_loop3A_354 = arith.addi %parallel_loop3A_352, %parallel_loop3A_353 : i32
              %parallel_loop3A_355 = vector.broadcast %parallel_loop3A_296 : f32 to vector<16xf32>
              %parallel_loop3A_356 = arith.mulf %parallel_loop3A_307, %parallel_loop3A_355 : vector<16xf32>
              %parallel_loop3A_357 = arith.index_cast %parallel_loop3A_354 : i32 to index
              %parallel_loop3A_358 = tpu.vector_load %arg12[%parallel_loop3A_357] {strides = array<i32>} : memref<32768xf32, #tpu.memory_space<vmem>>, vector<16xf32>,
              tpu.vector_store %arg12[%parallel_loop3A_357], %parallel_loop3A_356 {add = true, strides = array<i32>} : memref<32768xf32, #tpu.memory_space<vmem>>, vector<16xf32>,
              %parallel_loop3A_359 = arith.constant 256 : i32
              %parallel_loop3A_360 = arith.addi %parallel_loop3A_302, %parallel_loop3A_359 : i32
              %parallel_loop3A_361 = arith.constant 0 : i32
              %parallel_loop3A_362 = arith.addi %parallel_loop3A_360, %parallel_loop3A_361 : i32
              %parallel_loop3A_363 = vector.broadcast %parallel_loop3A_298 : f32 to vector<16xf32>
              %parallel_loop3A_364 = arith.mulf %parallel_loop3A_307, %parallel_loop3A_363 : vector<16xf32>
              %parallel_loop3A_365 = arith.index_cast %parallel_loop3A_362 : i32 to index
              %parallel_loop3A_366 = tpu.vector_load %arg12[%parallel_loop3A_365] {strides = array<i32>} : memref<32768xf32, #tpu.memory_space<vmem>>, vector<16xf32>,
              tpu.vector_store %arg12[%parallel_loop3A_365], %parallel_loop3A_364 {add = true, strides = array<i32>} : memref<32768xf32, #tpu.memory_space<vmem>>, vector<16xf32>,
              %parallel_loop3A_367 = arith.constant 384 : i32
              %parallel_loop3A_368 = arith.addi %parallel_loop3A_302, %parallel_loop3A_367 : i32
              %parallel_loop3A_369 = arith.constant 0 : i32
              %parallel_loop3A_370 = arith.addi %parallel_loop3A_368, %parallel_loop3A_369 : i32
              %parallel_loop3A_371 = vector.broadcast %parallel_loop3A_300 : f32 to vector<16xf32>
              %parallel_loop3A_372 = arith.mulf %parallel_loop3A_307, %parallel_loop3A_371 : vector<16xf32>
              %parallel_loop3A_373 = arith.index_cast %parallel_loop3A_370 : i32 to index
              %parallel_loop3A_374 = tpu.vector_load %arg12[%parallel_loop3A_373] {strides = array<i32>} : memref<32768xf32, #tpu.memory_space<vmem>>, vector<16xf32>,
              tpu.vector_store %arg12[%parallel_loop3A_373], %parallel_loop3A_372 {add = true, strides = array<i32>} : memref<32768xf32, #tpu.memory_space<vmem>>, vector<16xf32>,
              %parallel_loop3A_375 = arith.constant 0 : i32
              %parallel_loop3A_376 = arith.addi %parallel_loop3A_302, %parallel_loop3A_375 : i32
              %parallel_loop3A_377 = arith.constant 16 : i32
              %parallel_loop3A_378 = arith.addi %parallel_loop3A_376, %parallel_loop3A_377 : i32
              %parallel_loop3A_379 = vector.broadcast %parallel_loop3A_294 : f32 to vector<16xf32>
              %parallel_loop3A_380 = arith.mulf %parallel_loop3A_312, %parallel_loop3A_379 : vector<16xf32>
              %parallel_loop3A_381 = arith.index_cast %parallel_loop3A_378 : i32 to index
              %parallel_loop3A_382 = tpu.vector_load %arg12[%parallel_loop3A_381] {strides = array<i32>} : memref<32768xf32, #tpu.memory_space<vmem>>, vector<16xf32>,
              tpu.vector_store %arg12[%parallel_loop3A_381], %parallel_loop3A_380 {add = true, strides = array<i32>} : memref<32768xf32, #tpu.memory_space<vmem>>, vector<16xf32>,
              %parallel_loop3A_383 = arith.constant 128 : i32
              %parallel_loop3A_384 = arith.addi %parallel_loop3A_302, %parallel_loop3A_383 : i32
              %parallel_loop3A_385 = arith.constant 16 : i32
              %parallel_loop3A_386 = arith.addi %parallel_loop3A_384, %parallel_loop3A_385 : i32
              %parallel_loop3A_387 = vector.broadcast %parallel_loop3A_296 : f32 to vector<16xf32>
              %parallel_loop3A_388 = arith.mulf %parallel_loop3A_312, %parallel_loop3A_387 : vector<16xf32>
              %parallel_loop3A_389 = arith.index_cast %parallel_loop3A_386 : i32 to index
              %parallel_loop3A_390 = tpu.vector_load %arg12[%parallel_loop3A_389] {strides = array<i32>} : memref<32768xf32, #tpu.memory_space<vmem>>, vector<16xf32>,
              tpu.vector_store %arg12[%parallel_loop3A_389], %parallel_loop3A_388 {add = true, strides = array<i32>} : memref<32768xf32, #tpu.memory_space<vmem>>, vector<16xf32>,
              %parallel_loop3A_391 = arith.constant 256 : i32
              %parallel_loop3A_392 = arith.addi %parallel_loop3A_302, %parallel_loop3A_391 : i32
              %parallel_loop3A_393 = arith.constant 16 : i32
              %parallel_loop3A_394 = arith.addi %parallel_loop3A_392, %parallel_loop3A_393 : i32
              %parallel_loop3A_395 = vector.broadcast %parallel_loop3A_298 : f32 to vector<16xf32>
              %parallel_loop3A_396 = arith.mulf %parallel_loop3A_312, %parallel_loop3A_395 : vector<16xf32>
              %parallel_loop3A_397 = arith.index_cast %parallel_loop3A_394 : i32 to index
              %parallel_loop3A_398 = tpu.vector_load %arg12[%parallel_loop3A_397] {strides = array<i32>} : memref<32768xf32, #tpu.memory_space<vmem>>, vector<16xf32>,
              tpu.vector_store %arg12[%parallel_loop3A_397], %parallel_loop3A_396 {add = true, strides = array<i32>} : memref<32768xf32, #tpu.memory_space<vmem>>, vector<16xf32>,
              %parallel_loop3A_399 = arith.constant 384 : i32
              %parallel_loop3A_400 = arith.addi %parallel_loop3A_302, %parallel_loop3A_399 : i32
              %parallel_loop3A_401 = arith.constant 16 : i32
              %parallel_loop3A_402 = arith.addi %parallel_loop3A_400, %parallel_loop3A_401 : i32
              %parallel_loop3A_403 = vector.broadcast %parallel_loop3A_300 : f32 to vector<16xf32>
              %parallel_loop3A_404 = arith.mulf %parallel_loop3A_312, %parallel_loop3A_403 : vector<16xf32>
              %parallel_loop3A_405 = arith.index_cast %parallel_loop3A_402 : i32 to index
              %parallel_loop3A_406 = tpu.vector_load %arg12[%parallel_loop3A_405] {strides = array<i32>} : memref<32768xf32, #tpu.memory_space<vmem>>, vector<16xf32>,
              tpu.vector_store %arg12[%parallel_loop3A_405], %parallel_loop3A_404 {add = true, strides = array<i32>} : memref<32768xf32, #tpu.memory_space<vmem>>, vector<16xf32>,
              %parallel_loop3A_407 = arith.constant 0 : i32
              %parallel_loop3A_408 = arith.addi %parallel_loop3A_302, %parallel_loop3A_407 : i32
              %parallel_loop3A_409 = arith.constant 32 : i32
              %parallel_loop3A_410 = arith.addi %parallel_loop3A_408, %parallel_loop3A_409 : i32
              %parallel_loop3A_411 = vector.broadcast %parallel_loop3A_294 : f32 to vector<16xf32>
              %parallel_loop3A_412 = arith.mulf %parallel_loop3A_317, %parallel_loop3A_411 : vector<16xf32>
              %parallel_loop3A_413 = arith.index_cast %parallel_loop3A_410 : i32 to index
              %parallel_loop3A_414 = tpu.vector_load %arg12[%parallel_loop3A_413] {strides = array<i32>} : memref<32768xf32, #tpu.memory_space<vmem>>, vector<16xf32>,
              tpu.vector_store %arg12[%parallel_loop3A_413], %parallel_loop3A_412 {add = true, strides = array<i32>} : memref<32768xf32, #tpu.memory_space<vmem>>, vector<16xf32>,
              %parallel_loop3A_415 = arith.constant 128 : i32
              %parallel_loop3A_416 = arith.addi %parallel_loop3A_302, %parallel_loop3A_415 : i32
              %parallel_loop3A_417 = arith.constant 32 : i32
              %parallel_loop3A_418 = arith.addi %parallel_loop3A_416, %parallel_loop3A_417 : i32
              %parallel_loop3A_419 = vector.broadcast %parallel_loop3A_296 : f32 to vector<16xf32>
              %parallel_loop3A_420 = arith.mulf %parallel_loop3A_317, %parallel_loop3A_419 : vector<16xf32>
              %parallel_loop3A_421 = arith.index_cast %parallel_loop3A_418 : i32 to index
              %parallel_loop3A_422 = tpu.vector_load %arg12[%parallel_loop3A_421] {strides = array<i32>} : memref<32768xf32, #tpu.memory_space<vmem>>, vector<16xf32>,
              tpu.vector_store %arg12[%parallel_loop3A_421], %parallel_loop3A_420 {add = true, strides = array<i32>} : memref<32768xf32, #tpu.memory_space<vmem>>, vector<16xf32>,
              %parallel_loop3A_423 = arith.constant 256 : i32
              %parallel_loop3A_424 = arith.addi %parallel_loop3A_302, %parallel_loop3A_423 : i32
              %parallel_loop3A_425 = arith.constant 32 : i32
              %parallel_loop3A_426 = arith.addi %parallel_loop3A_424, %parallel_loop3A_425 : i32
              %parallel_loop3A_427 = vector.broadcast %parallel_loop3A_298 : f32 to vector<16xf32>
              %parallel_loop3A_428 = arith.mulf %parallel_loop3A_317, %parallel_loop3A_427 : vector<16xf32>
              %parallel_loop3A_429 = arith.index_cast %parallel_loop3A_426 : i32 to index
              %parallel_loop3A_430 = tpu.vector_load %arg12[%parallel_loop3A_429] {strides = array<i32>} : memref<32768xf32, #tpu.memory_space<vmem>>, vector<16xf32>,
              tpu.vector_store %arg12[%parallel_loop3A_429], %parallel_loop3A_428 {add = true, strides = array<i32>} : memref<32768xf32, #tpu.memory_space<vmem>>, vector<16xf32>,
              %parallel_loop3A_431 = arith.constant 384 : i32
              %parallel_loop3A_432 = arith.addi %parallel_loop3A_302, %parallel_loop3A_431 : i32
              %parallel_loop3A_433 = arith.constant 32 : i32
              %parallel_loop3A_434 = arith.addi %parallel_loop3A_432, %parallel_loop3A_433 : i32
              %parallel_loop3A_435 = vector.broadcast %parallel_loop3A_300 : f32 to vector<16xf32>
              %parallel_loop3A_436 = arith.mulf %parallel_loop3A_317, %parallel_loop3A_435 : vector<16xf32>
              %parallel_loop3A_437 = arith.index_cast %parallel_loop3A_434 : i32 to index
              %parallel_loop3A_438 = tpu.vector_load %arg12[%parallel_loop3A_437] {strides = array<i32>} : memref<32768xf32, #tpu.memory_space<vmem>>, vector<16xf32>,
              tpu.vector_store %arg12[%parallel_loop3A_437], %parallel_loop3A_436 {add = true, strides = array<i32>} : memref<32768xf32, #tpu.memory_space<vmem>>, vector<16xf32>,
              %parallel_loop3A_439 = arith.constant 0 : i32
              %parallel_loop3A_440 = arith.addi %parallel_loop3A_302, %parallel_loop3A_439 : i32
              %parallel_loop3A_441 = arith.constant 48 : i32
              %parallel_loop3A_442 = arith.addi %parallel_loop3A_440, %parallel_loop3A_441 : i32
              %parallel_loop3A_443 = vector.broadcast %parallel_loop3A_294 : f32 to vector<16xf32>
              %parallel_loop3A_444 = arith.mulf %parallel_loop3A_322, %parallel_loop3A_443 : vector<16xf32>
              %parallel_loop3A_445 = arith.index_cast %parallel_loop3A_442 : i32 to index
              %parallel_loop3A_446 = tpu.vector_load %arg12[%parallel_loop3A_445] {strides = array<i32>} : memref<32768xf32, #tpu.memory_space<vmem>>, vector<16xf32>,
              tpu.vector_store %arg12[%parallel_loop3A_445], %parallel_loop3A_444 {add = true, strides = array<i32>} : memref<32768xf32, #tpu.memory_space<vmem>>, vector<16xf32>,
              %parallel_loop3A_447 = arith.constant 128 : i32
              %parallel_loop3A_448 = arith.addi %parallel_loop3A_302, %parallel_loop3A_447 : i32
              %parallel_loop3A_449 = arith.constant 48 : i32
              %parallel_loop3A_450 = arith.addi %parallel_loop3A_448, %parallel_loop3A_449 : i32
              %parallel_loop3A_451 = vector.broadcast %parallel_loop3A_296 : f32 to vector<16xf32>
              %parallel_loop3A_452 = arith.mulf %parallel_loop3A_322, %parallel_loop3A_451 : vector<16xf32>
              %parallel_loop3A_453 = arith.index_cast %parallel_loop3A_450 : i32 to index
              %parallel_loop3A_454 = tpu.vector_load %arg12[%parallel_loop3A_453] {strides = array<i32>} : memref<32768xf32, #tpu.memory_space<vmem>>, vector<16xf32>,
              tpu.vector_store %arg12[%parallel_loop3A_453], %parallel_loop3A_452 {add = true, strides = array<i32>} : memref<32768xf32, #tpu.memory_space<vmem>>, vector<16xf32>,
              %parallel_loop3A_455 = arith.constant 256 : i32
              %parallel_loop3A_456 = arith.addi %parallel_loop3A_302, %parallel_loop3A_455 : i32
              %parallel_loop3A_457 = arith.constant 48 : i32
              %parallel_loop3A_458 = arith.addi %parallel_loop3A_456, %parallel_loop3A_457 : i32
              %parallel_loop3A_459 = vector.broadcast %parallel_loop3A_298 : f32 to vector<16xf32>
              %parallel_loop3A_460 = arith.mulf %parallel_loop3A_322, %parallel_loop3A_459 : vector<16xf32>
              %parallel_loop3A_461 = arith.index_cast %parallel_loop3A_458 : i32 to index
              %parallel_loop3A_462 = tpu.vector_load %arg12[%parallel_loop3A_461] {strides = array<i32>} : memref<32768xf32, #tpu.memory_space<vmem>>, vector<16xf32>,
              tpu.vector_store %arg12[%parallel_loop3A_461], %parallel_loop3A_460 {add = true, strides = array<i32>} : memref<32768xf32, #tpu.memory_space<vmem>>, vector<16xf32>,
              %parallel_loop3A_463 = arith.constant 384 : i32
              %parallel_loop3A_464 = arith.addi %parallel_loop3A_302, %parallel_loop3A_463 : i32
              %parallel_loop3A_465 = arith.constant 48 : i32
              %parallel_loop3A_466 = arith.addi %parallel_loop3A_464, %parallel_loop3A_465 : i32
              %parallel_loop3A_467 = vector.broadcast %parallel_loop3A_300 : f32 to vector<16xf32>
              %parallel_loop3A_468 = arith.mulf %parallel_loop3A_322, %parallel_loop3A_467 : vector<16xf32>
              %parallel_loop3A_469 = arith.index_cast %parallel_loop3A_466 : i32 to index
              %parallel_loop3A_470 = tpu.vector_load %arg12[%parallel_loop3A_469] {strides = array<i32>} : memref<32768xf32, #tpu.memory_space<vmem>>, vector<16xf32>,
              tpu.vector_store %arg12[%parallel_loop3A_469], %parallel_loop3A_468 {add = true, strides = array<i32>} : memref<32768xf32, #tpu.memory_space<vmem>>, vector<16xf32>,
              %parallel_loop3A_471 = arith.constant 0 : i32
              %parallel_loop3A_472 = arith.addi %parallel_loop3A_302, %parallel_loop3A_471 : i32
              %parallel_loop3A_473 = arith.constant 64 : i32
              %parallel_loop3A_474 = arith.addi %parallel_loop3A_472, %parallel_loop3A_473 : i32
              %parallel_loop3A_475 = vector.broadcast %parallel_loop3A_294 : f32 to vector<16xf32>
              %parallel_loop3A_476 = arith.mulf %parallel_loop3A_327, %parallel_loop3A_475 : vector<16xf32>
              %parallel_loop3A_477 = arith.index_cast %parallel_loop3A_474 : i32 to index
              %parallel_loop3A_478 = tpu.vector_load %arg12[%parallel_loop3A_477] {strides = array<i32>} : memref<32768xf32, #tpu.memory_space<vmem>>, vector<16xf32>,
              tpu.vector_store %arg12[%parallel_loop3A_477], %parallel_loop3A_476 {add = true, strides = array<i32>} : memref<32768xf32, #tpu.memory_space<vmem>>, vector<16xf32>,
              %parallel_loop3A_479 = arith.constant 128 : i32
              %parallel_loop3A_480 = arith.addi %parallel_loop3A_302, %parallel_loop3A_479 : i32
              %parallel_loop3A_481 = arith.constant 64 : i32
              %parallel_loop3A_482 = arith.addi %parallel_loop3A_480, %parallel_loop3A_481 : i32
              %parallel_loop3A_483 = vector.broadcast %parallel_loop3A_296 : f32 to vector<16xf32>
              %parallel_loop3A_484 = arith.mulf %parallel_loop3A_327, %parallel_loop3A_483 : vector<16xf32>
              %parallel_loop3A_485 = arith.index_cast %parallel_loop3A_482 : i32 to index
              %parallel_loop3A_486 = tpu.vector_load %arg12[%parallel_loop3A_485] {strides = array<i32>} : memref<32768xf32, #tpu.memory_space<vmem>>, vector<16xf32>,
              tpu.vector_store %arg12[%parallel_loop3A_485], %parallel_loop3A_484 {add = true, strides = array<i32>} : memref<32768xf32, #tpu.memory_space<vmem>>, vector<16xf32>,
              %parallel_loop3A_487 = arith.constant 256 : i32
              %parallel_loop3A_488 = arith.addi %parallel_loop3A_302, %parallel_loop3A_487 : i32
              %parallel_loop3A_489 = arith.constant 64 : i32
              %parallel_loop3A_490 = arith.addi %parallel_loop3A_488, %parallel_loop3A_489 : i32
              %parallel_loop3A_491 = vector.broadcast %parallel_loop3A_298 : f32 to vector<16xf32>
              %parallel_loop3A_492 = arith.mulf %parallel_loop3A_327, %parallel_loop3A_491 : vector<16xf32>
              %parallel_loop3A_493 = arith.index_cast %parallel_loop3A_490 : i32 to index
              %parallel_loop3A_494 = tpu.vector_load %arg12[%parallel_loop3A_493] {strides = array<i32>} : memref<32768xf32, #tpu.memory_space<vmem>>, vector<16xf32>,
              tpu.vector_store %arg12[%parallel_loop3A_493], %parallel_loop3A_492 {add = true, strides = array<i32>} : memref<32768xf32, #tpu.memory_space<vmem>>, vector<16xf32>,
              %parallel_loop3A_495 = arith.constant 384 : i32
              %parallel_loop3A_496 = arith.addi %parallel_loop3A_302, %parallel_loop3A_495 : i32
              %parallel_loop3A_497 = arith.constant 64 : i32
              %parallel_loop3A_498 = arith.addi %parallel_loop3A_496, %parallel_loop3A_497 : i32
              %parallel_loop3A_499 = vector.broadcast %parallel_loop3A_300 : f32 to vector<16xf32>
              %parallel_loop3A_500 = arith.mulf %parallel_loop3A_327, %parallel_loop3A_499 : vector<16xf32>
              %parallel_loop3A_501 = arith.index_cast %parallel_loop3A_498 : i32 to index
              %parallel_loop3A_502 = tpu.vector_load %arg12[%parallel_loop3A_501] {strides = array<i32>} : memref<32768xf32, #tpu.memory_space<vmem>>, vector<16xf32>,
              tpu.vector_store %arg12[%parallel_loop3A_501], %parallel_loop3A_500 {add = true, strides = array<i32>} : memref<32768xf32, #tpu.memory_space<vmem>>, vector<16xf32>,
              %parallel_loop3A_503 = arith.constant 0 : i32
              %parallel_loop3A_504 = arith.addi %parallel_loop3A_302, %parallel_loop3A_503 : i32
              %parallel_loop3A_505 = arith.constant 80 : i32
              %parallel_loop3A_506 = arith.addi %parallel_loop3A_504, %parallel_loop3A_505 : i32
              %parallel_loop3A_507 = vector.broadcast %parallel_loop3A_294 : f32 to vector<16xf32>
              %parallel_loop3A_508 = arith.mulf %parallel_loop3A_332, %parallel_loop3A_507 : vector<16xf32>
              %parallel_loop3A_509 = arith.index_cast %parallel_loop3A_506 : i32 to index
              %parallel_loop3A_510 = tpu.vector_load %arg12[%parallel_loop3A_509] {strides = array<i32>} : memref<32768xf32, #tpu.memory_space<vmem>>, vector<16xf32>,
              tpu.vector_store %arg12[%parallel_loop3A_509], %parallel_loop3A_508 {add = true, strides = array<i32>} : memref<32768xf32, #tpu.memory_space<vmem>>, vector<16xf32>,
              %parallel_loop3A_511 = arith.constant 128 : i32
              %parallel_loop3A_512 = arith.addi %parallel_loop3A_302, %parallel_loop3A_511 : i32
              %parallel_loop3A_513 = arith.constant 80 : i32
              %parallel_loop3A_514 = arith.addi %parallel_loop3A_512, %parallel_loop3A_513 : i32
              %parallel_loop3A_515 = vector.broadcast %parallel_loop3A_296 : f32 to vector<16xf32>
              %parallel_loop3A_516 = arith.mulf %parallel_loop3A_332, %parallel_loop3A_515 : vector<16xf32>
              %parallel_loop3A_517 = arith.index_cast %parallel_loop3A_514 : i32 to index
              %parallel_loop3A_518 = tpu.vector_load %arg12[%parallel_loop3A_517] {strides = array<i32>} : memref<32768xf32, #tpu.memory_space<vmem>>, vector<16xf32>,
              tpu.vector_store %arg12[%parallel_loop3A_517], %parallel_loop3A_516 {add = true, strides = array<i32>} : memref<32768xf32, #tpu.memory_space<vmem>>, vector<16xf32>,
              %parallel_loop3A_519 = arith.constant 256 : i32
              %parallel_loop3A_520 = arith.addi %parallel_loop3A_302, %parallel_loop3A_519 : i32
              %parallel_loop3A_521 = arith.constant 80 : i32
              %parallel_loop3A_522 = arith.addi %parallel_loop3A_520, %parallel_loop3A_521 : i32
              %parallel_loop3A_523 = vector.broadcast %parallel_loop3A_298 : f32 to vector<16xf32>
              %parallel_loop3A_524 = arith.mulf %parallel_loop3A_332, %parallel_loop3A_523 : vector<16xf32>
              %parallel_loop3A_525 = arith.index_cast %parallel_loop3A_522 : i32 to index
              %parallel_loop3A_526 = tpu.vector_load %arg12[%parallel_loop3A_525] {strides = array<i32>} : memref<32768xf32, #tpu.memory_space<vmem>>, vector<16xf32>,
              tpu.vector_store %arg12[%parallel_loop3A_525], %parallel_loop3A_524 {add = true, strides = array<i32>} : memref<32768xf32, #tpu.memory_space<vmem>>, vector<16xf32>,
              %parallel_loop3A_527 = arith.constant 384 : i32
              %parallel_loop3A_528 = arith.addi %parallel_loop3A_302, %parallel_loop3A_527 : i32
              %parallel_loop3A_529 = arith.constant 80 : i32
              %parallel_loop3A_530 = arith.addi %parallel_loop3A_528, %parallel_loop3A_529 : i32
              %parallel_loop3A_531 = vector.broadcast %parallel_loop3A_300 : f32 to vector<16xf32>
              %parallel_loop3A_532 = arith.mulf %parallel_loop3A_332, %parallel_loop3A_531 : vector<16xf32>
              %parallel_loop3A_533 = arith.index_cast %parallel_loop3A_530 : i32 to index
              %parallel_loop3A_534 = tpu.vector_load %arg12[%parallel_loop3A_533] {strides = array<i32>} : memref<32768xf32, #tpu.memory_space<vmem>>, vector<16xf32>,
              tpu.vector_store %arg12[%parallel_loop3A_533], %parallel_loop3A_532 {add = true, strides = array<i32>} : memref<32768xf32, #tpu.memory_space<vmem>>, vector<16xf32>,
              %parallel_loop3A_535 = arith.constant 0 : i32
              %parallel_loop3A_536 = arith.addi %parallel_loop3A_302, %parallel_loop3A_535 : i32
              %parallel_loop3A_537 = arith.constant 96 : i32
              %parallel_loop3A_538 = arith.addi %parallel_loop3A_536, %parallel_loop3A_537 : i32
              %parallel_loop3A_539 = vector.broadcast %parallel_loop3A_294 : f32 to vector<16xf32>
              %parallel_loop3A_540 = arith.mulf %parallel_loop3A_337, %parallel_loop3A_539 : vector<16xf32>
              %parallel_loop3A_541 = arith.index_cast %parallel_loop3A_538 : i32 to index
              %parallel_loop3A_542 = tpu.vector_load %arg12[%parallel_loop3A_541] {strides = array<i32>} : memref<32768xf32, #tpu.memory_space<vmem>>, vector<16xf32>,
              tpu.vector_store %arg12[%parallel_loop3A_541], %parallel_loop3A_540 {add = true, strides = array<i32>} : memref<32768xf32, #tpu.memory_space<vmem>>, vector<16xf32>,
              %parallel_loop3A_543 = arith.constant 128 : i32
              %parallel_loop3A_544 = arith.addi %parallel_loop3A_302, %parallel_loop3A_543 : i32
              %parallel_loop3A_545 = arith.constant 96 : i32
              %parallel_loop3A_546 = arith.addi %parallel_loop3A_544, %parallel_loop3A_545 : i32
              %parallel_loop3A_547 = vector.broadcast %parallel_loop3A_296 : f32 to vector<16xf32>
              %parallel_loop3A_548 = arith.mulf %parallel_loop3A_337, %parallel_loop3A_547 : vector<16xf32>
              %parallel_loop3A_549 = arith.index_cast %parallel_loop3A_546 : i32 to index
              %parallel_loop3A_550 = tpu.vector_load %arg12[%parallel_loop3A_549] {strides = array<i32>} : memref<32768xf32, #tpu.memory_space<vmem>>, vector<16xf32>,
              tpu.vector_store %arg12[%parallel_loop3A_549], %parallel_loop3A_548 {add = true, strides = array<i32>} : memref<32768xf32, #tpu.memory_space<vmem>>, vector<16xf32>,
              %parallel_loop3A_551 = arith.constant 256 : i32
              %parallel_loop3A_552 = arith.addi %parallel_loop3A_302, %parallel_loop3A_551 : i32
              %parallel_loop3A_553 = arith.constant 96 : i32
              %parallel_loop3A_554 = arith.addi %parallel_loop3A_552, %parallel_loop3A_553 : i32
              %parallel_loop3A_555 = vector.broadcast %parallel_loop3A_298 : f32 to vector<16xf32>
              %parallel_loop3A_556 = arith.mulf %parallel_loop3A_337, %parallel_loop3A_555 : vector<16xf32>
              %parallel_loop3A_557 = arith.index_cast %parallel_loop3A_554 : i32 to index
              %parallel_loop3A_558 = tpu.vector_load %arg12[%parallel_loop3A_557] {strides = array<i32>} : memref<32768xf32, #tpu.memory_space<vmem>>, vector<16xf32>,
              tpu.vector_store %arg12[%parallel_loop3A_557], %parallel_loop3A_556 {add = true, strides = array<i32>} : memref<32768xf32, #tpu.memory_space<vmem>>, vector<16xf32>,
              %parallel_loop3A_559 = arith.constant 384 : i32
              %parallel_loop3A_560 = arith.addi %parallel_loop3A_302, %parallel_loop3A_559 : i32
              %parallel_loop3A_561 = arith.constant 96 : i32
              %parallel_loop3A_562 = arith.addi %parallel_loop3A_560, %parallel_loop3A_561 : i32
              %parallel_loop3A_563 = vector.broadcast %parallel_loop3A_300 : f32 to vector<16xf32>
              %parallel_loop3A_564 = arith.mulf %parallel_loop3A_337, %parallel_loop3A_563 : vector<16xf32>
              %parallel_loop3A_565 = arith.index_cast %parallel_loop3A_562 : i32 to index
              %parallel_loop3A_566 = tpu.vector_load %arg12[%parallel_loop3A_565] {strides = array<i32>} : memref<32768xf32, #tpu.memory_space<vmem>>, vector<16xf32>,
              tpu.vector_store %arg12[%parallel_loop3A_565], %parallel_loop3A_564 {add = true, strides = array<i32>} : memref<32768xf32, #tpu.memory_space<vmem>>, vector<16xf32>,
              %parallel_loop3A_567 = arith.constant 0 : i32
              %parallel_loop3A_568 = arith.addi %parallel_loop3A_302, %parallel_loop3A_567 : i32
              %parallel_loop3A_569 = arith.constant 112 : i32
              %parallel_loop3A_570 = arith.addi %parallel_loop3A_568, %parallel_loop3A_569 : i32
              %parallel_loop3A_571 = vector.broadcast %parallel_loop3A_294 : f32 to vector<16xf32>
              %parallel_loop3A_572 = arith.mulf %parallel_loop3A_342, %parallel_loop3A_571 : vector<16xf32>
              %parallel_loop3A_573 = arith.index_cast %parallel_loop3A_570 : i32 to index
              %parallel_loop3A_574 = tpu.vector_load %arg12[%parallel_loop3A_573] {strides = array<i32>} : memref<32768xf32, #tpu.memory_space<vmem>>, vector<16xf32>,
              tpu.vector_store %arg12[%parallel_loop3A_573], %parallel_loop3A_572 {add = true, strides = array<i32>} : memref<32768xf32, #tpu.memory_space<vmem>>, vector<16xf32>,
              %parallel_loop3A_575 = arith.constant 128 : i32
              %parallel_loop3A_576 = arith.addi %parallel_loop3A_302, %parallel_loop3A_575 : i32
              %parallel_loop3A_577 = arith.constant 112 : i32
              %parallel_loop3A_578 = arith.addi %parallel_loop3A_576, %parallel_loop3A_577 : i32
              %parallel_loop3A_579 = vector.broadcast %parallel_loop3A_296 : f32 to vector<16xf32>
              %parallel_loop3A_580 = arith.mulf %parallel_loop3A_342, %parallel_loop3A_579 : vector<16xf32>
              %parallel_loop3A_581 = arith.index_cast %parallel_loop3A_578 : i32 to index
              %parallel_loop3A_582 = tpu.vector_load %arg12[%parallel_loop3A_581] {strides = array<i32>} : memref<32768xf32, #tpu.memory_space<vmem>>, vector<16xf32>,
              tpu.vector_store %arg12[%parallel_loop3A_581], %parallel_loop3A_580 {add = true, strides = array<i32>} : memref<32768xf32, #tpu.memory_space<vmem>>, vector<16xf32>,
              %parallel_loop3A_583 = arith.constant 256 : i32
              %parallel_loop3A_584 = arith.addi %parallel_loop3A_302, %parallel_loop3A_583 : i32
              %parallel_loop3A_585 = arith.constant 112 : i32
              %parallel_loop3A_586 = arith.addi %parallel_loop3A_584, %parallel_loop3A_585 : i32
              %parallel_loop3A_587 = vector.broadcast %parallel_loop3A_298 : f32 to vector<16xf32>
              %parallel_loop3A_588 = arith.mulf %parallel_loop3A_342, %parallel_loop3A_587 : vector<16xf32>
              %parallel_loop3A_589 = arith.index_cast %parallel_loop3A_586 : i32 to index
              %parallel_loop3A_590 = tpu.vector_load %arg12[%parallel_loop3A_589] {strides = array<i32>} : memref<32768xf32, #tpu.memory_space<vmem>>, vector<16xf32>,
              tpu.vector_store %arg12[%parallel_loop3A_589], %parallel_loop3A_588 {add = true, strides = array<i32>} : memref<32768xf32, #tpu.memory_space<vmem>>, vector<16xf32>,
              %parallel_loop3A_591 = arith.constant 384 : i32
              %parallel_loop3A_592 = arith.addi %parallel_loop3A_302, %parallel_loop3A_591 : i32
              %parallel_loop3A_593 = arith.constant 112 : i32
              %parallel_loop3A_594 = arith.addi %parallel_loop3A_592, %parallel_loop3A_593 : i32
              %parallel_loop3A_595 = vector.broadcast %parallel_loop3A_300 : f32 to vector<16xf32>
              %parallel_loop3A_596 = arith.mulf %parallel_loop3A_342, %parallel_loop3A_595 : vector<16xf32>
              %parallel_loop3A_597 = arith.index_cast %parallel_loop3A_594 : i32 to index
              %parallel_loop3A_598 = tpu.vector_load %arg12[%parallel_loop3A_597] {strides = array<i32>} : memref<32768xf32, #tpu.memory_space<vmem>>, vector<16xf32>,
              tpu.vector_store %arg12[%parallel_loop3A_597], %parallel_loop3A_596 {add = true, strides = array<i32>} : memref<32768xf32, #tpu.memory_space<vmem>>, vector<16xf32>,
            } {sc.loop_unroll_factor = 2 : i64, sc.parallel_access}
            %add3A_272 = arith.constant 128 : i32
            %add3A_273 = arith.addi %while3A_184, %add3A_272 : i32
            scf.yield %add3A_273 : i32
          }
          scf.yield %while3A_174, %while3A_183 : vector<16xi32>, i32
        }
        %while3A_150 = arith.constant 1 : i32
        %while3A_151:2 = scf.for %while3A_152 = %while3A_147 to %while3A_143 step %while3A_150 iter_args(%while3A_153 = %while3A_149#0, %while3A_154 = %while3A_149#1) -> (vector<16xi32>, i32)  : i32 {
          %mul3A_155 = arith.constant 10240 : i32
          %mul3A_156 = arith.muli %scan3A_102, %mul3A_155 : i32
          %mul3A_157 = arith.constant 2000 : i32
          %mul3A_158 = arith.muli %while3A_152, %mul3A_157 : i32
          %add3A_159 = arith.addi %mul3A_156, %mul3A_158 : i32
          "tpu.region"() ({
            %run_scoped3A = tpu.sem_alloc : memref<!tpu.dma_semaphore, #tpu.memory_space<semaphore_mem>>
            %dma_start3A = tpu.memref_slice %arg3[%add3A_159] : memref<327680xi32, #tpu.memory_space<hbm>> -> memref<2000xi32, #tpu.memory_space<hbm>>
            %dma_start3A_184 = tpu.memref_slice %arg3[%add3A_159] : memref<327680xi32, #tpu.memory_space<hbm>> -> memref<2000xi32, #tpu.memory_space<hbm>>
            tpu.enqueue_dma source(%dma_start3A_184 : memref<2000xi32, #tpu.memory_space<hbm>>) target(%arg14 : memref<2000xi32, #tpu.memory_space<vmem>>) target_semaphore(%run_scoped3A : memref<!tpu.dma_semaphore, #tpu.memory_space<semaphore_mem>>)
            %dma_wait3A = tpu.memref_slice %arg3[%add3A_159] : memref<327680xi32, #tpu.memory_space<hbm>> -> memref<2000xi32, #tpu.memory_space<hbm>>
            %dma_wait3A_185 = tpu.memref_slice %arg3[%add3A_159] : memref<327680xi32, #tpu.memory_space<hbm>> -> memref<2000xi32, #tpu.memory_space<hbm>>
            tpu.wait_dma2 semaphore(%run_scoped3A : memref<!tpu.dma_semaphore, #tpu.memory_space<semaphore_mem>>) src(%dma_wait3A_185 : memref<2000xi32, #tpu.memory_space<hbm>>) dst(%arg14 : memref<2000xi32, #tpu.memory_space<vmem>>)
            tpu.yield
          }) : () -> ()
          %mul3A_160 = arith.constant 125 : i32
          %mul3A_161 = arith.muli %while3A_152, %mul3A_160 : i32
          %sub3A_162 = arith.subi %shift_right_arithmetic3A_112, %mul3A_161 : i32
          %min3A = arith.constant 125 : i32
          %min3A_163 = arith.minsi %sub3A_162, %min3A : i32
          %while3A_164 = arith.constant 0 : i32
          %while3A_165 = arith.subi %min3A_163, %while3A_164 : i32
          %while3A_166 = arith.addi %while3A_164, %while3A_165 : i32
          %while3A_167 = arith.constant 1 : i32
          %while3A_168 = arith.divsi %while3A_165, %while3A_167 : i32
          %while3A_169 = arith.muli %while3A_168, %while3A_167 : i32
          %while3A_170 = arith.addi %while3A_164, %while3A_169 : i32
          %while3A_171 = arith.constant 1 : i32
          %while3A_172 = scf.for %while3A_184 = %while3A_164 to %while3A_170 step %while3A_171 iter_args(%while3A_185 = %while3A_153) -> (vector<16xi32>)  : i32 {
            %mul3A_186 = arith.constant 16 : i32
            %mul3A_187 = arith.muli %while3A_184, %mul3A_186 : i32
            %get3A_188 = arith.index_cast %mul3A_187 : i32 to index
            %get3A_189 = tpu.vector_load %arg14[%get3A_188] {strides = array<i32>} : memref<2000xi32, #tpu.memory_space<vmem>>, vector<16xi32>,
            %shift_right_arithmetic3A_190 = arith.constant 18 : i32
            %shift_right_arithmetic3A_191 = vector.broadcast %shift_right_arithmetic3A_190 : i32 to vector<16xi32>
            %shift_right_arithmetic3A_192 = arith.shrsi %get3A_189, %shift_right_arithmetic3A_191 : vector<16xi32>
            %and3A_193 = arith.constant 16383 : i32
            %and3A_194 = vector.broadcast %and3A_193 : i32 to vector<16xi32>
            %and3A_195 = arith.andi %shift_right_arithmetic3A_192, %and3A_194 : vector<16xi32>
            %ge3A = vector.broadcast %mul3A_13 : i32 to vector<16xi32>
            %ge3A_196 = arith.cmpi sge, %and3A_195, %ge3A : vector<16xi32>
            %add3A_197 = arith.constant 64 : i32
            %add3A_198 = arith.addi %mul3A_13, %add3A_197 : i32
            %lt3A = vector.broadcast %add3A_198 : i32 to vector<16xi32>
            %lt3A_199 = arith.cmpi slt, %and3A_195, %lt3A : vector<16xi32>
            %and3A_200 = arith.andi %ge3A_196, %lt3A_199 : vector<16xi1>
            %convert_element_type3A_201 = arith.extui %and3A_200 : vector<16xi1> to vector<16xi32>
            %broadcast_in_dim3A_202 = arith.constant true
            %broadcast_in_dim3A_203 = vector.broadcast %broadcast_in_dim3A_202 : i1 to vector<16xi1>
            %masked_cumsum3A = tpu.scan <sum>, %convert_element_type3A_201 masked %broadcast_in_dim3A_203 : vector<16xi32>, vector<16xi1> -> vector<16xi32>
            %add3A_204 = arith.addi %while3A_185, %masked_cumsum3A : vector<16xi32>
            %sub3A_205 = arith.constant 1 : i32
            %sub3A_206 = vector.broadcast %sub3A_205 : i32 to vector<16xi32>
            %sub3A_207 = arith.subi %add3A_204, %sub3A_206 : vector<16xi32>
            %and3A_208 = arith.constant 8191 : i32
            %and3A_209 = vector.broadcast %and3A_208 : i32 to vector<16xi32>
            %and3A_210 = arith.andi %sub3A_207, %and3A_209 : vector<16xi32>
            tpu.vector_store_idx %arg8[%and3A_210], %get3A_189 masked %and3A_200 : memref<8208xi32, #tpu.memory_space<vmem>>[vector<16xi32>], vector<16xi32>, vector<16xi1>
            %all_reduce_population_count3A = tpu.all_reduce %and3A_200 {dim = 0 : i64, kind = #tpu.reduction_kind<sum>} : vector<16xi1> -> vector<16xi32>
            %add3A_211 = arith.addi %while3A_185, %all_reduce_population_count3A : vector<16xi32>
            scf.yield %add3A_211 : vector<16xi32>
          }
          %while3A_173 = arith.constant 1 : i32
          %while3A_174 = scf.for %while3A_184 = %while3A_170 to %while3A_166 step %while3A_173 iter_args(%while3A_185 = %while3A_172) -> (vector<16xi32>)  : i32 {
            %mul3A_186 = arith.constant 16 : i32
            %mul3A_187 = arith.muli %while3A_184, %mul3A_186 : i32
            %get3A_188 = arith.index_cast %mul3A_187 : i32 to index
            %get3A_189 = tpu.vector_load %arg14[%get3A_188] {strides = array<i32>} : memref<2000xi32, #tpu.memory_space<vmem>>, vector<16xi32>,
            %shift_right_arithmetic3A_190 = arith.constant 18 : i32
            %shift_right_arithmetic3A_191 = vector.broadcast %shift_right_arithmetic3A_190 : i32 to vector<16xi32>
            %shift_right_arithmetic3A_192 = arith.shrsi %get3A_189, %shift_right_arithmetic3A_191 : vector<16xi32>
            %and3A_193 = arith.constant 16383 : i32
            %and3A_194 = vector.broadcast %and3A_193 : i32 to vector<16xi32>
            %and3A_195 = arith.andi %shift_right_arithmetic3A_192, %and3A_194 : vector<16xi32>
            %ge3A = vector.broadcast %mul3A_13 : i32 to vector<16xi32>
            %ge3A_196 = arith.cmpi sge, %and3A_195, %ge3A : vector<16xi32>
            %add3A_197 = arith.constant 64 : i32
            %add3A_198 = arith.addi %mul3A_13, %add3A_197 : i32
            %lt3A = vector.broadcast %add3A_198 : i32 to vector<16xi32>
            %lt3A_199 = arith.cmpi slt, %and3A_195, %lt3A : vector<16xi32>
            %and3A_200 = arith.andi %ge3A_196, %lt3A_199 : vector<16xi1>
            %convert_element_type3A_201 = arith.extui %and3A_200 : vector<16xi1> to vector<16xi32>
            %broadcast_in_dim3A_202 = arith.constant true
            %broadcast_in_dim3A_203 = vector.broadcast %broadcast_in_dim3A_202 : i1 to vector<16xi1>
            %masked_cumsum3A = tpu.scan <sum>, %convert_element_type3A_201 masked %broadcast_in_dim3A_203 : vector<16xi32>, vector<16xi1> -> vector<16xi32>
            %add3A_204 = arith.addi %while3A_185, %masked_cumsum3A : vector<16xi32>
            %sub3A_205 = arith.constant 1 : i32
            %sub3A_206 = vector.broadcast %sub3A_205 : i32 to vector<16xi32>
            %sub3A_207 = arith.subi %add3A_204, %sub3A_206 : vector<16xi32>
            %and3A_208 = arith.constant 8191 : i32
            %and3A_209 = vector.broadcast %and3A_208 : i32 to vector<16xi32>
            %and3A_210 = arith.andi %sub3A_207, %and3A_209 : vector<16xi32>
            tpu.vector_store_idx %arg8[%and3A_210], %get3A_189 masked %and3A_200 : memref<8208xi32, #tpu.memory_space<vmem>>[vector<16xi32>], vector<16xi32>, vector<16xi1>
            %all_reduce_population_count3A = tpu.all_reduce %and3A_200 {dim = 0 : i64, kind = #tpu.reduction_kind<sum>} : vector<16xi1> -> vector<16xi32>
            %add3A_211 = arith.addi %while3A_185, %all_reduce_population_count3A : vector<16xi32>
            scf.yield %add3A_211 : vector<16xi32>
          }
          %reduce_max3A_175 = arith.constant true
          %reduce_max3A_176 = vector.broadcast %reduce_max3A_175 : i1 to vector<16xi1>
          %reduce_max3A_177 = arith.constant -2147483648 : i32
          %reduce_max3A_178 = vector.broadcast %reduce_max3A_177 : i32 to vector<16xi32>
          %reduce_max3A_179 = arith.xori %while3A_174, %reduce_max3A_178 : vector<16xi32>
          %reduce_max3A_180 = tpu.scan <max>, %reduce_max3A_179 masked %reduce_max3A_176 : vector<16xi32>, vector<16xi1> -> vector<16xi32>
          %reduce_max3A_181 = arith.xori %reduce_max3A_180, %reduce_max3A_178 : vector<16xi32>
          %reduce_max3A_182 = vector.extract %reduce_max3A_181[15] : i32 from vector<16xi32>
          %while3A_183 = scf.while (%while3A_184 = %while3A_154) : (i32) -> i32 {
            %add3A_185 = arith.constant 128 : i32
            %add3A_186 = arith.addi %while3A_184, %add3A_185 : i32
            %le3A = arith.cmpi sle, %add3A_186, %reduce_max3A_182 : i32
            scf.condition(%le3A) %while3A_184 : i32
          } do {
          ^bb0(%while3A_184: i32):
            %and3A_185 = arith.constant 8191 : i32
            %and3A_186 = arith.andi %while3A_184, %and3A_185 : i32
            %multiple_of3A_187 = tpu.assume_multiple %and3A_186, 128 : i32
            %add3A_188 = arith.constant 0 : i32
            %add3A_189 = arith.addi %multiple_of3A_187, %add3A_188 : i32
            %get3A_190 = arith.index_cast %add3A_189 : i32 to index
            %get3A_191 = tpu.vector_load %arg8[%get3A_190] {strides = array<i32>} : memref<8208xi32, #tpu.memory_space<vmem>>, vector<16xi32>,
            %and3A_192 = arith.constant 16383 : i32
            %and3A_193 = vector.broadcast %and3A_192 : i32 to vector<16xi32>
            %and3A_194 = arith.andi %get3A_191, %and3A_193 : vector<16xi32>
            %swap3A = arith.constant 0 : index
            %swap3A_195 = tpu.vector_load %arg9[%swap3A] {strides = array<i32>} : memref<128xi32, #tpu.memory_space<vmem>>, vector<16xi32>,
            tpu.vector_store %arg9[%swap3A], %and3A_194 {strides = array<i32>} : memref<128xi32, #tpu.memory_space<vmem>>, vector<16xi32>,
            %add3A_196 = arith.constant 16 : i32
            %add3A_197 = arith.addi %multiple_of3A_187, %add3A_196 : i32
            %get3A_198 = arith.index_cast %add3A_197 : i32 to index
            %get3A_199 = tpu.vector_load %arg8[%get3A_198] {strides = array<i32>} : memref<8208xi32, #tpu.memory_space<vmem>>, vector<16xi32>,
            %and3A_200 = arith.constant 16383 : i32
            %and3A_201 = vector.broadcast %and3A_200 : i32 to vector<16xi32>
            %and3A_202 = arith.andi %get3A_199, %and3A_201 : vector<16xi32>
            %swap3A_203 = arith.constant 16 : index
            %swap3A_204 = tpu.vector_load %arg9[%swap3A_203] {strides = array<i32>} : memref<128xi32, #tpu.memory_space<vmem>>, vector<16xi32>,
            tpu.vector_store %arg9[%swap3A_203], %and3A_202 {strides = array<i32>} : memref<128xi32, #tpu.memory_space<vmem>>, vector<16xi32>,
            %add3A_205 = arith.constant 32 : i32
            %add3A_206 = arith.addi %multiple_of3A_187, %add3A_205 : i32
            %get3A_207 = arith.index_cast %add3A_206 : i32 to index
            %get3A_208 = tpu.vector_load %arg8[%get3A_207] {strides = array<i32>} : memref<8208xi32, #tpu.memory_space<vmem>>, vector<16xi32>,
            %and3A_209 = arith.constant 16383 : i32
            %and3A_210 = vector.broadcast %and3A_209 : i32 to vector<16xi32>
            %and3A_211 = arith.andi %get3A_208, %and3A_210 : vector<16xi32>
            %swap3A_212 = arith.constant 32 : index
            %swap3A_213 = tpu.vector_load %arg9[%swap3A_212] {strides = array<i32>} : memref<128xi32, #tpu.memory_space<vmem>>, vector<16xi32>,
            tpu.vector_store %arg9[%swap3A_212], %and3A_211 {strides = array<i32>} : memref<128xi32, #tpu.memory_space<vmem>>, vector<16xi32>,
            %add3A_214 = arith.constant 48 : i32
            %add3A_215 = arith.addi %multiple_of3A_187, %add3A_214 : i32
            %get3A_216 = arith.index_cast %add3A_215 : i32 to index
            %get3A_217 = tpu.vector_load %arg8[%get3A_216] {strides = array<i32>} : memref<8208xi32, #tpu.memory_space<vmem>>, vector<16xi32>,
            %and3A_218 = arith.constant 16383 : i32
            %and3A_219 = vector.broadcast %and3A_218 : i32 to vector<16xi32>
            %and3A_220 = arith.andi %get3A_217, %and3A_219 : vector<16xi32>
            %swap3A_221 = arith.constant 48 : index
            %swap3A_222 = tpu.vector_load %arg9[%swap3A_221] {strides = array<i32>} : memref<128xi32, #tpu.memory_space<vmem>>, vector<16xi32>,
            tpu.vector_store %arg9[%swap3A_221], %and3A_220 {strides = array<i32>} : memref<128xi32, #tpu.memory_space<vmem>>, vector<16xi32>,
            %add3A_223 = arith.constant 64 : i32
            %add3A_224 = arith.addi %multiple_of3A_187, %add3A_223 : i32
            %get3A_225 = arith.index_cast %add3A_224 : i32 to index
            %get3A_226 = tpu.vector_load %arg8[%get3A_225] {strides = array<i32>} : memref<8208xi32, #tpu.memory_space<vmem>>, vector<16xi32>,
            %and3A_227 = arith.constant 16383 : i32
            %and3A_228 = vector.broadcast %and3A_227 : i32 to vector<16xi32>
            %and3A_229 = arith.andi %get3A_226, %and3A_228 : vector<16xi32>
            %swap3A_230 = arith.constant 64 : index
            %swap3A_231 = tpu.vector_load %arg9[%swap3A_230] {strides = array<i32>} : memref<128xi32, #tpu.memory_space<vmem>>, vector<16xi32>,
            tpu.vector_store %arg9[%swap3A_230], %and3A_229 {strides = array<i32>} : memref<128xi32, #tpu.memory_space<vmem>>, vector<16xi32>,
            %add3A_232 = arith.constant 80 : i32
            %add3A_233 = arith.addi %multiple_of3A_187, %add3A_232 : i32
            %get3A_234 = arith.index_cast %add3A_233 : i32 to index
            %get3A_235 = tpu.vector_load %arg8[%get3A_234] {strides = array<i32>} : memref<8208xi32, #tpu.memory_space<vmem>>, vector<16xi32>,
            %and3A_236 = arith.constant 16383 : i32
            %and3A_237 = vector.broadcast %and3A_236 : i32 to vector<16xi32>
            %and3A_238 = arith.andi %get3A_235, %and3A_237 : vector<16xi32>
            %swap3A_239 = arith.constant 80 : index
            %swap3A_240 = tpu.vector_load %arg9[%swap3A_239] {strides = array<i32>} : memref<128xi32, #tpu.memory_space<vmem>>, vector<16xi32>,
            tpu.vector_store %arg9[%swap3A_239], %and3A_238 {strides = array<i32>} : memref<128xi32, #tpu.memory_space<vmem>>, vector<16xi32>,
            %add3A_241 = arith.constant 96 : i32
            %add3A_242 = arith.addi %multiple_of3A_187, %add3A_241 : i32
            %get3A_243 = arith.index_cast %add3A_242 : i32 to index
            %get3A_244 = tpu.vector_load %arg8[%get3A_243] {strides = array<i32>} : memref<8208xi32, #tpu.memory_space<vmem>>, vector<16xi32>,
            %and3A_245 = arith.constant 16383 : i32
            %and3A_246 = vector.broadcast %and3A_245 : i32 to vector<16xi32>
            %and3A_247 = arith.andi %get3A_244, %and3A_246 : vector<16xi32>
            %swap3A_248 = arith.constant 96 : index
            %swap3A_249 = tpu.vector_load %arg9[%swap3A_248] {strides = array<i32>} : memref<128xi32, #tpu.memory_space<vmem>>, vector<16xi32>,
            tpu.vector_store %arg9[%swap3A_248], %and3A_247 {strides = array<i32>} : memref<128xi32, #tpu.memory_space<vmem>>, vector<16xi32>,
            %add3A_250 = arith.constant 112 : i32
            %add3A_251 = arith.addi %multiple_of3A_187, %add3A_250 : i32
            %get3A_252 = arith.index_cast %add3A_251 : i32 to index
            %get3A_253 = tpu.vector_load %arg8[%get3A_252] {strides = array<i32>} : memref<8208xi32, #tpu.memory_space<vmem>>, vector<16xi32>,
            %and3A_254 = arith.constant 16383 : i32
            %and3A_255 = vector.broadcast %and3A_254 : i32 to vector<16xi32>
            %and3A_256 = arith.andi %get3A_253, %and3A_255 : vector<16xi32>
            %swap3A_257 = arith.constant 112 : index
            %swap3A_258 = tpu.vector_load %arg9[%swap3A_257] {strides = array<i32>} : memref<128xi32, #tpu.memory_space<vmem>>, vector<16xi32>,
            tpu.vector_store %arg9[%swap3A_257], %and3A_256 {strides = array<i32>} : memref<128xi32, #tpu.memory_space<vmem>>, vector<16xi32>,
            %dma_start3A = arith.constant 0 : i32
            %dma_start3A_259 = arith.constant 0 : i32
            %dma_start3A_260 = tpu.memref_slice %arg11[%dma_start3A, %dma_start3A_259] : memref<256x128xf32, #tpu.memory_space<vmem>> -> memref<128x128xf32, #tpu.memory_space<vmem>>
            %dma_start3A_261 = arith.constant 0 : i32
            %dma_start3A_262 = arith.constant 0 : i32
            %dma_start3A_263 = tpu.memref_slice %arg5[%dma_start3A_261, %dma_start3A_262] : memref<10000x128xf32, #tpu.memory_space<hbm>> -> memref<10000x128xf32, #tpu.memory_space<hbm>>
            tpu.enqueue_indirect_dma source(%dma_start3A_263 : memref<10000x128xf32, #tpu.memory_space<hbm>>) target(%dma_start3A_260 : memref<128x128xf32, #tpu.memory_space<vmem>>) offsets(%arg9 : memref<128xi32, #tpu.memory_space<vmem>>) semaphore(%arg18 : memref<!tpu.dma_semaphore, #tpu.memory_space<semaphore_mem>>)
            %dma_wait3A = arith.constant 0 : i32
            %dma_wait3A_264 = arith.constant 0 : i32
            %dma_wait3A_265 = tpu.memref_slice %arg11[%dma_wait3A, %dma_wait3A_264] : memref<256x128xf32, #tpu.memory_space<vmem>> -> memref<128x128xf32, #tpu.memory_space<vmem>>
            %dma_wait3A_266 = arith.constant 0 : i32
            %dma_wait3A_267 = arith.constant 0 : i32
            %dma_wait3A_268 = tpu.memref_slice %arg5[%dma_wait3A_266, %dma_wait3A_267] : memref<10000x128xf32, #tpu.memory_space<hbm>> -> memref<10000x128xf32, #tpu.memory_space<hbm>>
            tpu.wait_indirect_dma semaphore(%arg18 : memref<!tpu.dma_semaphore, #tpu.memory_space<semaphore_mem>>) src(%dma_wait3A_268 : memref<10000x128xf32, #tpu.memory_space<hbm>>) dst(%dma_wait3A_265 : memref<128x128xf32, #tpu.memory_space<vmem>>)
            %parallel_loop3A_269 = arith.constant 0 : i32
            %parallel_loop3A_270 = arith.constant 128 : i32
            %parallel_loop3A_271 = arith.constant 1 : i32
            scf.for %parallel_loop3A_274 = %parallel_loop3A_269 to %parallel_loop3A_270 step %parallel_loop3A_271  : i32 {
              %parallel_loop3A_275 = arith.addi %multiple_of3A_187, %parallel_loop3A_274 : i32
              %parallel_loop3A_276 = arith.index_cast %parallel_loop3A_275 : i32 to index
              %parallel_loop3A_277 = tpu.vector_load %arg8[%parallel_loop3A_276] {strides = array<i32>} : memref<8208xi32, #tpu.memory_space<vmem>>, vector<16xi32>,
              %parallel_loop3A_278 = vector.extract_strided_slice %parallel_loop3A_277 {offsets = [0], sizes = [1], strides = [1]} : vector<16xi32> to vector<1xi32>
              %parallel_loop3A_279 = vector.extract %parallel_loop3A_278[0] : i32 from vector<1xi32>
              %parallel_loop3A_280 = arith.constant 18 : i32
              %parallel_loop3A_281 = arith.shrsi %parallel_loop3A_279, %parallel_loop3A_280 : i32
              %parallel_loop3A_282 = arith.constant 16383 : i32
              %parallel_loop3A_283 = arith.andi %parallel_loop3A_281, %parallel_loop3A_282 : i32
              %parallel_loop3A_284 = arith.subi %parallel_loop3A_283, %mul3A_13 : i32
              %parallel_loop3A_285 = arith.constant 14 : i32
              %parallel_loop3A_286 = arith.shrsi %parallel_loop3A_279, %parallel_loop3A_285 : i32
              %parallel_loop3A_287 = arith.constant 15 : i32
              %parallel_loop3A_288 = arith.andi %parallel_loop3A_286, %parallel_loop3A_287 : i32
              %parallel_loop3A_289 = arith.constant 4 : i32
              %parallel_loop3A_290 = arith.muli %parallel_loop3A_288, %parallel_loop3A_289 : i32
              %parallel_loop3A_291 = arith.index_cast %parallel_loop3A_290 : i32 to index
              %parallel_loop3A_292 = tpu.vector_load %arg16[%parallel_loop3A_291] {strides = array<i32>} : memref<80xf32, #tpu.memory_space<vmem>>, vector<16xf32>,
              %parallel_loop3A_293 = vector.extract_strided_slice %parallel_loop3A_292 {offsets = [0], sizes = [1], strides = [1]} : vector<16xf32> to vector<1xf32>
              %parallel_loop3A_294 = vector.extract %parallel_loop3A_293[0] : f32 from vector<1xf32>
              %parallel_loop3A_295 = vector.extract_strided_slice %parallel_loop3A_292 {offsets = [1], sizes = [1], strides = [1]} : vector<16xf32> to vector<1xf32>
              %parallel_loop3A_296 = vector.extract %parallel_loop3A_295[0] : f32 from vector<1xf32>
              %parallel_loop3A_297 = vector.extract_strided_slice %parallel_loop3A_292 {offsets = [2], sizes = [1], strides = [1]} : vector<16xf32> to vector<1xf32>
              %parallel_loop3A_298 = vector.extract %parallel_loop3A_297[0] : f32 from vector<1xf32>
              %parallel_loop3A_299 = vector.extract_strided_slice %parallel_loop3A_292 {offsets = [3], sizes = [1], strides = [1]} : vector<16xf32> to vector<1xf32>
              %parallel_loop3A_300 = vector.extract %parallel_loop3A_299[0] : f32 from vector<1xf32>
              %parallel_loop3A_301 = arith.constant 512 : i32
              %parallel_loop3A_302 = arith.muli %parallel_loop3A_284, %parallel_loop3A_301 : i32
              %parallel_loop3A_303 = arith.constant 0 : i32
              %parallel_loop3A_304 = arith.addi %parallel_loop3A_303, %parallel_loop3A_274 : i32
              %parallel_loop3A_305 = arith.index_cast %parallel_loop3A_304 : i32 to index
              %parallel_loop3A_306 = arith.constant 0 : index
              %parallel_loop3A_307 = tpu.vector_load %arg11[%parallel_loop3A_305, %parallel_loop3A_306] {strides = array<i32>} : memref<256x128xf32, #tpu.memory_space<vmem>>, vector<16xf32>,
              %parallel_loop3A_308 = arith.constant 0 : i32
              %parallel_loop3A_309 = arith.addi %parallel_loop3A_308, %parallel_loop3A_274 : i32
              %parallel_loop3A_310 = arith.index_cast %parallel_loop3A_309 : i32 to index
              %parallel_loop3A_311 = arith.constant 16 : index
              %parallel_loop3A_312 = tpu.vector_load %arg11[%parallel_loop3A_310, %parallel_loop3A_311] {strides = array<i32>} : memref<256x128xf32, #tpu.memory_space<vmem>>, vector<16xf32>,
              %parallel_loop3A_313 = arith.constant 0 : i32
              %parallel_loop3A_314 = arith.addi %parallel_loop3A_313, %parallel_loop3A_274 : i32
              %parallel_loop3A_315 = arith.index_cast %parallel_loop3A_314 : i32 to index
              %parallel_loop3A_316 = arith.constant 32 : index
              %parallel_loop3A_317 = tpu.vector_load %arg11[%parallel_loop3A_315, %parallel_loop3A_316] {strides = array<i32>} : memref<256x128xf32, #tpu.memory_space<vmem>>, vector<16xf32>,
              %parallel_loop3A_318 = arith.constant 0 : i32
              %parallel_loop3A_319 = arith.addi %parallel_loop3A_318, %parallel_loop3A_274 : i32
              %parallel_loop3A_320 = arith.index_cast %parallel_loop3A_319 : i32 to index
              %parallel_loop3A_321 = arith.constant 48 : index
              %parallel_loop3A_322 = tpu.vector_load %arg11[%parallel_loop3A_320, %parallel_loop3A_321] {strides = array<i32>} : memref<256x128xf32, #tpu.memory_space<vmem>>, vector<16xf32>,
              %parallel_loop3A_323 = arith.constant 0 : i32
              %parallel_loop3A_324 = arith.addi %parallel_loop3A_323, %parallel_loop3A_274 : i32
              %parallel_loop3A_325 = arith.index_cast %parallel_loop3A_324 : i32 to index
              %parallel_loop3A_326 = arith.constant 64 : index
              %parallel_loop3A_327 = tpu.vector_load %arg11[%parallel_loop3A_325, %parallel_loop3A_326] {strides = array<i32>} : memref<256x128xf32, #tpu.memory_space<vmem>>, vector<16xf32>,
              %parallel_loop3A_328 = arith.constant 0 : i32
              %parallel_loop3A_329 = arith.addi %parallel_loop3A_328, %parallel_loop3A_274 : i32
              %parallel_loop3A_330 = arith.index_cast %parallel_loop3A_329 : i32 to index
              %parallel_loop3A_331 = arith.constant 80 : index
              %parallel_loop3A_332 = tpu.vector_load %arg11[%parallel_loop3A_330, %parallel_loop3A_331] {strides = array<i32>} : memref<256x128xf32, #tpu.memory_space<vmem>>, vector<16xf32>,
              %parallel_loop3A_333 = arith.constant 0 : i32
              %parallel_loop3A_334 = arith.addi %parallel_loop3A_333, %parallel_loop3A_274 : i32
              %parallel_loop3A_335 = arith.index_cast %parallel_loop3A_334 : i32 to index
              %parallel_loop3A_336 = arith.constant 96 : index
              %parallel_loop3A_337 = tpu.vector_load %arg11[%parallel_loop3A_335, %parallel_loop3A_336] {strides = array<i32>} : memref<256x128xf32, #tpu.memory_space<vmem>>, vector<16xf32>,
              %parallel_loop3A_338 = arith.constant 0 : i32
              %parallel_loop3A_339 = arith.addi %parallel_loop3A_338, %parallel_loop3A_274 : i32
              %parallel_loop3A_340 = arith.index_cast %parallel_loop3A_339 : i32 to index
              %parallel_loop3A_341 = arith.constant 112 : index
              %parallel_loop3A_342 = tpu.vector_load %arg11[%parallel_loop3A_340, %parallel_loop3A_341] {strides = array<i32>} : memref<256x128xf32, #tpu.memory_space<vmem>>, vector<16xf32>,
              %parallel_loop3A_343 = arith.constant 0 : i32
              %parallel_loop3A_344 = arith.addi %parallel_loop3A_302, %parallel_loop3A_343 : i32
              %parallel_loop3A_345 = arith.constant 0 : i32
              %parallel_loop3A_346 = arith.addi %parallel_loop3A_344, %parallel_loop3A_345 : i32
              %parallel_loop3A_347 = vector.broadcast %parallel_loop3A_294 : f32 to vector<16xf32>
              %parallel_loop3A_348 = arith.mulf %parallel_loop3A_307, %parallel_loop3A_347 : vector<16xf32>
              %parallel_loop3A_349 = arith.index_cast %parallel_loop3A_346 : i32 to index
              %parallel_loop3A_350 = tpu.vector_load %arg12[%parallel_loop3A_349] {strides = array<i32>} : memref<32768xf32, #tpu.memory_space<vmem>>, vector<16xf32>,
              tpu.vector_store %arg12[%parallel_loop3A_349], %parallel_loop3A_348 {add = true, strides = array<i32>} : memref<32768xf32, #tpu.memory_space<vmem>>, vector<16xf32>,
              %parallel_loop3A_351 = arith.constant 128 : i32
              %parallel_loop3A_352 = arith.addi %parallel_loop3A_302, %parallel_loop3A_351 : i32
              %parallel_loop3A_353 = arith.constant 0 : i32
              %parallel_loop3A_354 = arith.addi %parallel_loop3A_352, %parallel_loop3A_353 : i32
              %parallel_loop3A_355 = vector.broadcast %parallel_loop3A_296 : f32 to vector<16xf32>
              %parallel_loop3A_356 = arith.mulf %parallel_loop3A_307, %parallel_loop3A_355 : vector<16xf32>
              %parallel_loop3A_357 = arith.index_cast %parallel_loop3A_354 : i32 to index
              %parallel_loop3A_358 = tpu.vector_load %arg12[%parallel_loop3A_357] {strides = array<i32>} : memref<32768xf32, #tpu.memory_space<vmem>>, vector<16xf32>,
              tpu.vector_store %arg12[%parallel_loop3A_357], %parallel_loop3A_356 {add = true, strides = array<i32>} : memref<32768xf32, #tpu.memory_space<vmem>>, vector<16xf32>,
              %parallel_loop3A_359 = arith.constant 256 : i32
              %parallel_loop3A_360 = arith.addi %parallel_loop3A_302, %parallel_loop3A_359 : i32
              %parallel_loop3A_361 = arith.constant 0 : i32
              %parallel_loop3A_362 = arith.addi %parallel_loop3A_360, %parallel_loop3A_361 : i32
              %parallel_loop3A_363 = vector.broadcast %parallel_loop3A_298 : f32 to vector<16xf32>
              %parallel_loop3A_364 = arith.mulf %parallel_loop3A_307, %parallel_loop3A_363 : vector<16xf32>
              %parallel_loop3A_365 = arith.index_cast %parallel_loop3A_362 : i32 to index
              %parallel_loop3A_366 = tpu.vector_load %arg12[%parallel_loop3A_365] {strides = array<i32>} : memref<32768xf32, #tpu.memory_space<vmem>>, vector<16xf32>,
              tpu.vector_store %arg12[%parallel_loop3A_365], %parallel_loop3A_364 {add = true, strides = array<i32>} : memref<32768xf32, #tpu.memory_space<vmem>>, vector<16xf32>,
              %parallel_loop3A_367 = arith.constant 384 : i32
              %parallel_loop3A_368 = arith.addi %parallel_loop3A_302, %parallel_loop3A_367 : i32
              %parallel_loop3A_369 = arith.constant 0 : i32
              %parallel_loop3A_370 = arith.addi %parallel_loop3A_368, %parallel_loop3A_369 : i32
              %parallel_loop3A_371 = vector.broadcast %parallel_loop3A_300 : f32 to vector<16xf32>
              %parallel_loop3A_372 = arith.mulf %parallel_loop3A_307, %parallel_loop3A_371 : vector<16xf32>
              %parallel_loop3A_373 = arith.index_cast %parallel_loop3A_370 : i32 to index
              %parallel_loop3A_374 = tpu.vector_load %arg12[%parallel_loop3A_373] {strides = array<i32>} : memref<32768xf32, #tpu.memory_space<vmem>>, vector<16xf32>,
              tpu.vector_store %arg12[%parallel_loop3A_373], %parallel_loop3A_372 {add = true, strides = array<i32>} : memref<32768xf32, #tpu.memory_space<vmem>>, vector<16xf32>,
              %parallel_loop3A_375 = arith.constant 0 : i32
              %parallel_loop3A_376 = arith.addi %parallel_loop3A_302, %parallel_loop3A_375 : i32
              %parallel_loop3A_377 = arith.constant 16 : i32
              %parallel_loop3A_378 = arith.addi %parallel_loop3A_376, %parallel_loop3A_377 : i32
              %parallel_loop3A_379 = vector.broadcast %parallel_loop3A_294 : f32 to vector<16xf32>
              %parallel_loop3A_380 = arith.mulf %parallel_loop3A_312, %parallel_loop3A_379 : vector<16xf32>
              %parallel_loop3A_381 = arith.index_cast %parallel_loop3A_378 : i32 to index
              %parallel_loop3A_382 = tpu.vector_load %arg12[%parallel_loop3A_381] {strides = array<i32>} : memref<32768xf32, #tpu.memory_space<vmem>>, vector<16xf32>,
              tpu.vector_store %arg12[%parallel_loop3A_381], %parallel_loop3A_380 {add = true, strides = array<i32>} : memref<32768xf32, #tpu.memory_space<vmem>>, vector<16xf32>,
              %parallel_loop3A_383 = arith.constant 128 : i32
              %parallel_loop3A_384 = arith.addi %parallel_loop3A_302, %parallel_loop3A_383 : i32
              %parallel_loop3A_385 = arith.constant 16 : i32
              %parallel_loop3A_386 = arith.addi %parallel_loop3A_384, %parallel_loop3A_385 : i32
              %parallel_loop3A_387 = vector.broadcast %parallel_loop3A_296 : f32 to vector<16xf32>
              %parallel_loop3A_388 = arith.mulf %parallel_loop3A_312, %parallel_loop3A_387 : vector<16xf32>
              %parallel_loop3A_389 = arith.index_cast %parallel_loop3A_386 : i32 to index
              %parallel_loop3A_390 = tpu.vector_load %arg12[%parallel_loop3A_389] {strides = array<i32>} : memref<32768xf32, #tpu.memory_space<vmem>>, vector<16xf32>,
              tpu.vector_store %arg12[%parallel_loop3A_389], %parallel_loop3A_388 {add = true, strides = array<i32>} : memref<32768xf32, #tpu.memory_space<vmem>>, vector<16xf32>,
              %parallel_loop3A_391 = arith.constant 256 : i32
              %parallel_loop3A_392 = arith.addi %parallel_loop3A_302, %parallel_loop3A_391 : i32
              %parallel_loop3A_393 = arith.constant 16 : i32
              %parallel_loop3A_394 = arith.addi %parallel_loop3A_392, %parallel_loop3A_393 : i32
              %parallel_loop3A_395 = vector.broadcast %parallel_loop3A_298 : f32 to vector<16xf32>
              %parallel_loop3A_396 = arith.mulf %parallel_loop3A_312, %parallel_loop3A_395 : vector<16xf32>
              %parallel_loop3A_397 = arith.index_cast %parallel_loop3A_394 : i32 to index
              %parallel_loop3A_398 = tpu.vector_load %arg12[%parallel_loop3A_397] {strides = array<i32>} : memref<32768xf32, #tpu.memory_space<vmem>>, vector<16xf32>,
              tpu.vector_store %arg12[%parallel_loop3A_397], %parallel_loop3A_396 {add = true, strides = array<i32>} : memref<32768xf32, #tpu.memory_space<vmem>>, vector<16xf32>,
              %parallel_loop3A_399 = arith.constant 384 : i32
              %parallel_loop3A_400 = arith.addi %parallel_loop3A_302, %parallel_loop3A_399 : i32
              %parallel_loop3A_401 = arith.constant 16 : i32
              %parallel_loop3A_402 = arith.addi %parallel_loop3A_400, %parallel_loop3A_401 : i32
              %parallel_loop3A_403 = vector.broadcast %parallel_loop3A_300 : f32 to vector<16xf32>
              %parallel_loop3A_404 = arith.mulf %parallel_loop3A_312, %parallel_loop3A_403 : vector<16xf32>
              %parallel_loop3A_405 = arith.index_cast %parallel_loop3A_402 : i32 to index
              %parallel_loop3A_406 = tpu.vector_load %arg12[%parallel_loop3A_405] {strides = array<i32>} : memref<32768xf32, #tpu.memory_space<vmem>>, vector<16xf32>,
              tpu.vector_store %arg12[%parallel_loop3A_405], %parallel_loop3A_404 {add = true, strides = array<i32>} : memref<32768xf32, #tpu.memory_space<vmem>>, vector<16xf32>,
              %parallel_loop3A_407 = arith.constant 0 : i32
              %parallel_loop3A_408 = arith.addi %parallel_loop3A_302, %parallel_loop3A_407 : i32
              %parallel_loop3A_409 = arith.constant 32 : i32
              %parallel_loop3A_410 = arith.addi %parallel_loop3A_408, %parallel_loop3A_409 : i32
              %parallel_loop3A_411 = vector.broadcast %parallel_loop3A_294 : f32 to vector<16xf32>
              %parallel_loop3A_412 = arith.mulf %parallel_loop3A_317, %parallel_loop3A_411 : vector<16xf32>
              %parallel_loop3A_413 = arith.index_cast %parallel_loop3A_410 : i32 to index
              %parallel_loop3A_414 = tpu.vector_load %arg12[%parallel_loop3A_413] {strides = array<i32>} : memref<32768xf32, #tpu.memory_space<vmem>>, vector<16xf32>,
              tpu.vector_store %arg12[%parallel_loop3A_413], %parallel_loop3A_412 {add = true, strides = array<i32>} : memref<32768xf32, #tpu.memory_space<vmem>>, vector<16xf32>,
              %parallel_loop3A_415 = arith.constant 128 : i32
              %parallel_loop3A_416 = arith.addi %parallel_loop3A_302, %parallel_loop3A_415 : i32
              %parallel_loop3A_417 = arith.constant 32 : i32
              %parallel_loop3A_418 = arith.addi %parallel_loop3A_416, %parallel_loop3A_417 : i32
              %parallel_loop3A_419 = vector.broadcast %parallel_loop3A_296 : f32 to vector<16xf32>
              %parallel_loop3A_420 = arith.mulf %parallel_loop3A_317, %parallel_loop3A_419 : vector<16xf32>
              %parallel_loop3A_421 = arith.index_cast %parallel_loop3A_418 : i32 to index
              %parallel_loop3A_422 = tpu.vector_load %arg12[%parallel_loop3A_421] {strides = array<i32>} : memref<32768xf32, #tpu.memory_space<vmem>>, vector<16xf32>,
              tpu.vector_store %arg12[%parallel_loop3A_421], %parallel_loop3A_420 {add = true, strides = array<i32>} : memref<32768xf32, #tpu.memory_space<vmem>>, vector<16xf32>,
              %parallel_loop3A_423 = arith.constant 256 : i32
              %parallel_loop3A_424 = arith.addi %parallel_loop3A_302, %parallel_loop3A_423 : i32
              %parallel_loop3A_425 = arith.constant 32 : i32
              %parallel_loop3A_426 = arith.addi %parallel_loop3A_424, %parallel_loop3A_425 : i32
              %parallel_loop3A_427 = vector.broadcast %parallel_loop3A_298 : f32 to vector<16xf32>
              %parallel_loop3A_428 = arith.mulf %parallel_loop3A_317, %parallel_loop3A_427 : vector<16xf32>
              %parallel_loop3A_429 = arith.index_cast %parallel_loop3A_426 : i32 to index
              %parallel_loop3A_430 = tpu.vector_load %arg12[%parallel_loop3A_429] {strides = array<i32>} : memref<32768xf32, #tpu.memory_space<vmem>>, vector<16xf32>,
              tpu.vector_store %arg12[%parallel_loop3A_429], %parallel_loop3A_428 {add = true, strides = array<i32>} : memref<32768xf32, #tpu.memory_space<vmem>>, vector<16xf32>,
              %parallel_loop3A_431 = arith.constant 384 : i32
              %parallel_loop3A_432 = arith.addi %parallel_loop3A_302, %parallel_loop3A_431 : i32
              %parallel_loop3A_433 = arith.constant 32 : i32
              %parallel_loop3A_434 = arith.addi %parallel_loop3A_432, %parallel_loop3A_433 : i32
              %parallel_loop3A_435 = vector.broadcast %parallel_loop3A_300 : f32 to vector<16xf32>
              %parallel_loop3A_436 = arith.mulf %parallel_loop3A_317, %parallel_loop3A_435 : vector<16xf32>
              %parallel_loop3A_437 = arith.index_cast %parallel_loop3A_434 : i32 to index
              %parallel_loop3A_438 = tpu.vector_load %arg12[%parallel_loop3A_437] {strides = array<i32>} : memref<32768xf32, #tpu.memory_space<vmem>>, vector<16xf32>,
              tpu.vector_store %arg12[%parallel_loop3A_437], %parallel_loop3A_436 {add = true, strides = array<i32>} : memref<32768xf32, #tpu.memory_space<vmem>>, vector<16xf32>,
              %parallel_loop3A_439 = arith.constant 0 : i32
              %parallel_loop3A_440 = arith.addi %parallel_loop3A_302, %parallel_loop3A_439 : i32
              %parallel_loop3A_441 = arith.constant 48 : i32
              %parallel_loop3A_442 = arith.addi %parallel_loop3A_440, %parallel_loop3A_441 : i32
              %parallel_loop3A_443 = vector.broadcast %parallel_loop3A_294 : f32 to vector<16xf32>
              %parallel_loop3A_444 = arith.mulf %parallel_loop3A_322, %parallel_loop3A_443 : vector<16xf32>
              %parallel_loop3A_445 = arith.index_cast %parallel_loop3A_442 : i32 to index
              %parallel_loop3A_446 = tpu.vector_load %arg12[%parallel_loop3A_445] {strides = array<i32>} : memref<32768xf32, #tpu.memory_space<vmem>>, vector<16xf32>,
              tpu.vector_store %arg12[%parallel_loop3A_445], %parallel_loop3A_444 {add = true, strides = array<i32>} : memref<32768xf32, #tpu.memory_space<vmem>>, vector<16xf32>,
              %parallel_loop3A_447 = arith.constant 128 : i32
              %parallel_loop3A_448 = arith.addi %parallel_loop3A_302, %parallel_loop3A_447 : i32
              %parallel_loop3A_449 = arith.constant 48 : i32
              %parallel_loop3A_450 = arith.addi %parallel_loop3A_448, %parallel_loop3A_449 : i32
              %parallel_loop3A_451 = vector.broadcast %parallel_loop3A_296 : f32 to vector<16xf32>
              %parallel_loop3A_452 = arith.mulf %parallel_loop3A_322, %parallel_loop3A_451 : vector<16xf32>
              %parallel_loop3A_453 = arith.index_cast %parallel_loop3A_450 : i32 to index
              %parallel_loop3A_454 = tpu.vector_load %arg12[%parallel_loop3A_453] {strides = array<i32>} : memref<32768xf32, #tpu.memory_space<vmem>>, vector<16xf32>,
              tpu.vector_store %arg12[%parallel_loop3A_453], %parallel_loop3A_452 {add = true, strides = array<i32>} : memref<32768xf32, #tpu.memory_space<vmem>>, vector<16xf32>,
              %parallel_loop3A_455 = arith.constant 256 : i32
              %parallel_loop3A_456 = arith.addi %parallel_loop3A_302, %parallel_loop3A_455 : i32
              %parallel_loop3A_457 = arith.constant 48 : i32
              %parallel_loop3A_458 = arith.addi %parallel_loop3A_456, %parallel_loop3A_457 : i32
              %parallel_loop3A_459 = vector.broadcast %parallel_loop3A_298 : f32 to vector<16xf32>
              %parallel_loop3A_460 = arith.mulf %parallel_loop3A_322, %parallel_loop3A_459 : vector<16xf32>
              %parallel_loop3A_461 = arith.index_cast %parallel_loop3A_458 : i32 to index
              %parallel_loop3A_462 = tpu.vector_load %arg12[%parallel_loop3A_461] {strides = array<i32>} : memref<32768xf32, #tpu.memory_space<vmem>>, vector<16xf32>,
              tpu.vector_store %arg12[%parallel_loop3A_461], %parallel_loop3A_460 {add = true, strides = array<i32>} : memref<32768xf32, #tpu.memory_space<vmem>>, vector<16xf32>,
              %parallel_loop3A_463 = arith.constant 384 : i32
              %parallel_loop3A_464 = arith.addi %parallel_loop3A_302, %parallel_loop3A_463 : i32
              %parallel_loop3A_465 = arith.constant 48 : i32
              %parallel_loop3A_466 = arith.addi %parallel_loop3A_464, %parallel_loop3A_465 : i32
              %parallel_loop3A_467 = vector.broadcast %parallel_loop3A_300 : f32 to vector<16xf32>
              %parallel_loop3A_468 = arith.mulf %parallel_loop3A_322, %parallel_loop3A_467 : vector<16xf32>
              %parallel_loop3A_469 = arith.index_cast %parallel_loop3A_466 : i32 to index
              %parallel_loop3A_470 = tpu.vector_load %arg12[%parallel_loop3A_469] {strides = array<i32>} : memref<32768xf32, #tpu.memory_space<vmem>>, vector<16xf32>,
              tpu.vector_store %arg12[%parallel_loop3A_469], %parallel_loop3A_468 {add = true, strides = array<i32>} : memref<32768xf32, #tpu.memory_space<vmem>>, vector<16xf32>,
              %parallel_loop3A_471 = arith.constant 0 : i32
              %parallel_loop3A_472 = arith.addi %parallel_loop3A_302, %parallel_loop3A_471 : i32
              %parallel_loop3A_473 = arith.constant 64 : i32
              %parallel_loop3A_474 = arith.addi %parallel_loop3A_472, %parallel_loop3A_473 : i32
              %parallel_loop3A_475 = vector.broadcast %parallel_loop3A_294 : f32 to vector<16xf32>
              %parallel_loop3A_476 = arith.mulf %parallel_loop3A_327, %parallel_loop3A_475 : vector<16xf32>
              %parallel_loop3A_477 = arith.index_cast %parallel_loop3A_474 : i32 to index
              %parallel_loop3A_478 = tpu.vector_load %arg12[%parallel_loop3A_477] {strides = array<i32>} : memref<32768xf32, #tpu.memory_space<vmem>>, vector<16xf32>,
              tpu.vector_store %arg12[%parallel_loop3A_477], %parallel_loop3A_476 {add = true, strides = array<i32>} : memref<32768xf32, #tpu.memory_space<vmem>>, vector<16xf32>,
              %parallel_loop3A_479 = arith.constant 128 : i32
              %parallel_loop3A_480 = arith.addi %parallel_loop3A_302, %parallel_loop3A_479 : i32
              %parallel_loop3A_481 = arith.constant 64 : i32
              %parallel_loop3A_482 = arith.addi %parallel_loop3A_480, %parallel_loop3A_481 : i32
              %parallel_loop3A_483 = vector.broadcast %parallel_loop3A_296 : f32 to vector<16xf32>
              %parallel_loop3A_484 = arith.mulf %parallel_loop3A_327, %parallel_loop3A_483 : vector<16xf32>
              %parallel_loop3A_485 = arith.index_cast %parallel_loop3A_482 : i32 to index
              %parallel_loop3A_486 = tpu.vector_load %arg12[%parallel_loop3A_485] {strides = array<i32>} : memref<32768xf32, #tpu.memory_space<vmem>>, vector<16xf32>,
              tpu.vector_store %arg12[%parallel_loop3A_485], %parallel_loop3A_484 {add = true, strides = array<i32>} : memref<32768xf32, #tpu.memory_space<vmem>>, vector<16xf32>,
              %parallel_loop3A_487 = arith.constant 256 : i32
              %parallel_loop3A_488 = arith.addi %parallel_loop3A_302, %parallel_loop3A_487 : i32
              %parallel_loop3A_489 = arith.constant 64 : i32
              %parallel_loop3A_490 = arith.addi %parallel_loop3A_488, %parallel_loop3A_489 : i32
              %parallel_loop3A_491 = vector.broadcast %parallel_loop3A_298 : f32 to vector<16xf32>
              %parallel_loop3A_492 = arith.mulf %parallel_loop3A_327, %parallel_loop3A_491 : vector<16xf32>
              %parallel_loop3A_493 = arith.index_cast %parallel_loop3A_490 : i32 to index
              %parallel_loop3A_494 = tpu.vector_load %arg12[%parallel_loop3A_493] {strides = array<i32>} : memref<32768xf32, #tpu.memory_space<vmem>>, vector<16xf32>,
              tpu.vector_store %arg12[%parallel_loop3A_493], %parallel_loop3A_492 {add = true, strides = array<i32>} : memref<32768xf32, #tpu.memory_space<vmem>>, vector<16xf32>,
              %parallel_loop3A_495 = arith.constant 384 : i32
              %parallel_loop3A_496 = arith.addi %parallel_loop3A_302, %parallel_loop3A_495 : i32
              %parallel_loop3A_497 = arith.constant 64 : i32
              %parallel_loop3A_498 = arith.addi %parallel_loop3A_496, %parallel_loop3A_497 : i32
              %parallel_loop3A_499 = vector.broadcast %parallel_loop3A_300 : f32 to vector<16xf32>
              %parallel_loop3A_500 = arith.mulf %parallel_loop3A_327, %parallel_loop3A_499 : vector<16xf32>
              %parallel_loop3A_501 = arith.index_cast %parallel_loop3A_498 : i32 to index
              %parallel_loop3A_502 = tpu.vector_load %arg12[%parallel_loop3A_501] {strides = array<i32>} : memref<32768xf32, #tpu.memory_space<vmem>>, vector<16xf32>,
              tpu.vector_store %arg12[%parallel_loop3A_501], %parallel_loop3A_500 {add = true, strides = array<i32>} : memref<32768xf32, #tpu.memory_space<vmem>>, vector<16xf32>,
              %parallel_loop3A_503 = arith.constant 0 : i32
              %parallel_loop3A_504 = arith.addi %parallel_loop3A_302, %parallel_loop3A_503 : i32
              %parallel_loop3A_505 = arith.constant 80 : i32
              %parallel_loop3A_506 = arith.addi %parallel_loop3A_504, %parallel_loop3A_505 : i32
              %parallel_loop3A_507 = vector.broadcast %parallel_loop3A_294 : f32 to vector<16xf32>
              %parallel_loop3A_508 = arith.mulf %parallel_loop3A_332, %parallel_loop3A_507 : vector<16xf32>
              %parallel_loop3A_509 = arith.index_cast %parallel_loop3A_506 : i32 to index
              %parallel_loop3A_510 = tpu.vector_load %arg12[%parallel_loop3A_509] {strides = array<i32>} : memref<32768xf32, #tpu.memory_space<vmem>>, vector<16xf32>,
              tpu.vector_store %arg12[%parallel_loop3A_509], %parallel_loop3A_508 {add = true, strides = array<i32>} : memref<32768xf32, #tpu.memory_space<vmem>>, vector<16xf32>,
              %parallel_loop3A_511 = arith.constant 128 : i32
              %parallel_loop3A_512 = arith.addi %parallel_loop3A_302, %parallel_loop3A_511 : i32
              %parallel_loop3A_513 = arith.constant 80 : i32
              %parallel_loop3A_514 = arith.addi %parallel_loop3A_512, %parallel_loop3A_513 : i32
              %parallel_loop3A_515 = vector.broadcast %parallel_loop3A_296 : f32 to vector<16xf32>
              %parallel_loop3A_516 = arith.mulf %parallel_loop3A_332, %parallel_loop3A_515 : vector<16xf32>
              %parallel_loop3A_517 = arith.index_cast %parallel_loop3A_514 : i32 to index
              %parallel_loop3A_518 = tpu.vector_load %arg12[%parallel_loop3A_517] {strides = array<i32>} : memref<32768xf32, #tpu.memory_space<vmem>>, vector<16xf32>,
              tpu.vector_store %arg12[%parallel_loop3A_517], %parallel_loop3A_516 {add = true, strides = array<i32>} : memref<32768xf32, #tpu.memory_space<vmem>>, vector<16xf32>,
              %parallel_loop3A_519 = arith.constant 256 : i32
              %parallel_loop3A_520 = arith.addi %parallel_loop3A_302, %parallel_loop3A_519 : i32
              %parallel_loop3A_521 = arith.constant 80 : i32
              %parallel_loop3A_522 = arith.addi %parallel_loop3A_520, %parallel_loop3A_521 : i32
              %parallel_loop3A_523 = vector.broadcast %parallel_loop3A_298 : f32 to vector<16xf32>
              %parallel_loop3A_524 = arith.mulf %parallel_loop3A_332, %parallel_loop3A_523 : vector<16xf32>
              %parallel_loop3A_525 = arith.index_cast %parallel_loop3A_522 : i32 to index
              %parallel_loop3A_526 = tpu.vector_load %arg12[%parallel_loop3A_525] {strides = array<i32>} : memref<32768xf32, #tpu.memory_space<vmem>>, vector<16xf32>,
              tpu.vector_store %arg12[%parallel_loop3A_525], %parallel_loop3A_524 {add = true, strides = array<i32>} : memref<32768xf32, #tpu.memory_space<vmem>>, vector<16xf32>,
              %parallel_loop3A_527 = arith.constant 384 : i32
              %parallel_loop3A_528 = arith.addi %parallel_loop3A_302, %parallel_loop3A_527 : i32
              %parallel_loop3A_529 = arith.constant 80 : i32
              %parallel_loop3A_530 = arith.addi %parallel_loop3A_528, %parallel_loop3A_529 : i32
              %parallel_loop3A_531 = vector.broadcast %parallel_loop3A_300 : f32 to vector<16xf32>
              %parallel_loop3A_532 = arith.mulf %parallel_loop3A_332, %parallel_loop3A_531 : vector<16xf32>
              %parallel_loop3A_533 = arith.index_cast %parallel_loop3A_530 : i32 to index
              %parallel_loop3A_534 = tpu.vector_load %arg12[%parallel_loop3A_533] {strides = array<i32>} : memref<32768xf32, #tpu.memory_space<vmem>>, vector<16xf32>,
              tpu.vector_store %arg12[%parallel_loop3A_533], %parallel_loop3A_532 {add = true, strides = array<i32>} : memref<32768xf32, #tpu.memory_space<vmem>>, vector<16xf32>,
              %parallel_loop3A_535 = arith.constant 0 : i32
              %parallel_loop3A_536 = arith.addi %parallel_loop3A_302, %parallel_loop3A_535 : i32
              %parallel_loop3A_537 = arith.constant 96 : i32
              %parallel_loop3A_538 = arith.addi %parallel_loop3A_536, %parallel_loop3A_537 : i32
              %parallel_loop3A_539 = vector.broadcast %parallel_loop3A_294 : f32 to vector<16xf32>
              %parallel_loop3A_540 = arith.mulf %parallel_loop3A_337, %parallel_loop3A_539 : vector<16xf32>
              %parallel_loop3A_541 = arith.index_cast %parallel_loop3A_538 : i32 to index
              %parallel_loop3A_542 = tpu.vector_load %arg12[%parallel_loop3A_541] {strides = array<i32>} : memref<32768xf32, #tpu.memory_space<vmem>>, vector<16xf32>,
              tpu.vector_store %arg12[%parallel_loop3A_541], %parallel_loop3A_540 {add = true, strides = array<i32>} : memref<32768xf32, #tpu.memory_space<vmem>>, vector<16xf32>,
              %parallel_loop3A_543 = arith.constant 128 : i32
              %parallel_loop3A_544 = arith.addi %parallel_loop3A_302, %parallel_loop3A_543 : i32
              %parallel_loop3A_545 = arith.constant 96 : i32
              %parallel_loop3A_546 = arith.addi %parallel_loop3A_544, %parallel_loop3A_545 : i32
              %parallel_loop3A_547 = vector.broadcast %parallel_loop3A_296 : f32 to vector<16xf32>
              %parallel_loop3A_548 = arith.mulf %parallel_loop3A_337, %parallel_loop3A_547 : vector<16xf32>
              %parallel_loop3A_549 = arith.index_cast %parallel_loop3A_546 : i32 to index
              %parallel_loop3A_550 = tpu.vector_load %arg12[%parallel_loop3A_549] {strides = array<i32>} : memref<32768xf32, #tpu.memory_space<vmem>>, vector<16xf32>,
              tpu.vector_store %arg12[%parallel_loop3A_549], %parallel_loop3A_548 {add = true, strides = array<i32>} : memref<32768xf32, #tpu.memory_space<vmem>>, vector<16xf32>,
              %parallel_loop3A_551 = arith.constant 256 : i32
              %parallel_loop3A_552 = arith.addi %parallel_loop3A_302, %parallel_loop3A_551 : i32
              %parallel_loop3A_553 = arith.constant 96 : i32
              %parallel_loop3A_554 = arith.addi %parallel_loop3A_552, %parallel_loop3A_553 : i32
              %parallel_loop3A_555 = vector.broadcast %parallel_loop3A_298 : f32 to vector<16xf32>
              %parallel_loop3A_556 = arith.mulf %parallel_loop3A_337, %parallel_loop3A_555 : vector<16xf32>
              %parallel_loop3A_557 = arith.index_cast %parallel_loop3A_554 : i32 to index
              %parallel_loop3A_558 = tpu.vector_load %arg12[%parallel_loop3A_557] {strides = array<i32>} : memref<32768xf32, #tpu.memory_space<vmem>>, vector<16xf32>,
              tpu.vector_store %arg12[%parallel_loop3A_557], %parallel_loop3A_556 {add = true, strides = array<i32>} : memref<32768xf32, #tpu.memory_space<vmem>>, vector<16xf32>,
              %parallel_loop3A_559 = arith.constant 384 : i32
              %parallel_loop3A_560 = arith.addi %parallel_loop3A_302, %parallel_loop3A_559 : i32
              %parallel_loop3A_561 = arith.constant 96 : i32
              %parallel_loop3A_562 = arith.addi %parallel_loop3A_560, %parallel_loop3A_561 : i32
              %parallel_loop3A_563 = vector.broadcast %parallel_loop3A_300 : f32 to vector<16xf32>
              %parallel_loop3A_564 = arith.mulf %parallel_loop3A_337, %parallel_loop3A_563 : vector<16xf32>
              %parallel_loop3A_565 = arith.index_cast %parallel_loop3A_562 : i32 to index
              %parallel_loop3A_566 = tpu.vector_load %arg12[%parallel_loop3A_565] {strides = array<i32>} : memref<32768xf32, #tpu.memory_space<vmem>>, vector<16xf32>,
              tpu.vector_store %arg12[%parallel_loop3A_565], %parallel_loop3A_564 {add = true, strides = array<i32>} : memref<32768xf32, #tpu.memory_space<vmem>>, vector<16xf32>,
              %parallel_loop3A_567 = arith.constant 0 : i32
              %parallel_loop3A_568 = arith.addi %parallel_loop3A_302, %parallel_loop3A_567 : i32
              %parallel_loop3A_569 = arith.constant 112 : i32
              %parallel_loop3A_570 = arith.addi %parallel_loop3A_568, %parallel_loop3A_569 : i32
              %parallel_loop3A_571 = vector.broadcast %parallel_loop3A_294 : f32 to vector<16xf32>
              %parallel_loop3A_572 = arith.mulf %parallel_loop3A_342, %parallel_loop3A_571 : vector<16xf32>
              %parallel_loop3A_573 = arith.index_cast %parallel_loop3A_570 : i32 to index
              %parallel_loop3A_574 = tpu.vector_load %arg12[%parallel_loop3A_573] {strides = array<i32>} : memref<32768xf32, #tpu.memory_space<vmem>>, vector<16xf32>,
              tpu.vector_store %arg12[%parallel_loop3A_573], %parallel_loop3A_572 {add = true, strides = array<i32>} : memref<32768xf32, #tpu.memory_space<vmem>>, vector<16xf32>,
              %parallel_loop3A_575 = arith.constant 128 : i32
              %parallel_loop3A_576 = arith.addi %parallel_loop3A_302, %parallel_loop3A_575 : i32
              %parallel_loop3A_577 = arith.constant 112 : i32
              %parallel_loop3A_578 = arith.addi %parallel_loop3A_576, %parallel_loop3A_577 : i32
              %parallel_loop3A_579 = vector.broadcast %parallel_loop3A_296 : f32 to vector<16xf32>
              %parallel_loop3A_580 = arith.mulf %parallel_loop3A_342, %parallel_loop3A_579 : vector<16xf32>
              %parallel_loop3A_581 = arith.index_cast %parallel_loop3A_578 : i32 to index
              %parallel_loop3A_582 = tpu.vector_load %arg12[%parallel_loop3A_581] {strides = array<i32>} : memref<32768xf32, #tpu.memory_space<vmem>>, vector<16xf32>,
              tpu.vector_store %arg12[%parallel_loop3A_581], %parallel_loop3A_580 {add = true, strides = array<i32>} : memref<32768xf32, #tpu.memory_space<vmem>>, vector<16xf32>,
              %parallel_loop3A_583 = arith.constant 256 : i32
              %parallel_loop3A_584 = arith.addi %parallel_loop3A_302, %parallel_loop3A_583 : i32
              %parallel_loop3A_585 = arith.constant 112 : i32
              %parallel_loop3A_586 = arith.addi %parallel_loop3A_584, %parallel_loop3A_585 : i32
              %parallel_loop3A_587 = vector.broadcast %parallel_loop3A_298 : f32 to vector<16xf32>
              %parallel_loop3A_588 = arith.mulf %parallel_loop3A_342, %parallel_loop3A_587 : vector<16xf32>
              %parallel_loop3A_589 = arith.index_cast %parallel_loop3A_586 : i32 to index
              %parallel_loop3A_590 = tpu.vector_load %arg12[%parallel_loop3A_589] {strides = array<i32>} : memref<32768xf32, #tpu.memory_space<vmem>>, vector<16xf32>,
              tpu.vector_store %arg12[%parallel_loop3A_589], %parallel_loop3A_588 {add = true, strides = array<i32>} : memref<32768xf32, #tpu.memory_space<vmem>>, vector<16xf32>,
              %parallel_loop3A_591 = arith.constant 384 : i32
              %parallel_loop3A_592 = arith.addi %parallel_loop3A_302, %parallel_loop3A_591 : i32
              %parallel_loop3A_593 = arith.constant 112 : i32
              %parallel_loop3A_594 = arith.addi %parallel_loop3A_592, %parallel_loop3A_593 : i32
              %parallel_loop3A_595 = vector.broadcast %parallel_loop3A_300 : f32 to vector<16xf32>
              %parallel_loop3A_596 = arith.mulf %parallel_loop3A_342, %parallel_loop3A_595 : vector<16xf32>
              %parallel_loop3A_597 = arith.index_cast %parallel_loop3A_594 : i32 to index
              %parallel_loop3A_598 = tpu.vector_load %arg12[%parallel_loop3A_597] {strides = array<i32>} : memref<32768xf32, #tpu.memory_space<vmem>>, vector<16xf32>,
              tpu.vector_store %arg12[%parallel_loop3A_597], %parallel_loop3A_596 {add = true, strides = array<i32>} : memref<32768xf32, #tpu.memory_space<vmem>>, vector<16xf32>,
            } {sc.loop_unroll_factor = 2 : i64, sc.parallel_access}
            %add3A_272 = arith.constant 128 : i32
            %add3A_273 = arith.addi %while3A_184, %add3A_272 : i32
            scf.yield %add3A_273 : i32
          }
          scf.yield %while3A_174, %while3A_183 : vector<16xi32>, i32
        }
        scf.yield %while3A_151#0, %while3A_151#1 : vector<16xi32>, i32
      }
      %scan3A_80 = arith.constant 32 : i32
      %reduce_max3A_81 = arith.constant true
      %reduce_max3A_82 = vector.broadcast %reduce_max3A_81 : i1 to vector<16xi1>
      %reduce_max3A_83 = arith.constant -2147483648 : i32
      %reduce_max3A_84 = vector.broadcast %reduce_max3A_83 : i32 to vector<16xi32>
      %reduce_max3A_85 = arith.xori %scan3A_79#0, %reduce_max3A_84 : vector<16xi32>
      %reduce_max3A_86 = tpu.scan <max>, %reduce_max3A_85 masked %reduce_max3A_82 : vector<16xi32>, vector<16xi1> -> vector<16xi32>
      %reduce_max3A_87 = arith.xori %reduce_max3A_86, %reduce_max3A_84 : vector<16xi32>
      %reduce_max3A_88 = vector.extract %reduce_max3A_87[15] : i32 from vector<16xi32>
      %sub3A_89 = arith.subi %reduce_max3A_88, %scan3A_79#1 : i32
      %and3A_90 = arith.constant 8191 : i32
      %and3A_91 = arith.andi %scan3A_79#1, %and3A_90 : i32
      %multiple_of3A = tpu.assume_multiple %and3A_91, 128 : i32
      %gt3A_92 = arith.constant 0 : i32
      %gt3A_93 = arith.cmpi sgt, %sub3A_89, %gt3A_92 : i32
      %convert_element_type3A_94 = arith.extui %gt3A_93 : i1 to i32
      %cond3A_95 = arith.constant 0 : i32
      %cond3A_96 = arith.cmpi ne, %convert_element_type3A_94, %cond3A_95 : i32
      scf.if %cond3A_96 {
        %broadcast_in_dim3A_102 = arith.constant 0 : i32
        %broadcast_in_dim3A_103 = vector.broadcast %broadcast_in_dim3A_102 : i32 to vector<16xi32>
        %add3A_104 = arith.constant 0 : i32
        %add3A_105 = arith.addi %multiple_of3A, %add3A_104 : i32
        %get3A = arith.index_cast %add3A_105 : i32 to index
        %get3A_106 = tpu.vector_load %arg8[%get3A] {strides = array<i32>} : memref<8208xi32, #tpu.memory_space<vmem>>, vector<16xi32>,
        %iota3A = tpu.iota {dimensions = array<i32: 0>} : vector<16xi32>
        %add3A_107 = arith.constant 0 : i32
        %add3A_108 = vector.broadcast %add3A_107 : i32 to vector<16xi32>
        %add3A_109 = arith.addi %iota3A, %add3A_108 : vector<16xi32>
        %lt3A = vector.broadcast %sub3A_89 : i32 to vector<16xi32>
        %lt3A_110 = arith.cmpi slt, %add3A_109, %lt3A : vector<16xi32>
        %and3A_111 = arith.constant 16383 : i32
        %and3A_112 = vector.broadcast %and3A_111 : i32 to vector<16xi32>
        %and3A_113 = arith.andi %get3A_106, %and3A_112 : vector<16xi32>
        %select_n3A_114 = arith.select %lt3A_110, %and3A_113, %broadcast_in_dim3A_103 : vector<16xi1>, vector<16xi32>
        %swap3A = arith.constant 0 : index
        %swap3A_115 = tpu.vector_load %arg9[%swap3A] {strides = array<i32>} : memref<128xi32, #tpu.memory_space<vmem>>, vector<16xi32>,
        tpu.vector_store %arg9[%swap3A], %select_n3A_114 {strides = array<i32>} : memref<128xi32, #tpu.memory_space<vmem>>, vector<16xi32>,
        %add3A_116 = arith.constant 16 : i32
        %add3A_117 = arith.addi %multiple_of3A, %add3A_116 : i32
        %get3A_118 = arith.index_cast %add3A_117 : i32 to index
        %get3A_119 = tpu.vector_load %arg8[%get3A_118] {strides = array<i32>} : memref<8208xi32, #tpu.memory_space<vmem>>, vector<16xi32>,
        %iota3A_120 = tpu.iota {dimensions = array<i32: 0>} : vector<16xi32>
        %add3A_121 = arith.constant 16 : i32
        %add3A_122 = vector.broadcast %add3A_121 : i32 to vector<16xi32>
        %add3A_123 = arith.addi %iota3A_120, %add3A_122 : vector<16xi32>
        %lt3A_124 = vector.broadcast %sub3A_89 : i32 to vector<16xi32>
        %lt3A_125 = arith.cmpi slt, %add3A_123, %lt3A_124 : vector<16xi32>
        %and3A_126 = arith.constant 16383 : i32
        %and3A_127 = vector.broadcast %and3A_126 : i32 to vector<16xi32>
        %and3A_128 = arith.andi %get3A_119, %and3A_127 : vector<16xi32>
        %select_n3A_129 = arith.select %lt3A_125, %and3A_128, %broadcast_in_dim3A_103 : vector<16xi1>, vector<16xi32>
        %swap3A_130 = arith.constant 16 : index
        %swap3A_131 = tpu.vector_load %arg9[%swap3A_130] {strides = array<i32>} : memref<128xi32, #tpu.memory_space<vmem>>, vector<16xi32>,
        tpu.vector_store %arg9[%swap3A_130], %select_n3A_129 {strides = array<i32>} : memref<128xi32, #tpu.memory_space<vmem>>, vector<16xi32>,
        %add3A_132 = arith.constant 32 : i32
        %add3A_133 = arith.addi %multiple_of3A, %add3A_132 : i32
        %get3A_134 = arith.index_cast %add3A_133 : i32 to index
        %get3A_135 = tpu.vector_load %arg8[%get3A_134] {strides = array<i32>} : memref<8208xi32, #tpu.memory_space<vmem>>, vector<16xi32>,
        %iota3A_136 = tpu.iota {dimensions = array<i32: 0>} : vector<16xi32>
        %add3A_137 = arith.constant 32 : i32
        %add3A_138 = vector.broadcast %add3A_137 : i32 to vector<16xi32>
        %add3A_139 = arith.addi %iota3A_136, %add3A_138 : vector<16xi32>
        %lt3A_140 = vector.broadcast %sub3A_89 : i32 to vector<16xi32>
        %lt3A_141 = arith.cmpi slt, %add3A_139, %lt3A_140 : vector<16xi32>
        %and3A_142 = arith.constant 16383 : i32
        %and3A_143 = vector.broadcast %and3A_142 : i32 to vector<16xi32>
        %and3A_144 = arith.andi %get3A_135, %and3A_143 : vector<16xi32>
        %select_n3A_145 = arith.select %lt3A_141, %and3A_144, %broadcast_in_dim3A_103 : vector<16xi1>, vector<16xi32>
        %swap3A_146 = arith.constant 32 : index
        %swap3A_147 = tpu.vector_load %arg9[%swap3A_146] {strides = array<i32>} : memref<128xi32, #tpu.memory_space<vmem>>, vector<16xi32>,
        tpu.vector_store %arg9[%swap3A_146], %select_n3A_145 {strides = array<i32>} : memref<128xi32, #tpu.memory_space<vmem>>, vector<16xi32>,
        %add3A_148 = arith.constant 48 : i32
        %add3A_149 = arith.addi %multiple_of3A, %add3A_148 : i32
        %get3A_150 = arith.index_cast %add3A_149 : i32 to index
        %get3A_151 = tpu.vector_load %arg8[%get3A_150] {strides = array<i32>} : memref<8208xi32, #tpu.memory_space<vmem>>, vector<16xi32>,
        %iota3A_152 = tpu.iota {dimensions = array<i32: 0>} : vector<16xi32>
        %add3A_153 = arith.constant 48 : i32
        %add3A_154 = vector.broadcast %add3A_153 : i32 to vector<16xi32>
        %add3A_155 = arith.addi %iota3A_152, %add3A_154 : vector<16xi32>
        %lt3A_156 = vector.broadcast %sub3A_89 : i32 to vector<16xi32>
        %lt3A_157 = arith.cmpi slt, %add3A_155, %lt3A_156 : vector<16xi32>
        %and3A_158 = arith.constant 16383 : i32
        %and3A_159 = vector.broadcast %and3A_158 : i32 to vector<16xi32>
        %and3A_160 = arith.andi %get3A_151, %and3A_159 : vector<16xi32>
        %select_n3A_161 = arith.select %lt3A_157, %and3A_160, %broadcast_in_dim3A_103 : vector<16xi1>, vector<16xi32>
        %swap3A_162 = arith.constant 48 : index
        %swap3A_163 = tpu.vector_load %arg9[%swap3A_162] {strides = array<i32>} : memref<128xi32, #tpu.memory_space<vmem>>, vector<16xi32>,
        tpu.vector_store %arg9[%swap3A_162], %select_n3A_161 {strides = array<i32>} : memref<128xi32, #tpu.memory_space<vmem>>, vector<16xi32>,
        %add3A_164 = arith.constant 64 : i32
        %add3A_165 = arith.addi %multiple_of3A, %add3A_164 : i32
        %get3A_166 = arith.index_cast %add3A_165 : i32 to index
        %get3A_167 = tpu.vector_load %arg8[%get3A_166] {strides = array<i32>} : memref<8208xi32, #tpu.memory_space<vmem>>, vector<16xi32>,
        %iota3A_168 = tpu.iota {dimensions = array<i32: 0>} : vector<16xi32>
        %add3A_169 = arith.constant 64 : i32
        %add3A_170 = vector.broadcast %add3A_169 : i32 to vector<16xi32>
        %add3A_171 = arith.addi %iota3A_168, %add3A_170 : vector<16xi32>
        %lt3A_172 = vector.broadcast %sub3A_89 : i32 to vector<16xi32>
        %lt3A_173 = arith.cmpi slt, %add3A_171, %lt3A_172 : vector<16xi32>
        %and3A_174 = arith.constant 16383 : i32
        %and3A_175 = vector.broadcast %and3A_174 : i32 to vector<16xi32>
        %and3A_176 = arith.andi %get3A_167, %and3A_175 : vector<16xi32>
        %select_n3A_177 = arith.select %lt3A_173, %and3A_176, %broadcast_in_dim3A_103 : vector<16xi1>, vector<16xi32>
        %swap3A_178 = arith.constant 64 : index
        %swap3A_179 = tpu.vector_load %arg9[%swap3A_178] {strides = array<i32>} : memref<128xi32, #tpu.memory_space<vmem>>, vector<16xi32>,
        tpu.vector_store %arg9[%swap3A_178], %select_n3A_177 {strides = array<i32>} : memref<128xi32, #tpu.memory_space<vmem>>, vector<16xi32>,
        %add3A_180 = arith.constant 80 : i32
        %add3A_181 = arith.addi %multiple_of3A, %add3A_180 : i32
        %get3A_182 = arith.index_cast %add3A_181 : i32 to index
        %get3A_183 = tpu.vector_load %arg8[%get3A_182] {strides = array<i32>} : memref<8208xi32, #tpu.memory_space<vmem>>, vector<16xi32>,
        %iota3A_184 = tpu.iota {dimensions = array<i32: 0>} : vector<16xi32>
        %add3A_185 = arith.constant 80 : i32
        %add3A_186 = vector.broadcast %add3A_185 : i32 to vector<16xi32>
        %add3A_187 = arith.addi %iota3A_184, %add3A_186 : vector<16xi32>
        %lt3A_188 = vector.broadcast %sub3A_89 : i32 to vector<16xi32>
        %lt3A_189 = arith.cmpi slt, %add3A_187, %lt3A_188 : vector<16xi32>
        %and3A_190 = arith.constant 16383 : i32
        %and3A_191 = vector.broadcast %and3A_190 : i32 to vector<16xi32>
        %and3A_192 = arith.andi %get3A_183, %and3A_191 : vector<16xi32>
        %select_n3A_193 = arith.select %lt3A_189, %and3A_192, %broadcast_in_dim3A_103 : vector<16xi1>, vector<16xi32>
        %swap3A_194 = arith.constant 80 : index
        %swap3A_195 = tpu.vector_load %arg9[%swap3A_194] {strides = array<i32>} : memref<128xi32, #tpu.memory_space<vmem>>, vector<16xi32>,
        tpu.vector_store %arg9[%swap3A_194], %select_n3A_193 {strides = array<i32>} : memref<128xi32, #tpu.memory_space<vmem>>, vector<16xi32>,
        %add3A_196 = arith.constant 96 : i32
        %add3A_197 = arith.addi %multiple_of3A, %add3A_196 : i32
        %get3A_198 = arith.index_cast %add3A_197 : i32 to index
        %get3A_199 = tpu.vector_load %arg8[%get3A_198] {strides = array<i32>} : memref<8208xi32, #tpu.memory_space<vmem>>, vector<16xi32>,
        %iota3A_200 = tpu.iota {dimensions = array<i32: 0>} : vector<16xi32>
        %add3A_201 = arith.constant 96 : i32
        %add3A_202 = vector.broadcast %add3A_201 : i32 to vector<16xi32>
        %add3A_203 = arith.addi %iota3A_200, %add3A_202 : vector<16xi32>
        %lt3A_204 = vector.broadcast %sub3A_89 : i32 to vector<16xi32>
        %lt3A_205 = arith.cmpi slt, %add3A_203, %lt3A_204 : vector<16xi32>
        %and3A_206 = arith.constant 16383 : i32
        %and3A_207 = vector.broadcast %and3A_206 : i32 to vector<16xi32>
        %and3A_208 = arith.andi %get3A_199, %and3A_207 : vector<16xi32>
        %select_n3A_209 = arith.select %lt3A_205, %and3A_208, %broadcast_in_dim3A_103 : vector<16xi1>, vector<16xi32>
        %swap3A_210 = arith.constant 96 : index
        %swap3A_211 = tpu.vector_load %arg9[%swap3A_210] {strides = array<i32>} : memref<128xi32, #tpu.memory_space<vmem>>, vector<16xi32>,
        tpu.vector_store %arg9[%swap3A_210], %select_n3A_209 {strides = array<i32>} : memref<128xi32, #tpu.memory_space<vmem>>, vector<16xi32>,
        %add3A_212 = arith.constant 112 : i32
        %add3A_213 = arith.addi %multiple_of3A, %add3A_212 : i32
        %get3A_214 = arith.index_cast %add3A_213 : i32 to index
        %get3A_215 = tpu.vector_load %arg8[%get3A_214] {strides = array<i32>} : memref<8208xi32, #tpu.memory_space<vmem>>, vector<16xi32>,
        %iota3A_216 = tpu.iota {dimensions = array<i32: 0>} : vector<16xi32>
        %add3A_217 = arith.constant 112 : i32
        %add3A_218 = vector.broadcast %add3A_217 : i32 to vector<16xi32>
        %add3A_219 = arith.addi %iota3A_216, %add3A_218 : vector<16xi32>
        %lt3A_220 = vector.broadcast %sub3A_89 : i32 to vector<16xi32>
        %lt3A_221 = arith.cmpi slt, %add3A_219, %lt3A_220 : vector<16xi32>
        %and3A_222 = arith.constant 16383 : i32
        %and3A_223 = vector.broadcast %and3A_222 : i32 to vector<16xi32>
        %and3A_224 = arith.andi %get3A_215, %and3A_223 : vector<16xi32>
        %select_n3A_225 = arith.select %lt3A_221, %and3A_224, %broadcast_in_dim3A_103 : vector<16xi1>, vector<16xi32>
        %swap3A_226 = arith.constant 112 : index
        %swap3A_227 = tpu.vector_load %arg9[%swap3A_226] {strides = array<i32>} : memref<128xi32, #tpu.memory_space<vmem>>, vector<16xi32>,
        tpu.vector_store %arg9[%swap3A_226], %select_n3A_225 {strides = array<i32>} : memref<128xi32, #tpu.memory_space<vmem>>, vector<16xi32>,
        %dma_start3A = arith.constant 0 : i32
        %dma_start3A_228 = arith.constant 0 : i32
        %dma_start3A_229 = tpu.memref_slice %arg11[%dma_start3A, %dma_start3A_228] : memref<256x128xf32, #tpu.memory_space<vmem>> -> memref<128x128xf32, #tpu.memory_space<vmem>>
        %dma_start3A_230 = arith.constant 0 : i32
        %dma_start3A_231 = arith.constant 0 : i32
        %dma_start3A_232 = tpu.memref_slice %arg5[%dma_start3A_230, %dma_start3A_231] : memref<10000x128xf32, #tpu.memory_space<hbm>> -> memref<10000x128xf32, #tpu.memory_space<hbm>>
        tpu.enqueue_indirect_dma source(%dma_start3A_232 : memref<10000x128xf32, #tpu.memory_space<hbm>>) target(%dma_start3A_229 : memref<128x128xf32, #tpu.memory_space<vmem>>) offsets(%arg9 : memref<128xi32, #tpu.memory_space<vmem>>) semaphore(%arg18 : memref<!tpu.dma_semaphore, #tpu.memory_space<semaphore_mem>>)
        %dma_wait3A = arith.constant 0 : i32
        %dma_wait3A_233 = arith.constant 0 : i32
        %dma_wait3A_234 = tpu.memref_slice %arg11[%dma_wait3A, %dma_wait3A_233] : memref<256x128xf32, #tpu.memory_space<vmem>> -> memref<128x128xf32, #tpu.memory_space<vmem>>
        %dma_wait3A_235 = arith.constant 0 : i32
        %dma_wait3A_236 = arith.constant 0 : i32
        %dma_wait3A_237 = tpu.memref_slice %arg5[%dma_wait3A_235, %dma_wait3A_236] : memref<10000x128xf32, #tpu.memory_space<hbm>> -> memref<10000x128xf32, #tpu.memory_space<hbm>>
        tpu.wait_indirect_dma semaphore(%arg18 : memref<!tpu.dma_semaphore, #tpu.memory_space<semaphore_mem>>) src(%dma_wait3A_237 : memref<10000x128xf32, #tpu.memory_space<hbm>>) dst(%dma_wait3A_234 : memref<128x128xf32, #tpu.memory_space<vmem>>)
        %parallel_loop3A_238 = arith.constant 0 : i32
        %parallel_loop3A_239 = arith.constant 1 : i32
        scf.for %parallel_loop3A_240 = %parallel_loop3A_238 to %sub3A_89 step %parallel_loop3A_239  : i32 {
          %parallel_loop3A_241 = arith.addi %multiple_of3A, %parallel_loop3A_240 : i32
          %parallel_loop3A_242 = arith.index_cast %parallel_loop3A_241 : i32 to index
          %parallel_loop3A_243 = tpu.vector_load %arg8[%parallel_loop3A_242] {strides = array<i32>} : memref<8208xi32, #tpu.memory_space<vmem>>, vector<16xi32>,
          %parallel_loop3A_244 = vector.extract_strided_slice %parallel_loop3A_243 {offsets = [0], sizes = [1], strides = [1]} : vector<16xi32> to vector<1xi32>
          %parallel_loop3A_245 = vector.extract %parallel_loop3A_244[0] : i32 from vector<1xi32>
          %parallel_loop3A_246 = arith.constant 18 : i32
          %parallel_loop3A_247 = arith.shrsi %parallel_loop3A_245, %parallel_loop3A_246 : i32
          %parallel_loop3A_248 = arith.constant 16383 : i32
          %parallel_loop3A_249 = arith.andi %parallel_loop3A_247, %parallel_loop3A_248 : i32
          %parallel_loop3A_250 = arith.subi %parallel_loop3A_249, %mul3A_13 : i32
          %parallel_loop3A_251 = arith.constant 14 : i32
          %parallel_loop3A_252 = arith.shrsi %parallel_loop3A_245, %parallel_loop3A_251 : i32
          %parallel_loop3A_253 = arith.constant 15 : i32
          %parallel_loop3A_254 = arith.andi %parallel_loop3A_252, %parallel_loop3A_253 : i32
          %parallel_loop3A_255 = arith.constant 4 : i32
          %parallel_loop3A_256 = arith.muli %parallel_loop3A_254, %parallel_loop3A_255 : i32
          %parallel_loop3A_257 = arith.index_cast %parallel_loop3A_256 : i32 to index
          %parallel_loop3A_258 = tpu.vector_load %arg16[%parallel_loop3A_257] {strides = array<i32>} : memref<80xf32, #tpu.memory_space<vmem>>, vector<16xf32>,
          %parallel_loop3A_259 = vector.extract_strided_slice %parallel_loop3A_258 {offsets = [0], sizes = [1], strides = [1]} : vector<16xf32> to vector<1xf32>
          %parallel_loop3A_260 = vector.extract %parallel_loop3A_259[0] : f32 from vector<1xf32>
          %parallel_loop3A_261 = vector.extract_strided_slice %parallel_loop3A_258 {offsets = [1], sizes = [1], strides = [1]} : vector<16xf32> to vector<1xf32>
          %parallel_loop3A_262 = vector.extract %parallel_loop3A_261[0] : f32 from vector<1xf32>
          %parallel_loop3A_263 = vector.extract_strided_slice %parallel_loop3A_258 {offsets = [2], sizes = [1], strides = [1]} : vector<16xf32> to vector<1xf32>
          %parallel_loop3A_264 = vector.extract %parallel_loop3A_263[0] : f32 from vector<1xf32>
          %parallel_loop3A_265 = vector.extract_strided_slice %parallel_loop3A_258 {offsets = [3], sizes = [1], strides = [1]} : vector<16xf32> to vector<1xf32>
          %parallel_loop3A_266 = vector.extract %parallel_loop3A_265[0] : f32 from vector<1xf32>
          %parallel_loop3A_267 = arith.constant 512 : i32
          %parallel_loop3A_268 = arith.muli %parallel_loop3A_250, %parallel_loop3A_267 : i32
          %parallel_loop3A_269 = arith.constant 0 : i32
          %parallel_loop3A_270 = arith.addi %parallel_loop3A_269, %parallel_loop3A_240 : i32
          %parallel_loop3A_271 = arith.index_cast %parallel_loop3A_270 : i32 to index
          %parallel_loop3A_272 = arith.constant 0 : index
          %parallel_loop3A_273 = tpu.vector_load %arg11[%parallel_loop3A_271, %parallel_loop3A_272] {strides = array<i32>} : memref<256x128xf32, #tpu.memory_space<vmem>>, vector<16xf32>,
          %parallel_loop3A_274 = arith.constant 0 : i32
          %parallel_loop3A_275 = arith.addi %parallel_loop3A_274, %parallel_loop3A_240 : i32
          %parallel_loop3A_276 = arith.index_cast %parallel_loop3A_275 : i32 to index
          %parallel_loop3A_277 = arith.constant 16 : index
          %parallel_loop3A_278 = tpu.vector_load %arg11[%parallel_loop3A_276, %parallel_loop3A_277] {strides = array<i32>} : memref<256x128xf32, #tpu.memory_space<vmem>>, vector<16xf32>,
          %parallel_loop3A_279 = arith.constant 0 : i32
          %parallel_loop3A_280 = arith.addi %parallel_loop3A_279, %parallel_loop3A_240 : i32
          %parallel_loop3A_281 = arith.index_cast %parallel_loop3A_280 : i32 to index
          %parallel_loop3A_282 = arith.constant 32 : index
          %parallel_loop3A_283 = tpu.vector_load %arg11[%parallel_loop3A_281, %parallel_loop3A_282] {strides = array<i32>} : memref<256x128xf32, #tpu.memory_space<vmem>>, vector<16xf32>,
          %parallel_loop3A_284 = arith.constant 0 : i32
          %parallel_loop3A_285 = arith.addi %parallel_loop3A_284, %parallel_loop3A_240 : i32
          %parallel_loop3A_286 = arith.index_cast %parallel_loop3A_285 : i32 to index
          %parallel_loop3A_287 = arith.constant 48 : index
          %parallel_loop3A_288 = tpu.vector_load %arg11[%parallel_loop3A_286, %parallel_loop3A_287] {strides = array<i32>} : memref<256x128xf32, #tpu.memory_space<vmem>>, vector<16xf32>,
          %parallel_loop3A_289 = arith.constant 0 : i32
          %parallel_loop3A_290 = arith.addi %parallel_loop3A_289, %parallel_loop3A_240 : i32
          %parallel_loop3A_291 = arith.index_cast %parallel_loop3A_290 : i32 to index
          %parallel_loop3A_292 = arith.constant 64 : index
          %parallel_loop3A_293 = tpu.vector_load %arg11[%parallel_loop3A_291, %parallel_loop3A_292] {strides = array<i32>} : memref<256x128xf32, #tpu.memory_space<vmem>>, vector<16xf32>,
          %parallel_loop3A_294 = arith.constant 0 : i32
          %parallel_loop3A_295 = arith.addi %parallel_loop3A_294, %parallel_loop3A_240 : i32
          %parallel_loop3A_296 = arith.index_cast %parallel_loop3A_295 : i32 to index
          %parallel_loop3A_297 = arith.constant 80 : index
          %parallel_loop3A_298 = tpu.vector_load %arg11[%parallel_loop3A_296, %parallel_loop3A_297] {strides = array<i32>} : memref<256x128xf32, #tpu.memory_space<vmem>>, vector<16xf32>,
          %parallel_loop3A_299 = arith.constant 0 : i32
          %parallel_loop3A_300 = arith.addi %parallel_loop3A_299, %parallel_loop3A_240 : i32
          %parallel_loop3A_301 = arith.index_cast %parallel_loop3A_300 : i32 to index
          %parallel_loop3A_302 = arith.constant 96 : index
          %parallel_loop3A_303 = tpu.vector_load %arg11[%parallel_loop3A_301, %parallel_loop3A_302] {strides = array<i32>} : memref<256x128xf32, #tpu.memory_space<vmem>>, vector<16xf32>,
          %parallel_loop3A_304 = arith.constant 0 : i32
          %parallel_loop3A_305 = arith.addi %parallel_loop3A_304, %parallel_loop3A_240 : i32
          %parallel_loop3A_306 = arith.index_cast %parallel_loop3A_305 : i32 to index
          %parallel_loop3A_307 = arith.constant 112 : index
          %parallel_loop3A_308 = tpu.vector_load %arg11[%parallel_loop3A_306, %parallel_loop3A_307] {strides = array<i32>} : memref<256x128xf32, #tpu.memory_space<vmem>>, vector<16xf32>,
          %parallel_loop3A_309 = arith.constant 0 : i32
          %parallel_loop3A_310 = arith.addi %parallel_loop3A_268, %parallel_loop3A_309 : i32
          %parallel_loop3A_311 = arith.constant 0 : i32
          %parallel_loop3A_312 = arith.addi %parallel_loop3A_310, %parallel_loop3A_311 : i32
          %parallel_loop3A_313 = vector.broadcast %parallel_loop3A_260 : f32 to vector<16xf32>
          %parallel_loop3A_314 = arith.mulf %parallel_loop3A_273, %parallel_loop3A_313 : vector<16xf32>
          %parallel_loop3A_315 = arith.index_cast %parallel_loop3A_312 : i32 to index
          %parallel_loop3A_316 = tpu.vector_load %arg12[%parallel_loop3A_315] {strides = array<i32>} : memref<32768xf32, #tpu.memory_space<vmem>>, vector<16xf32>,
          tpu.vector_store %arg12[%parallel_loop3A_315], %parallel_loop3A_314 {add = true, strides = array<i32>} : memref<32768xf32, #tpu.memory_space<vmem>>, vector<16xf32>,
          %parallel_loop3A_317 = arith.constant 128 : i32
          %parallel_loop3A_318 = arith.addi %parallel_loop3A_268, %parallel_loop3A_317 : i32
          %parallel_loop3A_319 = arith.constant 0 : i32
          %parallel_loop3A_320 = arith.addi %parallel_loop3A_318, %parallel_loop3A_319 : i32
          %parallel_loop3A_321 = vector.broadcast %parallel_loop3A_262 : f32 to vector<16xf32>
          %parallel_loop3A_322 = arith.mulf %parallel_loop3A_273, %parallel_loop3A_321 : vector<16xf32>
          %parallel_loop3A_323 = arith.index_cast %parallel_loop3A_320 : i32 to index
          %parallel_loop3A_324 = tpu.vector_load %arg12[%parallel_loop3A_323] {strides = array<i32>} : memref<32768xf32, #tpu.memory_space<vmem>>, vector<16xf32>,
          tpu.vector_store %arg12[%parallel_loop3A_323], %parallel_loop3A_322 {add = true, strides = array<i32>} : memref<32768xf32, #tpu.memory_space<vmem>>, vector<16xf32>,
          %parallel_loop3A_325 = arith.constant 256 : i32
          %parallel_loop3A_326 = arith.addi %parallel_loop3A_268, %parallel_loop3A_325 : i32
          %parallel_loop3A_327 = arith.constant 0 : i32
          %parallel_loop3A_328 = arith.addi %parallel_loop3A_326, %parallel_loop3A_327 : i32
          %parallel_loop3A_329 = vector.broadcast %parallel_loop3A_264 : f32 to vector<16xf32>
          %parallel_loop3A_330 = arith.mulf %parallel_loop3A_273, %parallel_loop3A_329 : vector<16xf32>
          %parallel_loop3A_331 = arith.index_cast %parallel_loop3A_328 : i32 to index
          %parallel_loop3A_332 = tpu.vector_load %arg12[%parallel_loop3A_331] {strides = array<i32>} : memref<32768xf32, #tpu.memory_space<vmem>>, vector<16xf32>,
          tpu.vector_store %arg12[%parallel_loop3A_331], %parallel_loop3A_330 {add = true, strides = array<i32>} : memref<32768xf32, #tpu.memory_space<vmem>>, vector<16xf32>,
          %parallel_loop3A_333 = arith.constant 384 : i32
          %parallel_loop3A_334 = arith.addi %parallel_loop3A_268, %parallel_loop3A_333 : i32
          %parallel_loop3A_335 = arith.constant 0 : i32
          %parallel_loop3A_336 = arith.addi %parallel_loop3A_334, %parallel_loop3A_335 : i32
          %parallel_loop3A_337 = vector.broadcast %parallel_loop3A_266 : f32 to vector<16xf32>
          %parallel_loop3A_338 = arith.mulf %parallel_loop3A_273, %parallel_loop3A_337 : vector<16xf32>
          %parallel_loop3A_339 = arith.index_cast %parallel_loop3A_336 : i32 to index
          %parallel_loop3A_340 = tpu.vector_load %arg12[%parallel_loop3A_339] {strides = array<i32>} : memref<32768xf32, #tpu.memory_space<vmem>>, vector<16xf32>,
          tpu.vector_store %arg12[%parallel_loop3A_339], %parallel_loop3A_338 {add = true, strides = array<i32>} : memref<32768xf32, #tpu.memory_space<vmem>>, vector<16xf32>,
          %parallel_loop3A_341 = arith.constant 0 : i32
          %parallel_loop3A_342 = arith.addi %parallel_loop3A_268, %parallel_loop3A_341 : i32
          %parallel_loop3A_343 = arith.constant 16 : i32
          %parallel_loop3A_344 = arith.addi %parallel_loop3A_342, %parallel_loop3A_343 : i32
          %parallel_loop3A_345 = vector.broadcast %parallel_loop3A_260 : f32 to vector<16xf32>
          %parallel_loop3A_346 = arith.mulf %parallel_loop3A_278, %parallel_loop3A_345 : vector<16xf32>
          %parallel_loop3A_347 = arith.index_cast %parallel_loop3A_344 : i32 to index
          %parallel_loop3A_348 = tpu.vector_load %arg12[%parallel_loop3A_347] {strides = array<i32>} : memref<32768xf32, #tpu.memory_space<vmem>>, vector<16xf32>,
          tpu.vector_store %arg12[%parallel_loop3A_347], %parallel_loop3A_346 {add = true, strides = array<i32>} : memref<32768xf32, #tpu.memory_space<vmem>>, vector<16xf32>,
          %parallel_loop3A_349 = arith.constant 128 : i32
          %parallel_loop3A_350 = arith.addi %parallel_loop3A_268, %parallel_loop3A_349 : i32
          %parallel_loop3A_351 = arith.constant 16 : i32
          %parallel_loop3A_352 = arith.addi %parallel_loop3A_350, %parallel_loop3A_351 : i32
          %parallel_loop3A_353 = vector.broadcast %parallel_loop3A_262 : f32 to vector<16xf32>
          %parallel_loop3A_354 = arith.mulf %parallel_loop3A_278, %parallel_loop3A_353 : vector<16xf32>
          %parallel_loop3A_355 = arith.index_cast %parallel_loop3A_352 : i32 to index
          %parallel_loop3A_356 = tpu.vector_load %arg12[%parallel_loop3A_355] {strides = array<i32>} : memref<32768xf32, #tpu.memory_space<vmem>>, vector<16xf32>,
          tpu.vector_store %arg12[%parallel_loop3A_355], %parallel_loop3A_354 {add = true, strides = array<i32>} : memref<32768xf32, #tpu.memory_space<vmem>>, vector<16xf32>,
          %parallel_loop3A_357 = arith.constant 256 : i32
          %parallel_loop3A_358 = arith.addi %parallel_loop3A_268, %parallel_loop3A_357 : i32
          %parallel_loop3A_359 = arith.constant 16 : i32
          %parallel_loop3A_360 = arith.addi %parallel_loop3A_358, %parallel_loop3A_359 : i32
          %parallel_loop3A_361 = vector.broadcast %parallel_loop3A_264 : f32 to vector<16xf32>
          %parallel_loop3A_362 = arith.mulf %parallel_loop3A_278, %parallel_loop3A_361 : vector<16xf32>
          %parallel_loop3A_363 = arith.index_cast %parallel_loop3A_360 : i32 to index
          %parallel_loop3A_364 = tpu.vector_load %arg12[%parallel_loop3A_363] {strides = array<i32>} : memref<32768xf32, #tpu.memory_space<vmem>>, vector<16xf32>,
          tpu.vector_store %arg12[%parallel_loop3A_363], %parallel_loop3A_362 {add = true, strides = array<i32>} : memref<32768xf32, #tpu.memory_space<vmem>>, vector<16xf32>,
          %parallel_loop3A_365 = arith.constant 384 : i32
          %parallel_loop3A_366 = arith.addi %parallel_loop3A_268, %parallel_loop3A_365 : i32
          %parallel_loop3A_367 = arith.constant 16 : i32
          %parallel_loop3A_368 = arith.addi %parallel_loop3A_366, %parallel_loop3A_367 : i32
          %parallel_loop3A_369 = vector.broadcast %parallel_loop3A_266 : f32 to vector<16xf32>
          %parallel_loop3A_370 = arith.mulf %parallel_loop3A_278, %parallel_loop3A_369 : vector<16xf32>
          %parallel_loop3A_371 = arith.index_cast %parallel_loop3A_368 : i32 to index
          %parallel_loop3A_372 = tpu.vector_load %arg12[%parallel_loop3A_371] {strides = array<i32>} : memref<32768xf32, #tpu.memory_space<vmem>>, vector<16xf32>,
          tpu.vector_store %arg12[%parallel_loop3A_371], %parallel_loop3A_370 {add = true, strides = array<i32>} : memref<32768xf32, #tpu.memory_space<vmem>>, vector<16xf32>,
          %parallel_loop3A_373 = arith.constant 0 : i32
          %parallel_loop3A_374 = arith.addi %parallel_loop3A_268, %parallel_loop3A_373 : i32
          %parallel_loop3A_375 = arith.constant 32 : i32
          %parallel_loop3A_376 = arith.addi %parallel_loop3A_374, %parallel_loop3A_375 : i32
          %parallel_loop3A_377 = vector.broadcast %parallel_loop3A_260 : f32 to vector<16xf32>
          %parallel_loop3A_378 = arith.mulf %parallel_loop3A_283, %parallel_loop3A_377 : vector<16xf32>
          %parallel_loop3A_379 = arith.index_cast %parallel_loop3A_376 : i32 to index
          %parallel_loop3A_380 = tpu.vector_load %arg12[%parallel_loop3A_379] {strides = array<i32>} : memref<32768xf32, #tpu.memory_space<vmem>>, vector<16xf32>,
          tpu.vector_store %arg12[%parallel_loop3A_379], %parallel_loop3A_378 {add = true, strides = array<i32>} : memref<32768xf32, #tpu.memory_space<vmem>>, vector<16xf32>,
          %parallel_loop3A_381 = arith.constant 128 : i32
          %parallel_loop3A_382 = arith.addi %parallel_loop3A_268, %parallel_loop3A_381 : i32
          %parallel_loop3A_383 = arith.constant 32 : i32
          %parallel_loop3A_384 = arith.addi %parallel_loop3A_382, %parallel_loop3A_383 : i32
          %parallel_loop3A_385 = vector.broadcast %parallel_loop3A_262 : f32 to vector<16xf32>
          %parallel_loop3A_386 = arith.mulf %parallel_loop3A_283, %parallel_loop3A_385 : vector<16xf32>
          %parallel_loop3A_387 = arith.index_cast %parallel_loop3A_384 : i32 to index
          %parallel_loop3A_388 = tpu.vector_load %arg12[%parallel_loop3A_387] {strides = array<i32>} : memref<32768xf32, #tpu.memory_space<vmem>>, vector<16xf32>,
          tpu.vector_store %arg12[%parallel_loop3A_387], %parallel_loop3A_386 {add = true, strides = array<i32>} : memref<32768xf32, #tpu.memory_space<vmem>>, vector<16xf32>,
          %parallel_loop3A_389 = arith.constant 256 : i32
          %parallel_loop3A_390 = arith.addi %parallel_loop3A_268, %parallel_loop3A_389 : i32
          %parallel_loop3A_391 = arith.constant 32 : i32
          %parallel_loop3A_392 = arith.addi %parallel_loop3A_390, %parallel_loop3A_391 : i32
          %parallel_loop3A_393 = vector.broadcast %parallel_loop3A_264 : f32 to vector<16xf32>
          %parallel_loop3A_394 = arith.mulf %parallel_loop3A_283, %parallel_loop3A_393 : vector<16xf32>
          %parallel_loop3A_395 = arith.index_cast %parallel_loop3A_392 : i32 to index
          %parallel_loop3A_396 = tpu.vector_load %arg12[%parallel_loop3A_395] {strides = array<i32>} : memref<32768xf32, #tpu.memory_space<vmem>>, vector<16xf32>,
          tpu.vector_store %arg12[%parallel_loop3A_395], %parallel_loop3A_394 {add = true, strides = array<i32>} : memref<32768xf32, #tpu.memory_space<vmem>>, vector<16xf32>,
          %parallel_loop3A_397 = arith.constant 384 : i32
          %parallel_loop3A_398 = arith.addi %parallel_loop3A_268, %parallel_loop3A_397 : i32
          %parallel_loop3A_399 = arith.constant 32 : i32
          %parallel_loop3A_400 = arith.addi %parallel_loop3A_398, %parallel_loop3A_399 : i32
          %parallel_loop3A_401 = vector.broadcast %parallel_loop3A_266 : f32 to vector<16xf32>
          %parallel_loop3A_402 = arith.mulf %parallel_loop3A_283, %parallel_loop3A_401 : vector<16xf32>
          %parallel_loop3A_403 = arith.index_cast %parallel_loop3A_400 : i32 to index
          %parallel_loop3A_404 = tpu.vector_load %arg12[%parallel_loop3A_403] {strides = array<i32>} : memref<32768xf32, #tpu.memory_space<vmem>>, vector<16xf32>,
          tpu.vector_store %arg12[%parallel_loop3A_403], %parallel_loop3A_402 {add = true, strides = array<i32>} : memref<32768xf32, #tpu.memory_space<vmem>>, vector<16xf32>,
          %parallel_loop3A_405 = arith.constant 0 : i32
          %parallel_loop3A_406 = arith.addi %parallel_loop3A_268, %parallel_loop3A_405 : i32
          %parallel_loop3A_407 = arith.constant 48 : i32
          %parallel_loop3A_408 = arith.addi %parallel_loop3A_406, %parallel_loop3A_407 : i32
          %parallel_loop3A_409 = vector.broadcast %parallel_loop3A_260 : f32 to vector<16xf32>
          %parallel_loop3A_410 = arith.mulf %parallel_loop3A_288, %parallel_loop3A_409 : vector<16xf32>
          %parallel_loop3A_411 = arith.index_cast %parallel_loop3A_408 : i32 to index
          %parallel_loop3A_412 = tpu.vector_load %arg12[%parallel_loop3A_411] {strides = array<i32>} : memref<32768xf32, #tpu.memory_space<vmem>>, vector<16xf32>,
          tpu.vector_store %arg12[%parallel_loop3A_411], %parallel_loop3A_410 {add = true, strides = array<i32>} : memref<32768xf32, #tpu.memory_space<vmem>>, vector<16xf32>,
          %parallel_loop3A_413 = arith.constant 128 : i32
          %parallel_loop3A_414 = arith.addi %parallel_loop3A_268, %parallel_loop3A_413 : i32
          %parallel_loop3A_415 = arith.constant 48 : i32
          %parallel_loop3A_416 = arith.addi %parallel_loop3A_414, %parallel_loop3A_415 : i32
          %parallel_loop3A_417 = vector.broadcast %parallel_loop3A_262 : f32 to vector<16xf32>
          %parallel_loop3A_418 = arith.mulf %parallel_loop3A_288, %parallel_loop3A_417 : vector<16xf32>
          %parallel_loop3A_419 = arith.index_cast %parallel_loop3A_416 : i32 to index
          %parallel_loop3A_420 = tpu.vector_load %arg12[%parallel_loop3A_419] {strides = array<i32>} : memref<32768xf32, #tpu.memory_space<vmem>>, vector<16xf32>,
          tpu.vector_store %arg12[%parallel_loop3A_419], %parallel_loop3A_418 {add = true, strides = array<i32>} : memref<32768xf32, #tpu.memory_space<vmem>>, vector<16xf32>,
          %parallel_loop3A_421 = arith.constant 256 : i32
          %parallel_loop3A_422 = arith.addi %parallel_loop3A_268, %parallel_loop3A_421 : i32
          %parallel_loop3A_423 = arith.constant 48 : i32
          %parallel_loop3A_424 = arith.addi %parallel_loop3A_422, %parallel_loop3A_423 : i32
          %parallel_loop3A_425 = vector.broadcast %parallel_loop3A_264 : f32 to vector<16xf32>
          %parallel_loop3A_426 = arith.mulf %parallel_loop3A_288, %parallel_loop3A_425 : vector<16xf32>
          %parallel_loop3A_427 = arith.index_cast %parallel_loop3A_424 : i32 to index
          %parallel_loop3A_428 = tpu.vector_load %arg12[%parallel_loop3A_427] {strides = array<i32>} : memref<32768xf32, #tpu.memory_space<vmem>>, vector<16xf32>,
          tpu.vector_store %arg12[%parallel_loop3A_427], %parallel_loop3A_426 {add = true, strides = array<i32>} : memref<32768xf32, #tpu.memory_space<vmem>>, vector<16xf32>,
          %parallel_loop3A_429 = arith.constant 384 : i32
          %parallel_loop3A_430 = arith.addi %parallel_loop3A_268, %parallel_loop3A_429 : i32
          %parallel_loop3A_431 = arith.constant 48 : i32
          %parallel_loop3A_432 = arith.addi %parallel_loop3A_430, %parallel_loop3A_431 : i32
          %parallel_loop3A_433 = vector.broadcast %parallel_loop3A_266 : f32 to vector<16xf32>
          %parallel_loop3A_434 = arith.mulf %parallel_loop3A_288, %parallel_loop3A_433 : vector<16xf32>
          %parallel_loop3A_435 = arith.index_cast %parallel_loop3A_432 : i32 to index
          %parallel_loop3A_436 = tpu.vector_load %arg12[%parallel_loop3A_435] {strides = array<i32>} : memref<32768xf32, #tpu.memory_space<vmem>>, vector<16xf32>,
          tpu.vector_store %arg12[%parallel_loop3A_435], %parallel_loop3A_434 {add = true, strides = array<i32>} : memref<32768xf32, #tpu.memory_space<vmem>>, vector<16xf32>,
          %parallel_loop3A_437 = arith.constant 0 : i32
          %parallel_loop3A_438 = arith.addi %parallel_loop3A_268, %parallel_loop3A_437 : i32
          %parallel_loop3A_439 = arith.constant 64 : i32
          %parallel_loop3A_440 = arith.addi %parallel_loop3A_438, %parallel_loop3A_439 : i32
          %parallel_loop3A_441 = vector.broadcast %parallel_loop3A_260 : f32 to vector<16xf32>
          %parallel_loop3A_442 = arith.mulf %parallel_loop3A_293, %parallel_loop3A_441 : vector<16xf32>
          %parallel_loop3A_443 = arith.index_cast %parallel_loop3A_440 : i32 to index
          %parallel_loop3A_444 = tpu.vector_load %arg12[%parallel_loop3A_443] {strides = array<i32>} : memref<32768xf32, #tpu.memory_space<vmem>>, vector<16xf32>,
          tpu.vector_store %arg12[%parallel_loop3A_443], %parallel_loop3A_442 {add = true, strides = array<i32>} : memref<32768xf32, #tpu.memory_space<vmem>>, vector<16xf32>,
          %parallel_loop3A_445 = arith.constant 128 : i32
          %parallel_loop3A_446 = arith.addi %parallel_loop3A_268, %parallel_loop3A_445 : i32
          %parallel_loop3A_447 = arith.constant 64 : i32
          %parallel_loop3A_448 = arith.addi %parallel_loop3A_446, %parallel_loop3A_447 : i32
          %parallel_loop3A_449 = vector.broadcast %parallel_loop3A_262 : f32 to vector<16xf32>
          %parallel_loop3A_450 = arith.mulf %parallel_loop3A_293, %parallel_loop3A_449 : vector<16xf32>
          %parallel_loop3A_451 = arith.index_cast %parallel_loop3A_448 : i32 to index
          %parallel_loop3A_452 = tpu.vector_load %arg12[%parallel_loop3A_451] {strides = array<i32>} : memref<32768xf32, #tpu.memory_space<vmem>>, vector<16xf32>,
          tpu.vector_store %arg12[%parallel_loop3A_451], %parallel_loop3A_450 {add = true, strides = array<i32>} : memref<32768xf32, #tpu.memory_space<vmem>>, vector<16xf32>,
          %parallel_loop3A_453 = arith.constant 256 : i32
          %parallel_loop3A_454 = arith.addi %parallel_loop3A_268, %parallel_loop3A_453 : i32
          %parallel_loop3A_455 = arith.constant 64 : i32
          %parallel_loop3A_456 = arith.addi %parallel_loop3A_454, %parallel_loop3A_455 : i32
          %parallel_loop3A_457 = vector.broadcast %parallel_loop3A_264 : f32 to vector<16xf32>
          %parallel_loop3A_458 = arith.mulf %parallel_loop3A_293, %parallel_loop3A_457 : vector<16xf32>
          %parallel_loop3A_459 = arith.index_cast %parallel_loop3A_456 : i32 to index
          %parallel_loop3A_460 = tpu.vector_load %arg12[%parallel_loop3A_459] {strides = array<i32>} : memref<32768xf32, #tpu.memory_space<vmem>>, vector<16xf32>,
          tpu.vector_store %arg12[%parallel_loop3A_459], %parallel_loop3A_458 {add = true, strides = array<i32>} : memref<32768xf32, #tpu.memory_space<vmem>>, vector<16xf32>,
          %parallel_loop3A_461 = arith.constant 384 : i32
          %parallel_loop3A_462 = arith.addi %parallel_loop3A_268, %parallel_loop3A_461 : i32
          %parallel_loop3A_463 = arith.constant 64 : i32
          %parallel_loop3A_464 = arith.addi %parallel_loop3A_462, %parallel_loop3A_463 : i32
          %parallel_loop3A_465 = vector.broadcast %parallel_loop3A_266 : f32 to vector<16xf32>
          %parallel_loop3A_466 = arith.mulf %parallel_loop3A_293, %parallel_loop3A_465 : vector<16xf32>
          %parallel_loop3A_467 = arith.index_cast %parallel_loop3A_464 : i32 to index
          %parallel_loop3A_468 = tpu.vector_load %arg12[%parallel_loop3A_467] {strides = array<i32>} : memref<32768xf32, #tpu.memory_space<vmem>>, vector<16xf32>,
          tpu.vector_store %arg12[%parallel_loop3A_467], %parallel_loop3A_466 {add = true, strides = array<i32>} : memref<32768xf32, #tpu.memory_space<vmem>>, vector<16xf32>,
          %parallel_loop3A_469 = arith.constant 0 : i32
          %parallel_loop3A_470 = arith.addi %parallel_loop3A_268, %parallel_loop3A_469 : i32
          %parallel_loop3A_471 = arith.constant 80 : i32
          %parallel_loop3A_472 = arith.addi %parallel_loop3A_470, %parallel_loop3A_471 : i32
          %parallel_loop3A_473 = vector.broadcast %parallel_loop3A_260 : f32 to vector<16xf32>
          %parallel_loop3A_474 = arith.mulf %parallel_loop3A_298, %parallel_loop3A_473 : vector<16xf32>
          %parallel_loop3A_475 = arith.index_cast %parallel_loop3A_472 : i32 to index
          %parallel_loop3A_476 = tpu.vector_load %arg12[%parallel_loop3A_475] {strides = array<i32>} : memref<32768xf32, #tpu.memory_space<vmem>>, vector<16xf32>,
          tpu.vector_store %arg12[%parallel_loop3A_475], %parallel_loop3A_474 {add = true, strides = array<i32>} : memref<32768xf32, #tpu.memory_space<vmem>>, vector<16xf32>,
          %parallel_loop3A_477 = arith.constant 128 : i32
          %parallel_loop3A_478 = arith.addi %parallel_loop3A_268, %parallel_loop3A_477 : i32
          %parallel_loop3A_479 = arith.constant 80 : i32
          %parallel_loop3A_480 = arith.addi %parallel_loop3A_478, %parallel_loop3A_479 : i32
          %parallel_loop3A_481 = vector.broadcast %parallel_loop3A_262 : f32 to vector<16xf32>
          %parallel_loop3A_482 = arith.mulf %parallel_loop3A_298, %parallel_loop3A_481 : vector<16xf32>
          %parallel_loop3A_483 = arith.index_cast %parallel_loop3A_480 : i32 to index
          %parallel_loop3A_484 = tpu.vector_load %arg12[%parallel_loop3A_483] {strides = array<i32>} : memref<32768xf32, #tpu.memory_space<vmem>>, vector<16xf32>,
          tpu.vector_store %arg12[%parallel_loop3A_483], %parallel_loop3A_482 {add = true, strides = array<i32>} : memref<32768xf32, #tpu.memory_space<vmem>>, vector<16xf32>,
          %parallel_loop3A_485 = arith.constant 256 : i32
          %parallel_loop3A_486 = arith.addi %parallel_loop3A_268, %parallel_loop3A_485 : i32
          %parallel_loop3A_487 = arith.constant 80 : i32
          %parallel_loop3A_488 = arith.addi %parallel_loop3A_486, %parallel_loop3A_487 : i32
          %parallel_loop3A_489 = vector.broadcast %parallel_loop3A_264 : f32 to vector<16xf32>
          %parallel_loop3A_490 = arith.mulf %parallel_loop3A_298, %parallel_loop3A_489 : vector<16xf32>
          %parallel_loop3A_491 = arith.index_cast %parallel_loop3A_488 : i32 to index
          %parallel_loop3A_492 = tpu.vector_load %arg12[%parallel_loop3A_491] {strides = array<i32>} : memref<32768xf32, #tpu.memory_space<vmem>>, vector<16xf32>,
          tpu.vector_store %arg12[%parallel_loop3A_491], %parallel_loop3A_490 {add = true, strides = array<i32>} : memref<32768xf32, #tpu.memory_space<vmem>>, vector<16xf32>,
          %parallel_loop3A_493 = arith.constant 384 : i32
          %parallel_loop3A_494 = arith.addi %parallel_loop3A_268, %parallel_loop3A_493 : i32
          %parallel_loop3A_495 = arith.constant 80 : i32
          %parallel_loop3A_496 = arith.addi %parallel_loop3A_494, %parallel_loop3A_495 : i32
          %parallel_loop3A_497 = vector.broadcast %parallel_loop3A_266 : f32 to vector<16xf32>
          %parallel_loop3A_498 = arith.mulf %parallel_loop3A_298, %parallel_loop3A_497 : vector<16xf32>
          %parallel_loop3A_499 = arith.index_cast %parallel_loop3A_496 : i32 to index
          %parallel_loop3A_500 = tpu.vector_load %arg12[%parallel_loop3A_499] {strides = array<i32>} : memref<32768xf32, #tpu.memory_space<vmem>>, vector<16xf32>,
          tpu.vector_store %arg12[%parallel_loop3A_499], %parallel_loop3A_498 {add = true, strides = array<i32>} : memref<32768xf32, #tpu.memory_space<vmem>>, vector<16xf32>,
          %parallel_loop3A_501 = arith.constant 0 : i32
          %parallel_loop3A_502 = arith.addi %parallel_loop3A_268, %parallel_loop3A_501 : i32
          %parallel_loop3A_503 = arith.constant 96 : i32
          %parallel_loop3A_504 = arith.addi %parallel_loop3A_502, %parallel_loop3A_503 : i32
          %parallel_loop3A_505 = vector.broadcast %parallel_loop3A_260 : f32 to vector<16xf32>
          %parallel_loop3A_506 = arith.mulf %parallel_loop3A_303, %parallel_loop3A_505 : vector<16xf32>
          %parallel_loop3A_507 = arith.index_cast %parallel_loop3A_504 : i32 to index
          %parallel_loop3A_508 = tpu.vector_load %arg12[%parallel_loop3A_507] {strides = array<i32>} : memref<32768xf32, #tpu.memory_space<vmem>>, vector<16xf32>,
          tpu.vector_store %arg12[%parallel_loop3A_507], %parallel_loop3A_506 {add = true, strides = array<i32>} : memref<32768xf32, #tpu.memory_space<vmem>>, vector<16xf32>,
          %parallel_loop3A_509 = arith.constant 128 : i32
          %parallel_loop3A_510 = arith.addi %parallel_loop3A_268, %parallel_loop3A_509 : i32
          %parallel_loop3A_511 = arith.constant 96 : i32
          %parallel_loop3A_512 = arith.addi %parallel_loop3A_510, %parallel_loop3A_511 : i32
          %parallel_loop3A_513 = vector.broadcast %parallel_loop3A_262 : f32 to vector<16xf32>
          %parallel_loop3A_514 = arith.mulf %parallel_loop3A_303, %parallel_loop3A_513 : vector<16xf32>
          %parallel_loop3A_515 = arith.index_cast %parallel_loop3A_512 : i32 to index
          %parallel_loop3A_516 = tpu.vector_load %arg12[%parallel_loop3A_515] {strides = array<i32>} : memref<32768xf32, #tpu.memory_space<vmem>>, vector<16xf32>,
          tpu.vector_store %arg12[%parallel_loop3A_515], %parallel_loop3A_514 {add = true, strides = array<i32>} : memref<32768xf32, #tpu.memory_space<vmem>>, vector<16xf32>,
          %parallel_loop3A_517 = arith.constant 256 : i32
          %parallel_loop3A_518 = arith.addi %parallel_loop3A_268, %parallel_loop3A_517 : i32
          %parallel_loop3A_519 = arith.constant 96 : i32
          %parallel_loop3A_520 = arith.addi %parallel_loop3A_518, %parallel_loop3A_519 : i32
          %parallel_loop3A_521 = vector.broadcast %parallel_loop3A_264 : f32 to vector<16xf32>
          %parallel_loop3A_522 = arith.mulf %parallel_loop3A_303, %parallel_loop3A_521 : vector<16xf32>
          %parallel_loop3A_523 = arith.index_cast %parallel_loop3A_520 : i32 to index
          %parallel_loop3A_524 = tpu.vector_load %arg12[%parallel_loop3A_523] {strides = array<i32>} : memref<32768xf32, #tpu.memory_space<vmem>>, vector<16xf32>,
          tpu.vector_store %arg12[%parallel_loop3A_523], %parallel_loop3A_522 {add = true, strides = array<i32>} : memref<32768xf32, #tpu.memory_space<vmem>>, vector<16xf32>,
          %parallel_loop3A_525 = arith.constant 384 : i32
          %parallel_loop3A_526 = arith.addi %parallel_loop3A_268, %parallel_loop3A_525 : i32
          %parallel_loop3A_527 = arith.constant 96 : i32
          %parallel_loop3A_528 = arith.addi %parallel_loop3A_526, %parallel_loop3A_527 : i32
          %parallel_loop3A_529 = vector.broadcast %parallel_loop3A_266 : f32 to vector<16xf32>
          %parallel_loop3A_530 = arith.mulf %parallel_loop3A_303, %parallel_loop3A_529 : vector<16xf32>
          %parallel_loop3A_531 = arith.index_cast %parallel_loop3A_528 : i32 to index
          %parallel_loop3A_532 = tpu.vector_load %arg12[%parallel_loop3A_531] {strides = array<i32>} : memref<32768xf32, #tpu.memory_space<vmem>>, vector<16xf32>,
          tpu.vector_store %arg12[%parallel_loop3A_531], %parallel_loop3A_530 {add = true, strides = array<i32>} : memref<32768xf32, #tpu.memory_space<vmem>>, vector<16xf32>,
          %parallel_loop3A_533 = arith.constant 0 : i32
          %parallel_loop3A_534 = arith.addi %parallel_loop3A_268, %parallel_loop3A_533 : i32
          %parallel_loop3A_535 = arith.constant 112 : i32
          %parallel_loop3A_536 = arith.addi %parallel_loop3A_534, %parallel_loop3A_535 : i32
          %parallel_loop3A_537 = vector.broadcast %parallel_loop3A_260 : f32 to vector<16xf32>
          %parallel_loop3A_538 = arith.mulf %parallel_loop3A_308, %parallel_loop3A_537 : vector<16xf32>
          %parallel_loop3A_539 = arith.index_cast %parallel_loop3A_536 : i32 to index
          %parallel_loop3A_540 = tpu.vector_load %arg12[%parallel_loop3A_539] {strides = array<i32>} : memref<32768xf32, #tpu.memory_space<vmem>>, vector<16xf32>,
          tpu.vector_store %arg12[%parallel_loop3A_539], %parallel_loop3A_538 {add = true, strides = array<i32>} : memref<32768xf32, #tpu.memory_space<vmem>>, vector<16xf32>,
          %parallel_loop3A_541 = arith.constant 128 : i32
          %parallel_loop3A_542 = arith.addi %parallel_loop3A_268, %parallel_loop3A_541 : i32
          %parallel_loop3A_543 = arith.constant 112 : i32
          %parallel_loop3A_544 = arith.addi %parallel_loop3A_542, %parallel_loop3A_543 : i32
          %parallel_loop3A_545 = vector.broadcast %parallel_loop3A_262 : f32 to vector<16xf32>
          %parallel_loop3A_546 = arith.mulf %parallel_loop3A_308, %parallel_loop3A_545 : vector<16xf32>
          %parallel_loop3A_547 = arith.index_cast %parallel_loop3A_544 : i32 to index
          %parallel_loop3A_548 = tpu.vector_load %arg12[%parallel_loop3A_547] {strides = array<i32>} : memref<32768xf32, #tpu.memory_space<vmem>>, vector<16xf32>,
          tpu.vector_store %arg12[%parallel_loop3A_547], %parallel_loop3A_546 {add = true, strides = array<i32>} : memref<32768xf32, #tpu.memory_space<vmem>>, vector<16xf32>,
          %parallel_loop3A_549 = arith.constant 256 : i32
          %parallel_loop3A_550 = arith.addi %parallel_loop3A_268, %parallel_loop3A_549 : i32
          %parallel_loop3A_551 = arith.constant 112 : i32
          %parallel_loop3A_552 = arith.addi %parallel_loop3A_550, %parallel_loop3A_551 : i32
          %parallel_loop3A_553 = vector.broadcast %parallel_loop3A_264 : f32 to vector<16xf32>
          %parallel_loop3A_554 = arith.mulf %parallel_loop3A_308, %parallel_loop3A_553 : vector<16xf32>
          %parallel_loop3A_555 = arith.index_cast %parallel_loop3A_552 : i32 to index
          %parallel_loop3A_556 = tpu.vector_load %arg12[%parallel_loop3A_555] {strides = array<i32>} : memref<32768xf32, #tpu.memory_space<vmem>>, vector<16xf32>,
          tpu.vector_store %arg12[%parallel_loop3A_555], %parallel_loop3A_554 {add = true, strides = array<i32>} : memref<32768xf32, #tpu.memory_space<vmem>>, vector<16xf32>,
          %parallel_loop3A_557 = arith.constant 384 : i32
          %parallel_loop3A_558 = arith.addi %parallel_loop3A_268, %parallel_loop3A_557 : i32
          %parallel_loop3A_559 = arith.constant 112 : i32
          %parallel_loop3A_560 = arith.addi %parallel_loop3A_558, %parallel_loop3A_559 : i32
          %parallel_loop3A_561 = vector.broadcast %parallel_loop3A_266 : f32 to vector<16xf32>
          %parallel_loop3A_562 = arith.mulf %parallel_loop3A_308, %parallel_loop3A_561 : vector<16xf32>
          %parallel_loop3A_563 = arith.index_cast %parallel_loop3A_560 : i32 to index
          %parallel_loop3A_564 = tpu.vector_load %arg12[%parallel_loop3A_563] {strides = array<i32>} : memref<32768xf32, #tpu.memory_space<vmem>>, vector<16xf32>,
          tpu.vector_store %arg12[%parallel_loop3A_563], %parallel_loop3A_562 {add = true, strides = array<i32>} : memref<32768xf32, #tpu.memory_space<vmem>>, vector<16xf32>,
        } {sc.loop_unroll_factor = 1 : i64, sc.parallel_access}
      } else {
      }
      %mul3A_97 = arith.constant 4 : i32
      %mul3A_98 = arith.muli %mul3A_13, %mul3A_97 : i32
      %mul3A_99 = arith.constant 128 : i32
      %mul3A_100 = arith.muli %mul3A_98, %mul3A_99 : i32
      "tpu.region"() ({
        %run_scoped3A = tpu.sem_alloc : memref<!tpu.dma_semaphore, #tpu.memory_space<semaphore_mem>>
        %dma_start3A = tpu.memref_slice %arg7[%mul3A_100] : memref<5242880xf32, #tpu.memory_space<hbm>> -> memref<32768xf32, #tpu.memory_space<hbm>>
        %dma_start3A_102 = tpu.memref_slice %arg7[%mul3A_100] : memref<5242880xf32, #tpu.memory_space<hbm>> -> memref<32768xf32, #tpu.memory_space<hbm>>
        tpu.enqueue_dma source(%arg12 : memref<32768xf32, #tpu.memory_space<vmem>>) target(%dma_start3A_102 : memref<32768xf32, #tpu.memory_space<hbm>>) target_semaphore(%run_scoped3A : memref<!tpu.dma_semaphore, #tpu.memory_space<semaphore_mem>>)
        %dma_wait3A = tpu.memref_slice %arg7[%mul3A_100] : memref<5242880xf32, #tpu.memory_space<hbm>> -> memref<32768xf32, #tpu.memory_space<hbm>>
        %dma_wait3A_103 = tpu.memref_slice %arg7[%mul3A_100] : memref<5242880xf32, #tpu.memory_space<hbm>> -> memref<32768xf32, #tpu.memory_space<hbm>>
        tpu.wait_dma2 semaphore(%run_scoped3A : memref<!tpu.dma_semaphore, #tpu.memory_space<semaphore_mem>>) src(%arg12 : memref<32768xf32, #tpu.memory_space<vmem>>) dst(%dma_wait3A_103 : memref<32768xf32, #tpu.memory_space<hbm>>)
        tpu.yield
      }) : () -> ()
      %scan3A_101 = arith.constant 0 : i32
      scf.yield %scan3A_101 : i32
    }
    %scan3A_6 = arith.constant 5 : i32
    return
  }
}

module attributes {stable_mosaic.version = 14 : i64} {
  func.func @_mm_body(%arg0: i32, %arg1: memref<400x512xf32, #tpu.memory_space<vmem>>, %arg2: memref<400x128xf32, #tpu.memory_space<vmem>>, %arg3: memref<512x128xf32, #tpu.memory_space<vmem>>, %arg4: memref<128x128xf32, #tpu.memory_space<vmem>>, %arg5: memref<128xf32, #tpu.memory_space<vmem>>, %arg6: memref<400x128xf32, #tpu.memory_space<vmem>>) attributes {dimension_semantics = [#tpu.dimension_semantics<arbitrary>], iteration_bounds = array<i64: 25>, scalar_prefetch = 0 : i64, scratch_operands = 0 : i64, tpu.core_type = #tpu.core_type<tc>, window_params = [{transform_indices = @transform_0, window_bounds = array<i64: 400, 512>}, {transform_indices = @transform_1, window_bounds = array<i64: 400, 128>}, {pipeline_mode = #tpu.pipeline_mode<synchronous>, transform_indices = @transform_2, window_bounds = array<i64: 512, 128>}, {pipeline_mode = #tpu.pipeline_mode<synchronous>, transform_indices = @transform_3, window_bounds = array<i64: 128, 128>}, {pipeline_mode = #tpu.pipeline_mode<synchronous>, transform_indices = @transform_4, window_bounds = array<i64: 128>}, {transform_indices = @transform_5, window_bounds = array<i64: 400, 128>}]} {
    %get3A = arith.constant 0 : index
    %get3A_0 = arith.constant 0 : index
    %get3A_1 = vector.load %arg1[%get3A, %get3A_0] : memref<400x512xf32, #tpu.memory_space<vmem>>, vector<400x512xf32>
    %get3A_2 = arith.constant 0 : index
    %get3A_3 = arith.constant 0 : index
    %get3A_4 = vector.load %arg3[%get3A_2, %get3A_3] : memref<512x128xf32, #tpu.memory_space<vmem>>, vector<512x128xf32>
    %dot_general3A = arith.constant dense<0.000000e+00> : vector<400x128xf32>
    %dot_general3A_5 = tpu.matmul %get3A_1, %get3A_4, %dot_general3A {dimension_numbers = #tpu.dot_dimension_numbers<[1], [0], [0], [1], [0, 0, 1, 1], [], []>, transpose_lhs_hint = false} : vector<400x512xf32>, vector<512x128xf32>, vector<400x128xf32> -> vector<400x128xf32>
    %get3A_6 = arith.constant 0 : index
    %get3A_7 = arith.constant 0 : index
    %get3A_8 = vector.load %arg2[%get3A_6, %get3A_7] : memref<400x128xf32, #tpu.memory_space<vmem>>, vector<400x128xf32>
    %get3A_9 = arith.constant 0 : index
    %get3A_10 = arith.constant 0 : index
    %get3A_11 = vector.load %arg4[%get3A_9, %get3A_10] : memref<128x128xf32, #tpu.memory_space<vmem>>, vector<128x128xf32>
    %dot_general3A_12 = arith.constant dense<0.000000e+00> : vector<400x128xf32>
    %dot_general3A_13 = tpu.matmul %get3A_8, %get3A_11, %dot_general3A_12 {dimension_numbers = #tpu.dot_dimension_numbers<[1], [0], [0], [1], [0, 0, 1, 1], [], []>, transpose_lhs_hint = false} : vector<400x128xf32>, vector<128x128xf32>, vector<400x128xf32> -> vector<400x128xf32>
    %add3A = arith.addf %dot_general3A_5, %dot_general3A_13 : vector<400x128xf32>
    %get3A_14 = arith.constant 0 : index
    %get3A_15 = vector.load %arg5[%get3A_14] : memref<128xf32, #tpu.memory_space<vmem>>, vector<128xf32>
    %broadcast_in_dim3A = vector.shape_cast %get3A_15 : vector<128xf32> to vector<1x128xf32>
    %add3A_16 = vector.broadcast %broadcast_in_dim3A : vector<1x128xf32> to vector<400x128xf32>
    %add3A_17 = arith.addf %add3A, %add3A_16 : vector<400x128xf32>
    %swap3A = arith.constant 0 : index
    %swap3A_18 = arith.constant 0 : index
    %swap3A_19 = vector.load %arg6[%swap3A, %swap3A_18] : memref<400x128xf32, #tpu.memory_space<vmem>>, vector<400x128xf32>
    tpu.vector_store %arg6[%swap3A, %swap3A_18], %add3A_17 {strides = array<i32>} : memref<400x128xf32, #tpu.memory_space<vmem>>, vector<400x128xf32>,
    return
  }
  func.func @transform_0(%arg0: i32) -> (i32, i32) {
    %c0_i32 = arith.constant 0 : i32
    %c0_i32_0 = arith.constant 0 : i32
    return %arg0, %c0_i32 : i32, i32
  }
  func.func @transform_1(%arg0: i32) -> (i32, i32) {
    %c0_i32 = arith.constant 0 : i32
    %c0_i32_0 = arith.constant 0 : i32
    return %arg0, %c0_i32 : i32, i32
  }
  func.func @transform_2(%arg0: i32) -> (i32, i32) {
    %c0_i32 = arith.constant 0 : i32
    %c0_i32_0 = arith.constant 0 : i32
    %c0_i32_1 = arith.constant 0 : i32
    return %c0_i32, %c0_i32_0 : i32, i32
  }
  func.func @transform_3(%arg0: i32) -> (i32, i32) {
    %c0_i32 = arith.constant 0 : i32
    %c0_i32_0 = arith.constant 0 : i32
    %c0_i32_1 = arith.constant 0 : i32
    return %c0_i32, %c0_i32_0 : i32, i32
  }
  func.func @transform_4(%arg0: i32) -> i32 {
    %c0_i32 = arith.constant 0 : i32
    %c0_i32_0 = arith.constant 0 : i32
    return %c0_i32 : i32
  }
  func.func @transform_5(%arg0: i32) -> (i32, i32) {
    %c0_i32 = arith.constant 0 : i32
    %c0_i32_0 = arith.constant 0 : i32
    return %arg0, %c0_i32 : i32, i32
  }
}

</mosaic_0001>

<sc_bundles>
// kernel: kernel.5.cloned.1.call-start
scs
__scs_entry_jumppad:
0x0: {  	(pc) =	sbr.rel $0x88, $3  }
0x1: {  	(tag) =	ssettag $0x0;
	lr =	simm.s32 $0x1  }
0x2: {  	[smem:$0x3F9B] =	sst lr;
	_ =	strace $0xD0000000  }
0x3: {  	_ = 	snop  }
0x4: {  	_ = 	snop  }
0x5: {  	_ = 	snop  }
0x6: {  	_ = 	snop  }
0x7: {  	_ = 	snop  }
__scs_overlays_trampoline_lowered:
0x8: {  	[smem:$0x3FAA] =	sst s0  }
0x9: {  	[smem:$0x3FAB] =	sst s1  }
0xa: {  	[smem:$0x3FAC] =	sst s2  }
0xb: {  	[smem:$0x3FAD] =	sst s3  }
0xc: {  	[smem:$0x3FAE] =	sst s4  }
0xd: {  	[smem:$0x3FAF] =	sst s5  }
0xe: {  	[smem:$0x3FB0] =	sst s6  }
0xf: {  	[smem:$0x3FB1] =	sst s7  }
0x10: {  	[smem:$0x3FB2] =	sst s8  }
0x11: {  	[smem:$0x3FB3] =	sst s9;
	s0 =	simm.s32 @!p0 $0x0  }
0x12: {  	s1 =	sld [smem:$0x3F99];
	s0 =	simm.s32 @p0 $0x1  }
0x13: {  	[smem:$0x3FB4] =	sst s0;
	s0 =	simm.s32 @!p1 $0x0  }
0x14: {  	s2 =	sld [smem:$0x3F98];
	s0 =	simm.s32 @p1 $0x1  }
0x15: {  	[smem:$0x3FB5] =	sst s0;
	s0 =	simm.s32 @!p2 $0x0  }
0x16: {  	s3 =	sld [smem:$0x3FDB];
	s0 =	simm.s32 @p2 $0x1  }
0x17: {  	s4 =	simm.s32 $0x1BF5;
	[smem:$0x3FB7] =	sst s0  }
0x18: {  	s0 =	sld [smem:$0x3F9A];
	_ =	swait.ge [sflag:s4], $0x0  }
0x19: {  	s7 =	sld [smem:$0x3F9B]  }
0x1a: {  	s8 =	sadd.s32 $0xFFFFE003, lr  }
0x1b: {  	s9 =	sadd.s32 $0xFFFFFEF7, lr;
	s5 =	simm.s32 $0xFFFFFFFF;
	p2 =	slt.u32 s8, $0xFFFFF086  }
0x1c: {  	p1 =	slt.u32 s9, $0xF7A;
	s5 =	simm.s32 @!p2 $0x0  }
0x1d: {  	s5 =	simm.s32 @p1 $0x1;
	p0 =	seq.s32 s7, s2  }
0x1e: {  	s7 =	smul.u32 @!p0 $0xF7A, s2;
	p2 =	seq.s32 @!p0 s5, $0x0  }
0x1f: {  	s9 =	smul.u32 $0xF7A, s1;
	s8 =	simm.s32 @!p0 $0x1BF5;
	p2 =	por !p2, p0  }
0x20: {  	[sflag:s8] =	ssyncset.s32 @!p0 $0xFFFFF086;
	s6 =	sadd.s32 @!p0 s3, s7;
	s7 =	simm.s32 @!p0 $0x108  }
0x21: {  	s3 =	sadd.s32 s3, s9;
	s6 =	sadd.s32 @!p0 $0x88, s6;
	s7 =	simm.s32 @p2 $0x1082  }
0x22: {  	[simem:s7], [sflag:s8] =	dma.local @!p0 [hbm:s6], $0xF7A  }
0x23: {  	s9 =	sor.u32 $0xD0000000, s2;
	s6 =	simm.s32 $0x108;
	_ =	swait.ge @!p0 [sflag:s8], $0x0  }
0x24: {  	s3 =	sadd.s32 $0x88, s3;
	s6 =	simm.s32 @!p1 $0x1082;
	[sflag:s4] =	ssyncset.s32 $0xFFFFF086  }
0x25: {  	[simem:s6], [sflag:s4] =	dma.local [hbm:s3], $0xF7A  }
0x26: {  	[smem:$0x3F9B] =	sst s1;
	(tag) =	ssettag s2;
	_ =	strace s9  }
0x27: {  	s1 =	sld [smem:$0x3FAB]  }
0x28: {  	s2 =	sld [smem:$0x3FAC]  }
0x29: {  	s4 =	sld [smem:$0x3FAE]  }
0x2a: {  	p0 =	seq.s32 s5, $0x0;
	s5 =	sld [smem:$0x3FAF]  }
0x2b: {  	s6 =	sld [smem:$0x3FB0]  }
0x2c: {  	s7 =	sld [smem:$0x3FB1]  }
0x2d: {  	s3 =	simm.s32 $0x108;
	s8 =	sld [smem:$0x3FB2]  }
0x2e: {  	s3 =	simm.s32 @!p0 $0x1082;
	s9 =	sld [smem:$0x3FB3]  }
0x2f: {  	lr =	sadd.s32 s0, s3;
	s0 =	sld [smem:$0x3FAA]  }
0x30: {  	s3 =	sld [smem:$0x3FAD]  }
0x31: {  	[smem:$0x3FB6] =	sst s10  }
0x32: {  	s10 =	sld [smem:$0x3FB4];
	_ =	sdelay $0x3  }
0x33: {  	p0 =	seq.s32 s10, $0x1;
	s10 =	sld [smem:$0x3FB6];
	_ =	sdelay $0x3  }
0x34: {  	[smem:$0x3FB6] =	sst s10  }
0x35: {  	s10 =	sld [smem:$0x3FB5];
	_ =	sdelay $0x3  }
0x36: {  	p1 =	seq.s32 s10, $0x1;
	s10 =	sld [smem:$0x3FB6];
	_ =	sdelay $0x3  }
0x37: {  	[smem:$0x3FB6] =	sst s10  }
0x38: {  	s10 =	sld [smem:$0x3FB7]  }
0x39: {  	_ = 	snop;
	(pc) =	sbr.ind lr, $3  }
0x3a: {  	_ = 	snop  }
0x3b: {  	_ = 	snop  }
0x3c: {  	p2 =	seq.s32 s10, $0x1;
	s10 =	sld [smem:$0x3FB6]  }
0x3d: {  	_ =	shalt  }
0x3e: {  	_ =	shalt  }
0x3f: {  	_ =	shalt  }
0x40: {  	_ =	shalt  }
0x41: {  	_ =	shalt  }
0x42: {  	_ =	shalt  }
0x43: {  	_ =	shalt  }
0x44: {  	_ =	shalt  }
0x45: {  	_ =	shalt  }
0x46: {  	_ =	shalt  }
0x47: {  	_ =	shalt  }
0x48: {  	_ =	shalt  }
0x49: {  	_ =	shalt  }
0x4a: {  	_ =	shalt  }
0x4b: {  	_ =	shalt  }
0x4c: {  	_ =	shalt  }
0x4d: {  	_ =	shalt  }
0x4e: {  	_ =	shalt  }
0x4f: {  	_ =	shalt  }
0x50: {  	_ =	shalt  }
0x51: {  	_ =	shalt  }
0x52: {  	_ =	shalt  }
0x53: {  	_ =	shalt  }
0x54: {  	_ =	shalt  }
0x55: {  	_ =	shalt  }
0x56: {  	_ =	shalt  }
0x57: {  	_ =	shalt  }
0x58: {  	_ =	shalt  }
0x59: {  	_ =	shalt  }
0x5a: {  	_ =	shalt  }
0x5b: {  	_ =	shalt  }
0x5c: {  	_ =	shalt  }
0x5d: {  	_ =	shalt  }
0x5e: {  	_ =	shalt  }
0x5f: {  	_ =	shalt  }
0x60: {  	_ =	shalt  }
0x61: {  	_ =	shalt  }
0x62: {  	_ =	shalt  }
0x63: {  	_ =	shalt  }
0x64: {  	_ =	shalt  }
0x65: {  	_ =	shalt  }
0x66: {  	_ =	shalt  }
0x67: {  	_ =	shalt  }
0x68: {  	_ =	shalt  }
0x69: {  	_ =	shalt  }
0x6a: {  	_ =	shalt  }
0x6b: {  	_ =	shalt  }
0x6c: {  	_ =	shalt  }
0x6d: {  	_ =	shalt  }
0x6e: {  	_ =	shalt  }
0x6f: {  	_ =	shalt  }
0x70: {  	_ =	shalt  }
0x71: {  	_ =	shalt  }
0x72: {  	_ =	shalt  }
0x73: {  	_ =	shalt  }
0x74: {  	_ =	shalt  }
0x75: {  	_ =	shalt  }
0x76: {  	_ =	shalt  }
0x77: {  	_ =	shalt  }
0x78: {  	_ =	shalt  }
0x79: {  	_ =	shalt  }
0x7a: {  	_ =	shalt  }
0x7b: {  	_ =	shalt  }
0x7c: {  	_ =	shalt  }
0x7d: {  	_ =	shalt  }
0x7e: {  	_ =	shalt  }
0x7f: {  	_ =	shalt  }
0x80: {  	_ =	shalt  }
0x81: {  	_ =	shalt  }
0x82: {  	_ =	shalt  }
0x83: {  	_ =	shalt  }
0x84: {  	_ =	shalt  }
0x85: {  	_ =	shalt  }
0x86: {  	_ =	shalt  }
0x87: {  	_ =	shalt  }
.Lfunc_end0:
.L_simem_size_0:
called_computation_lowered:
.L_overlay_start_0:
0x88: {  	s2 =	sld [smem:$0x3FD9]  }
0x89: {  	s3 =	sld [smem:$0x3FFE];
	_ =	sdelay $0x1  }
0x8a: {  	s1 =	srdreg.scid  }
0x8b: {  	s0 =	sand.u32 $0x1, s1  }
0x8c: {  	s17 =	sshll.u32 s0, $0xA;
	s2 =	sadd.s32 s3, s2  }
0x8d: {  	s2 =	sadd.s32 s2, s17  }
0x8e: {  	[smem:$0x3FC2] =	sst s2  }
0x8f: {  	_ = 	snop  }
0x90: {  	s2 =	sld [smem:$0x3FD0];
	(tm) =	ssettm $0x1  }
0x91: {  	s18 =	sld [smem:$0x3FFB];
	_ =	sdelay $0x3  }
0x92: {  	_ =	strace s18  }
0x93: {  	s3 =	sld [smem:$0x3FFC];
	_ =	sdelay $0x3  }
0x94: {  	_ =	strace s3  }
0x95: {  	s3 =	sld [smem:$0x3FFD];
	_ =	sdelay $0x3  }
0x96: {  	_ =	strace s3  }
0x97: {  	_ =	strace $0x8FFFFFFF  }
0x98: {  	s19 =	sld [smem:$0x3FDB];
	_ =	sdelay $0x1  }
0x99: {  	s4 =	simm.s32 $_scs_section_size  }
0x9a: {  	s5 =	simm.s32 $_size__tile_overlayer_lowered;
	s6 =	simm.s32 $_tile_overlayer_lowered  }
0x9b: {  	s22 =	simm.s32 $0x1BFF;
	s21 =	sshll.u32 s6, $0x1;
	s3 =	sadd.s32 s4, s19  }
0x9c: {  	s7 =	simm.s32 $0x0;
	s20 =	sshll.u32 s5, $0x1;
	s5 =	sadd.s32 s21, s3  }
0x9d: {  	[timem:s7], [sflag:s22] =	dma.local [hbm:s5], s20  }
0x9e: {  	_ =	swait.ge [sflag:s22], s20  }
0x9f: {  	s4 =	ssub.s32 $0x0, s20;
	[sflag:s22] =	ssyncset.done $0x0  }
0xa0: {  	[sflag:s22] =	ssyncadd.s32 s4;
	_ =	sdelay $0x1  }
0xa1: {  	s23 =	simm.s32 $0x1B8B  }
0xa2: {  	_ =	swait.ge [sflag:s23], $0x1  }
0xa3: {  	[sflag:s23] =	ssyncset.done $0x0  }
0xa4: {  	s25 =	simm.s32 $0x1B8E;
	s24 =	sld [smem:$0x3FFE];
	[sflag:s23] =	ssyncadd.s32 $0xFFFFFFFF  }
0xa5: {  	s26 =	simm.s32 $execute0_lowered;
	[smem:$0x3FD2] =	sst s25  }
0xa6: {  	s5 =	sshll.u32 s26, $0x1;
	_ =	strace $0x80000046;
	[dreg:$0x1] =	wrdreg $0xFFFFFFFF  }
0xa7: {  	s28 =	simm.s32 $_size_execute0_lowered;
	s3 =	sadd.s32 s3, s5;
	[dreg:$0x0] =	wrdreg $0x0  }
0xa8: {  	s5 =	sshll.u32 s28, $0x1;
	[dreg:$0x2] =	wrdreg s3  }
0xa9: {  	[dreg:$0x3] =	wrdreg s5  }
0xaa: {  	[dreg:$0x4] =	wrdreg $0xC0  }
0xab: {  	_ =	task [dreg:s7], $0x5FFFF  }
0xac: {  	[dreg:$0x1] =	wrdreg $0xFFFFFFFF  }
0xad: {  	[dreg:$0x0] =	wrdreg $0x60  }
0xae: {  	[dreg:$0x2] =	wrdreg s24  }
0xaf: {  	[dreg:$0x3] =	wrdreg s2  }
0xb0: {  	[dreg:$0x4] =	wrdreg $0x9  }
0xb1: {  	_ =	task.clear_ibuf [dreg:s7], $0x5FFFF;
	_ =	strace $0x90000046  }
0xb2: {  	s29 =	simm.s32 $0x9;
	_ =	strace $0x80000048  }
0xb3: {  	_ =	swait.ge [sflag:s29], $0x1  }
0xb4: {  	[sflag:s29] =	ssyncadd.s32 $0xFFFFFFFF  }
0xb5: {  	_ =	strace $0x90000048  }
0xb6: {  	_ =	sfence  }
0xb7: {  	s30 =	sld [smem:$0x0];
	_ =	sdelay $0x2  }
0xb8: {  	s31 =	sshll.u32 s1, $0xD;
	s1 =	sshrl.u32 s1, $0x2  }
0xb9: {  	s3 =	sand.u32 $0x4000, s31;
	s1 =	sadd.s32 s1, s30  }
0xba: {  	s0 =	sor.u32 s3, s0;
	s1 =	sshll.u32 s1, $0x11  }
0xbb: {  	s0 =	sor.u32 s1, s0  }
0xbc: {  	s0 =	sadd.s32 $0x8F2B, s0  }
0xbd: {  	[sflag:s0] =	ssyncadd.remote.s32 $0x1  }
0xbe: {  	_ =	sfence.sel $0xFFFF  }
0xbf: {  	[dreg:$0x0] =	wrdreg $0xFFFFFFFF;
	(pc) =	sbr.abs _section_cstart, $3  }
0xc0: {  	[dreg:$0x1] =	wrdreg $0xFFFFFFFF  }
0xc1: {  	_ =	task.clear_ibuf [dreg:s7], $0x2FFFF;
	_ =	strace $0x9FFFFFFF  }
0xc2: {  	(tm) =	ssettm $0x7FFFFFFF  }
0xc3: {  	_ =	shalt  }
tec
execute0_lowered:
.L_overlay_start_1:
0x0: {  	(tag) =	ssettag $0x1  }
0x1: {  	s1 =	srdreg.scid;
	s4 =	rddreg [dreg:$0x0]  }
0x2: {  	s0 =	stileid.u32;
	s9 =	rddreg [dreg:$0x1]  }
0x3: {  	s2 =	simm.s32 $0x0;
	s14 =	simm.s32 $0x5000;
	s15 =	simm.s32 $0x5100  }
0x4: {  	s16 =	simm.s32 $0x7980;
	s3 =	sand.u32 $0x1, s1;
	s29 =	sshll.u32 s0, $0x1  }
0x5: {  	s17 =	simm.s32 $0x0;
	[smem:$0x7FF] =	sst s2;
	s6 =	sor.u32 s3, s29  }
0x6: {  	s1 =	rddreg [dreg:$0x2];
	_ =	strace $0x80000047;
	s5 =	smul.u32 $0x2710, s6  }
0x7: {  	s3 =	ssub.s32 $0x2, s3;
	s7 =	smul.u32 $0x500, s6;
	s30 =	sshll.u32 s6, $0x1  }
0x8: {  	s31 =	sshrl.u32 s3, $0x1;
	s13 =	smul.u32 $0xA00, s6;
	s11 =	sadd.s32 s30, s4  }
0x9: {  	s12 =	ssub.s32 s3, s31;
	s5 =	sshrl.u32 s5, $0x3;
	s10 =	sadd.s32 s7, s4  }
0xa: {  	s9 =	sadd.s32 s9, s13;
	s13 =	simm.s32 $0x1;
	s8 =	sadd.s32 s5, s4  }
0xb: {  	s10 =	sadd.s32 $0xB600, s10;
	s3 =	sadd.s32 $0x1800, s8;
	s4 =	sadd.s32 $0x18FA, s8  }
0xc: {  	s5 =	sadd.s32 $0x19F4, s8;
	s6 =	sadd.s32 $0x1AEE, s8;
	s7 =	sadd.s32 $0x1BE8, s8  }
0xd: {  	v0 =	vimm.s32 $0xFFFFFFFF;
	v1 =	vimm.s32 $0x0;
	v2 =	vlaneseq.u32;
	s8 =	sadd.s32 $0x15600, s11;
	s11 =	smax.u32 s12, $0x1;
	s12 =	simm.s32 $0x7A00  }
.LBB2_1:
0xe: {  	s18 =	simm.s32 $0x40  }
0xf: {  	[tilespmem:s18+$0xFFFFFFC0] =	vst v0  }
0x10: {  	[tilespmem:s18+$0x30] =	vst v0  }
0x11: {  	[tilespmem:s18+$0x20] =	vst v0  }
0x12: {  	[tilespmem:s18+$0x10] =	vst v0  }
0x13: {  	[tilespmem:s18+$0x0] =	vst v0  }
0x14: {  	[tilespmem:s18+$0xFFFFFFF0] =	vst v0  }
0x15: {  	s19 =	simm.s32 $0x0;
	[tilespmem:s18+$0xFFFFFFE0] =	vst v0  }
.LBB2_2:
0x16: {  	s19 =	sadd.s32 $0x8, s19;
	[tilespmem:s18+$0xFFFFFFD0] =	vst v0;
	s18 =	sadd.s32 $0x80, s18  }
0x17: {  	[tilespmem:s18+$0xFFFFFFC0] =	vst v0;
	p0 =	slt.u32 s19, $0x4F8  }
0x18: {  	[tilespmem:s18+$0x30] =	vst v0  }
.Ltmp0:
0x19: {  	[tilespmem:s18+$0x20] =	vst v0;
	(pc) =	sbr.rel @p0 .LBB2_2-.Ltmp0, $4  }
0x1a: {  	[tilespmem:s18+$0x10] =	vst v0  }
0x1b: {  	[tilespmem:s18+$0x0] =	vst v0  }
0x1c: {  	[tilespmem:s18+$0xFFFFFFF0] =	vst v0  }
0x1d: {  	[tilespmem:s18+$0xFFFFFFE0] =	vst v0  }
0x1e: {  	[tilespmem:s18+$0xFFFFFFD0] =	vst v0;
	s18 =	simm.s32 $0x40;
	s19 =	simm.s32 $0x0  }
.LBB2_4:
0x1f: {  	p0 =	sne.s32 s18, $0x280;
	[tilespmem:s19+$0x5000] =	vst v1;
	s19 =	smov.u32 s18;
	s18 =	sadd.s32 $0x40, s18  }
.Ltmp1:
0x20: {  	(pc) =	sbr.rel @p0 .LBB2_4-.Ltmp1, $2  }
0x21: {  	_ =	sdelay $0x2  }
0x22: {  	s19 =	sshra.s32 s19, $0x2  }
0x23: {  	[tilespmem:s19+$0x5000] =	vst v1;
	s18 =	simm.s32 $0x0  }
0x24: {  	[tilespmem:s12], [sflag:$0x1] =	stream.linear.gather [hbm4b:s3+s18], $0x7D0, $0x38;
	[tilespmem:$0x8200] =	vst v63  }
0x25: {  	_ =	swait.ge [sflag:s13], $0x7D0  }
0x26: {  	[sflag:s13] =	ssyncset.done $0x0  }
0x27: {  	v3 =	vimm.s32 $0x0;
	s19 =	simm.s32 $0x0;
	v4 =	vimm.s32 $0x0;
	s18 =	simm.s32 $0x40;
	[sflag:s13] =	ssyncadd.s32 $0xFFFFF830  }
.LBB2_6:
0x28: {  	p0 =	sne.s32 s18, $0x1F00;
	v5 =	vld [tilespmem:s19+$0x7A00];
	_ =	sdelay $0x4  }
0x29: {  	v6 =	vshrl.u32 v5, $0x18  }
0x2a: {  	(xrf1) =	vunique.msk.u32 $0xffff, v6;
	_ =	sdelay $0x8  }
0x2b: {  	v7 =	vld.idx.msk [tilespmem:v6+s14+$0x0], $0xffff;
	_ =	sdelay $0x4  }
0x2c: {  	_, v8, vm0 =	vpop (xrf1)  }
0x2d: {  	v7 =	vadd.s32 v7, v8  }
0x2e: {  	v8 =	vadd.s32 $0xFFFFFFFF, v7  }
0x2f: {  	vm1 =	vge.s32 v8, $0x80  }
0x30: {  	v9 =	vsel vm1, $0x1, v1;
	v10 =	vmpcnt.ones.xlane vm1  }
0x31: {  	(xrf0) =	vadd.scan.msk.s32 $0xffff, v9  }
0x32: {  	v3 =	vadd.s32 v3, v10;
	_ =	sdelay $0x3  }
0x33: {  	vm2 =	vlt.s32 v8, $0x80;
	v10 =	vshll.u32 v6, $0x7  }
0x34: {  	v8 =	vadd.s32 v10, v8;
	v9, _, _ =	vpop (xrf0)  }
0x35: {  	v9 =	vadd.s32 v9, v4;
	v4 =	vmov v3  }
0x36: {  	v9 =	vadd.s32 $0xFFFFFFFF, v9  }
.Ltmp2:
0x37: {  	(pc) =	sbr.rel @p0 .LBB2_6-.Ltmp2, $4  }
0x38: {  	_ = 	snop  }
0x39: {  	[tilespmem:v8+s2+$0x0] =	vst.idx.msk vm2, v5  }
0x3a: {  	[tilespmem:v6+s14+$0x0] =	vst.idx.msk vm0, v7  }
0x3b: {  	s19 =	sshra.s32 s18, $0x2;
	s18 =	sadd.s32 $0x40, s18;
	[tilespmem:v9+s15+$0x0] =	vst.idx.msk vm1, v5  }
0x3c: {  	v5 =	vld [tilespmem:s19+$0x7A00];
	_ =	sdelay $0x4  }
0x3d: {  	v6 =	vshrl.u32 v5, $0x18  }
0x3e: {  	(xrf1) =	vunique.msk.u32 $0xffff, v6;
	_ =	sdelay $0x9  }
0x3f: {  	v7 =	vld.idx.msk [tilespmem:v6+s14+$0x0], $0xffff;
	_ =	sdelay $0x3  }
0x40: {  	_, v8, vm0 =	vpop (xrf1)  }
0x41: {  	v7 =	vadd.s32 v7, v8  }
0x42: {  	v8 =	vadd.s32 $0xFFFFFFFF, v7  }
0x43: {  	vm1 =	vge.s32 v8, $0x80  }
0x44: {  	v9 =	vsel vm1, $0x1, v1  }
0x45: {  	(xrf0) =	vadd.scan.msk.s32 $0xffff, v9;
	_ =	sdelay $0x4  }
0x46: {  	v62 =	vshll.u32 v6, $0x7;
	vm2 =	vlt.s32 v8, $0x80  }
0x47: {  	v8 =	vadd.s32 v62, v8;
	v63, _, _ =	vpop (xrf0)  }
0x48: {  	v4 =	vadd.s32 v63, v4  }
0x49: {  	v4 =	vadd.s32 $0xFFFFFFFF, v4;
	_ =	sdelay $0x2  }
0x4a: {  	[tilespmem:v8+s2+$0x0] =	vst.idx.msk vm2, v5  }
0x4b: {  	[tilespmem:v6+s14+$0x0] =	vst.idx.msk vm0, v7  }
0x4c: {  	s18 =	simm.s32 $0x0;
	[tilespmem:v4+s15+$0x0] =	vst.idx.msk vm1, v5;
	v4 =	vmpcnt.ones.xlane vm1  }
0x4d: {  	[tilespmem:s12], [sflag:$0x1] =	stream.linear.gather [hbm4b:s4+s18], $0x7D0, $0x38;
	[tilespmem:$0x8200] =	vst v63  }
0x4e: {  	_ =	swait.ge [sflag:s13], $0x7D0  }
0x4f: {  	v3 =	vadd.s32 v3, v4;
	[sflag:s13] =	ssyncset.done $0x0  }
0x50: {  	s19 =	simm.s32 $0x0;
	s18 =	simm.s32 $0x40;
	[sflag:s13] =	ssyncadd.s32 $0xFFFFF830;
	v4 =	vmov v3  }
.LBB2_8:
0x51: {  	p0 =	sne.s32 s18, $0x1F00;
	v5 =	vld [tilespmem:s19+$0x7A00];
	_ =	sdelay $0x4  }
0x52: {  	v6 =	vshrl.u32 v5, $0x18  }
0x53: {  	(xrf1) =	vunique.msk.u32 $0xffff, v6;
	_ =	sdelay $0x8  }
0x54: {  	v7 =	vld.idx.msk [tilespmem:v6+s14+$0x0], $0xffff;
	_ =	sdelay $0x4  }
0x55: {  	_, v8, vm0 =	vpop (xrf1)  }
0x56: {  	v7 =	vadd.s32 v7, v8  }
0x57: {  	v8 =	vadd.s32 $0xFFFFFFFF, v7  }
0x58: {  	vm1 =	vge.s32 v8, $0x80  }
0x59: {  	v9 =	vsel vm1, $0x1, v1;
	v10 =	vmpcnt.ones.xlane vm1  }
0x5a: {  	(xrf0) =	vadd.scan.msk.s32 $0xffff, v9  }
0x5b: {  	v3 =	vadd.s32 v3, v10;
	_ =	sdelay $0x3  }
0x5c: {  	vm2 =	vlt.s32 v8, $0x80;
	v10 =	vshll.u32 v6, $0x7  }
0x5d: {  	v8 =	vadd.s32 v10, v8;
	v9, _, _ =	vpop (xrf0)  }
0x5e: {  	v9 =	vadd.s32 v9, v4;
	v4 =	vmov v3  }
0x5f: {  	v9 =	vadd.s32 $0xFFFFFFFF, v9  }
.Ltmp3:
0x60: {  	(pc) =	sbr.rel @p0 .LBB2_8-.Ltmp3, $4  }
0x61: {  	_ = 	snop  }
0x62: {  	[tilespmem:v8+s2+$0x0] =	vst.idx.msk vm2, v5  }
0x63: {  	[tilespmem:v6+s14+$0x0] =	vst.idx.msk vm0, v7  }
0x64: {  	s19 =	sshra.s32 s18, $0x2;
	s18 =	sadd.s32 $0x40, s18;
	[tilespmem:v9+s15+$0x0] =	vst.idx.msk vm1, v5  }
0x65: {  	v5 =	vld [tilespmem:s19+$0x7A00];
	_ =	sdelay $0x4  }
0x66: {  	v6 =	vshrl.u32 v5, $0x18  }
0x67: {  	(xrf1) =	vunique.msk.u32 $0xffff, v6;
	_ =	sdelay $0x9  }
0x68: {  	v7 =	vld.idx.msk [tilespmem:v6+s14+$0x0], $0xffff;
	_ =	sdelay $0x3  }
0x69: {  	_, v8, vm0 =	vpop (xrf1)  }
0x6a: {  	v7 =	vadd.s32 v7, v8  }
0x6b: {  	v8 =	vadd.s32 $0xFFFFFFFF, v7  }
0x6c: {  	vm1 =	vge.s32 v8, $0x80  }
0x6d: {  	v9 =	vsel vm1, $0x1, v1  }
0x6e: {  	(xrf0) =	vadd.scan.msk.s32 $0xffff, v9;
	_ =	sdelay $0x4  }
0x6f: {  	v62 =	vshll.u32 v6, $0x7;
	vm2 =	vlt.s32 v8, $0x80  }
0x70: {  	v8 =	vadd.s32 v62, v8;
	v63, _, _ =	vpop (xrf0)  }
0x71: {  	v4 =	vadd.s32 v63, v4  }
0x72: {  	v4 =	vadd.s32 $0xFFFFFFFF, v4;
	_ =	sdelay $0x2  }
0x73: {  	[tilespmem:v8+s2+$0x0] =	vst.idx.msk vm2, v5  }
0x74: {  	[tilespmem:v6+s14+$0x0] =	vst.idx.msk vm0, v7  }
0x75: {  	s18 =	simm.s32 $0x0;
	[tilespmem:v4+s15+$0x0] =	vst.idx.msk vm1, v5;
	v4 =	vmpcnt.ones.xlane vm1  }
0x76: {  	[tilespmem:s12], [sflag:$0x1] =	stream.linear.gather [hbm4b:s5+s18], $0x7D0, $0x38;
	[tilespmem:$0x8200] =	vst v63  }
0x77: {  	_ =	swait.ge [sflag:s13], $0x7D0  }
0x78: {  	v3 =	vadd.s32 v3, v4;
	[sflag:s13] =	ssyncset.done $0x0  }
0x79: {  	s19 =	simm.s32 $0x0;
	s18 =	simm.s32 $0x40;
	[sflag:s13] =	ssyncadd.s32 $0xFFFFF830;
	v4 =	vmov v3  }
.LBB2_10:
0x7a: {  	p0 =	sne.s32 s18, $0x1F00;
	v5 =	vld [tilespmem:s19+$0x7A00];
	_ =	sdelay $0x4  }
0x7b: {  	v6 =	vshrl.u32 v5, $0x18  }
0x7c: {  	(xrf1) =	vunique.msk.u32 $0xffff, v6;
	_ =	sdelay $0x8  }
0x7d: {  	v7 =	vld.idx.msk [tilespmem:v6+s14+$0x0], $0xffff;
	_ =	sdelay $0x4  }
0x7e: {  	_, v8, vm0 =	vpop (xrf1)  }
0x7f: {  	v7 =	vadd.s32 v7, v8  }
0x80: {  	v8 =	vadd.s32 $0xFFFFFFFF, v7  }
0x81: {  	vm1 =	vge.s32 v8, $0x80  }
0x82: {  	v9 =	vsel vm1, $0x1, v1;
	v10 =	vmpcnt.ones.xlane vm1  }
0x83: {  	(xrf0) =	vadd.scan.msk.s32 $0xffff, v9  }
0x84: {  	v3 =	vadd.s32 v3, v10;
	_ =	sdelay $0x3  }
0x85: {  	vm2 =	vlt.s32 v8, $0x80;
	v10 =	vshll.u32 v6, $0x7  }
0x86: {  	v8 =	vadd.s32 v10, v8;
	v9, _, _ =	vpop (xrf0)  }
0x87: {  	v9 =	vadd.s32 v9, v4;
	v4 =	vmov v3  }
0x88: {  	v9 =	vadd.s32 $0xFFFFFFFF, v9  }
.Ltmp4:
0x89: {  	(pc) =	sbr.rel @p0 .LBB2_10-.Ltmp4, $4  }
0x8a: {  	_ = 	snop  }
0x8b: {  	[tilespmem:v8+s2+$0x0] =	vst.idx.msk vm2, v5  }
0x8c: {  	[tilespmem:v6+s14+$0x0] =	vst.idx.msk vm0, v7  }
0x8d: {  	s19 =	sshra.s32 s18, $0x2;
	s18 =	sadd.s32 $0x40, s18;
	[tilespmem:v9+s15+$0x0] =	vst.idx.msk vm1, v5  }
0x8e: {  	v5 =	vld [tilespmem:s19+$0x7A00];
	_ =	sdelay $0x4  }
0x8f: {  	v6 =	vshrl.u32 v5, $0x18  }
0x90: {  	(xrf1) =	vunique.msk.u32 $0xffff, v6;
	_ =	sdelay $0x9  }
0x91: {  	v7 =	vld.idx.msk [tilespmem:v6+s14+$0x0], $0xffff;
	_ =	sdelay $0x3  }
0x92: {  	_, v8, vm0 =	vpop (xrf1)  }
0x93: {  	v7 =	vadd.s32 v7, v8  }
0x94: {  	v8 =	vadd.s32 $0xFFFFFFFF, v7  }
0x95: {  	vm1 =	vge.s32 v8, $0x80  }
0x96: {  	v9 =	vsel vm1, $0x1, v1  }
0x97: {  	(xrf0) =	vadd.scan.msk.s32 $0xffff, v9;
	_ =	sdelay $0x4  }
0x98: {  	v62 =	vshll.u32 v6, $0x7;
	vm2 =	vlt.s32 v8, $0x80  }
0x99: {  	v8 =	vadd.s32 v62, v8;
	v63, _, _ =	vpop (xrf0)  }
0x9a: {  	v4 =	vadd.s32 v63, v4  }
0x9b: {  	v4 =	vadd.s32 $0xFFFFFFFF, v4;
	_ =	sdelay $0x2  }
0x9c: {  	[tilespmem:v8+s2+$0x0] =	vst.idx.msk vm2, v5  }
0x9d: {  	[tilespmem:v6+s14+$0x0] =	vst.idx.msk vm0, v7  }
0x9e: {  	s18 =	simm.s32 $0x0;
	[tilespmem:v4+s15+$0x0] =	vst.idx.msk vm1, v5;
	v4 =	vmpcnt.ones.xlane vm1  }
0x9f: {  	[tilespmem:s12], [sflag:$0x1] =	stream.linear.gather [hbm4b:s6+s18], $0x7D0, $0x38;
	[tilespmem:$0x8200] =	vst v63  }
0xa0: {  	_ =	swait.ge [sflag:s13], $0x7D0  }
0xa1: {  	v3 =	vadd.s32 v3, v4;
	[sflag:s13] =	ssyncset.done $0x0  }
0xa2: {  	s19 =	simm.s32 $0x0;
	s18 =	simm.s32 $0x40;
	[sflag:s13] =	ssyncadd.s32 $0xFFFFF830;
	v4 =	vmov v3  }
.LBB2_12:
0xa3: {  	p0 =	sne.s32 s18, $0x1F00;
	v5 =	vld [tilespmem:s19+$0x7A00];
	_ =	sdelay $0x4  }
0xa4: {  	v6 =	vshrl.u32 v5, $0x18  }
0xa5: {  	(xrf1) =	vunique.msk.u32 $0xffff, v6;
	_ =	sdelay $0x8  }
0xa6: {  	v7 =	vld.idx.msk [tilespmem:v6+s14+$0x0], $0xffff;
	_ =	sdelay $0x4  }
0xa7: {  	_, v8, vm0 =	vpop (xrf1)  }
0xa8: {  	v7 =	vadd.s32 v7, v8  }
0xa9: {  	v8 =	vadd.s32 $0xFFFFFFFF, v7  }
0xaa: {  	vm1 =	vge.s32 v8, $0x80  }
0xab: {  	v9 =	vsel vm1, $0x1, v1;
	v10 =	vmpcnt.ones.xlane vm1  }
0xac: {  	(xrf0) =	vadd.scan.msk.s32 $0xffff, v9  }
0xad: {  	v3 =	vadd.s32 v3, v10;
	_ =	sdelay $0x3  }
0xae: {  	vm2 =	vlt.s32 v8, $0x80;
	v10 =	vshll.u32 v6, $0x7  }
0xaf: {  	v8 =	vadd.s32 v10, v8;
	v9, _, _ =	vpop (xrf0)  }
0xb0: {  	v9 =	vadd.s32 v9, v4;
	v4 =	vmov v3  }
0xb1: {  	v9 =	vadd.s32 $0xFFFFFFFF, v9  }
.Ltmp5:
0xb2: {  	(pc) =	sbr.rel @p0 .LBB2_12-.Ltmp5, $4  }
0xb3: {  	_ = 	snop  }
0xb4: {  	[tilespmem:v8+s2+$0x0] =	vst.idx.msk vm2, v5  }
0xb5: {  	[tilespmem:v6+s14+$0x0] =	vst.idx.msk vm0, v7  }
0xb6: {  	s19 =	sshra.s32 s18, $0x2;
	s18 =	sadd.s32 $0x40, s18;
	[tilespmem:v9+s15+$0x0] =	vst.idx.msk vm1, v5  }
0xb7: {  	v5 =	vld [tilespmem:s19+$0x7A00];
	_ =	sdelay $0x4  }
0xb8: {  	v6 =	vshrl.u32 v5, $0x18  }
0xb9: {  	(xrf1) =	vunique.msk.u32 $0xffff, v6;
	_ =	sdelay $0x9  }
0xba: {  	v7 =	vld.idx.msk [tilespmem:v6+s14+$0x0], $0xffff;
	_ =	sdelay $0x3  }
0xbb: {  	_, v8, vm0 =	vpop (xrf1)  }
0xbc: {  	v7 =	vadd.s32 v7, v8  }
0xbd: {  	v8 =	vadd.s32 $0xFFFFFFFF, v7  }
0xbe: {  	vm1 =	vge.s32 v8, $0x80  }
0xbf: {  	v9 =	vsel vm1, $0x1, v1  }
0xc0: {  	(xrf0) =	vadd.scan.msk.s32 $0xffff, v9;
	_ =	sdelay $0x4  }
0xc1: {  	v62 =	vshll.u32 v6, $0x7;
	vm2 =	vlt.s32 v8, $0x80  }
0xc2: {  	v8 =	vadd.s32 v62, v8;
	v63, _, _ =	vpop (xrf0)  }
0xc3: {  	v4 =	vadd.s32 v63, v4  }
0xc4: {  	v4 =	vadd.s32 $0xFFFFFFFF, v4;
	_ =	sdelay $0x2  }
0xc5: {  	[tilespmem:v8+s2+$0x0] =	vst.idx.msk vm2, v5  }
0xc6: {  	[tilespmem:v6+s14+$0x0] =	vst.idx.msk vm0, v7  }
0xc7: {  	s18 =	simm.s32 $0x0;
	[tilespmem:v4+s15+$0x0] =	vst.idx.msk vm1, v5;
	v4 =	vmpcnt.ones.xlane vm1  }
0xc8: {  	[tilespmem:s12], [sflag:$0x1] =	stream.linear.gather [hbm4b:s7+s18], $0x7D0, $0x38;
	[tilespmem:$0x8200] =	vst v63  }
0xc9: {  	_ =	swait.ge [sflag:s13], $0x7D0  }
0xca: {  	v3 =	vadd.s32 v3, v4;
	[sflag:s13] =	ssyncset.done $0x0  }
0xcb: {  	s19 =	simm.s32 $0x0;
	s18 =	simm.s32 $0x40;
	[sflag:s13] =	ssyncadd.s32 $0xFFFFF830;
	v4 =	vmov v3  }
.LBB2_14:
0xcc: {  	p0 =	sne.s32 s18, $0x1F00;
	v5 =	vld [tilespmem:s19+$0x7A00];
	_ =	sdelay $0x4  }
0xcd: {  	v6 =	vshrl.u32 v5, $0x18  }
0xce: {  	(xrf1) =	vunique.msk.u32 $0xffff, v6;
	_ =	sdelay $0x8  }
0xcf: {  	v7 =	vld.idx.msk [tilespmem:v6+s14+$0x0], $0xffff;
	_ =	sdelay $0x4  }
0xd0: {  	_, v8, vm0 =	vpop (xrf1)  }
0xd1: {  	v7 =	vadd.s32 v7, v8  }
0xd2: {  	v8 =	vadd.s32 $0xFFFFFFFF, v7  }
0xd3: {  	vm1 =	vge.s32 v8, $0x80  }
0xd4: {  	v9 =	vsel vm1, $0x1, v1;
	v10 =	vmpcnt.ones.xlane vm1  }
0xd5: {  	(xrf0) =	vadd.scan.msk.s32 $0xffff, v9  }
0xd6: {  	v3 =	vadd.s32 v3, v10;
	_ =	sdelay $0x3  }
0xd7: {  	vm2 =	vlt.s32 v8, $0x80;
	v10 =	vshll.u32 v6, $0x7  }
0xd8: {  	v8 =	vadd.s32 v10, v8;
	v9, _, _ =	vpop (xrf0)  }
0xd9: {  	v9 =	vadd.s32 v9, v4;
	v4 =	vmov v3  }
0xda: {  	v9 =	vadd.s32 $0xFFFFFFFF, v9  }
.Ltmp6:
0xdb: {  	(pc) =	sbr.rel @p0 .LBB2_14-.Ltmp6, $4  }
0xdc: {  	_ = 	snop  }
0xdd: {  	[tilespmem:v8+s2+$0x0] =	vst.idx.msk vm2, v5  }
0xde: {  	[tilespmem:v6+s14+$0x0] =	vst.idx.msk vm0, v7  }
0xdf: {  	s19 =	sshra.s32 s18, $0x2;
	s18 =	sadd.s32 $0x40, s18;
	[tilespmem:v9+s15+$0x0] =	vst.idx.msk vm1, v5  }
0xe0: {  	v5 =	vld [tilespmem:s19+$0x7A00];
	_ =	sdelay $0x4  }
0xe1: {  	v6 =	vshrl.u32 v5, $0x18  }
0xe2: {  	(xrf1) =	vunique.msk.u32 $0xffff, v6;
	_ =	sdelay $0x9  }
0xe3: {  	v7 =	vld.idx.msk [tilespmem:v6+s14+$0x0], $0xffff;
	_ =	sdelay $0x3  }
0xe4: {  	_, v8, vm0 =	vpop (xrf1)  }
0xe5: {  	v7 =	vadd.s32 v7, v8  }
0xe6: {  	v8 =	vadd.s32 $0xFFFFFFFF, v7  }
0xe7: {  	vm1 =	vge.s32 v8, $0x80  }
0xe8: {  	v9 =	vsel vm1, $0x1, v1  }
0xe9: {  	(xrf0) =	vadd.scan.msk.s32 $0xffff, v9;
	_ =	sdelay $0x4  }
0xea: {  	v61 =	vshll.u32 v6, $0x7;
	vm2 =	vlt.s32 v8, $0x80  }
0xeb: {  	v8 =	vadd.s32 v61, v8;
	v10 =	vmpcnt.ones.xlane vm1;
	v62, _, _ =	vpop (xrf0)  }
0xec: {  	v4 =	vadd.s32 v62, v4  }
0xed: {  	v3 =	vadd.s32 v3, v10;
	v4 =	vadd.s32 $0xFFFFFFFF, v4  }
0xee: {  	v63 =	vadd.s32 v2, v3;
	_ =	sdelay $0x1  }
0xef: {  	[tilespmem:v8+s2+$0x0] =	vst.idx.msk vm2, v5  }
0xf0: {  	[tilespmem:v6+s14+$0x0] =	vst.idx.msk vm0, v7  }
0xf1: {  	[tilespmem:v4+s15+$0x0] =	vst.idx.msk vm1, v5  }
0xf2: {  	[tilespmem:v63+s15+$0x0] =	vst.idx.msk $0xffff, v0  }
0xf3: {  	[tilespmem:$0x7980] =	vst v3  }
0xf4: {  	[hbm4b:s8+s2] =	stream.linear.scatter [tilespmem:s16], [sflag:$0x1], $0x10, $0x38;
	[tilespmem:$0x8200] =	vst v63  }
0xf5: {  	_ =	swait.ge [sflag:s13], $0x10  }
0xf6: {  	[sflag:s13] =	ssyncset.done $0x0  }
0xf7: {  	[sflag:s13] =	ssyncadd.s32 $0xFFFFFFF0  }
0xf8: {  	[hbm4b:s9+s2] =	stream.linear.scatter [tilespmem:s2], [sflag:$0x1], $0x5000, $0x38;
	[tilespmem:$0x8200] =	vst v63  }
0xf9: {  	s17 =	sadd.s32 $0x1, s17;
	_ =	swait.ge [sflag:s13], $0x5000  }
0xfa: {  	p0 =	sne.s32 s17, s11;
	[sflag:s13] =	ssyncset.done $0x0  }
.Ltmp7:
0xfb: {  	[sflag:s13] =	ssyncadd.s32 $0xFFFFB000;
	(pc) =	sbr.rel @p0 .LBB2_1-.Ltmp7, $4  }
0xfc: {  	[hbm4b:s10+s2] =	stream.linear.scatter [tilespmem:s15], [sflag:$0x1], $0x2800, $0x38;
	[tilespmem:$0x8200] =	vst v63  }
0xfd: {  	_ =	swait.ge [sflag:s13], $0x2800  }
0xfe: {  	[sflag:s13] =	ssyncset.done $0x0  }
0xff: {  	[sflag:s13] =	ssyncadd.s32 $0xFFFFD800  }
0x100: {  	_ =	sfence.sel $0x180000  }
0x101: {  	[bflag:$0x0] =	sbarrier.arrive $0xFFFF  }
0x102: {  	p0 =	sne.s32 s0, $0x0;
	_ =	strace $0x90000047  }
0x103: {  	s0 =	sadd.s32 @!p0 $0x100000, s1;
	[bflag:$0x2] =	sbarrier.arrive $0xFFFF  }
0x104: {  	[sflag:s0] =	ssyncadd.tile.s32 @!p0 $0x1;
	_ =	shalt  }
.Lfunc_end2:
_tile_overlayer_lowered:
.L_overlay_start_2:
0x105: {  	(tag) =	ssettag $0x2  }
0x106: {  	s0 =	rddreg [dreg:$0x0];
	s2 =	stileid.u32  }
0x107: {  	s1 =	rddreg [dreg:$0x1];
	p0 =	sne.s32 s2, $0x0  }
0x108: {  	s3 =	rddreg [dreg:$0x2];
	[bflag:$0x3] =	sbarrier.arrive $0xFFFF;
	s2 =	simm.s32 @!p0 $0x1C01  }
0x109: {  	[timem:s3], [sflag:s2] =	dma.local @!p0 [hbm:s0], s1  }
0x10a: {  	s0 =	simm.s32 @!p0 $0x1  }
0x10b: {  	_ =	swait.ge @!p0 [sflag:s0], s1  }
0x10c: {  	s1 =	ssub.s32 @!p0 $0x0, s1;
	[sflag:s0] =	ssyncset.done @!p0 $0x0  }
0x10d: {  	[sflag:s0] =	ssyncadd.s32 @!p0 s1  }
0x10e: {  	[bflag:$0x3] =	sbarrier.arrive $0xFFFF  }
0x10f: {  	_ =	shalt  }

// kernel: kernel.8.cloned.1.call-start
scs
__scs_entry_jumppad:
0x0: {  	(pc) =	sbr.rel $0x88, $3  }
0x1: {  	(tag) =	ssettag $0x0;
	lr =	simm.s32 $0x1  }
0x2: {  	[smem:$0x3F9B] =	sst lr;
	_ =	strace $0xD0000000  }
0x3: {  	_ = 	snop  }
0x4: {  	_ = 	snop  }
0x5: {  	_ = 	snop  }
0x6: {  	_ = 	snop  }
0x7: {  	_ = 	snop  }
__scs_overlays_trampoline_lowered:
0x8: {  	[smem:$0x3FAA] =	sst s0  }
0x9: {  	[smem:$0x3FAB] =	sst s1  }
0xa: {  	[smem:$0x3FAC] =	sst s2  }
0xb: {  	[smem:$0x3FAD] =	sst s3  }
0xc: {  	[smem:$0x3FAE] =	sst s4  }
0xd: {  	[smem:$0x3FAF] =	sst s5  }
0xe: {  	[smem:$0x3FB0] =	sst s6  }
0xf: {  	[smem:$0x3FB1] =	sst s7  }
0x10: {  	[smem:$0x3FB2] =	sst s8  }
0x11: {  	[smem:$0x3FB3] =	sst s9;
	s0 =	simm.s32 @!p0 $0x0  }
0x12: {  	s1 =	sld [smem:$0x3F99];
	s0 =	simm.s32 @p0 $0x1  }
0x13: {  	[smem:$0x3FB4] =	sst s0;
	s0 =	simm.s32 @!p1 $0x0  }
0x14: {  	s2 =	sld [smem:$0x3F98];
	s0 =	simm.s32 @p1 $0x1  }
0x15: {  	[smem:$0x3FB5] =	sst s0;
	s0 =	simm.s32 @!p2 $0x0  }
0x16: {  	s3 =	sld [smem:$0x3FDB];
	s0 =	simm.s32 @p2 $0x1  }
0x17: {  	s4 =	simm.s32 $0x1BF5;
	[smem:$0x3FB7] =	sst s0  }
0x18: {  	s0 =	sld [smem:$0x3F9A];
	_ =	swait.ge [sflag:s4], $0x0  }
0x19: {  	s7 =	sld [smem:$0x3F9B]  }
0x1a: {  	s8 =	sadd.s32 $0xFFFFE003, lr  }
0x1b: {  	s9 =	sadd.s32 $0xFFFFFEF7, lr;
	s5 =	simm.s32 $0xFFFFFFFF;
	p2 =	slt.u32 s8, $0xFFFFF086  }
0x1c: {  	p1 =	slt.u32 s9, $0xF7A;
	s5 =	simm.s32 @!p2 $0x0  }
0x1d: {  	s5 =	simm.s32 @p1 $0x1;
	p0 =	seq.s32 s7, s2  }
0x1e: {  	s7 =	smul.u32 @!p0 $0xF7A, s2;
	p2 =	seq.s32 @!p0 s5, $0x0  }
0x1f: {  	s9 =	smul.u32 $0xF7A, s1;
	s8 =	simm.s32 @!p0 $0x1BF5;
	p2 =	por !p2, p0  }
0x20: {  	[sflag:s8] =	ssyncset.s32 @!p0 $0xFFFFF086;
	s6 =	sadd.s32 @!p0 s3, s7;
	s7 =	simm.s32 @!p0 $0x108  }
0x21: {  	s3 =	sadd.s32 s3, s9;
	s6 =	sadd.s32 @!p0 $0x88, s6;
	s7 =	simm.s32 @p2 $0x1082  }
0x22: {  	[simem:s7], [sflag:s8] =	dma.local @!p0 [hbm:s6], $0xF7A  }
0x23: {  	s9 =	sor.u32 $0xD0000000, s2;
	s6 =	simm.s32 $0x108;
	_ =	swait.ge @!p0 [sflag:s8], $0x0  }
0x24: {  	s3 =	sadd.s32 $0x88, s3;
	s6 =	simm.s32 @!p1 $0x1082;
	[sflag:s4] =	ssyncset.s32 $0xFFFFF086  }
0x25: {  	[simem:s6], [sflag:s4] =	dma.local [hbm:s3], $0xF7A  }
0x26: {  	[smem:$0x3F9B] =	sst s1;
	(tag) =	ssettag s2;
	_ =	strace s9  }
0x27: {  	s1 =	sld [smem:$0x3FAB]  }
0x28: {  	s2 =	sld [smem:$0x3FAC]  }
0x29: {  	s4 =	sld [smem:$0x3FAE]  }
0x2a: {  	p0 =	seq.s32 s5, $0x0;
	s5 =	sld [smem:$0x3FAF]  }
0x2b: {  	s6 =	sld [smem:$0x3FB0]  }
0x2c: {  	s7 =	sld [smem:$0x3FB1]  }
0x2d: {  	s3 =	simm.s32 $0x108;
	s8 =	sld [smem:$0x3FB2]  }
0x2e: {  	s3 =	simm.s32 @!p0 $0x1082;
	s9 =	sld [smem:$0x3FB3]  }
0x2f: {  	lr =	sadd.s32 s0, s3;
	s0 =	sld [smem:$0x3FAA]  }
0x30: {  	s3 =	sld [smem:$0x3FAD]  }
0x31: {  	[smem:$0x3FB6] =	sst s10  }
0x32: {  	s10 =	sld [smem:$0x3FB4];
	_ =	sdelay $0x3  }
0x33: {  	p0 =	seq.s32 s10, $0x1;
	s10 =	sld [smem:$0x3FB6];
	_ =	sdelay $0x3  }
0x34: {  	[smem:$0x3FB6] =	sst s10  }
0x35: {  	s10 =	sld [smem:$0x3FB5];
	_ =	sdelay $0x3  }
0x36: {  	p1 =	seq.s32 s10, $0x1;
	s10 =	sld [smem:$0x3FB6];
	_ =	sdelay $0x3  }
0x37: {  	[smem:$0x3FB6] =	sst s10  }
0x38: {  	s10 =	sld [smem:$0x3FB7]  }
0x39: {  	_ = 	snop;
	(pc) =	sbr.ind lr, $3  }
0x3a: {  	_ = 	snop  }
0x3b: {  	_ = 	snop  }
0x3c: {  	p2 =	seq.s32 s10, $0x1;
	s10 =	sld [smem:$0x3FB6]  }
0x3d: {  	_ =	shalt  }
0x3e: {  	_ =	shalt  }
0x3f: {  	_ =	shalt  }
0x40: {  	_ =	shalt  }
0x41: {  	_ =	shalt  }
0x42: {  	_ =	shalt  }
0x43: {  	_ =	shalt  }
0x44: {  	_ =	shalt  }
0x45: {  	_ =	shalt  }
0x46: {  	_ =	shalt  }
0x47: {  	_ =	shalt  }
0x48: {  	_ =	shalt  }
0x49: {  	_ =	shalt  }
0x4a: {  	_ =	shalt  }
0x4b: {  	_ =	shalt  }
0x4c: {  	_ =	shalt  }
0x4d: {  	_ =	shalt  }
0x4e: {  	_ =	shalt  }
0x4f: {  	_ =	shalt  }
0x50: {  	_ =	shalt  }
0x51: {  	_ =	shalt  }
0x52: {  	_ =	shalt  }
0x53: {  	_ =	shalt  }
0x54: {  	_ =	shalt  }
0x55: {  	_ =	shalt  }
0x56: {  	_ =	shalt  }
0x57: {  	_ =	shalt  }
0x58: {  	_ =	shalt  }
0x59: {  	_ =	shalt  }
0x5a: {  	_ =	shalt  }
0x5b: {  	_ =	shalt  }
0x5c: {  	_ =	shalt  }
0x5d: {  	_ =	shalt  }
0x5e: {  	_ =	shalt  }
0x5f: {  	_ =	shalt  }
0x60: {  	_ =	shalt  }
0x61: {  	_ =	shalt  }
0x62: {  	_ =	shalt  }
0x63: {  	_ =	shalt  }
0x64: {  	_ =	shalt  }
0x65: {  	_ =	shalt  }
0x66: {  	_ =	shalt  }
0x67: {  	_ =	shalt  }
0x68: {  	_ =	shalt  }
0x69: {  	_ =	shalt  }
0x6a: {  	_ =	shalt  }
0x6b: {  	_ =	shalt  }
0x6c: {  	_ =	shalt  }
0x6d: {  	_ =	shalt  }
0x6e: {  	_ =	shalt  }
0x6f: {  	_ =	shalt  }
0x70: {  	_ =	shalt  }
0x71: {  	_ =	shalt  }
0x72: {  	_ =	shalt  }
0x73: {  	_ =	shalt  }
0x74: {  	_ =	shalt  }
0x75: {  	_ =	shalt  }
0x76: {  	_ =	shalt  }
0x77: {  	_ =	shalt  }
0x78: {  	_ =	shalt  }
0x79: {  	_ =	shalt  }
0x7a: {  	_ =	shalt  }
0x7b: {  	_ =	shalt  }
0x7c: {  	_ =	shalt  }
0x7d: {  	_ =	shalt  }
0x7e: {  	_ =	shalt  }
0x7f: {  	_ =	shalt  }
0x80: {  	_ =	shalt  }
0x81: {  	_ =	shalt  }
0x82: {  	_ =	shalt  }
0x83: {  	_ =	shalt  }
0x84: {  	_ =	shalt  }
0x85: {  	_ =	shalt  }
0x86: {  	_ =	shalt  }
0x87: {  	_ =	shalt  }
.Lfunc_end0:
.L_simem_size_0:
called_computation.1_lowered:
.L_overlay_start_0:
0x88: {  	s2 =	sld [smem:$0x3FD9]  }
0x89: {  	s3 =	sld [smem:$0x3FFE];
	_ =	sdelay $0x1  }
0x8a: {  	s1 =	srdreg.scid  }
0x8b: {  	s0 =	sand.u32 $0x1, s1  }
0x8c: {  	s17 =	sshll.u32 s0, $0xA;
	s2 =	sadd.s32 s3, s2  }
0x8d: {  	s2 =	sadd.s32 s2, s17  }
0x8e: {  	[smem:$0x3FC2] =	sst s2  }
0x8f: {  	_ = 	snop  }
0x90: {  	s2 =	sld [smem:$0x3FC9]  }
0x91: {  	s18 =	sld [smem:$0x3FD0];
	(tm) =	ssettm $0x1  }
0x92: {  	s4 =	sld [smem:$0x3FFB];
	_ =	sdelay $0x3  }
0x93: {  	_ =	strace s4  }
0x94: {  	s4 =	sld [smem:$0x3FFC];
	_ =	sdelay $0x3  }
0x95: {  	_ =	strace s4  }
0x96: {  	s4 =	sld [smem:$0x3FFD];
	_ =	sdelay $0x3  }
0x97: {  	_ =	strace s4  }
0x98: {  	_ =	strace $0x8FFFFFFF  }
0x99: {  	s19 =	sld [smem:$0x3FDB];
	_ =	sdelay $0x1  }
0x9a: {  	s5 =	simm.s32 $_scs_section_size  }
0x9b: {  	s6 =	simm.s32 $_size__tile_overlayer_lowered;
	s7 =	simm.s32 $_tile_overlayer_lowered  }
0x9c: {  	s22 =	simm.s32 $0x1BFF;
	s21 =	sshll.u32 s7, $0x1;
	s4 =	sadd.s32 s5, s19  }
0x9d: {  	s8 =	simm.s32 $0x0;
	s20 =	sshll.u32 s6, $0x1;
	s6 =	sadd.s32 s21, s4  }
0x9e: {  	[timem:s8], [sflag:s22] =	dma.local [hbm:s6], s20  }
0x9f: {  	_ =	swait.ge [sflag:s22], s20  }
0xa0: {  	s5 =	ssub.s32 $0x0, s20;
	[sflag:s22] =	ssyncset.done $0x0  }
0xa1: {  	[sflag:s22] =	ssyncadd.s32 s5;
	_ =	sdelay $0x1  }
0xa2: {  	s23 =	simm.s32 $0x1B8B  }
0xa3: {  	_ =	swait.ge [sflag:s23], $0x1  }
0xa4: {  	[sflag:s23] =	ssyncset.done $0x0  }
0xa5: {  	s25 =	simm.s32 $0x1B8E;
	s24 =	sld [smem:$0x3FFE];
	[sflag:s23] =	ssyncadd.s32 $0xFFFFFFFF  }
0xa6: {  	s26 =	simm.s32 $execute0_lowered;
	[smem:$0x3FD2] =	sst s25  }
0xa7: {  	s6 =	sshll.u32 s26, $0x1;
	_ =	strace $0x80000049;
	[dreg:$0x1] =	wrdreg $0xFFFFFFFF  }
0xa8: {  	s28 =	simm.s32 $_size_execute0_lowered;
	s4 =	sadd.s32 s4, s6;
	[dreg:$0x0] =	wrdreg $0x0  }
0xa9: {  	s6 =	sshll.u32 s28, $0x1;
	[dreg:$0x2] =	wrdreg s4  }
0xaa: {  	[dreg:$0x3] =	wrdreg s6  }
0xab: {  	[dreg:$0x4] =	wrdreg $0xC0  }
0xac: {  	_ =	task [dreg:s8], $0x5FFFF  }
0xad: {  	[dreg:$0x1] =	wrdreg $0xFFFFFFFF  }
0xae: {  	[dreg:$0x0] =	wrdreg $0x60  }
0xaf: {  	[dreg:$0x2] =	wrdreg s18  }
0xb0: {  	[dreg:$0x3] =	wrdreg s24  }
0xb1: {  	[dreg:$0x4] =	wrdreg s2  }
0xb2: {  	[dreg:$0x5] =	wrdreg $0x9  }
0xb3: {  	_ =	task.clear_ibuf [dreg:s8], $0x6FFFF;
	_ =	strace $0x90000049  }
0xb4: {  	s29 =	simm.s32 $0x9;
	_ =	strace $0x8000004B  }
0xb5: {  	_ =	swait.ge [sflag:s29], $0x1  }
0xb6: {  	[sflag:s29] =	ssyncadd.s32 $0xFFFFFFFF  }
0xb7: {  	_ =	strace $0x9000004B  }
0xb8: {  	_ =	sfence  }
0xb9: {  	s30 =	sld [smem:$0x0];
	_ =	sdelay $0x2  }
0xba: {  	s31 =	sshll.u32 s1, $0xD;
	s1 =	sshrl.u32 s1, $0x2  }
0xbb: {  	s3 =	sand.u32 $0x4000, s31;
	s1 =	sadd.s32 s1, s30  }
0xbc: {  	s0 =	sor.u32 s3, s0;
	s1 =	sshll.u32 s1, $0x11  }
0xbd: {  	s0 =	sor.u32 s1, s0  }
0xbe: {  	s0 =	sadd.s32 $0x8F2B, s0  }
0xbf: {  	[sflag:s0] =	ssyncadd.remote.s32 $0x1  }
0xc0: {  	_ =	sfence.sel $0xFFFF  }
0xc1: {  	[dreg:$0x0] =	wrdreg $0xFFFFFFFF;
	(pc) =	sbr.abs _section_cstart, $3  }
0xc2: {  	[dreg:$0x1] =	wrdreg $0xFFFFFFFF  }
0xc3: {  	_ =	task.clear_ibuf [dreg:s8], $0x2FFFF;
	_ =	strace $0x9FFFFFFF  }
0xc4: {  	(tm) =	ssettm $0x7FFFFFFF  }
0xc5: {  	_ =	shalt  }
tec
execute0_lowered:
.L_overlay_start_1:
0x0: {  	(tag) =	ssettag $0x1  }
0x1: {  	s0 =	rddreg [dreg:$0x0]  }
0x2: {  	s5 =	rddreg [dreg:$0x1]  }
0x3: {  	s1 =	rddreg [dreg:$0x2];
	s2 =	simm.s32 $0x0;
	s4 =	srdreg.scid  }
0x4: {  	s7 =	stileid.u32;
	s13 =	simm.s32 $0x4;
	s15 =	simm.s32 $0x1  }
0x5: {  	s16 =	simm.s32 $0x80;
	s17 =	simm.s32 $0x2080;
	s18 =	simm.s32 $0x2180  }
0x6: {  	[smem:$0x7FF] =	sst s2;
	s3 =	sadd.s32 $0xB600, s5;
	s6 =	sadd.s32 $0x15600, s5  }
0x7: {  	s25 =	sadd.s32 $0x15800, s5;
	_ =	strace $0x8000004A;
	[dreg:$0x5] =	wrdreg s6  }
0x8: {  	s4 =	sand.u32 $0x1, s4;
	s5 =	sadd.s32 $0x15A00, s5;
	[dreg:$0x6] =	wrdreg s25  }
0x9: {  	s29 =	sshll.u32 s7, $0x1;
	s30 =	sshll.u32 s7, $0x5;
	[dreg:$0x7] =	wrdreg s5  }
.Ltmp0:
0xa: {  	s26 =	ssub.s32 $0x2, s4;
	[dreg:$0x8] =	wrdreg s29;
	(pc) =	sbr.rel .LBB2_1-.Ltmp0, $4  }
0xb: {  	s0 =	sadd.s32 s30, s0;
	s31 =	sshll.u32 s4, $0x4;
	s28 =	sshrl.u32 s26, $0x1  }
0xc: {  	[dreg:$0x4] =	wrdreg s4;
	s0 =	sadd.s32 s31, s0;
	s5 =	ssub.s32 s26, s28  }
0xd: {  	s19 =	simm.s32 $0x3;
	[dreg:$0xa] =	wrdreg s0;
	s5 =	smax.u32 s5, $0x1  }
0xe: {  	v0 =	vimm.f32 $0.0e+00;
	v1 =	vimm.s32 $0x0;
	s20 =	simm.s32 $0x2;
	v2 =	vlaneseq.u32;
	s4 =	simm.s32 $0x0;
	[dreg:$0x9] =	wrdreg s5  }
.LBB2_40:
0xf: {  	s4 =	rddreg [dreg:$0xb]  }
0x10: {  	s0 =	rddreg [dreg:$0x9];
	s4 =	sadd.s32 $0x1, s4  }
0x11: {  	p0 =	sne.s32 s4, s0  }
.Ltmp1:
0x12: {  	_ = 	snop;
	(pc) =	sbr.rel @!p0 .LBB2_41-.Ltmp1, $1  }
0x13: {  	_ =	sdelay $0x3  }
.LBB2_1:
0x14: {  	[dreg:$0xb] =	wrdreg s4  }
0x15: {  	s0 =	rddreg [dreg:$0x6];
	s29 =	simm.s32 $0x13B80  }
0x16: {  	[tilespmem:s29], [sflag:$0x4] =	stream.linear.gather [hbm4b:s0+s2], $0x40, $0x38;
	[tilespmem:$0x13C00] =	vst v63  }
0x17: {  	_ =	swait.ge [sflag:s13], $0x40  }
0x18: {  	s31 =	simm.s32 $0x13980;
	[sflag:s13] =	ssyncset.done $0x0  }
.Ltmp2:
0x19: {  	s30 =	rddreg [dreg:$0x5];
	[sflag:s13] =	ssyncadd.s32 $0xFFFFFFC0;
	(pc) =	sbr.rel .LBB2_2-.Ltmp2, $4  }
0x1a: {  	[tilespmem:s31], [sflag:$0x4] =	stream.linear.gather [hbm4b:s30+s2], $0x200, $0x38;
	[tilespmem:$0x13C00] =	vst v63  }
0x1b: {  	_ =	swait.ge [sflag:s13], $0x200  }
0x1c: {  	[sflag:s13] =	ssyncset.done $0x0  }
0x1d: {  	s24 =	simm.s32 $0x0;
	s23 =	rddreg [dreg:$0xa];
	[sflag:s13] =	ssyncadd.s32 $0xFFFFFE00  }
.LBB2_30:
0x1e: {  	s6 =	simm.s32 $0x21C0  }
.LBB2_38:
0x1f: {  	[tilespmem:s5+$0xA220] =	vst.add.f32.msk @p0 $0xffff, v9  }
0x20: {  	[tilespmem:s5+$0xA2A0] =	vst.add.f32.msk @p0 $0xffff, v10  }
0x21: {  	[tilespmem:s5+$0xA320] =	vst.add.f32.msk @p0 $0xffff, v14  }
0x22: {  	[tilespmem:s5+$0xA1B0] =	vst.add.f32.msk @p0 $0xffff, v11  }
0x23: {  	(v2sf) =	vpush v25, $0x0;
	[tilespmem:s5+$0xA230] =	vst.add.f32.msk @p0 $0xffff, v12  }
0x24: {  	[tilespmem:s5+$0xA2B0] =	vst.add.f32.msk @p0 $0xffff, v13  }
0x25: {  	[tilespmem:s5+$0xA330] =	vst.add.f32.msk @p0 $0xffff, v15  }
0x26: {  	[tilespmem:s5+$0xA1C0] =	vst.add.f32.msk @p0 $0xffff, v16  }
0x27: {  	[tilespmem:s5+$0xA240] =	vst.add.f32.msk @p0 $0xffff, v17  }
0x28: {  	[tilespmem:s5+$0xA2C0] =	vst.add.f32.msk @p0 $0xffff, v18  }
0x29: {  	[tilespmem:s5+$0xA340] =	vst.add.f32.msk @p0 $0xffff, v19  }
0x2a: {  	[tilespmem:s5+$0xA1D0] =	vst.add.f32.msk @p0 $0xffff, v20  }
0x2b: {  	[tilespmem:s5+$0xA250] =	vst.add.f32.msk @p0 $0xffff, v21  }
0x2c: {  	[tilespmem:s5+$0xA2D0] =	vst.add.f32.msk @p0 $0xffff, v22  }
0x2d: {  	v9 =	vmul.f32 @p0 v8, v4;
	[tilespmem:s5+$0xA350] =	vst.add.f32.msk @p0 $0xffff, v24  }
0x2e: {  	v10 =	vmul.f32 @p0 v8, v5;
	[tilespmem:s5+$0xA1E0] =	vst.add.f32.msk @p0 $0xffff, v23  }
0x2f: {  	v7 =	vmul.f32 @p0 v8, v7;
	[tilespmem:s5+$0xA260] =	vst.add.f32.msk @p0 $0xffff, v9  }
0x30: {  	v6 =	vmul.f32 @p0 v3, v6;
	[tilespmem:s5+$0xA2E0] =	vst.add.f32.msk @p0 $0xffff, v10  }
0x31: {  	v4 =	vmul.f32 @p0 v3, v4;
	[tilespmem:s5+$0xA360] =	vst.add.f32.msk @p0 $0xffff, v7  }
0x32: {  	v3 =	vmul.f32 @p0 v3, v5;
	[tilespmem:s5+$0xA1F0] =	vst.add.f32.msk @p0 $0xffff, v6;
	s4 =	spop (v2sf)  }
0x33: {  	[tilespmem:s5+$0xA270] =	vst.add.f32.msk @p0 $0xffff, v4;
	s7 =	sshrl.u32 s4, $0xC  }
0x34: {  	[tilespmem:s5+$0xA2F0] =	vst.add.f32.msk @p0 $0xffff, v3;
	s5 =	sadd.s32 @p0 $0x80, s6;
	s7 =	sand.u32 $0x3C, s7  }
0x35: {  	s0 =	smov.u32 @p0 s5;
	v3 =	vld [tilespmem:s7+$0x13B80]  }
0x36: {  	v25 =	vld [tilespmem:s0+$0xFFFFFFC0]  }
0x37: {  	v26 =	vld [tilespmem:s0+$0x30]  }
0x38: {  	v27 =	vld [tilespmem:s0+$0xFFFFFFD0]  }
0x39: {  	v28 =	vld [tilespmem:s0+$0xFFFFFFE0]  }
0x3a: {  	v29 =	vld [tilespmem:s0+$0xFFFFFFF0];
	s4 =	sshrl.u32 s4, $0x12;
	v30 =	vbroadcast v3, $0x3  }
0x3b: {  	v32 =	vld [tilespmem:s0+$0x0];
	s4 =	ssub.s32 s4, s26;
	v31 =	vbroadcast v3, $0x0  }
0x3c: {  	v34 =	vld [tilespmem:s0+$0x10];
	s4 =	sshll.u32 s4, $0xB;
	v33 =	vbroadcast v3, $0x1;
	v35 =	vmul.f32 v26, v30  }
0x3d: {  	v37 =	vld [tilespmem:s0+$0x20];
	s31 =	sshra.s32 s4, $0x2;
	v3 =	vbroadcast v3, $0x2;
	v36 =	vmul.f32 v31, v25  }
0x3e: {  	v38 =	vmul.f32 v33, v25;
	[tilespmem:s31+$0xA370] =	vst.add.f32.msk $0xffff, v35  }
0x3f: {  	v39 =	vmul.f32 v3, v25;
	[tilespmem:s31+$0xA180] =	vst.add.f32.msk $0xffff, v36  }
0x40: {  	v4 =	vmul.f32 v30, v25;
	[tilespmem:s31+$0xA200] =	vst.add.f32.msk $0xffff, v38  }
0x41: {  	v40 =	vmul.f32 v27, v31;
	[tilespmem:s31+$0xA280] =	vst.add.f32.msk $0xffff, v39  }
0x42: {  	v41 =	vmul.f32 v27, v33;
	[tilespmem:s31+$0xA300] =	vst.add.f32.msk $0xffff, v4  }
0x43: {  	v42 =	vmul.f32 v27, v3;
	[tilespmem:s31+$0xA190] =	vst.add.f32.msk $0xffff, v40  }
0x44: {  	v6 =	vmul.f32 v27, v30;
	[tilespmem:s31+$0xA210] =	vst.add.f32.msk $0xffff, v41  }
0x45: {  	v43 =	vmul.f32 v28, v31;
	[tilespmem:s31+$0xA290] =	vst.add.f32.msk $0xffff, v42  }
0x46: {  	v44 =	vmul.f32 v28, v33;
	[tilespmem:s31+$0xA310] =	vst.add.f32.msk $0xffff, v6  }
0x47: {  	v45 =	vmul.f32 v28, v3;
	[tilespmem:s31+$0xA1A0] =	vst.add.f32.msk $0xffff, v43  }
0x48: {  	v7 =	vmul.f32 v28, v30;
	[tilespmem:s31+$0xA220] =	vst.add.f32.msk $0xffff, v44  }
0x49: {  	v46 =	vmul.f32 v29, v31;
	[tilespmem:s31+$0xA2A0] =	vst.add.f32.msk $0xffff, v45  }
0x4a: {  	v47 =	vmul.f32 v29, v33;
	[tilespmem:s31+$0xA320] =	vst.add.f32.msk $0xffff, v7  }
0x4b: {  	v48 =	vmul.f32 v29, v3;
	[tilespmem:s31+$0xA1B0] =	vst.add.f32.msk $0xffff, v46  }
0x4c: {  	v49 =	vmul.f32 v29, v30;
	[tilespmem:s31+$0xA230] =	vst.add.f32.msk $0xffff, v47  }
0x4d: {  	v50 =	vmul.f32 v32, v31;
	[tilespmem:s31+$0xA2B0] =	vst.add.f32.msk $0xffff, v48  }
0x4e: {  	v51 =	vmul.f32 v32, v33;
	[tilespmem:s31+$0xA330] =	vst.add.f32.msk $0xffff, v49  }
0x4f: {  	v52 =	vmul.f32 v32, v3;
	[tilespmem:s31+$0xA1C0] =	vst.add.f32.msk $0xffff, v50  }
0x50: {  	v53 =	vmul.f32 v32, v30;
	[tilespmem:s31+$0xA240] =	vst.add.f32.msk $0xffff, v51  }
0x51: {  	v54 =	vmul.f32 v34, v31;
	[tilespmem:s31+$0xA2C0] =	vst.add.f32.msk $0xffff, v52  }
0x52: {  	v55 =	vmul.f32 v34, v33;
	[tilespmem:s31+$0xA340] =	vst.add.f32.msk $0xffff, v53  }
0x53: {  	v56 =	vmul.f32 v34, v3;
	[tilespmem:s31+$0xA1D0] =	vst.add.f32.msk $0xffff, v54  }
0x54: {  	v57 =	vmul.f32 v34, v30;
	[tilespmem:s31+$0xA250] =	vst.add.f32.msk $0xffff, v55  }
0x55: {  	v58 =	vmul.f32 v37, v31;
	[tilespmem:s31+$0xA2D0] =	vst.add.f32.msk $0xffff, v56  }
0x56: {  	v59 =	vmul.f32 v37, v33;
	[tilespmem:s31+$0xA350] =	vst.add.f32.msk $0xffff, v57  }
0x57: {  	v60 =	vmul.f32 v37, v3;
	[tilespmem:s31+$0xA1E0] =	vst.add.f32.msk $0xffff, v58  }
0x58: {  	v61 =	vmul.f32 v37, v30;
	[tilespmem:s31+$0xA260] =	vst.add.f32.msk $0xffff, v59  }
0x59: {  	v62 =	vmul.f32 v26, v31;
	[tilespmem:s31+$0xA2E0] =	vst.add.f32.msk $0xffff, v60  }
0x5a: {  	v63 =	vmul.f32 v26, v33;
	[tilespmem:s31+$0xA360] =	vst.add.f32.msk $0xffff, v61  }
0x5b: {  	v3 =	vmul.f32 v26, v3;
	[tilespmem:s31+$0xA1F0] =	vst.add.f32.msk $0xffff, v62  }
0x5c: {  	[tilespmem:s31+$0xA270] =	vst.add.f32.msk $0xffff, v63  }
0x5d: {  	[tilespmem:s31+$0xA2F0] =	vst.add.f32.msk $0xffff, v3  }
.LBB2_39:
0x5e: {  	s24 =	sadd.s32 $0x1, s24  }
0x5f: {  	s0 =	sshll.u32 s25, $0xC;
	s4 =	rddreg [dreg:$0x7];
	p0 =	sne.s32 s24, $0x5  }
.Ltmp3:
0x60: {  	s31 =	simm.s32 $0xA180;
	s0 =	sadd.s32 s4, s0;
	(pc) =	sbr.rel @!p0 .LBB2_40-.Ltmp3, $4  }
0x61: {  	[hbm4b:s0+s2] =	stream.linear.scatter [tilespmem:s31], [sflag:$0x4], $0x8000, $0x38;
	[tilespmem:$0x13C00] =	vst v63  }
0x62: {  	_ =	swait.ge [sflag:s13], $0x8000  }
0x63: {  	[sflag:s13] =	ssyncset.done $0x0  }
0x64: {  	s23 =	sadd.s32 $0x200, s23;
	[sflag:s13] =	ssyncadd.s32 $0xFFFF8000  }
.LBB2_2:
0x65: {  	s0 =	simm.s32 $0xA1C0  }
0x66: {  	[tilespmem:s0+$0xFFFFFFC0] =	vst v0  }
0x67: {  	[tilespmem:s0+$0x30] =	vst v0  }
0x68: {  	[tilespmem:s0+$0x20] =	vst v0  }
0x69: {  	[tilespmem:s0+$0x10] =	vst v0  }
0x6a: {  	[tilespmem:s0+$0x0] =	vst v0  }
0x6b: {  	[tilespmem:s0+$0xFFFFFFF0] =	vst v0  }
0x6c: {  	s5 =	simm.s32 $0x0;
	[tilespmem:s0+$0xFFFFFFE0] =	vst v0  }
.LBB2_3:
0x6d: {  	s5 =	sadd.s32 $0x8, s5;
	[tilespmem:s0+$0xFFFFFFD0] =	vst v0;
	s0 =	sadd.s32 $0x80, s0  }
0x6e: {  	[tilespmem:s0+$0xFFFFFFC0] =	vst v0;
	p0 =	slt.u32 s5, $0x7F8  }
0x6f: {  	[tilespmem:s0+$0x30] =	vst v0  }
.Ltmp4:
0x70: {  	[tilespmem:s0+$0x20] =	vst v0;
	(pc) =	sbr.rel @p0 .LBB2_3-.Ltmp4, $4  }
0x71: {  	[tilespmem:s0+$0x10] =	vst v0  }
0x72: {  	[tilespmem:s0+$0x0] =	vst v0  }
0x73: {  	[tilespmem:s0+$0xFFFFFFF0] =	vst v0  }
0x74: {  	[tilespmem:s0+$0xFFFFFFE0] =	vst v0  }
0x75: {  	[tilespmem:s0+$0xFFFFFFD0] =	vst v0;
	s5 =	simm.s32 $0x12180  }
0x76: {  	[tilespmem:s5], [sflag:$0x1] =	stream.linear.gather [hbm4b:s23+s2], $0x80, $0x38;
	[tilespmem:$0x13C00] =	vst v63  }
0x77: {  	s30 =	sshll.u32 s24, $0x5;
	s4 =	rddreg [dreg:$0x8]  }
0x78: {  	s31 =	rddreg [dreg:$0x4];
	s0 =	sor.u32 s30, s4  }
0x79: {  	s5 =	smov.u32 s23;
	s25 =	sor.u32 s31, s0;
	s0 =	simm.s32 $0x200  }
.LBB2_5:
0x7a: {  	p0 =	sne.s32 s0, $0x3E00  }
.Ltmp5:
0x7b: {  	_ = 	snop;
	(pc) =	sbr.rel @p0 .LBB2_5-.Ltmp5, $4  }
0x7c: {  	_ = 	snop  }
0x7d: {  	s6 =	sshra.s32 s0, $0x2;
	s0 =	sadd.s32 $0x200, s0  }
0x7e: {  	s5 =	sadd.s32 $0xA00, s5;
	s6 =	sadd.s32 $0x12180, s6  }
0x7f: {  	[tilespmem:s6], [sflag:$0x1] =	stream.linear.gather [hbm4b:s5+s2], $0x80, $0x38;
	[tilespmem:$0x13C00] =	vst v63  }
0x80: {  	_ =	swait.ge [sflag:s15], $0x80  }
0x81: {  	[sflag:s15] =	ssyncset.done $0x0  }
0x82: {  	[sflag:s15] =	ssyncadd.s32 $0xFFFFFF80  }
0x83: {  	_ =	swait.ge [sflag:s15], $0x80  }
0x84: {  	[sflag:s15] =	ssyncset.done $0x0  }
0x85: {  	[sflag:s15] =	ssyncadd.s32 $0xFFFFFF80  }
0x86: {  	_ =	swait.ge [sflag:s15], $0x80  }
0x87: {  	[sflag:s15] =	ssyncset.done $0x0  }
0x88: {  	[sflag:s15] =	ssyncadd.s32 $0xFFFFFF80  }
0x89: {  	_ =	swait.ge [sflag:s15], $0x80  }
0x8a: {  	[sflag:s15] =	ssyncset.done $0x0  }
0x8b: {  	[sflag:s15] =	ssyncadd.s32 $0xFFFFFF80  }
0x8c: {  	_ =	swait.ge [sflag:s15], $0x80  }
0x8d: {  	[sflag:s15] =	ssyncset.done $0x0  }
0x8e: {  	[sflag:s15] =	ssyncadd.s32 $0xFFFFFF80  }
0x8f: {  	_ =	swait.ge [sflag:s15], $0x80  }
0x90: {  	[sflag:s15] =	ssyncset.done $0x0  }
0x91: {  	[sflag:s15] =	ssyncadd.s32 $0xFFFFFF80  }
0x92: {  	_ =	swait.ge [sflag:s15], $0x80  }
0x93: {  	[sflag:s15] =	ssyncset.done $0x0  }
0x94: {  	[sflag:s15] =	ssyncadd.s32 $0xFFFFFF80  }
0x95: {  	_ =	swait.ge [sflag:s15], $0x80  }
0x96: {  	[sflag:s15] =	ssyncset.done $0x0  }
0x97: {  	[sflag:s15] =	ssyncadd.s32 $0xFFFFFF80  }
0x98: {  	_ =	swait.ge [sflag:s15], $0x80  }
0x99: {  	[sflag:s15] =	ssyncset.done $0x0  }
0x9a: {  	[sflag:s15] =	ssyncadd.s32 $0xFFFFFF80  }
0x9b: {  	_ =	swait.ge [sflag:s15], $0x80  }
0x9c: {  	[sflag:s15] =	ssyncset.done $0x0  }
0x9d: {  	[sflag:s15] =	ssyncadd.s32 $0xFFFFFF80  }
0x9e: {  	_ =	swait.ge [sflag:s15], $0x80  }
0x9f: {  	[sflag:s15] =	ssyncset.done $0x0  }
0xa0: {  	[sflag:s15] =	ssyncadd.s32 $0xFFFFFF80  }
0xa1: {  	_ =	swait.ge [sflag:s15], $0x80  }
0xa2: {  	[sflag:s15] =	ssyncset.done $0x0  }
0xa3: {  	[sflag:s15] =	ssyncadd.s32 $0xFFFFFF80  }
0xa4: {  	_ =	swait.ge [sflag:s15], $0x80  }
0xa5: {  	[sflag:s15] =	ssyncset.done $0x0  }
0xa6: {  	[sflag:s15] =	ssyncadd.s32 $0xFFFFFF80  }
0xa7: {  	_ =	swait.ge [sflag:s15], $0x80  }
0xa8: {  	[sflag:s15] =	ssyncset.done $0x0  }
0xa9: {  	[sflag:s15] =	ssyncadd.s32 $0xFFFFFF80  }
0xaa: {  	_ =	swait.ge [sflag:s15], $0x80  }
0xab: {  	[sflag:s15] =	ssyncset.done $0x0  }
0xac: {  	[sflag:s15] =	ssyncadd.s32 $0xFFFFFF80  }
0xad: {  	_ =	swait.ge [sflag:s15], $0x80  }
0xae: {  	[sflag:s15] =	ssyncset.done $0x0  }
0xaf: {  	[sflag:s15] =	ssyncadd.s32 $0xFFFFFF80  }
0xb0: {  	_ =	swait.ge [sflag:s15], $0x80  }
0xb1: {  	[sflag:s15] =	ssyncset.done $0x0  }
0xb2: {  	[sflag:s15] =	ssyncadd.s32 $0xFFFFFF80  }
0xb3: {  	_ =	swait.ge [sflag:s15], $0x80  }
0xb4: {  	[sflag:s15] =	ssyncset.done $0x0  }
0xb5: {  	[sflag:s15] =	ssyncadd.s32 $0xFFFFFF80  }
0xb6: {  	_ =	swait.ge [sflag:s15], $0x80  }
0xb7: {  	[sflag:s15] =	ssyncset.done $0x0  }
0xb8: {  	[sflag:s15] =	ssyncadd.s32 $0xFFFFFF80  }
0xb9: {  	_ =	swait.ge [sflag:s15], $0x80  }
0xba: {  	[sflag:s15] =	ssyncset.done $0x0  }
0xbb: {  	[sflag:s15] =	ssyncadd.s32 $0xFFFFFF80  }
0xbc: {  	_ =	swait.ge [sflag:s15], $0x80  }
0xbd: {  	[sflag:s15] =	ssyncset.done $0x0  }
0xbe: {  	[sflag:s15] =	ssyncadd.s32 $0xFFFFFF80  }
0xbf: {  	_ =	swait.ge [sflag:s15], $0x80  }
0xc0: {  	[sflag:s15] =	ssyncset.done $0x0  }
0xc1: {  	[sflag:s15] =	ssyncadd.s32 $0xFFFFFF80  }
0xc2: {  	_ =	swait.ge [sflag:s15], $0x80  }
0xc3: {  	[sflag:s15] =	ssyncset.done $0x0  }
0xc4: {  	[sflag:s15] =	ssyncadd.s32 $0xFFFFFF80  }
0xc5: {  	_ =	swait.ge [sflag:s15], $0x80  }
0xc6: {  	[sflag:s15] =	ssyncset.done $0x0  }
0xc7: {  	[sflag:s15] =	ssyncadd.s32 $0xFFFFFF80  }
0xc8: {  	_ =	swait.ge [sflag:s15], $0x80  }
0xc9: {  	[sflag:s15] =	ssyncset.done $0x0  }
0xca: {  	[sflag:s15] =	ssyncadd.s32 $0xFFFFFF80  }
0xcb: {  	_ =	swait.ge [sflag:s15], $0x80  }
0xcc: {  	[sflag:s15] =	ssyncset.done $0x0  }
0xcd: {  	[sflag:s15] =	ssyncadd.s32 $0xFFFFFF80  }
0xce: {  	_ =	swait.ge [sflag:s15], $0x80  }
0xcf: {  	[sflag:s15] =	ssyncset.done $0x0  }
0xd0: {  	[sflag:s15] =	ssyncadd.s32 $0xFFFFFF80  }
0xd1: {  	_ =	swait.ge [sflag:s15], $0x80  }
0xd2: {  	[sflag:s15] =	ssyncset.done $0x0  }
0xd3: {  	[sflag:s15] =	ssyncadd.s32 $0xFFFFFF80  }
0xd4: {  	_ =	swait.ge [sflag:s15], $0x80  }
0xd5: {  	[sflag:s15] =	ssyncset.done $0x0  }
0xd6: {  	[sflag:s15] =	ssyncadd.s32 $0xFFFFFF80  }
0xd7: {  	_ =	swait.ge [sflag:s15], $0x80  }
0xd8: {  	[sflag:s15] =	ssyncset.done $0x0  }
0xd9: {  	[sflag:s15] =	ssyncadd.s32 $0xFFFFFF80  }
0xda: {  	_ =	swait.ge [sflag:s15], $0x80  }
0xdb: {  	[sflag:s15] =	ssyncset.done $0x0  }
0xdc: {  	[sflag:s15] =	ssyncadd.s32 $0xFFFFFF80  }
0xdd: {  	_ =	swait.ge [sflag:s15], $0x80  }
0xde: {  	[sflag:s15] =	ssyncset.done $0x0  }
0xdf: {  	s0 =	simm.s32 $0x121A0;
	[sflag:s15] =	ssyncadd.s32 $0xFFFFFF80  }
0xe0: {  	v19 =	vld [tilespmem:s0+$0xFFFFFFE0]  }
0xe1: {  	v8 =	vld [tilespmem:s0+$0x20]  }
0xe2: {  	v5 =	vld [tilespmem:s0+$0x10]  }
0xe3: {  	v6 =	vld [tilespmem:s0+$0x0]  }
0xe4: {  	v7 =	vld [tilespmem:s0+$0xFFFFFFF0]  }
0xe5: {  	s26 =	sshll.u32 s25, $0x6  }
0xe6: {  	s5 =	sadd.s32 $0x40, s26  }
0xe7: {  	v3 =	vmov s26;
	v4 =	vmov s5  }
0xe8: {  	v9 =	vshrl.u32 v19, $0x12;
	v10 =	vshrl.u32 v8, $0x12;
	v11 =	vshrl.u32 v5, $0x12  }
0xe9: {  	v12 =	vshrl.u32 v6, $0x12;
	v13 =	vshrl.u32 v7, $0x12;
	vm0 =	vge.u32 v9, v3  }
0xea: {  	vm1 =	vlt.u32 v9, v4;
	vm3 =	vge.u32 v12, v3;
	vm5 =	vge.u32 v13, v3  }
0xeb: {  	vm4 =	vmand vm0, vm1;
	vm0 =	vlt.u32 v10, v4;
	vm1 =	vge.u32 v10, v3  }
0xec: {  	v10 =	vsel vm4, $0x1, v1;
	vm2 =	vmand vm1, vm0;
	vm0 =	vlt.u32 v12, v4  }
0xed: {  	vm6 =	vge.u32 v11, v3;
	vm1 =	vlt.u32 v13, v4;
	(xrf0) =	vadd.scan.msk.s32 $0xffff, v10;
	vm3 =	vmand vm3, vm0  }
0xee: {  	v12 =	vsel vm2, $0x1, v1;
	vm0 =	vmand vm5, vm1;
	vm1 =	vlt.u32 v11, v4  }
0xef: {  	v9 =	vimm.s32 $0x0;
	v10 =	vmpcnt.ones.xlane vm4;
	(xrf0) =	vadd.scan.msk.s32 $0xffff, v12;
	vm1 =	vmand vm6, vm1  }
0xf0: {  	v11 =	vsel vm3, $0x1, v1;
	v13 =	vmpcnt.ones.xlane vm0;
	v14 =	vsel vm1, $0x1, v1  }
0xf1: {  	v12 =	vsel vm0, $0x1, v1;
	(xrf0) =	vadd.scan.msk.s32 $0xffff, v11;
	v10 =	vadd.s32 v9, v10;
	v11 =	vmpcnt.ones.xlane vm3  }
0xf2: {  	(xrf0) =	vadd.scan.msk.s32 $0xffff, v12;
	v12 =	vmpcnt.ones.xlane vm1;
	v13 =	vadd.s32 v10, v13  }
0xf3: {  	v9 =	vadd.s32 $0xFFFFFFFF, v9;
	(xrf0) =	vadd.scan.msk.s32 $0xffff, v14;
	v15 =	vadd.s32 v13, v11;
	v14, _, _ =	vpop (xrf0)  }
0xf4: {  	v16 =	vadd.s32 v15, v12;
	v11 =	vadd.s32 v14, v9;
	v14 =	vmpcnt.ones.xlane vm2  }
0xf5: {  	v17 =	vadd.s32 $0xFFFFFFFF, v16;
	v18, _, _ =	vpop (xrf0)  }
0xf6: {  	s0 =	simm.s32 $0x121F0;
	v20 =	vand.u32 $0x1FFF, v11;
	v11 =	vadd.s32 v16, v14;
	v14 =	vadd.s32 v18, v17  }
0xf7: {  	v9 =	vld [tilespmem:s0+$0xFFFFFFE0]  }
0xf8: {  	v13 =	vadd.s32 $0xFFFFFFFF, v13;
	v12 =	vld [tilespmem:s0+$0x20];
	v16, _, _ =	vpop (xrf0)  }
0xf9: {  	v18 =	vadd.s32 $0xFFFFFFFF, v10;
	v10 =	vld [tilespmem:s0+$0x10];
	v13 =	vadd.s32 v16, v13;
	v17 =	vand.u32 $0x1FFF, v14;
	v14, _, _ =	vpop (xrf0)  }
0xfa: {  	v16 =	vand.u32 $0x1FFF, v13;
	v13 =	vadd.s32 $0xFFFFFFFF, v15;
	v18 =	vadd.s32 v14, v18;
	v21, _, _ =	vpop (xrf0);
	v14 =	vld [tilespmem:s0+$0x0]  }
0xfb: {  	v15 =	vand.u32 $0x1FFF, v18;
	v18 =	vadd.s32 v21, v13;
	v13 =	vld [tilespmem:s0+$0xFFFFFFF0]  }
0xfc: {  	v22 =	vshrl.u32 v9, $0x12  }
0xfd: {  	s5 =	simm.s32 $0x5;
	[tilespmem:v20+s2+$0x0] =	vst.idx.msk vm4, v19;
	vm4 =	vge.u32 v22, v3;
	vm5 =	vlt.u32 v22, v4;
	v19 =	vshrl.u32 v12, $0x12  }
.LBB2_7:
0xfe: {  	s5 =	sadd.s32 $0x5, s5;
	vm4 =	vmand vm4, vm5;
	v20 =	vshrl.u32 v10, $0x12;
	vm5 =	vlt.u32 v19, v4  }
0xff: {  	vm6 =	vge.u32 v19, v3;
	v18 =	vand.u32 $0x1FFF, v18;
	p0 =	slt.u32 s5, $0xFA;
	v21 =	vshrl.u32 v14, $0x12;
	[tilespmem:v17+s2+$0x0] =	vst.idx.msk vm2, v8;
	v8 =	vmovc v12  }
0x100: {  	v12 =	vsel vm4, $0x1, v1;
	v17 =	vshrl.u32 v13, $0x12;
	vm7 =	vge.u32 v21, v3;
	[tilespmem:v16+s2+$0x0] =	vst.idx.msk vm3, v6;
	v6 =	vmovc v14  }
0x101: {  	vm8 =	vge.u32 v20, v3;
	vm2 =	vmand vm6, vm5;
	vm3 =	vge.u32 v17, v3;
	(xrf0) =	vadd.scan.msk.s32 $0xffff, v12  }
0x102: {  	vm6 =	vlt.u32 v21, v4;
	v12 =	vmpcnt.ones.xlane vm4;
	vm5 =	vlt.u32 v17, v4;
	[tilespmem:v15+s2+$0x0] =	vst.idx.msk vm0, v7  }
0x103: {  	vm0 =	vmand vm3, vm5;
	vm3 =	vmand vm7, vm6;
	vm5 =	vlt.u32 v20, v4;
	v7 =	vmovc v13  }
0x104: {  	v14 =	vsel vm2, $0x1, v1;
	v13 =	vadd.s32 v11, v12;
	v12 =	vsel vm0, $0x1, v1;
	[tilespmem:v18+s2+$0x0] =	vst.idx.msk vm1, v5;
	v5 =	vmovc v10  }
0x105: {  	v15 =	vsel vm3, $0x1, v1;
	v18 =	vmpcnt.ones.xlane vm0;
	vm1 =	vmand vm8, vm5;
	(xrf0) =	vadd.scan.msk.s32 $0xffff, v14  }
0x106: {  	v14 =	vmpcnt.ones.xlane vm3;
	v16 =	vsel vm1, $0x1, v1;
	v17 =	vmpcnt.ones.xlane vm1;
	(xrf0) =	vadd.scan.msk.s32 $0xffff, v15  }
0x107: {  	v11 =	vadd.s32 $0xFFFFFFFF, v11;
	v15 =	vadd.s32 v13, v18;
	v10, _, _ =	vpop (xrf0);
	(xrf0) =	vadd.scan.msk.s32 $0xffff, v12  }
0x108: {  	v18 =	vadd.s32 v15, v14;
	v10 =	vadd.s32 v10, v11;
	v11 =	vmpcnt.ones.xlane vm2;
	(xrf0) =	vadd.scan.msk.s32 $0xffff, v16  }
0x109: {  	s0 =	sadd.s32 $0x50, s0;
	v16 =	vand.u32 $0x1FFF, v10;
	v10 =	vadd.s32 v18, v17  }
0x10a: {  	v19 =	vld [tilespmem:s0+$0xFFFFFFE0];
	v11 =	vadd.s32 v10, v11  }
0x10b: {  	v14 =	vadd.s32 $0xFFFFFFFF, v10;
	v12 =	vld [tilespmem:s0+$0x20];
	v17, _, _ =	vpop (xrf0)  }
.Ltmp6:
0x10c: {  	v15 =	vadd.s32 $0xFFFFFFFF, v15;
	v10 =	vld [tilespmem:s0+$0x10];
	v17 =	vadd.s32 v17, v14;
	v20, _, _ =	vpop (xrf0);
	(pc) =	sbr.rel @p0 .LBB2_7-.Ltmp6, $4  }
0x10d: {  	v21 =	vadd.s32 $0xFFFFFFFF, v13;
	v14 =	vld [tilespmem:s0+$0x0];
	v15 =	vadd.s32 v20, v15;
	v17 =	vand.u32 $0x1FFF, v17;
	v20, _, _ =	vpop (xrf0)  }
0x10e: {  	v18 =	vadd.s32 $0xFFFFFFFF, v18;
	v13 =	vld [tilespmem:s0+$0xFFFFFFF0];
	[tilespmem:v16+s2+$0x0] =	vst.idx.msk vm4, v9;
	v22 =	vadd.s32 v20, v21;
	v16 =	vand.u32 $0x1FFF, v15;
	v20, _, _ =	vpop (xrf0)  }
0x10f: {  	v21 =	vshrl.u32 v19, $0x12;
	v15 =	vand.u32 $0x1FFF, v22;
	v18 =	vadd.s32 v20, v18;
	v9 =	vmovc v19  }
0x110: {  	vm4 =	vge.u32 v21, v3;
	vm5 =	vlt.u32 v21, v4;
	v19 =	vshrl.u32 v12, $0x12  }
0x111: {  	vm4 =	vmand vm4, vm5  }
0x112: {  	v20 =	vshrl.u32 v10, $0x12;
	vm15 =	vlt.u32 v19, v4;
	vm6 =	vge.u32 v19, v3  }
0x113: {  	v21 =	vshrl.u32 v14, $0x12;
	v41 =	vsel vm4, $0x1, v1;
	vm9 =	vge.u32 v20, v3  }
0x114: {  	vm5 =	vmand vm6, vm15;
	v23 =	vmpcnt.ones.xlane vm4;
	v22 =	vshrl.u32 v13, $0x12  }
0x115: {  	vm7 =	vge.u32 v21, v3;
	vm11 =	vlt.u32 v21, v4;
	v42 =	vsel vm5, $0x1, v1  }
0x116: {  	(xrf0) =	vadd.scan.msk.s32 $0xffff, v41;
	vm8 =	vge.u32 v22, v3;
	vm6 =	vmand vm7, vm11;
	vm12 =	vlt.u32 v22, v4  }
0x117: {  	vm13 =	vlt.u32 v20, v4;
	(xrf0) =	vadd.scan.msk.s32 $0xffff, v42;
	vm7 =	vmand vm8, vm12;
	v43 =	vsel vm6, $0x1, v1  }
0x118: {  	vm8 =	vmand vm9, vm13;
	v44 =	vsel vm7, $0x1, v1;
	v45 =	vmpcnt.ones.xlane vm7;
	(xrf0) =	vadd.scan.msk.s32 $0xffff, v43  }
0x119: {  	v46 =	vadd.s32 v11, v23;
	v47 =	vmpcnt.ones.xlane vm6;
	v48 =	vsel vm8, $0x1, v1;
	(xrf0) =	vadd.scan.msk.s32 $0xffff, v44  }
0x11a: {  	v49 =	vmpcnt.ones.xlane vm8;
	v21 =	vadd.s32 v46, v45;
	(xrf0) =	vadd.scan.msk.s32 $0xffff, v48  }
0x11b: {  	v22 =	vadd.s32 v21, v47  }
0x11c: {  	v51 =	vadd.s32 $0xFFFFFFFF, v11;
	v50, _, _ =	vpop (xrf0);
	v19 =	vadd.s32 v22, v49  }
0x11d: {  	v18 =	vand.u32 $0x1FFF, v18;
	v11 =	vadd.s32 v50, v51;
	v24, _, _ =	vpop (xrf0);
	v52 =	vadd.s32 $0xFFFFFFFF, v19  }
0x11e: {  	v21 =	vadd.s32 $0xFFFFFFFF, v21;
	v11 =	vand.u32 $0x1FFF, v11;
	v23 =	vadd.s32 v24, v52;
	v53, _, _ =	vpop (xrf0)  }
0x11f: {  	[tilespmem:v17+s2+$0x0] =	vst.idx.msk vm2, v8;
	v54 =	vadd.s32 $0xFFFFFFFF, v46;
	v55 =	vadd.s32 v53, v21;
	v56 =	vand.u32 $0x1FFF, v23;
	v57, _, _ =	vpop (xrf0)  }
0x120: {  	[tilespmem:v16+s2+$0x0] =	vst.idx.msk vm3, v6;
	v59 =	vadd.s32 $0xFFFFFFFF, v22;
	v6 =	vadd.s32 v57, v54;
	v58 =	vand.u32 $0x1FFF, v55;
	v60, _, _ =	vpop (xrf0)  }
0x121: {  	[tilespmem:v15+s2+$0x0] =	vst.idx.msk vm0, v7;
	v6 =	vand.u32 $0x1FFF, v6;
	v7 =	vadd.s32 v60, v59  }
0x122: {  	[tilespmem:v18+s2+$0x0] =	vst.idx.msk vm1, v5;
	v5 =	vand.u32 $0x1FFF, v7  }
0x123: {  	[tilespmem:v11+s2+$0x0] =	vst.idx.msk vm4, v9  }
0x124: {  	[tilespmem:v56+s2+$0x0] =	vst.idx.msk vm5, v12  }
0x125: {  	[tilespmem:v58+s2+$0x0] =	vst.idx.msk vm6, v14  }
0x126: {  	[tilespmem:v6+s2+$0x0] =	vst.idx.msk vm7, v13  }
0x127: {  	[tilespmem:v5+s2+$0x0] =	vst.idx.msk vm8, v10  }
0x128: {  	v6 =	vld [tilespmem:$0x13170];
	_ =	sdelay $0x4  }
0x129: {  	v5 =	vshrl.u32 v6, $0x12  }
0x12a: {  	vm14 =	vge.u32 v5, v3;
	vm15 =	vlt.u32 v5, v4  }
0x12b: {  	v5 =	vmpcnt.ones.xlane vm5;
	vm0 =	vmand vm14, vm15  }
0x12c: {  	v7 =	vmpcnt.ones.xlane vm0  }
0x12d: {  	v61 =	vadd.s32 v19, v5  }
0x12e: {  	v62 =	vsel vm0, $0x1, v1;
	v5 =	vadd.s32 v61, v7  }
0x12f: {  	(xrf0) =	vadd.scan.msk.s32 $0xffff, v62;
	v7 =	vxor.u32 $0x80000000, v5  }
0x130: {  	(xrf0) =	vmax.scan.msk.u32 $0xffff, v7;
	_ =	sdelay $0x4  }
0x131: {  	v7, _, _ =	vpop (xrf0)  }
0x132: {  	v63, _, _ =	vpop (xrf0)  }
0x133: {  	(v2sf) =	vpush v63, $0xF;
	_ =	sdelay $0xe  }
0x134: {  	s0 =	spop (v2sf)  }
0x135: {  	s5 =	sxor.u32 $0x80000000, s0  }
0x136: {  	p1 =	sgt.s32 s0, $0xFFFFFFFF;
	s0 =	sand.u32 $0x7F, s0;
	p0 =	slt.s32 s5, $0x1  }
0x137: {  	s6 =	sshra.s32 s5, $0x1F;
	p6 =	sne.s32 s0, $0x0;
	p0 =	por p1, p0  }
0x138: {  	s31 =	sshrl.u32 s6, $0x19;
	p0 =	por !p6, !p0  }
0x139: {  	s0 =	sadd.s32 s31, s5;
	s5 =	simm.s32 $0x1;
	p0 =	por !p0, !p0  }
0x13a: {  	v8 =	vadd.s32 $0xFFFFFFFF, v61;
	s0 =	sshra.s32 s0, $0x7;
	s5 =	simm.s32 @!p0 $0x0  }
0x13b: {  	v7 =	vadd.s32 v7, v8;
	s28 =	ssub.s32 s0, s5  }
0x13c: {  	v7 =	vand.u32 $0x1FFF, v7;
	p0 =	slt.s32 s28, $0x1  }
.Ltmp7:
0x13d: {  	_ = 	snop;
	(pc) =	sbr.rel @p0 .LBB2_18-.Ltmp7, $2  }
0x13e: {  	_ =	sdelay $0x2  }
0x13f: {  	[tilespmem:v7+s2+$0x0] =	vst.idx.msk vm0, v6  }
0x140: {  	v6 =	vld [tilespmem:$0x0]  }
0x141: {  	v7 =	vld [tilespmem:$0x10]  }
0x142: {  	v8 =	vld [tilespmem:$0x20]  }
0x143: {  	v9 =	vld [tilespmem:$0x30]  }
0x144: {  	v10 =	vld [tilespmem:$0x40]  }
0x145: {  	v11 =	vld [tilespmem:$0x50];
	v6 =	vand.u32 $0x3FFF, v6  }
0x146: {  	[tilespmem:$0x2080] =	vst v6;
	v6 =	vand.u32 $0x3FFF, v7;
	v7 =	vld [tilespmem:$0x60]  }
0x147: {  	v63 =	vld [tilespmem:$0x70];
	[tilespmem:$0x2090] =	vst v6;
	v6 =	vand.u32 $0x3FFF, v8  }
0x148: {  	[tilespmem:$0x20A0] =	vst v6;
	v6 =	vand.u32 $0x3FFF, v9  }
0x149: {  	[tilespmem:$0x20B0] =	vst v6;
	v6 =	vand.u32 $0x3FFF, v10  }
.Ltmp8:
0x14a: {  	[tilespmem:$0x20C0] =	vst v6;
	v6 =	vand.u32 $0x3FFF, v11;
	(pc) =	sbr.rel .LBB2_10-.Ltmp8, $4  }
0x14b: {  	[tilespmem:$0x20D0] =	vst v6;
	v6 =	vand.u32 $0x3FFF, v7  }
0x14c: {  	[tilespmem:$0x20E0] =	vst v6;
	v6 =	vand.u32 $0x3FFF, v63  }
0x14d: {  	s30 =	simm.s32 $0x0;
	s29 =	simm.s32 $0x1;
	[tilespmem:$0x20F0] =	vst v6  }
0x14e: {  	[tilespmem:s18], [sflag:$0x2] =	stream.indirect.gather [hbm4b:s1+s16], $0x80, s17, s16, $0xb8;
	[tilespmem:$0x13C00] =	vst v63  }
.LBB2_17:
0x14f: {  	p0 =	sne.s32 s30, s28  }
.Ltmp9:
0x150: {  	_ = 	snop;
	(pc) =	sbr.rel @!p0 .LBB2_18-.Ltmp9, $2  }
0x151: {  	_ =	sdelay $0x2  }
0x152: {  	s29 =	sadd.s32 $0x80, s29  }
.LBB2_10:
0x153: {  	s0 =	sand.u32 $0x1, s30  }
0x154: {  	p0 =	seq.s32 s0, $0x1  }
.Ltmp10:
0x155: {  	_ = 	snop;
	(pc) =	sbr.rel @p0 .LBB2_14-.Ltmp10, $2  }
0x156: {  	_ =	sdelay $0x2  }
0x157: {  	s30 =	sadd.s32 $0x1, s30  }
0x158: {  	p0 =	sge.s32 s30, s28  }
0x159: {  	s5 =	sshll.u32 @!p0 s30, $0x9  }
0x15a: {  	s5 =	sshra.s32 @!p0 s5, $0x2  }
0x15b: {  	v6 =	vld @!p0 [tilespmem:s5+$0x0];
	_ =	sdelay $0x4  }
0x15c: {  	v6 =	vand.u32 @!p0 $0x3FFF, v6  }
0x15d: {  	[tilespmem:$0x2100] =	vst @!p0 v6  }
0x15e: {  	v6 =	vld @!p0 [tilespmem:s5+$0x10];
	_ =	sdelay $0x4  }
0x15f: {  	v6 =	vand.u32 @!p0 $0x3FFF, v6  }
0x160: {  	[tilespmem:$0x2110] =	vst @!p0 v6  }
0x161: {  	v6 =	vld @!p0 [tilespmem:s5+$0x20];
	_ =	sdelay $0x4  }
0x162: {  	v6 =	vand.u32 @!p0 $0x3FFF, v6  }
0x163: {  	[tilespmem:$0x2120] =	vst @!p0 v6  }
0x164: {  	v6 =	vld @!p0 [tilespmem:s5+$0x30];
	_ =	sdelay $0x4  }
0x165: {  	v6 =	vand.u32 @!p0 $0x3FFF, v6  }
0x166: {  	[tilespmem:$0x2130] =	vst @!p0 v6  }
0x167: {  	v6 =	vld @!p0 [tilespmem:s5+$0x40];
	_ =	sdelay $0x4  }
0x168: {  	v6 =	vand.u32 @!p0 $0x3FFF, v6  }
0x169: {  	[tilespmem:$0x2140] =	vst @!p0 v6  }
0x16a: {  	v6 =	vld @!p0 [tilespmem:s5+$0x50];
	_ =	sdelay $0x4  }
0x16b: {  	v6 =	vand.u32 @!p0 $0x3FFF, v6  }
0x16c: {  	[tilespmem:$0x2150] =	vst @!p0 v6  }
0x16d: {  	v6 =	vld @!p0 [tilespmem:s5+$0x60];
	_ =	sdelay $0x4  }
0x16e: {  	v6 =	vand.u32 @!p0 $0x3FFF, v6  }
0x16f: {  	[tilespmem:$0x2160] =	vst @!p0 v6  }
0x170: {  	v6 =	vld @!p0 [tilespmem:s5+$0x70];
	_ =	sdelay $0x4  }
0x171: {  	v6 =	vand.u32 @!p0 $0x3FFF, v6  }
0x172: {  	s6 =	simm.s32 @!p0 $0x2100;
	s7 =	simm.s32 @!p0 $0x6180;
	s5 =	simm.s32 @!p0 $0x80;
	[tilespmem:$0x2170] =	vst @!p0 v6  }
0x173: {  	[tilespmem:s7], [sflag:$0x3] =	stream.indirect.gather @!p0 [hbm4b:s1+s5], $0x80, s6, s5, $0xb8;
	[tilespmem:$0x13C00] =	vst v63  }
0x174: {  	_ =	swait.ge [sflag:s20], $0x4000  }
0x175: {  	[sflag:s20] =	ssyncset.done $0x0  }
0x176: {  	[sflag:s20] =	ssyncadd.s32 $0xFFFFC000  }
0x177: {  	v6 =	vld [tilespmem:s29+$0x0];
	_ =	sdelay $0x4  }
0x178: {  	(v2sf) =	vpush v6, $0x0;
	_ =	sdelay $0x4  }
0x179: {  	v6 =	vld [tilespmem:s29+$0xFFFFFFFF];
	_ =	sdelay $0x4  }
0x17a: {  	(v2sf) =	vpush v6, $0x0;
	_ =	sdelay $0x3  }
0x17b: {  	s5 =	simm.s32 $0x2200  }
0x17c: {  	v7 =	vld [tilespmem:s5+$0x0];
	s14 =	spop (v2sf)  }
0x17d: {  	v11 =	vld [tilespmem:s5+$0x70];
	s21 =	sshrl.u32 s14, $0xC  }
0x17e: {  	v8 =	vld [tilespmem:s5+$0x10];
	s22 =	sand.u32 $0x3C, s21  }
0x17f: {  	v6 =	vld [tilespmem:s22+$0x13B80]  }
0x180: {  	v9 =	vld [tilespmem:s5+$0x20]  }
0x181: {  	v13 =	vld [tilespmem:s5+$0x30]  }
0x182: {  	v14 =	vld [tilespmem:s5+$0x40]  }
0x183: {  	v15 =	vld [tilespmem:s5+$0x50]  }
0x184: {  	v16 =	vld [tilespmem:s5+$0x60];
	s6 =	sshrl.u32 s14, $0x12;
	v12 =	vbroadcast v6, $0x3  }
0x185: {  	v17 =	vld [tilespmem:s5+$0xFFFFFF80];
	s6 =	ssub.s32 s6, s26  }
0x186: {  	v18 =	vld [tilespmem:s5+$0xFFFFFF90];
	s6 =	sshll.u32 s6, $0xB;
	s31 =	spop (v2sf);
	v10 =	vmul.f32 v11, v12  }
0x187: {  	v19 =	vld [tilespmem:s5+$0xFFFFFFA0];
	s6 =	sshra.s32 s6, $0x2;
	s10 =	sshrl.u32 s31, $0xC  }
0x188: {  	s10 =	sand.u32 $0x3C, s10;
	[tilespmem:s6+$0xA370] =	vst.add.f32.msk $0xffff, v10  }
0x189: {  	v10 =	vld [tilespmem:s10+$0x13B80]  }
0x18a: {  	v20 =	vld [tilespmem:s5+$0xFFFFFFB0]  }
0x18b: {  	v21 =	vld [tilespmem:s5+$0xFFFFFFC0];
	v62 =	vbroadcast v6, $0x1  }
0x18c: {  	v24 =	vld [tilespmem:s5+$0xFFFFFFD0];
	v61 =	vbroadcast v6, $0x0  }
0x18d: {  	v26 =	vld [tilespmem:s5+$0xFFFFFFE0];
	v34 =	vmul.f32 v8, v62  }
0x18e: {  	v29 =	vld [tilespmem:s5+$0xFFFFFFF0];
	s7 =	sshrl.u32 s31, $0x12;
	v38 =	vmul.f32 v9, v61;
	v22 =	vbroadcast v10, $0x0  }
0x18f: {  	s7 =	ssub.s32 s7, s26;
	v39 =	vmul.f32 v9, v62;
	[tilespmem:s6+$0xA210] =	vst.add.f32.msk $0xffff, v34;
	v23 =	vbroadcast v10, $0x1  }
0x190: {  	s7 =	sshll.u32 s7, $0xB;
	[tilespmem:s6+$0xA1A0] =	vst.add.f32.msk $0xffff, v38;
	v25 =	vbroadcast v10, $0x2;
	v27 =	vmul.f32 v22, v17  }
0x191: {  	s7 =	sshra.s32 s7, $0x2;
	[tilespmem:s6+$0xA220] =	vst.add.f32.msk $0xffff, v39;
	v10 =	vbroadcast v10, $0x3;
	v28 =	vmul.f32 v23, v17  }
0x192: {  	v30 =	vmul.f32 v25, v17;
	[tilespmem:s7+$0xA180] =	vst.add.f32.msk $0xffff, v27  }
0x193: {  	v17 =	vmul.f32 v10, v17;
	[tilespmem:s7+$0xA200] =	vst.add.f32.msk $0xffff, v28  }
0x194: {  	v48 =	vmul.f32 v18, v25;
	[tilespmem:s7+$0xA280] =	vst.add.f32.msk $0xffff, v30  }
0x195: {  	v49 =	vmul.f32 v19, v23;
	[tilespmem:s7+$0xA300] =	vst.add.f32.msk $0xffff, v17  }
0x196: {  	v50 =	vmul.f32 v19, v25;
	[tilespmem:s7+$0xA290] =	vst.add.f32.msk $0xffff, v48  }
0x197: {  	v51 =	vmul.f32 v20, v22;
	[tilespmem:s7+$0xA220] =	vst.add.f32.msk $0xffff, v49  }
0x198: {  	v52 =	vmul.f32 v20, v23;
	[tilespmem:s7+$0xA2A0] =	vst.add.f32.msk $0xffff, v50  }
0x199: {  	v53 =	vmul.f32 v20, v25;
	[tilespmem:s7+$0xA1B0] =	vst.add.f32.msk $0xffff, v51  }
0x19a: {  	v54 =	vmul.f32 v20, v10;
	[tilespmem:s7+$0xA230] =	vst.add.f32.msk $0xffff, v52  }
0x19b: {  	v55 =	vmul.f32 v21, v22;
	[tilespmem:s7+$0xA2B0] =	vst.add.f32.msk $0xffff, v53  }
0x19c: {  	v56 =	vmul.f32 v21, v23;
	[tilespmem:s7+$0xA330] =	vst.add.f32.msk $0xffff, v54  }
0x19d: {  	v57 =	vmul.f32 v21, v25;
	[tilespmem:s7+$0xA1C0] =	vst.add.f32.msk $0xffff, v55  }
0x19e: {  	v58 =	vmul.f32 v21, v10;
	[tilespmem:s7+$0xA240] =	vst.add.f32.msk $0xffff, v56  }
0x19f: {  	v59 =	vmul.f32 v24, v22;
	[tilespmem:s7+$0xA2C0] =	vst.add.f32.msk $0xffff, v57  }
0x1a0: {  	v60 =	vmul.f32 v24, v23;
	[tilespmem:s7+$0xA340] =	vst.add.f32.msk $0xffff, v58  }
0x1a1: {  	v20 =	vmul.f32 v24, v25;
	[tilespmem:s7+$0xA1D0] =	vst.add.f32.msk $0xffff, v59  }
0x1a2: {  	v21 =	vmul.f32 v24, v10;
	[tilespmem:s7+$0xA250] =	vst.add.f32.msk $0xffff, v60  }
0x1a3: {  	v63 =	vbroadcast v6, $0x2;
	v6 =	vmul.f32 v26, v22;
	[tilespmem:s7+$0xA2D0] =	vst.add.f32.msk $0xffff, v20  }
0x1a4: {  	v24 =	vmul.f32 v26, v23;
	[tilespmem:s7+$0xA350] =	vst.add.f32.msk $0xffff, v21  }
0x1a5: {  	v27 =	vmul.f32 v18, v22;
	[tilespmem:s7+$0xA1E0] =	vst.add.f32.msk $0xffff, v6  }
0x1a6: {  	v31 =	vmul.f32 v14, v12;
	v28 =	vmul.f32 v18, v23;
	[tilespmem:s7+$0xA260] =	vst.add.f32.msk $0xffff, v24  }
0x1a7: {  	v33 =	vmul.f32 v15, v62;
	v18 =	vmul.f32 v18, v10;
	[tilespmem:s7+$0xA190] =	vst.add.f32.msk $0xffff, v27  }
0x1a8: {  	v32 =	vmul.f32 v15, v63;
	v6 =	vmul.f32 v26, v10;
	[tilespmem:s7+$0xA210] =	vst.add.f32.msk $0xffff, v28  }
0x1a9: {  	v35 =	vmul.f32 v15, v12;
	v23 =	vmul.f32 v29, v23;
	[tilespmem:s7+$0xA310] =	vst.add.f32.msk $0xffff, v18  }
0x1aa: {  	v37 =	vmul.f32 v16, v62;
	v20 =	vmul.f32 v61, v7;
	[tilespmem:s7+$0xA360] =	vst.add.f32.msk $0xffff, v6  }
0x1ab: {  	v36 =	vmul.f32 v16, v63;
	v21 =	vmul.f32 v62, v7;
	[tilespmem:s7+$0xA270] =	vst.add.f32.msk $0xffff, v23  }
0x1ac: {  	v34 =	vmul.f32 v16, v61;
	v24 =	vmul.f32 v12, v7;
	[tilespmem:s6+$0xA180] =	vst.add.f32.msk $0xffff, v20  }
0x1ad: {  	v30 =	vmul.f32 v15, v61;
	v27 =	vmul.f32 v19, v22;
	[tilespmem:s6+$0xA200] =	vst.add.f32.msk $0xffff, v21  }
0x1ae: {  	v19 =	vmul.f32 v19, v10;
	v28 =	vmul.f32 v63, v7;
	[tilespmem:s6+$0xA300] =	vst.add.f32.msk $0xffff, v24  }
0x1af: {  	v7 =	vmul.f32 v29, v22;
	v22 =	vmul.f32 v8, v61;
	[tilespmem:s7+$0xA1A0] =	vst.add.f32.msk $0xffff, v27  }
0x1b0: {  	v6 =	vmul.f32 v29, v25;
	v23 =	vmul.f32 v8, v12;
	[tilespmem:s7+$0xA320] =	vst.add.f32.msk $0xffff, v19  }
0x1b1: {  	v21 =	vmul.f32 v11, v63;
	v27 =	vmul.f32 v26, v25;
	[tilespmem:s7+$0xA1F0] =	vst.add.f32.msk $0xffff, v7  }
0x1b2: {  	v25 =	vmul.f32 v8, v63;
	v7 =	vmul.f32 v29, v10;
	[tilespmem:s7+$0xA2F0] =	vst.add.f32.msk $0xffff, v6  }
0x1b3: {  	v6 =	vmul.f32 v9, v63;
	v9 =	vmul.f32 v9, v12;
	[tilespmem:s6+$0xA280] =	vst.add.f32.msk $0xffff, v28  }
0x1b4: {  	v8 =	vmul.f32 v13, v61;
	v10 =	vmul.f32 v13, v62;
	[tilespmem:s6+$0xA190] =	vst.add.f32.msk $0xffff, v22  }
0x1b5: {  	v26 =	vmul.f32 v14, v61;
	v29 =	vmul.f32 v14, v62;
	[tilespmem:s6+$0xA310] =	vst.add.f32.msk $0xffff, v23  }
0x1b6: {  	v28 =	vmul.f32 v14, v63;
	v22 =	vmul.f32 v11, v61;
	[tilespmem:s7+$0xA2E0] =	vst.add.f32.msk $0xffff, v27  }
0x1b7: {  	v23 =	vmul.f32 v11, v62;
	[tilespmem:s7+$0xA370] =	vst.add.f32.msk $0xffff, v7;
	v7 =	vmul.f32 v13, v63  }
0x1b8: {  	s10 =	sadd.s32 $0x2, s29;
	v27 =	vmul.f32 v13, v12;
	[tilespmem:s6+$0xA290] =	vst.add.f32.msk $0xffff, v25;
	v25 =	vmul.f32 v16, v12;
	s7 =	simm.s32 $0x0  }
.LBB2_12:
0x1b9: {  	v11 =	vld [tilespmem:s10+$0x0];
	s7 =	sadd.s32 $0x2, s7  }
0x1ba: {  	v12 =	vld [tilespmem:s10+$0xFFFFFFFF];
	p0 =	slt.u32 s7, $0x7E  }
0x1bb: {  	[tilespmem:s6+$0xA2A0] =	vst.add.f32.msk $0xffff, v6  }
0x1bc: {  	[tilespmem:s6+$0xA320] =	vst.add.f32.msk $0xffff, v9  }
0x1bd: {  	[tilespmem:s6+$0xA1B0] =	vst.add.f32.msk $0xffff, v8  }
0x1be: {  	(v2sf) =	vpush v11, $0x0;
	[tilespmem:s6+$0xA230] =	vst.add.f32.msk $0xffff, v10  }
0x1bf: {  	(v2sf) =	vpush v12, $0x0;
	[tilespmem:s6+$0xA2B0] =	vst.add.f32.msk $0xffff, v7  }
0x1c0: {  	[tilespmem:s6+$0xA330] =	vst.add.f32.msk $0xffff, v27  }
0x1c1: {  	[tilespmem:s6+$0xA1C0] =	vst.add.f32.msk $0xffff, v26  }
0x1c2: {  	[tilespmem:s6+$0xA240] =	vst.add.f32.msk $0xffff, v29  }
0x1c3: {  	[tilespmem:s6+$0xA2C0] =	vst.add.f32.msk $0xffff, v28  }
0x1c4: {  	[tilespmem:s6+$0xA340] =	vst.add.f32.msk $0xffff, v31  }
0x1c5: {  	[tilespmem:s6+$0xA1D0] =	vst.add.f32.msk $0xffff, v30  }
0x1c6: {  	[tilespmem:s6+$0xA250] =	vst.add.f32.msk $0xffff, v33  }
0x1c7: {  	[tilespmem:s6+$0xA2D0] =	vst.add.f32.msk $0xffff, v32  }
0x1c8: {  	[tilespmem:s6+$0xA350] =	vst.add.f32.msk $0xffff, v35  }
0x1c9: {  	[tilespmem:s6+$0xA1E0] =	vst.add.f32.msk $0xffff, v34  }
0x1ca: {  	[tilespmem:s6+$0xA260] =	vst.add.f32.msk $0xffff, v37  }
0x1cb: {  	[tilespmem:s6+$0xA2E0] =	vst.add.f32.msk $0xffff, v36  }
0x1cc: {  	[tilespmem:s6+$0xA360] =	vst.add.f32.msk $0xffff, v25  }
0x1cd: {  	s12 =	spop (v2sf);
	[tilespmem:s6+$0xA1F0] =	vst.add.f32.msk $0xffff, v22  }
0x1ce: {  	s11 =	sshrl.u32 s12, $0xC;
	s14 =	spop (v2sf);
	[tilespmem:s6+$0xA270] =	vst.add.f32.msk $0xffff, v23  }
0x1cf: {  	s21 =	sshrl.u32 s14, $0x12;
	s14 =	sshrl.u32 s14, $0xC;
	s11 =	sand.u32 $0x3C, s11;
	[tilespmem:s6+$0xA2F0] =	vst.add.f32.msk $0xffff, v21  }
0x1d0: {  	s5 =	sadd.s32 $0x100, s5;
	s6 =	ssub.s32 s21, s26;
	s14 =	sand.u32 $0x3C, s14;
	v6 =	vld [tilespmem:s11+$0x13B80]  }
0x1d1: {  	s6 =	sshll.u32 s6, $0xB;
	v7 =	vld [tilespmem:s5+$0x0]  }
0x1d2: {  	s11 =	sshra.s32 s6, $0x2;
	v21 =	vld [tilespmem:s5+$0x70]  }
0x1d3: {  	v8 =	vld [tilespmem:s5+$0x10]  }
0x1d4: {  	v9 =	vld [tilespmem:s5+$0x20]  }
0x1d5: {  	s6 =	sshrl.u32 s12, $0x12;
	v26 =	vld [tilespmem:s5+$0x30];
	v22 =	vbroadcast v6, $0x0;
	v25 =	vbroadcast v6, $0x3  }
0x1d6: {  	s6 =	ssub.s32 s6, s26;
	v23 =	vbroadcast v6, $0x1;
	v24 =	vbroadcast v6, $0x2;
	v30 =	vld [tilespmem:s5+$0x40]  }
0x1d7: {  	s6 =	sshll.u32 s6, $0xB;
	v34 =	vld [tilespmem:s5+$0x50];
	v11 =	vmul.f32 v22, v7;
	v6 =	vmul.f32 v21, v25  }
0x1d8: {  	s6 =	sshra.s32 s6, $0x2;
	v17 =	vmul.f32 v23, v7;
	v13 =	vmul.f32 v24, v7;
	v38 =	vld [tilespmem:s5+$0x60]  }
0x1d9: {  	v14 =	vmul.f32 v25, v7;
	v12 =	vmul.f32 v8, v22;
	[tilespmem:s6+$0xA370] =	vst.add.f32.msk $0xffff, v6  }
0x1da: {  	v18 =	vmul.f32 v8, v23;
	v15 =	vmul.f32 v8, v24;
	v27 =	vld [tilespmem:s14+$0x13B80]  }
0x1db: {  	v19 =	vmul.f32 v8, v25;
	v16 =	vmul.f32 v9, v22;
	v28 =	vld [tilespmem:s5+$0xFFFFFF80]  }
0x1dc: {  	v20 =	vmul.f32 v9, v23;
	v6 =	vmul.f32 v9, v24;
	v29 =	vld [tilespmem:s5+$0xFFFFFF90]  }
0x1dd: {  	v9 =	vmul.f32 v9, v25;
	v8 =	vmul.f32 v26, v22;
	v31 =	vld [tilespmem:s5+$0xFFFFFFA0]  }
0x1de: {  	v10 =	vmul.f32 v26, v23;
	v7 =	vmul.f32 v26, v24;
	v32 =	vld [tilespmem:s5+$0xFFFFFFB0]  }
0x1df: {  	v33 =	vld [tilespmem:s5+$0xFFFFFFC0];
	v35 =	vbroadcast v27, $0x0;
	v36 =	vbroadcast v27, $0x1  }
0x1e0: {  	v39 =	vbroadcast v27, $0x2;
	v27 =	vbroadcast v27, $0x3;
	v37 =	vld [tilespmem:s5+$0xFFFFFFD0]  }
0x1e1: {  	v40 =	vld [tilespmem:s5+$0xFFFFFFE0];
	v41 =	vmul.f32 v35, v28;
	v42 =	vmul.f32 v36, v28  }
0x1e2: {  	v44 =	vmul.f32 v39, v28;
	v28 =	vmul.f32 v27, v28;
	v43 =	vld [tilespmem:s5+$0xFFFFFFF0]  }
0x1e3: {  	v45 =	vmul.f32 v29, v36;
	[tilespmem:s11+$0xA180] =	vst.add.f32.msk $0xffff, v41;
	v41 =	vmul.f32 v29, v35  }
0x1e4: {  	[tilespmem:s11+$0xA200] =	vst.add.f32.msk $0xffff, v42;
	v42 =	vmul.f32 v29, v39;
	v29 =	vmul.f32 v29, v27  }
0x1e5: {  	v46 =	vmul.f32 v31, v36;
	[tilespmem:s11+$0xA280] =	vst.add.f32.msk $0xffff, v44;
	v44 =	vmul.f32 v31, v35  }
0x1e6: {  	[tilespmem:s11+$0xA300] =	vst.add.f32.msk $0xffff, v28;
	v28 =	vmul.f32 v31, v39;
	v31 =	vmul.f32 v31, v27  }
0x1e7: {  	v47 =	vmul.f32 v32, v36;
	[tilespmem:s11+$0xA190] =	vst.add.f32.msk $0xffff, v41;
	v41 =	vmul.f32 v32, v35  }
0x1e8: {  	[tilespmem:s11+$0xA210] =	vst.add.f32.msk $0xffff, v45;
	v45 =	vmul.f32 v32, v39;
	v32 =	vmul.f32 v32, v27  }
0x1e9: {  	v48 =	vmul.f32 v33, v36;
	[tilespmem:s11+$0xA290] =	vst.add.f32.msk $0xffff, v42;
	v42 =	vmul.f32 v33, v35  }
0x1ea: {  	v49 =	vmul.f32 v33, v39;
	v50 =	vmul.f32 v33, v27;
	[tilespmem:s11+$0xA310] =	vst.add.f32.msk $0xffff, v29  }
0x1eb: {  	v51 =	vmul.f32 v37, v36;
	[tilespmem:s11+$0xA1A0] =	vst.add.f32.msk $0xffff, v44;
	v44 =	vmul.f32 v37, v35  }
0x1ec: {  	v52 =	vmul.f32 v37, v27;
	[tilespmem:s11+$0xA220] =	vst.add.f32.msk $0xffff, v46;
	v46 =	vmul.f32 v37, v39  }
0x1ed: {  	v53 =	vmul.f32 v40, v35;
	v54 =	vmul.f32 v40, v36;
	[tilespmem:s11+$0xA2A0] =	vst.add.f32.msk $0xffff, v28  }
0x1ee: {  	v55 =	vmul.f32 v40, v39;
	v40 =	vmul.f32 v40, v27;
	[tilespmem:s11+$0xA320] =	vst.add.f32.msk $0xffff, v31  }
0x1ef: {  	v56 =	vmul.f32 v43, v36;
	[tilespmem:s11+$0xA1B0] =	vst.add.f32.msk $0xffff, v41;
	v41 =	vmul.f32 v43, v35  }
0x1f0: {  	v39 =	vmul.f32 v43, v39;
	v43 =	vmul.f32 v43, v27;
	[tilespmem:s11+$0xA230] =	vst.add.f32.msk $0xffff, v47  }
0x1f1: {  	v27 =	vmul.f32 v26, v25;
	v26 =	vmul.f32 v30, v22;
	[tilespmem:s11+$0xA2B0] =	vst.add.f32.msk $0xffff, v45  }
0x1f2: {  	v29 =	vmul.f32 v30, v23;
	v28 =	vmul.f32 v30, v24;
	[tilespmem:s11+$0xA330] =	vst.add.f32.msk $0xffff, v32  }
0x1f3: {  	v31 =	vmul.f32 v30, v25;
	v30 =	vmul.f32 v34, v22;
	[tilespmem:s11+$0xA1C0] =	vst.add.f32.msk $0xffff, v42  }
0x1f4: {  	v33 =	vmul.f32 v34, v23;
	v32 =	vmul.f32 v34, v24;
	[tilespmem:s11+$0xA240] =	vst.add.f32.msk $0xffff, v48  }
0x1f5: {  	v35 =	vmul.f32 v34, v25;
	v34 =	vmul.f32 v38, v22;
	[tilespmem:s11+$0xA2C0] =	vst.add.f32.msk $0xffff, v49  }
0x1f6: {  	v36 =	vmul.f32 v38, v24;
	v37 =	vmul.f32 v38, v23;
	[tilespmem:s11+$0xA340] =	vst.add.f32.msk $0xffff, v50  }
0x1f7: {  	v25 =	vmul.f32 v38, v25;
	v22 =	vmul.f32 v21, v22;
	[tilespmem:s11+$0xA1D0] =	vst.add.f32.msk $0xffff, v44  }
0x1f8: {  	v23 =	vmul.f32 v21, v23;
	v21 =	vmul.f32 v21, v24;
	[tilespmem:s11+$0xA250] =	vst.add.f32.msk $0xffff, v51  }
0x1f9: {  	[tilespmem:s11+$0xA2D0] =	vst.add.f32.msk $0xffff, v46  }
0x1fa: {  	[tilespmem:s11+$0xA350] =	vst.add.f32.msk $0xffff, v52  }
0x1fb: {  	[tilespmem:s11+$0xA1E0] =	vst.add.f32.msk $0xffff, v53  }
0x1fc: {  	[tilespmem:s11+$0xA260] =	vst.add.f32.msk $0xffff, v54  }
0x1fd: {  	[tilespmem:s11+$0xA2E0] =	vst.add.f32.msk $0xffff, v55  }
0x1fe: {  	[tilespmem:s11+$0xA360] =	vst.add.f32.msk $0xffff, v40  }
0x1ff: {  	[tilespmem:s11+$0xA1F0] =	vst.add.f32.msk $0xffff, v41  }
0x200: {  	[tilespmem:s11+$0xA270] =	vst.add.f32.msk $0xffff, v56  }
0x201: {  	[tilespmem:s11+$0xA2F0] =	vst.add.f32.msk $0xffff, v39  }
0x202: {  	[tilespmem:s11+$0xA370] =	vst.add.f32.msk $0xffff, v43  }
0x203: {  	[tilespmem:s6+$0xA180] =	vst.add.f32.msk $0xffff, v11  }
0x204: {  	[tilespmem:s6+$0xA200] =	vst.add.f32.msk $0xffff, v17  }
0x205: {  	[tilespmem:s6+$0xA280] =	vst.add.f32.msk $0xffff, v13  }
0x206: {  	[tilespmem:s6+$0xA300] =	vst.add.f32.msk $0xffff, v14  }
0x207: {  	[tilespmem:s6+$0xA190] =	vst.add.f32.msk $0xffff, v12  }
.Ltmp11:
0x208: {  	[tilespmem:s6+$0xA210] =	vst.add.f32.msk $0xffff, v18;
	(pc) =	sbr.rel @p0 .LBB2_12-.Ltmp11, $4  }
0x209: {  	[tilespmem:s6+$0xA290] =	vst.add.f32.msk $0xffff, v15  }
0x20a: {  	[tilespmem:s6+$0xA310] =	vst.add.f32.msk $0xffff, v19  }
0x20b: {  	[tilespmem:s6+$0xA1A0] =	vst.add.f32.msk $0xffff, v16  }
0x20c: {  	s10 =	sadd.s32 $0x2, s10;
	[tilespmem:s6+$0xA220] =	vst.add.f32.msk $0xffff, v20  }
0x20d: {  	[tilespmem:s6+$0xA2A0] =	vst.add.f32.msk $0xffff, v6  }
0x20e: {  	[tilespmem:s6+$0xA320] =	vst.add.f32.msk $0xffff, v9  }
0x20f: {  	[tilespmem:s6+$0xA1B0] =	vst.add.f32.msk $0xffff, v8  }
0x210: {  	[tilespmem:s6+$0xA230] =	vst.add.f32.msk $0xffff, v10  }
0x211: {  	[tilespmem:s6+$0xA2B0] =	vst.add.f32.msk $0xffff, v7  }
0x212: {  	[tilespmem:s6+$0xA330] =	vst.add.f32.msk $0xffff, v27  }
0x213: {  	[tilespmem:s6+$0xA1C0] =	vst.add.f32.msk $0xffff, v26  }
0x214: {  	[tilespmem:s6+$0xA240] =	vst.add.f32.msk $0xffff, v29  }
0x215: {  	[tilespmem:s6+$0xA2C0] =	vst.add.f32.msk $0xffff, v28  }
0x216: {  	[tilespmem:s6+$0xA340] =	vst.add.f32.msk $0xffff, v31  }
0x217: {  	[tilespmem:s6+$0xA1D0] =	vst.add.f32.msk $0xffff, v30  }
0x218: {  	[tilespmem:s6+$0xA250] =	vst.add.f32.msk $0xffff, v33  }
0x219: {  	[tilespmem:s6+$0xA2D0] =	vst.add.f32.msk $0xffff, v32  }
0x21a: {  	[tilespmem:s6+$0xA350] =	vst.add.f32.msk $0xffff, v35  }
0x21b: {  	[tilespmem:s6+$0xA1E0] =	vst.add.f32.msk $0xffff, v34  }
0x21c: {  	[tilespmem:s6+$0xA260] =	vst.add.f32.msk $0xffff, v37;
	p0 =	seq.s32 s0, $0x0  }
.Ltmp12:
0x21d: {  	[tilespmem:s6+$0xA2E0] =	vst.add.f32.msk $0xffff, v36;
	(pc) =	sbr.rel @p0 .LBB2_17-.Ltmp12, $4  }
0x21e: {  	[tilespmem:s6+$0xA360] =	vst.add.f32.msk $0xffff, v25  }
0x21f: {  	[tilespmem:s6+$0xA1F0] =	vst.add.f32.msk $0xffff, v22  }
0x220: {  	[tilespmem:s6+$0xA270] =	vst.add.f32.msk $0xffff, v23  }
0x221: {  	[tilespmem:s6+$0xA2F0] =	vst.add.f32.msk $0xffff, v21  }
.LBB2_14:
0x222: {  	p0 =	sge.s32 s30, s28  }
0x223: {  	s0 =	sshll.u32 @!p0 s30, $0x9  }
0x224: {  	s0 =	sshra.s32 @!p0 s0, $0x2  }
0x225: {  	v6 =	vld @!p0 [tilespmem:s0+$0x0];
	_ =	sdelay $0x4  }
0x226: {  	v6 =	vand.u32 @!p0 $0x3FFF, v6  }
0x227: {  	[tilespmem:$0x2080] =	vst @!p0 v6  }
0x228: {  	v6 =	vld @!p0 [tilespmem:s0+$0x10];
	_ =	sdelay $0x4  }
0x229: {  	v6 =	vand.u32 @!p0 $0x3FFF, v6  }
0x22a: {  	[tilespmem:$0x2090] =	vst @!p0 v6  }
0x22b: {  	v6 =	vld @!p0 [tilespmem:s0+$0x20];
	_ =	sdelay $0x4  }
0x22c: {  	v6 =	vand.u32 @!p0 $0x3FFF, v6  }
0x22d: {  	[tilespmem:$0x20A0] =	vst @!p0 v6  }
0x22e: {  	v6 =	vld @!p0 [tilespmem:s0+$0x30];
	_ =	sdelay $0x4  }
0x22f: {  	v6 =	vand.u32 @!p0 $0x3FFF, v6  }
0x230: {  	[tilespmem:$0x20B0] =	vst @!p0 v6  }
0x231: {  	v6 =	vld @!p0 [tilespmem:s0+$0x40];
	_ =	sdelay $0x4  }
0x232: {  	v6 =	vand.u32 @!p0 $0x3FFF, v6  }
0x233: {  	[tilespmem:$0x20C0] =	vst @!p0 v6  }
0x234: {  	v6 =	vld @!p0 [tilespmem:s0+$0x50];
	_ =	sdelay $0x4  }
0x235: {  	v6 =	vand.u32 @!p0 $0x3FFF, v6  }
0x236: {  	[tilespmem:$0x20D0] =	vst @!p0 v6  }
0x237: {  	v6 =	vld @!p0 [tilespmem:s0+$0x60];
	_ =	sdelay $0x4  }
0x238: {  	v6 =	vand.u32 @!p0 $0x3FFF, v6  }
0x239: {  	[tilespmem:$0x20E0] =	vst @!p0 v6  }
0x23a: {  	v6 =	vld @!p0 [tilespmem:s0+$0x70];
	_ =	sdelay $0x4  }
0x23b: {  	v6 =	vand.u32 @!p0 $0x3FFF, v6  }
0x23c: {  	s5 =	simm.s32 @!p0 $0x2080;
	s6 =	simm.s32 @!p0 $0x2180;
	s0 =	simm.s32 @!p0 $0x80;
	[tilespmem:$0x20F0] =	vst @!p0 v6  }
0x23d: {  	[tilespmem:s6], [sflag:$0x2] =	stream.indirect.gather @!p0 [hbm4b:s1+s0], $0x80, s5, s0, $0xb8;
	[tilespmem:$0x13C00] =	vst v63  }
0x23e: {  	_ =	swait.ge [sflag:s19], $0x4000  }
0x23f: {  	[sflag:s19] =	ssyncset.done $0x0  }
0x240: {  	[sflag:s19] =	ssyncadd.s32 $0xFFFFC000  }
0x241: {  	v6 =	vld [tilespmem:s29+$0x0];
	_ =	sdelay $0x4  }
0x242: {  	(v2sf) =	vpush v6, $0x0;
	_ =	sdelay $0x4  }
0x243: {  	v6 =	vld [tilespmem:s29+$0xFFFFFFFF];
	_ =	sdelay $0x4  }
0x244: {  	(v2sf) =	vpush v6, $0x0;
	_ =	sdelay $0x3  }
0x245: {  	s0 =	simm.s32 $0x6180  }
0x246: {  	v7 =	vld [tilespmem:s0+$0x80];
	s14 =	spop (v2sf)  }
0x247: {  	v11 =	vld [tilespmem:s0+$0xF0];
	s21 =	sshrl.u32 s14, $0xC  }
0x248: {  	v8 =	vld [tilespmem:s0+$0x90];
	s22 =	sand.u32 $0x3C, s21  }
0x249: {  	v6 =	vld [tilespmem:s22+$0x13B80]  }
0x24a: {  	v9 =	vld [tilespmem:s0+$0xA0]  }
0x24b: {  	v13 =	vld [tilespmem:s0+$0xB0]  }
0x24c: {  	v14 =	vld [tilespmem:s0+$0xC0]  }
0x24d: {  	v15 =	vld [tilespmem:s0+$0xD0]  }
0x24e: {  	v16 =	vld [tilespmem:s0+$0xE0];
	s5 =	sshrl.u32 s14, $0x12;
	v12 =	vbroadcast v6, $0x3  }
0x24f: {  	v17 =	vld [tilespmem:s0+$0x0];
	s5 =	ssub.s32 s5, s26  }
0x250: {  	v18 =	vld [tilespmem:s0+$0x10];
	s5 =	sshll.u32 s5, $0xB;
	s31 =	spop (v2sf);
	v10 =	vmul.f32 v11, v12  }
0x251: {  	v19 =	vld [tilespmem:s0+$0x20];
	s5 =	sshra.s32 s5, $0x2;
	s7 =	sshrl.u32 s31, $0xC  }
0x252: {  	s7 =	sand.u32 $0x3C, s7;
	[tilespmem:s5+$0xA370] =	vst.add.f32.msk $0xffff, v10  }
0x253: {  	v10 =	vld [tilespmem:s7+$0x13B80]  }
0x254: {  	v20 =	vld [tilespmem:s0+$0x30]  }
0x255: {  	v21 =	vld [tilespmem:s0+$0x40];
	v62 =	vbroadcast v6, $0x1  }
0x256: {  	v24 =	vld [tilespmem:s0+$0x50];
	v61 =	vbroadcast v6, $0x0  }
0x257: {  	v26 =	vld [tilespmem:s0+$0x60];
	v34 =	vmul.f32 v8, v62  }
0x258: {  	v29 =	vld [tilespmem:s0+$0x70];
	s6 =	sshrl.u32 s31, $0x12;
	v38 =	vmul.f32 v9, v61;
	v22 =	vbroadcast v10, $0x0  }
0x259: {  	s6 =	ssub.s32 s6, s26;
	v39 =	vmul.f32 v9, v62;
	[tilespmem:s5+$0xA210] =	vst.add.f32.msk $0xffff, v34;
	v23 =	vbroadcast v10, $0x1  }
0x25a: {  	s6 =	sshll.u32 s6, $0xB;
	[tilespmem:s5+$0xA1A0] =	vst.add.f32.msk $0xffff, v38;
	v25 =	vbroadcast v10, $0x2;
	v27 =	vmul.f32 v22, v17  }
0x25b: {  	s6 =	sshra.s32 s6, $0x2;
	[tilespmem:s5+$0xA220] =	vst.add.f32.msk $0xffff, v39;
	v10 =	vbroadcast v10, $0x3;
	v28 =	vmul.f32 v23, v17  }
0x25c: {  	v30 =	vmul.f32 v25, v17;
	[tilespmem:s6+$0xA180] =	vst.add.f32.msk $0xffff, v27  }
0x25d: {  	v17 =	vmul.f32 v10, v17;
	[tilespmem:s6+$0xA200] =	vst.add.f32.msk $0xffff, v28  }
0x25e: {  	v48 =	vmul.f32 v18, v25;
	[tilespmem:s6+$0xA280] =	vst.add.f32.msk $0xffff, v30  }
0x25f: {  	v49 =	vmul.f32 v19, v23;
	[tilespmem:s6+$0xA300] =	vst.add.f32.msk $0xffff, v17  }
0x260: {  	v50 =	vmul.f32 v19, v25;
	[tilespmem:s6+$0xA290] =	vst.add.f32.msk $0xffff, v48  }
0x261: {  	v51 =	vmul.f32 v20, v22;
	[tilespmem:s6+$0xA220] =	vst.add.f32.msk $0xffff, v49  }
0x262: {  	v52 =	vmul.f32 v20, v23;
	[tilespmem:s6+$0xA2A0] =	vst.add.f32.msk $0xffff, v50  }
0x263: {  	v53 =	vmul.f32 v20, v25;
	[tilespmem:s6+$0xA1B0] =	vst.add.f32.msk $0xffff, v51  }
0x264: {  	v54 =	vmul.f32 v20, v10;
	[tilespmem:s6+$0xA230] =	vst.add.f32.msk $0xffff, v52  }
0x265: {  	v55 =	vmul.f32 v21, v22;
	[tilespmem:s6+$0xA2B0] =	vst.add.f32.msk $0xffff, v53  }
0x266: {  	v56 =	vmul.f32 v21, v23;
	[tilespmem:s6+$0xA330] =	vst.add.f32.msk $0xffff, v54  }
0x267: {  	v57 =	vmul.f32 v21, v25;
	[tilespmem:s6+$0xA1C0] =	vst.add.f32.msk $0xffff, v55  }
0x268: {  	v58 =	vmul.f32 v21, v10;
	[tilespmem:s6+$0xA240] =	vst.add.f32.msk $0xffff, v56  }
0x269: {  	v59 =	vmul.f32 v24, v22;
	[tilespmem:s6+$0xA2C0] =	vst.add.f32.msk $0xffff, v57  }
0x26a: {  	v60 =	vmul.f32 v24, v23;
	[tilespmem:s6+$0xA340] =	vst.add.f32.msk $0xffff, v58  }
0x26b: {  	v20 =	vmul.f32 v24, v25;
	[tilespmem:s6+$0xA1D0] =	vst.add.f32.msk $0xffff, v59  }
0x26c: {  	v21 =	vmul.f32 v24, v10;
	[tilespmem:s6+$0xA250] =	vst.add.f32.msk $0xffff, v60  }
0x26d: {  	v63 =	vbroadcast v6, $0x2;
	v6 =	vmul.f32 v26, v22;
	[tilespmem:s6+$0xA2D0] =	vst.add.f32.msk $0xffff, v20  }
0x26e: {  	v24 =	vmul.f32 v26, v23;
	[tilespmem:s6+$0xA350] =	vst.add.f32.msk $0xffff, v21  }
0x26f: {  	v27 =	vmul.f32 v18, v22;
	[tilespmem:s6+$0xA1E0] =	vst.add.f32.msk $0xffff, v6  }
0x270: {  	v31 =	vmul.f32 v14, v12;
	v28 =	vmul.f32 v18, v23;
	[tilespmem:s6+$0xA260] =	vst.add.f32.msk $0xffff, v24  }
0x271: {  	v33 =	vmul.f32 v15, v62;
	v18 =	vmul.f32 v18, v10;
	[tilespmem:s6+$0xA190] =	vst.add.f32.msk $0xffff, v27  }
0x272: {  	v32 =	vmul.f32 v15, v63;
	v6 =	vmul.f32 v26, v10;
	[tilespmem:s6+$0xA210] =	vst.add.f32.msk $0xffff, v28  }
0x273: {  	v35 =	vmul.f32 v15, v12;
	v23 =	vmul.f32 v29, v23;
	[tilespmem:s6+$0xA310] =	vst.add.f32.msk $0xffff, v18  }
0x274: {  	v37 =	vmul.f32 v16, v62;
	v20 =	vmul.f32 v61, v7;
	[tilespmem:s6+$0xA360] =	vst.add.f32.msk $0xffff, v6  }
0x275: {  	v36 =	vmul.f32 v16, v63;
	v21 =	vmul.f32 v62, v7;
	[tilespmem:s6+$0xA270] =	vst.add.f32.msk $0xffff, v23  }
0x276: {  	v34 =	vmul.f32 v16, v61;
	v24 =	vmul.f32 v12, v7;
	[tilespmem:s5+$0xA180] =	vst.add.f32.msk $0xffff, v20  }
0x277: {  	v30 =	vmul.f32 v15, v61;
	v27 =	vmul.f32 v19, v22;
	[tilespmem:s5+$0xA200] =	vst.add.f32.msk $0xffff, v21  }
0x278: {  	v19 =	vmul.f32 v19, v10;
	v28 =	vmul.f32 v63, v7;
	[tilespmem:s5+$0xA300] =	vst.add.f32.msk $0xffff, v24  }
0x279: {  	v7 =	vmul.f32 v29, v22;
	v22 =	vmul.f32 v8, v61;
	[tilespmem:s6+$0xA1A0] =	vst.add.f32.msk $0xffff, v27  }
0x27a: {  	v6 =	vmul.f32 v29, v25;
	v23 =	vmul.f32 v8, v12;
	[tilespmem:s6+$0xA320] =	vst.add.f32.msk $0xffff, v19  }
0x27b: {  	v21 =	vmul.f32 v11, v63;
	v27 =	vmul.f32 v26, v25;
	[tilespmem:s6+$0xA1F0] =	vst.add.f32.msk $0xffff, v7  }
0x27c: {  	v25 =	vmul.f32 v8, v63;
	v7 =	vmul.f32 v29, v10;
	[tilespmem:s6+$0xA2F0] =	vst.add.f32.msk $0xffff, v6  }
0x27d: {  	v6 =	vmul.f32 v9, v63;
	v9 =	vmul.f32 v9, v12;
	[tilespmem:s5+$0xA280] =	vst.add.f32.msk $0xffff, v28  }
0x27e: {  	v8 =	vmul.f32 v13, v61;
	v10 =	vmul.f32 v13, v62;
	[tilespmem:s5+$0xA190] =	vst.add.f32.msk $0xffff, v22  }
0x27f: {  	v26 =	vmul.f32 v14, v61;
	v29 =	vmul.f32 v14, v62;
	[tilespmem:s5+$0xA310] =	vst.add.f32.msk $0xffff, v23  }
0x280: {  	v28 =	vmul.f32 v14, v63;
	v22 =	vmul.f32 v11, v61;
	[tilespmem:s6+$0xA2E0] =	vst.add.f32.msk $0xffff, v27  }
0x281: {  	v23 =	vmul.f32 v11, v62;
	[tilespmem:s6+$0xA370] =	vst.add.f32.msk $0xffff, v7;
	v7 =	vmul.f32 v13, v63  }
0x282: {  	s7 =	sadd.s32 $0x2, s29;
	v27 =	vmul.f32 v13, v12;
	[tilespmem:s5+$0xA290] =	vst.add.f32.msk $0xffff, v25;
	v25 =	vmul.f32 v16, v12;
	s6 =	simm.s32 $0x0  }
.LBB2_15:
0x283: {  	v11 =	vld [tilespmem:s7+$0x0];
	s6 =	sadd.s32 $0x2, s6  }
0x284: {  	v12 =	vld [tilespmem:s7+$0xFFFFFFFF];
	p0 =	slt.u32 s6, $0x7E  }
0x285: {  	[tilespmem:s5+$0xA2A0] =	vst.add.f32.msk $0xffff, v6  }
0x286: {  	[tilespmem:s5+$0xA320] =	vst.add.f32.msk $0xffff, v9  }
0x287: {  	[tilespmem:s5+$0xA1B0] =	vst.add.f32.msk $0xffff, v8  }
0x288: {  	(v2sf) =	vpush v11, $0x0;
	[tilespmem:s5+$0xA230] =	vst.add.f32.msk $0xffff, v10  }
0x289: {  	(v2sf) =	vpush v12, $0x0;
	[tilespmem:s5+$0xA2B0] =	vst.add.f32.msk $0xffff, v7  }
0x28a: {  	[tilespmem:s5+$0xA330] =	vst.add.f32.msk $0xffff, v27  }
0x28b: {  	[tilespmem:s5+$0xA1C0] =	vst.add.f32.msk $0xffff, v26  }
0x28c: {  	[tilespmem:s5+$0xA240] =	vst.add.f32.msk $0xffff, v29  }
0x28d: {  	[tilespmem:s5+$0xA2C0] =	vst.add.f32.msk $0xffff, v28  }
0x28e: {  	[tilespmem:s5+$0xA340] =	vst.add.f32.msk $0xffff, v31  }
0x28f: {  	[tilespmem:s5+$0xA1D0] =	vst.add.f32.msk $0xffff, v30  }
0x290: {  	[tilespmem:s5+$0xA250] =	vst.add.f32.msk $0xffff, v33  }
0x291: {  	[tilespmem:s5+$0xA2D0] =	vst.add.f32.msk $0xffff, v32  }
0x292: {  	[tilespmem:s5+$0xA350] =	vst.add.f32.msk $0xffff, v35  }
0x293: {  	[tilespmem:s5+$0xA1E0] =	vst.add.f32.msk $0xffff, v34  }
0x294: {  	[tilespmem:s5+$0xA260] =	vst.add.f32.msk $0xffff, v37  }
0x295: {  	[tilespmem:s5+$0xA2E0] =	vst.add.f32.msk $0xffff, v36  }
0x296: {  	[tilespmem:s5+$0xA360] =	vst.add.f32.msk $0xffff, v25  }
0x297: {  	s11 =	spop (v2sf);
	[tilespmem:s5+$0xA1F0] =	vst.add.f32.msk $0xffff, v22  }
0x298: {  	s10 =	sshrl.u32 s11, $0xC;
	s12 =	spop (v2sf);
	[tilespmem:s5+$0xA270] =	vst.add.f32.msk $0xffff, v23  }
0x299: {  	s14 =	sshrl.u32 s12, $0x12;
	s12 =	sshrl.u32 s12, $0xC;
	s10 =	sand.u32 $0x3C, s10;
	[tilespmem:s5+$0xA2F0] =	vst.add.f32.msk $0xffff, v21  }
0x29a: {  	s0 =	sadd.s32 $0x100, s0;
	s5 =	ssub.s32 s14, s26;
	s12 =	sand.u32 $0x3C, s12;
	v6 =	vld [tilespmem:s10+$0x13B80]  }
0x29b: {  	s5 =	sshll.u32 s5, $0xB;
	v7 =	vld [tilespmem:s0+$0x80]  }
0x29c: {  	s10 =	sshra.s32 s5, $0x2;
	v21 =	vld [tilespmem:s0+$0xF0]  }
0x29d: {  	v8 =	vld [tilespmem:s0+$0x90]  }
0x29e: {  	v9 =	vld [tilespmem:s0+$0xA0]  }
0x29f: {  	s5 =	sshrl.u32 s11, $0x12;
	v26 =	vld [tilespmem:s0+$0xB0];
	v22 =	vbroadcast v6, $0x0;
	v25 =	vbroadcast v6, $0x3  }
0x2a0: {  	s5 =	ssub.s32 s5, s26;
	v23 =	vbroadcast v6, $0x1;
	v24 =	vbroadcast v6, $0x2;
	v30 =	vld [tilespmem:s0+$0xC0]  }
0x2a1: {  	s5 =	sshll.u32 s5, $0xB;
	v34 =	vld [tilespmem:s0+$0xD0];
	v11 =	vmul.f32 v22, v7;
	v6 =	vmul.f32 v21, v25  }
0x2a2: {  	s5 =	sshra.s32 s5, $0x2;
	v17 =	vmul.f32 v23, v7;
	v13 =	vmul.f32 v24, v7;
	v38 =	vld [tilespmem:s0+$0xE0]  }
0x2a3: {  	v14 =	vmul.f32 v25, v7;
	v12 =	vmul.f32 v8, v22;
	[tilespmem:s5+$0xA370] =	vst.add.f32.msk $0xffff, v6  }
0x2a4: {  	v18 =	vmul.f32 v8, v23;
	v15 =	vmul.f32 v8, v24;
	v27 =	vld [tilespmem:s12+$0x13B80]  }
0x2a5: {  	v19 =	vmul.f32 v8, v25;
	v16 =	vmul.f32 v9, v22;
	v28 =	vld [tilespmem:s0+$0x0]  }
0x2a6: {  	v20 =	vmul.f32 v9, v23;
	v6 =	vmul.f32 v9, v24;
	v29 =	vld [tilespmem:s0+$0x10]  }
0x2a7: {  	v9 =	vmul.f32 v9, v25;
	v8 =	vmul.f32 v26, v22;
	v31 =	vld [tilespmem:s0+$0x20]  }
0x2a8: {  	v10 =	vmul.f32 v26, v23;
	v7 =	vmul.f32 v26, v24;
	v32 =	vld [tilespmem:s0+$0x30]  }
0x2a9: {  	v33 =	vld [tilespmem:s0+$0x40];
	v35 =	vbroadcast v27, $0x0;
	v36 =	vbroadcast v27, $0x1  }
0x2aa: {  	v39 =	vbroadcast v27, $0x2;
	v27 =	vbroadcast v27, $0x3;
	v37 =	vld [tilespmem:s0+$0x50]  }
0x2ab: {  	v40 =	vld [tilespmem:s0+$0x60];
	v41 =	vmul.f32 v35, v28;
	v42 =	vmul.f32 v36, v28  }
0x2ac: {  	v44 =	vmul.f32 v39, v28;
	v28 =	vmul.f32 v27, v28;
	v43 =	vld [tilespmem:s0+$0x70]  }
0x2ad: {  	v45 =	vmul.f32 v29, v36;
	[tilespmem:s10+$0xA180] =	vst.add.f32.msk $0xffff, v41;
	v41 =	vmul.f32 v29, v35  }
0x2ae: {  	[tilespmem:s10+$0xA200] =	vst.add.f32.msk $0xffff, v42;
	v42 =	vmul.f32 v29, v39;
	v29 =	vmul.f32 v29, v27  }
0x2af: {  	v46 =	vmul.f32 v31, v36;
	[tilespmem:s10+$0xA280] =	vst.add.f32.msk $0xffff, v44;
	v44 =	vmul.f32 v31, v35  }
0x2b0: {  	[tilespmem:s10+$0xA300] =	vst.add.f32.msk $0xffff, v28;
	v28 =	vmul.f32 v31, v39;
	v31 =	vmul.f32 v31, v27  }
0x2b1: {  	v47 =	vmul.f32 v32, v36;
	[tilespmem:s10+$0xA190] =	vst.add.f32.msk $0xffff, v41;
	v41 =	vmul.f32 v32, v35  }
0x2b2: {  	[tilespmem:s10+$0xA210] =	vst.add.f32.msk $0xffff, v45;
	v45 =	vmul.f32 v32, v39;
	v32 =	vmul.f32 v32, v27  }
0x2b3: {  	v48 =	vmul.f32 v33, v36;
	[tilespmem:s10+$0xA290] =	vst.add.f32.msk $0xffff, v42;
	v42 =	vmul.f32 v33, v35  }
0x2b4: {  	v49 =	vmul.f32 v33, v39;
	v50 =	vmul.f32 v33, v27;
	[tilespmem:s10+$0xA310] =	vst.add.f32.msk $0xffff, v29  }
0x2b5: {  	v51 =	vmul.f32 v37, v36;
	[tilespmem:s10+$0xA1A0] =	vst.add.f32.msk $0xffff, v44;
	v44 =	vmul.f32 v37, v35  }
0x2b6: {  	v52 =	vmul.f32 v37, v27;
	[tilespmem:s10+$0xA220] =	vst.add.f32.msk $0xffff, v46;
	v46 =	vmul.f32 v37, v39  }
0x2b7: {  	v53 =	vmul.f32 v40, v35;
	v54 =	vmul.f32 v40, v36;
	[tilespmem:s10+$0xA2A0] =	vst.add.f32.msk $0xffff, v28  }
0x2b8: {  	v55 =	vmul.f32 v40, v39;
	v40 =	vmul.f32 v40, v27;
	[tilespmem:s10+$0xA320] =	vst.add.f32.msk $0xffff, v31  }
0x2b9: {  	v56 =	vmul.f32 v43, v36;
	[tilespmem:s10+$0xA1B0] =	vst.add.f32.msk $0xffff, v41;
	v41 =	vmul.f32 v43, v35  }
0x2ba: {  	v39 =	vmul.f32 v43, v39;
	v43 =	vmul.f32 v43, v27;
	[tilespmem:s10+$0xA230] =	vst.add.f32.msk $0xffff, v47  }
0x2bb: {  	v27 =	vmul.f32 v26, v25;
	v26 =	vmul.f32 v30, v22;
	[tilespmem:s10+$0xA2B0] =	vst.add.f32.msk $0xffff, v45  }
0x2bc: {  	v29 =	vmul.f32 v30, v23;
	v28 =	vmul.f32 v30, v24;
	[tilespmem:s10+$0xA330] =	vst.add.f32.msk $0xffff, v32  }
0x2bd: {  	v31 =	vmul.f32 v30, v25;
	v30 =	vmul.f32 v34, v22;
	[tilespmem:s10+$0xA1C0] =	vst.add.f32.msk $0xffff, v42  }
0x2be: {  	v33 =	vmul.f32 v34, v23;
	v32 =	vmul.f32 v34, v24;
	[tilespmem:s10+$0xA240] =	vst.add.f32.msk $0xffff, v48  }
0x2bf: {  	v35 =	vmul.f32 v34, v25;
	v34 =	vmul.f32 v38, v22;
	[tilespmem:s10+$0xA2C0] =	vst.add.f32.msk $0xffff, v49  }
0x2c0: {  	v36 =	vmul.f32 v38, v24;
	v37 =	vmul.f32 v38, v23;
	[tilespmem:s10+$0xA340] =	vst.add.f32.msk $0xffff, v50  }
0x2c1: {  	v25 =	vmul.f32 v38, v25;
	v22 =	vmul.f32 v21, v22;
	[tilespmem:s10+$0xA1D0] =	vst.add.f32.msk $0xffff, v44  }
0x2c2: {  	v23 =	vmul.f32 v21, v23;
	v21 =	vmul.f32 v21, v24;
	[tilespmem:s10+$0xA250] =	vst.add.f32.msk $0xffff, v51  }
0x2c3: {  	[tilespmem:s10+$0xA2D0] =	vst.add.f32.msk $0xffff, v46  }
0x2c4: {  	[tilespmem:s10+$0xA350] =	vst.add.f32.msk $0xffff, v52  }
0x2c5: {  	[tilespmem:s10+$0xA1E0] =	vst.add.f32.msk $0xffff, v53  }
0x2c6: {  	[tilespmem:s10+$0xA260] =	vst.add.f32.msk $0xffff, v54  }
0x2c7: {  	[tilespmem:s10+$0xA2E0] =	vst.add.f32.msk $0xffff, v55  }
0x2c8: {  	[tilespmem:s10+$0xA360] =	vst.add.f32.msk $0xffff, v40  }
0x2c9: {  	[tilespmem:s10+$0xA1F0] =	vst.add.f32.msk $0xffff, v41  }
0x2ca: {  	[tilespmem:s10+$0xA270] =	vst.add.f32.msk $0xffff, v56  }
0x2cb: {  	[tilespmem:s10+$0xA2F0] =	vst.add.f32.msk $0xffff, v39  }
0x2cc: {  	[tilespmem:s10+$0xA370] =	vst.add.f32.msk $0xffff, v43  }
0x2cd: {  	[tilespmem:s5+$0xA180] =	vst.add.f32.msk $0xffff, v11  }
0x2ce: {  	[tilespmem:s5+$0xA200] =	vst.add.f32.msk $0xffff, v17  }
0x2cf: {  	[tilespmem:s5+$0xA280] =	vst.add.f32.msk $0xffff, v13  }
0x2d0: {  	[tilespmem:s5+$0xA300] =	vst.add.f32.msk $0xffff, v14  }
0x2d1: {  	[tilespmem:s5+$0xA190] =	vst.add.f32.msk $0xffff, v12  }
.Ltmp13:
0x2d2: {  	[tilespmem:s5+$0xA210] =	vst.add.f32.msk $0xffff, v18;
	(pc) =	sbr.rel @p0 .LBB2_15-.Ltmp13, $4  }
0x2d3: {  	[tilespmem:s5+$0xA290] =	vst.add.f32.msk $0xffff, v15  }
0x2d4: {  	[tilespmem:s5+$0xA310] =	vst.add.f32.msk $0xffff, v19  }
0x2d5: {  	[tilespmem:s5+$0xA1A0] =	vst.add.f32.msk $0xffff, v16  }
0x2d6: {  	s7 =	sadd.s32 $0x2, s7;
	[tilespmem:s5+$0xA220] =	vst.add.f32.msk $0xffff, v20  }
0x2d7: {  	[tilespmem:s5+$0xA2A0] =	vst.add.f32.msk $0xffff, v6  }
0x2d8: {  	[tilespmem:s5+$0xA320] =	vst.add.f32.msk $0xffff, v9  }
0x2d9: {  	[tilespmem:s5+$0xA1B0] =	vst.add.f32.msk $0xffff, v8  }
0x2da: {  	[tilespmem:s5+$0xA230] =	vst.add.f32.msk $0xffff, v10  }
0x2db: {  	[tilespmem:s5+$0xA2B0] =	vst.add.f32.msk $0xffff, v7  }
0x2dc: {  	[tilespmem:s5+$0xA330] =	vst.add.f32.msk $0xffff, v27  }
0x2dd: {  	[tilespmem:s5+$0xA1C0] =	vst.add.f32.msk $0xffff, v26  }
0x2de: {  	[tilespmem:s5+$0xA240] =	vst.add.f32.msk $0xffff, v29  }
0x2df: {  	[tilespmem:s5+$0xA2C0] =	vst.add.f32.msk $0xffff, v28  }
0x2e0: {  	[tilespmem:s5+$0xA340] =	vst.add.f32.msk $0xffff, v31  }
0x2e1: {  	[tilespmem:s5+$0xA1D0] =	vst.add.f32.msk $0xffff, v30  }
0x2e2: {  	[tilespmem:s5+$0xA250] =	vst.add.f32.msk $0xffff, v33  }
0x2e3: {  	[tilespmem:s5+$0xA2D0] =	vst.add.f32.msk $0xffff, v32  }
0x2e4: {  	[tilespmem:s5+$0xA350] =	vst.add.f32.msk $0xffff, v35  }
0x2e5: {  	[tilespmem:s5+$0xA1E0] =	vst.add.f32.msk $0xffff, v34  }
0x2e6: {  	[tilespmem:s5+$0xA260] =	vst.add.f32.msk $0xffff, v37  }
.Ltmp14:
0x2e7: {  	[tilespmem:s5+$0xA2E0] =	vst.add.f32.msk $0xffff, v36;
	(pc) =	sbr.rel .LBB2_17-.Ltmp14, $4  }
0x2e8: {  	[tilespmem:s5+$0xA360] =	vst.add.f32.msk $0xffff, v25  }
0x2e9: {  	[tilespmem:s5+$0xA1F0] =	vst.add.f32.msk $0xffff, v22  }
0x2ea: {  	[tilespmem:s5+$0xA270] =	vst.add.f32.msk $0xffff, v23  }
0x2eb: {  	[tilespmem:s5+$0xA2F0] =	vst.add.f32.msk $0xffff, v21  }
.LBB2_18:
.Ltmp15:
0x2ec: {  	(pc) =	sbr.rel .LBB2_19-.Ltmp15, $2  }
0x2ed: {  	_ =	sdelay $0x2  }
0x2ee: {  	s6 =	sshll.u32 s28, $0x7;
	s28 =	simm.s32 $0x0  }
.LBB2_27:
0x2ef: {  	s28 =	sadd.s32 $0x1, s28  }
0x2f0: {  	p0 =	sne.s32 s28, $0x20  }
.Ltmp16:
0x2f1: {  	_ = 	snop;
	(pc) =	sbr.rel @!p0 .LBB2_28-.Ltmp16, $1  }
0x2f2: {  	_ =	sdelay $0x3  }
.LBB2_19:
0x2f3: {  	s0 =	sshll.u32 s28, $0x4  }
0x2f4: {  	s0 =	sand.u32 $0x3FFFFFF0, s0  }
0x2f5: {  	v6 =	vld [tilespmem:s0+$0x13980];
	_ =	sdelay $0x4  }
0x2f6: {  	(v2sf) =	vpush v6, $0x0;
	_ =	sdelay $0xe  }
0x2f7: {  	s31 =	spop (v2sf)  }
0x2f8: {  	s0 =	sadd.s32 $0xF, s31  }
0x2f9: {  	s29 =	sshra.s32 s0, $0x4  }
0x2fa: {  	s0 =	sadd.s32 $0x7C, s29  }
0x2fb: {  	s5 =	smulhi.u32 $0x10624DD3, s0;
	s0 =	sshra.s32 s0, $0x1F  }
0x2fc: {  	s0 =	smul.u32 $0x10624DD3, s0;
	_ =	sdelay $0x1  }
0x2fd: {  	s0 =	sadd.s32 s0, s5  }
0x2fe: {  	s5 =	sshrl.u32 s0, $0x1F;
	s0 =	sshra.s32 s0, $0x3  }
0x2ff: {  	s0 =	sadd.s32 s5, s0  }
0x300: {  	s5 =	smul.u32 $0xFFFFFF83, s0  }
0x301: {  	s7 =	ssub.s32 $0xFFFFFF84, s29  }
0x302: {  	p0 =	slt.s32 s29, $0xFFFFFF85;
	p1 =	sne.s32 s5, s7  }
0x303: {  	p0 =	por !p0, !p1  }
0x304: {  	s5 =	simm.s32 $0x1;
	p0 =	por !p0, !p0  }
0x305: {  	s5 =	simm.s32 @!p0 $0x0  }
0x306: {  	s30 =	ssub.s32 s0, s5  }
0x307: {  	p0 =	slt.s32 s30, $0x1  }
.Ltmp17:
0x308: {  	_ = 	snop;
	(pc) =	sbr.rel @p0 .LBB2_27-.Ltmp17, $1  }
0x309: {  	_ =	sdelay $0x3  }
.Ltmp18:
0x30a: {  	(pc) =	sbr.rel .LBB2_21-.Ltmp18, $2  }
0x30b: {  	_ =	sdelay $0x2  }
0x30c: {  	s31 =	smul.u32 $0x2800, s28;
	s0 =	ssub.s32 $0x0, s29;
	s5 =	simm.s32 $0x0  }
.LBB2_26:
0x30d: {  	s5 =	sadd.s32 $0x1, s5  }
0x30e: {  	p0 =	sne.s32 s5, s30  }
.Ltmp19:
0x30f: {  	_ = 	snop;
	(pc) =	sbr.rel @!p0 .LBB2_27-.Ltmp19, $2  }
0x310: {  	_ =	sdelay $0x2  }
0x311: {  	s29 =	sadd.s32 $0xFFFFFF83, s29  }
.LBB2_21:
0x312: {  	s7 =	smul.u32 $0x7D0, s5  }
0x313: {  	s22 =	smul.u32 $0xFFFFFF83, s5  }
0x314: {  	s7 =	sadd.s32 s31, s7  }
0x315: {  	p0 =	sle.s32 s22, s0;
	s7 =	sshrl.u32 s7, $0x3  }
.Ltmp20:
0x316: {  	s10 =	sadd.s32 s3, s7;
	s7 =	simm.s32 $0x13180;
	(pc) =	sbr.rel @p0 .LBB2_25-.Ltmp20, $4  }
0x317: {  	[tilespmem:s7], [sflag:$0x4] =	stream.linear.gather [hbm4b:s10+s2], $0x7D0, $0x38;
	[tilespmem:$0x13C00] =	vst v63  }
0x318: {  	_ =	swait.ge [sflag:s13], $0x7D0  }
0x319: {  	[sflag:s13] =	ssyncset.done $0x0  }
0x31a: {  	[sflag:s13] =	ssyncadd.s32 $0xFFFFF830  }
0x31b: {  	v6 =	vld [tilespmem:s7+$0x0];
	_ =	sdelay $0x4  }
0x31c: {  	v7 =	vshrl.u32 v6, $0x12  }
0x31d: {  	vm0 =	vge.u32 v7, v3;
	vm1 =	vlt.u32 v7, v4  }
0x31e: {  	vm0 =	vmand vm0, vm1  }
0x31f: {  	v7 =	vsel vm0, $0x1, v1  }
0x320: {  	p0 =	sgt.s32 s29, $0x1;
	s10 =	smov.u32 s29;
	(xrf0) =	vadd.scan.msk.s32 $0xffff, v7  }
0x321: {  	s10 =	simm.s32 @!p0 $0x1  }
0x322: {  	s10 =	smin.u32 s10, $0x7D  }
0x323: {  	p0 =	sne.s32 s10, $0x1  }
.Ltmp21:
0x324: {  	_ = 	snop;
	(pc) =	sbr.rel @!p0 .LBB2_24-.Ltmp21, $4  }
0x325: {  	_ = 	snop  }
0x326: {  	v8 =	vadd.s32 $0xFFFFFFFF, v5;
	v7 =	vmpcnt.ones.xlane vm0;
	v9, _, _ =	vpop (xrf0)  }
0x327: {  	v8 =	vadd.s32 v9, v8  }
0x328: {  	s10 =	sadd.s32 $0xFFFFFFFF, s10;
	v5 =	vadd.s32 v5, v7;
	v7 =	vand.u32 $0x1FFF, v8  }
.LBB2_23:
0x329: {  	_ =	sdelay $0x3  }
0x32a: {  	p0 =	sne.s32 s10, $0x1;
	s10 =	sadd.s32 $0xFFFFFFFF, s10;
	[tilespmem:v7+s2+$0x0] =	vst.idx.msk vm0, v6;
	s7 =	sadd.s32 $0x10, s7;
	v7 =	vmov v5  }
0x32b: {  	v6 =	vld [tilespmem:s7+$0x0];
	_ =	sdelay $0x4  }
0x32c: {  	v8 =	vshrl.u32 v6, $0x12  }
0x32d: {  	vm0 =	vge.u32 v8, v3;
	vm1 =	vlt.u32 v8, v4  }
0x32e: {  	vm0 =	vmand vm0, vm1  }
0x32f: {  	v8 =	vsel vm0, $0x1, v1;
	v9 =	vmpcnt.ones.xlane vm0  }
0x330: {  	(xrf0) =	vadd.scan.msk.s32 $0xffff, v8  }
0x331: {  	v5 =	vadd.s32 v5, v9;
	_ =	sdelay $0x2  }
.Ltmp22:
0x332: {  	(pc) =	sbr.rel @p0 .LBB2_23-.Ltmp22, $4  }
0x333: {  	_ = 	snop  }
0x334: {  	v7 =	vadd.s32 $0xFFFFFFFF, v7;
	v8, _, _ =	vpop (xrf0)  }
0x335: {  	v7 =	vadd.s32 v8, v7  }
0x336: {  	v7 =	vand.u32 $0x1FFF, v7  }
.LBB2_24:
0x337: {  	_ =	sdelay $0x4  }
0x338: {  	[tilespmem:v7+s2+$0x0] =	vst.idx.msk vm0, v6  }
.LBB2_25:
0x339: {  	v6 =	vxor.u32 $0x80000000, v5  }
0x33a: {  	(xrf0) =	vmax.scan.msk.u32 $0xffff, v6;
	_ =	sdelay $0x5  }
0x33b: {  	v6, _, _ =	vpop (xrf0)  }
0x33c: {  	(v2sf) =	vpush v6, $0xF;
	_ =	sdelay $0xe  }
0x33d: {  	s7 =	spop (v2sf)  }
0x33e: {  	s11 =	sadd.s32 $0x80, s6;
	s12 =	sxor.u32 $0x80000000, s7  }
0x33f: {  	p0 =	sgt.s32 s11, s12  }
.Ltmp23:
0x340: {  	_ = 	snop;
	(pc) =	sbr.rel @p0 .LBB2_26-.Ltmp23, $2  }
0x341: {  	_ =	sdelay $0x2  }
0x342: {  	s14 =	smov.u32 s6  }
.LBB2_32:
0x343: {  	s7 =	sand.u32 $0x1F80, s6  }
0x344: {  	v6 =	vld [tilespmem:s7+$0x0];
	_ =	sdelay $0x4  }
0x345: {  	v6 =	vand.u32 $0x3FFF, v6  }
0x346: {  	s21 =	sand.u32 $0x1FFF, s6;
	[tilespmem:$0x2080] =	vst v6  }
0x347: {  	v6 =	vld [tilespmem:s21+$0x10];
	_ =	sdelay $0x4  }
0x348: {  	v6 =	vand.u32 $0x3FFF, v6  }
0x349: {  	[tilespmem:$0x2090] =	vst v6  }
0x34a: {  	v6 =	vld [tilespmem:s21+$0x20];
	_ =	sdelay $0x4  }
0x34b: {  	v6 =	vand.u32 $0x3FFF, v6  }
0x34c: {  	[tilespmem:$0x20A0] =	vst v6  }
0x34d: {  	v6 =	vld [tilespmem:s21+$0x30];
	_ =	sdelay $0x4  }
0x34e: {  	v6 =	vand.u32 $0x3FFF, v6  }
0x34f: {  	[tilespmem:$0x20B0] =	vst v6  }
0x350: {  	v6 =	vld [tilespmem:s21+$0x40];
	_ =	sdelay $0x4  }
0x351: {  	v6 =	vand.u32 $0x3FFF, v6  }
0x352: {  	[tilespmem:$0x20C0] =	vst v6  }
0x353: {  	v6 =	vld [tilespmem:s21+$0x50];
	_ =	sdelay $0x4  }
0x354: {  	v6 =	vand.u32 $0x3FFF, v6  }
0x355: {  	[tilespmem:$0x20D0] =	vst v6  }
0x356: {  	v6 =	vld [tilespmem:s21+$0x60];
	_ =	sdelay $0x4  }
0x357: {  	v6 =	vand.u32 $0x3FFF, v6  }
0x358: {  	[tilespmem:$0x20E0] =	vst v6  }
0x359: {  	v6 =	vld [tilespmem:s21+$0x70];
	_ =	sdelay $0x4  }
0x35a: {  	v6 =	vand.u32 $0x3FFF, v6  }
0x35b: {  	[tilespmem:$0x20F0] =	vst v6  }
0x35c: {  	[tilespmem:s18], [sflag:$0x2] =	stream.indirect.gather [hbm4b:s1+s16], $0x80, s17, s16, $0xb8;
	[tilespmem:$0x13C00] =	vst v63  }
0x35d: {  	_ =	swait.ge [sflag:s20], $0x4000  }
0x35e: {  	s22 =	sand.u32 $0x1FFF, s14;
	[sflag:s20] =	ssyncset.done $0x0  }
0x35f: {  	s21 =	sadd.s32 $0x1, s22;
	[sflag:s20] =	ssyncadd.s32 $0xFFFFC000  }
0x360: {  	v6 =	vld [tilespmem:s21+$0x0];
	_ =	sdelay $0x4  }
0x361: {  	(v2sf) =	vpush v6, $0x0;
	_ =	sdelay $0x4  }
0x362: {  	v6 =	vld [tilespmem:s21+$0xFFFFFFFF];
	_ =	sdelay $0x4  }
0x363: {  	(v2sf) =	vpush v6, $0x0;
	_ =	sdelay $0x3  }
0x364: {  	s7 =	simm.s32 $0x2200  }
0x365: {  	v7 =	vld [tilespmem:s7+$0x0];
	s4 =	spop (v2sf)  }
0x366: {  	v11 =	vld [tilespmem:s7+$0x70];
	s8 =	sshrl.u32 s4, $0xC  }
0x367: {  	v8 =	vld [tilespmem:s7+$0x10];
	s10 =	sand.u32 $0x3C, s8  }
0x368: {  	v6 =	vld [tilespmem:s10+$0x13B80]  }
0x369: {  	v9 =	vld [tilespmem:s7+$0x20]  }
0x36a: {  	v13 =	vld [tilespmem:s7+$0x30]  }
0x36b: {  	v14 =	vld [tilespmem:s7+$0x40]  }
0x36c: {  	v15 =	vld [tilespmem:s7+$0x50]  }
0x36d: {  	v16 =	vld [tilespmem:s7+$0x60];
	s6 =	sshrl.u32 s4, $0x12;
	v12 =	vbroadcast v6, $0x3  }
0x36e: {  	v17 =	vld [tilespmem:s7+$0xFFFFFF80];
	s6 =	ssub.s32 s6, s26  }
0x36f: {  	v18 =	vld [tilespmem:s7+$0xFFFFFF90];
	s6 =	sshll.u32 s6, $0xB;
	s22 =	spop (v2sf);
	v10 =	vmul.f32 v11, v12  }
0x370: {  	v19 =	vld [tilespmem:s7+$0xFFFFFFA0];
	s10 =	sshra.s32 s6, $0x2;
	s8 =	sshrl.u32 s22, $0xC  }
0x371: {  	s9 =	sand.u32 $0x3C, s8;
	[tilespmem:s10+$0xA370] =	vst.add.f32.msk $0xffff, v10  }
0x372: {  	v10 =	vld [tilespmem:s9+$0x13B80]  }
0x373: {  	v20 =	vld [tilespmem:s7+$0xFFFFFFB0]  }
0x374: {  	v21 =	vld [tilespmem:s7+$0xFFFFFFC0];
	v62 =	vbroadcast v6, $0x1  }
0x375: {  	v24 =	vld [tilespmem:s7+$0xFFFFFFD0];
	v61 =	vbroadcast v6, $0x0  }
0x376: {  	v26 =	vld [tilespmem:s7+$0xFFFFFFE0];
	v34 =	vmul.f32 v8, v62  }
0x377: {  	v29 =	vld [tilespmem:s7+$0xFFFFFFF0];
	s22 =	sshrl.u32 s22, $0x12;
	v38 =	vmul.f32 v9, v61;
	v22 =	vbroadcast v10, $0x0  }
0x378: {  	s6 =	ssub.s32 s22, s26;
	v39 =	vmul.f32 v9, v62;
	[tilespmem:s10+$0xA210] =	vst.add.f32.msk $0xffff, v34;
	v23 =	vbroadcast v10, $0x1  }
0x379: {  	s6 =	sshll.u32 s6, $0xB;
	[tilespmem:s10+$0xA1A0] =	vst.add.f32.msk $0xffff, v38;
	v25 =	vbroadcast v10, $0x2;
	v27 =	vmul.f32 v22, v17  }
0x37a: {  	s6 =	sshra.s32 s6, $0x2;
	[tilespmem:s10+$0xA220] =	vst.add.f32.msk $0xffff, v39;
	v10 =	vbroadcast v10, $0x3;
	v28 =	vmul.f32 v23, v17  }
0x37b: {  	v30 =	vmul.f32 v25, v17;
	[tilespmem:s6+$0xA180] =	vst.add.f32.msk $0xffff, v27  }
0x37c: {  	v17 =	vmul.f32 v10, v17;
	[tilespmem:s6+$0xA200] =	vst.add.f32.msk $0xffff, v28  }
0x37d: {  	v48 =	vmul.f32 v18, v25;
	[tilespmem:s6+$0xA280] =	vst.add.f32.msk $0xffff, v30  }
0x37e: {  	v49 =	vmul.f32 v19, v23;
	[tilespmem:s6+$0xA300] =	vst.add.f32.msk $0xffff, v17  }
0x37f: {  	v50 =	vmul.f32 v19, v25;
	[tilespmem:s6+$0xA290] =	vst.add.f32.msk $0xffff, v48  }
0x380: {  	v51 =	vmul.f32 v20, v22;
	[tilespmem:s6+$0xA220] =	vst.add.f32.msk $0xffff, v49  }
0x381: {  	v52 =	vmul.f32 v20, v23;
	[tilespmem:s6+$0xA2A0] =	vst.add.f32.msk $0xffff, v50  }
0x382: {  	v53 =	vmul.f32 v20, v25;
	[tilespmem:s6+$0xA1B0] =	vst.add.f32.msk $0xffff, v51  }
0x383: {  	v54 =	vmul.f32 v20, v10;
	[tilespmem:s6+$0xA230] =	vst.add.f32.msk $0xffff, v52  }
0x384: {  	v55 =	vmul.f32 v21, v22;
	[tilespmem:s6+$0xA2B0] =	vst.add.f32.msk $0xffff, v53  }
0x385: {  	v56 =	vmul.f32 v21, v23;
	[tilespmem:s6+$0xA330] =	vst.add.f32.msk $0xffff, v54  }
0x386: {  	v57 =	vmul.f32 v21, v25;
	[tilespmem:s6+$0xA1C0] =	vst.add.f32.msk $0xffff, v55  }
0x387: {  	v58 =	vmul.f32 v21, v10;
	[tilespmem:s6+$0xA240] =	vst.add.f32.msk $0xffff, v56  }
0x388: {  	v59 =	vmul.f32 v24, v22;
	[tilespmem:s6+$0xA2C0] =	vst.add.f32.msk $0xffff, v57  }
0x389: {  	v60 =	vmul.f32 v24, v23;
	[tilespmem:s6+$0xA340] =	vst.add.f32.msk $0xffff, v58  }
0x38a: {  	v20 =	vmul.f32 v24, v25;
	[tilespmem:s6+$0xA1D0] =	vst.add.f32.msk $0xffff, v59  }
0x38b: {  	v21 =	vmul.f32 v24, v10;
	[tilespmem:s6+$0xA250] =	vst.add.f32.msk $0xffff, v60  }
0x38c: {  	v63 =	vbroadcast v6, $0x2;
	v6 =	vmul.f32 v26, v22;
	[tilespmem:s6+$0xA2D0] =	vst.add.f32.msk $0xffff, v20  }
0x38d: {  	v24 =	vmul.f32 v26, v23;
	[tilespmem:s6+$0xA350] =	vst.add.f32.msk $0xffff, v21  }
0x38e: {  	v27 =	vmul.f32 v18, v22;
	[tilespmem:s6+$0xA1E0] =	vst.add.f32.msk $0xffff, v6  }
0x38f: {  	v31 =	vmul.f32 v14, v12;
	v28 =	vmul.f32 v18, v23;
	[tilespmem:s6+$0xA260] =	vst.add.f32.msk $0xffff, v24  }
0x390: {  	v33 =	vmul.f32 v15, v62;
	v18 =	vmul.f32 v18, v10;
	[tilespmem:s6+$0xA190] =	vst.add.f32.msk $0xffff, v27  }
0x391: {  	v32 =	vmul.f32 v15, v63;
	v6 =	vmul.f32 v26, v10;
	[tilespmem:s6+$0xA210] =	vst.add.f32.msk $0xffff, v28  }
0x392: {  	v35 =	vmul.f32 v15, v12;
	v23 =	vmul.f32 v29, v23;
	[tilespmem:s6+$0xA310] =	vst.add.f32.msk $0xffff, v18  }
0x393: {  	v37 =	vmul.f32 v16, v62;
	v20 =	vmul.f32 v61, v7;
	[tilespmem:s6+$0xA360] =	vst.add.f32.msk $0xffff, v6  }
0x394: {  	v36 =	vmul.f32 v16, v63;
	v21 =	vmul.f32 v62, v7;
	[tilespmem:s6+$0xA270] =	vst.add.f32.msk $0xffff, v23  }
0x395: {  	v34 =	vmul.f32 v16, v61;
	v24 =	vmul.f32 v12, v7;
	[tilespmem:s10+$0xA180] =	vst.add.f32.msk $0xffff, v20  }
0x396: {  	v30 =	vmul.f32 v15, v61;
	v27 =	vmul.f32 v19, v22;
	[tilespmem:s10+$0xA200] =	vst.add.f32.msk $0xffff, v21  }
0x397: {  	v19 =	vmul.f32 v19, v10;
	v28 =	vmul.f32 v63, v7;
	[tilespmem:s10+$0xA300] =	vst.add.f32.msk $0xffff, v24  }
0x398: {  	v7 =	vmul.f32 v29, v22;
	v22 =	vmul.f32 v8, v61;
	[tilespmem:s6+$0xA1A0] =	vst.add.f32.msk $0xffff, v27  }
0x399: {  	v6 =	vmul.f32 v29, v25;
	v23 =	vmul.f32 v8, v12;
	[tilespmem:s6+$0xA320] =	vst.add.f32.msk $0xffff, v19  }
0x39a: {  	v21 =	vmul.f32 v11, v63;
	v27 =	vmul.f32 v26, v25;
	[tilespmem:s6+$0xA1F0] =	vst.add.f32.msk $0xffff, v7  }
0x39b: {  	v25 =	vmul.f32 v8, v63;
	v7 =	vmul.f32 v29, v10;
	[tilespmem:s6+$0xA2F0] =	vst.add.f32.msk $0xffff, v6  }
0x39c: {  	v6 =	vmul.f32 v9, v63;
	v9 =	vmul.f32 v9, v12;
	[tilespmem:s10+$0xA280] =	vst.add.f32.msk $0xffff, v28  }
0x39d: {  	v8 =	vmul.f32 v13, v61;
	v10 =	vmul.f32 v13, v62;
	[tilespmem:s10+$0xA190] =	vst.add.f32.msk $0xffff, v22  }
0x39e: {  	v26 =	vmul.f32 v14, v61;
	v29 =	vmul.f32 v14, v62;
	[tilespmem:s10+$0xA310] =	vst.add.f32.msk $0xffff, v23  }
0x39f: {  	v28 =	vmul.f32 v14, v63;
	v22 =	vmul.f32 v11, v61;
	[tilespmem:s6+$0xA2E0] =	vst.add.f32.msk $0xffff, v27  }
0x3a0: {  	v23 =	vmul.f32 v11, v62;
	[tilespmem:s6+$0xA370] =	vst.add.f32.msk $0xffff, v7;
	v7 =	vmul.f32 v13, v63  }
0x3a1: {  	s22 =	sadd.s32 $0x2, s21;
	v27 =	vmul.f32 v13, v12;
	[tilespmem:s10+$0xA290] =	vst.add.f32.msk $0xffff, v25;
	v25 =	vmul.f32 v16, v12;
	s6 =	smov.u32 s11;
	s11 =	simm.s32 $0x0  }
.LBB2_33:
0x3a2: {  	v11 =	vld [tilespmem:s22+$0x0];
	s11 =	sadd.s32 $0x2, s11  }
0x3a3: {  	v12 =	vld [tilespmem:s22+$0xFFFFFFFF];
	p0 =	slt.u32 s11, $0x7E  }
0x3a4: {  	[tilespmem:s10+$0xA2A0] =	vst.add.f32.msk $0xffff, v6  }
0x3a5: {  	[tilespmem:s10+$0xA320] =	vst.add.f32.msk $0xffff, v9  }
0x3a6: {  	[tilespmem:s10+$0xA1B0] =	vst.add.f32.msk $0xffff, v8  }
0x3a7: {  	(v2sf) =	vpush v11, $0x0;
	[tilespmem:s10+$0xA230] =	vst.add.f32.msk $0xffff, v10  }
0x3a8: {  	(v2sf) =	vpush v12, $0x0;
	[tilespmem:s10+$0xA2B0] =	vst.add.f32.msk $0xffff, v7  }
0x3a9: {  	[tilespmem:s10+$0xA330] =	vst.add.f32.msk $0xffff, v27  }
0x3aa: {  	[tilespmem:s10+$0xA1C0] =	vst.add.f32.msk $0xffff, v26  }
0x3ab: {  	[tilespmem:s10+$0xA240] =	vst.add.f32.msk $0xffff, v29  }
0x3ac: {  	[tilespmem:s10+$0xA2C0] =	vst.add.f32.msk $0xffff, v28  }
0x3ad: {  	[tilespmem:s10+$0xA340] =	vst.add.f32.msk $0xffff, v31  }
0x3ae: {  	[tilespmem:s10+$0xA1D0] =	vst.add.f32.msk $0xffff, v30  }
0x3af: {  	[tilespmem:s10+$0xA250] =	vst.add.f32.msk $0xffff, v33  }
0x3b0: {  	[tilespmem:s10+$0xA2D0] =	vst.add.f32.msk $0xffff, v32  }
0x3b1: {  	[tilespmem:s10+$0xA350] =	vst.add.f32.msk $0xffff, v35  }
0x3b2: {  	[tilespmem:s10+$0xA1E0] =	vst.add.f32.msk $0xffff, v34  }
0x3b3: {  	[tilespmem:s10+$0xA260] =	vst.add.f32.msk $0xffff, v37  }
0x3b4: {  	[tilespmem:s10+$0xA2E0] =	vst.add.f32.msk $0xffff, v36  }
0x3b5: {  	[tilespmem:s10+$0xA360] =	vst.add.f32.msk $0xffff, v25  }
0x3b6: {  	s8 =	spop (v2sf);
	[tilespmem:s10+$0xA1F0] =	vst.add.f32.msk $0xffff, v22  }
0x3b7: {  	s21 =	sshrl.u32 s8, $0xC;
	s4 =	spop (v2sf);
	[tilespmem:s10+$0xA270] =	vst.add.f32.msk $0xffff, v23  }
0x3b8: {  	s9 =	sshrl.u32 s4, $0x12;
	s4 =	sshrl.u32 s4, $0xC;
	s21 =	sand.u32 $0x3C, s21;
	[tilespmem:s10+$0xA2F0] =	vst.add.f32.msk $0xffff, v21  }
0x3b9: {  	s7 =	sadd.s32 $0x100, s7;
	s9 =	ssub.s32 s9, s26;
	s4 =	sand.u32 $0x3C, s4;
	v6 =	vld [tilespmem:s21+$0x13B80]  }
0x3ba: {  	s9 =	sshll.u32 s9, $0xB;
	v7 =	vld [tilespmem:s7+$0x0]  }
0x3bb: {  	s21 =	sshra.s32 s9, $0x2;
	v21 =	vld [tilespmem:s7+$0x70]  }
0x3bc: {  	v8 =	vld [tilespmem:s7+$0x10]  }
0x3bd: {  	v9 =	vld [tilespmem:s7+$0x20]  }
0x3be: {  	s8 =	sshrl.u32 s8, $0x12;
	v26 =	vld [tilespmem:s7+$0x30];
	v22 =	vbroadcast v6, $0x0;
	v25 =	vbroadcast v6, $0x3  }
0x3bf: {  	s8 =	ssub.s32 s8, s26;
	v23 =	vbroadcast v6, $0x1;
	v24 =	vbroadcast v6, $0x2;
	v30 =	vld [tilespmem:s7+$0x40]  }
0x3c0: {  	s8 =	sshll.u32 s8, $0xB;
	v34 =	vld [tilespmem:s7+$0x50];
	v11 =	vmul.f32 v22, v7;
	v6 =	vmul.f32 v21, v25  }
0x3c1: {  	s10 =	sshra.s32 s8, $0x2;
	v17 =	vmul.f32 v23, v7;
	v13 =	vmul.f32 v24, v7;
	v38 =	vld [tilespmem:s7+$0x60]  }
0x3c2: {  	v14 =	vmul.f32 v25, v7;
	v12 =	vmul.f32 v8, v22;
	[tilespmem:s10+$0xA370] =	vst.add.f32.msk $0xffff, v6  }
0x3c3: {  	v18 =	vmul.f32 v8, v23;
	v15 =	vmul.f32 v8, v24;
	v27 =	vld [tilespmem:s4+$0x13B80]  }
0x3c4: {  	v19 =	vmul.f32 v8, v25;
	v16 =	vmul.f32 v9, v22;
	v28 =	vld [tilespmem:s7+$0xFFFFFF80]  }
0x3c5: {  	v20 =	vmul.f32 v9, v23;
	v6 =	vmul.f32 v9, v24;
	v29 =	vld [tilespmem:s7+$0xFFFFFF90]  }
0x3c6: {  	v9 =	vmul.f32 v9, v25;
	v8 =	vmul.f32 v26, v22;
	v31 =	vld [tilespmem:s7+$0xFFFFFFA0]  }
0x3c7: {  	v10 =	vmul.f32 v26, v23;
	v7 =	vmul.f32 v26, v24;
	v32 =	vld [tilespmem:s7+$0xFFFFFFB0]  }
0x3c8: {  	v33 =	vld [tilespmem:s7+$0xFFFFFFC0];
	v35 =	vbroadcast v27, $0x0;
	v36 =	vbroadcast v27, $0x1  }
0x3c9: {  	v39 =	vbroadcast v27, $0x2;
	v27 =	vbroadcast v27, $0x3;
	v37 =	vld [tilespmem:s7+$0xFFFFFFD0]  }
0x3ca: {  	v40 =	vld [tilespmem:s7+$0xFFFFFFE0];
	v41 =	vmul.f32 v35, v28;
	v42 =	vmul.f32 v36, v28  }
0x3cb: {  	v44 =	vmul.f32 v39, v28;
	v28 =	vmul.f32 v27, v28;
	v43 =	vld [tilespmem:s7+$0xFFFFFFF0]  }
0x3cc: {  	v45 =	vmul.f32 v29, v36;
	[tilespmem:s21+$0xA180] =	vst.add.f32.msk $0xffff, v41;
	v41 =	vmul.f32 v29, v35  }
0x3cd: {  	[tilespmem:s21+$0xA200] =	vst.add.f32.msk $0xffff, v42;
	v42 =	vmul.f32 v29, v39;
	v29 =	vmul.f32 v29, v27  }
0x3ce: {  	v46 =	vmul.f32 v31, v36;
	[tilespmem:s21+$0xA280] =	vst.add.f32.msk $0xffff, v44;
	v44 =	vmul.f32 v31, v35  }
0x3cf: {  	[tilespmem:s21+$0xA300] =	vst.add.f32.msk $0xffff, v28;
	v28 =	vmul.f32 v31, v39;
	v31 =	vmul.f32 v31, v27  }
0x3d0: {  	v47 =	vmul.f32 v32, v36;
	[tilespmem:s21+$0xA190] =	vst.add.f32.msk $0xffff, v41;
	v41 =	vmul.f32 v32, v35  }
0x3d1: {  	[tilespmem:s21+$0xA210] =	vst.add.f32.msk $0xffff, v45;
	v45 =	vmul.f32 v32, v39;
	v32 =	vmul.f32 v32, v27  }
0x3d2: {  	v48 =	vmul.f32 v33, v36;
	[tilespmem:s21+$0xA290] =	vst.add.f32.msk $0xffff, v42;
	v42 =	vmul.f32 v33, v35  }
0x3d3: {  	v49 =	vmul.f32 v33, v39;
	v50 =	vmul.f32 v33, v27;
	[tilespmem:s21+$0xA310] =	vst.add.f32.msk $0xffff, v29  }
0x3d4: {  	v51 =	vmul.f32 v37, v36;
	[tilespmem:s21+$0xA1A0] =	vst.add.f32.msk $0xffff, v44;
	v44 =	vmul.f32 v37, v35  }
0x3d5: {  	v52 =	vmul.f32 v37, v27;
	[tilespmem:s21+$0xA220] =	vst.add.f32.msk $0xffff, v46;
	v46 =	vmul.f32 v37, v39  }
0x3d6: {  	v53 =	vmul.f32 v40, v35;
	v54 =	vmul.f32 v40, v36;
	[tilespmem:s21+$0xA2A0] =	vst.add.f32.msk $0xffff, v28  }
0x3d7: {  	v55 =	vmul.f32 v40, v39;
	v40 =	vmul.f32 v40, v27;
	[tilespmem:s21+$0xA320] =	vst.add.f32.msk $0xffff, v31  }
0x3d8: {  	v56 =	vmul.f32 v43, v36;
	[tilespmem:s21+$0xA1B0] =	vst.add.f32.msk $0xffff, v41;
	v41 =	vmul.f32 v43, v35  }
0x3d9: {  	v39 =	vmul.f32 v43, v39;
	v43 =	vmul.f32 v43, v27;
	[tilespmem:s21+$0xA230] =	vst.add.f32.msk $0xffff, v47  }
0x3da: {  	v27 =	vmul.f32 v26, v25;
	v26 =	vmul.f32 v30, v22;
	[tilespmem:s21+$0xA2B0] =	vst.add.f32.msk $0xffff, v45  }
0x3db: {  	v29 =	vmul.f32 v30, v23;
	v28 =	vmul.f32 v30, v24;
	[tilespmem:s21+$0xA330] =	vst.add.f32.msk $0xffff, v32  }
0x3dc: {  	v31 =	vmul.f32 v30, v25;
	v30 =	vmul.f32 v34, v22;
	[tilespmem:s21+$0xA1C0] =	vst.add.f32.msk $0xffff, v42  }
0x3dd: {  	v33 =	vmul.f32 v34, v23;
	v32 =	vmul.f32 v34, v24;
	[tilespmem:s21+$0xA240] =	vst.add.f32.msk $0xffff, v48  }
0x3de: {  	v35 =	vmul.f32 v34, v25;
	v34 =	vmul.f32 v38, v22;
	[tilespmem:s21+$0xA2C0] =	vst.add.f32.msk $0xffff, v49  }
0x3df: {  	v36 =	vmul.f32 v38, v24;
	v37 =	vmul.f32 v38, v23;
	[tilespmem:s21+$0xA340] =	vst.add.f32.msk $0xffff, v50  }
0x3e0: {  	v25 =	vmul.f32 v38, v25;
	v22 =	vmul.f32 v21, v22;
	[tilespmem:s21+$0xA1D0] =	vst.add.f32.msk $0xffff, v44  }
0x3e1: {  	v23 =	vmul.f32 v21, v23;
	v21 =	vmul.f32 v21, v24;
	[tilespmem:s21+$0xA250] =	vst.add.f32.msk $0xffff, v51  }
0x3e2: {  	[tilespmem:s21+$0xA2D0] =	vst.add.f32.msk $0xffff, v46  }
0x3e3: {  	[tilespmem:s21+$0xA350] =	vst.add.f32.msk $0xffff, v52  }
0x3e4: {  	[tilespmem:s21+$0xA1E0] =	vst.add.f32.msk $0xffff, v53  }
0x3e5: {  	[tilespmem:s21+$0xA260] =	vst.add.f32.msk $0xffff, v54  }
0x3e6: {  	[tilespmem:s21+$0xA2E0] =	vst.add.f32.msk $0xffff, v55  }
0x3e7: {  	[tilespmem:s21+$0xA360] =	vst.add.f32.msk $0xffff, v40  }
0x3e8: {  	[tilespmem:s21+$0xA1F0] =	vst.add.f32.msk $0xffff, v41  }
0x3e9: {  	[tilespmem:s21+$0xA270] =	vst.add.f32.msk $0xffff, v56  }
0x3ea: {  	[tilespmem:s21+$0xA2F0] =	vst.add.f32.msk $0xffff, v39  }
0x3eb: {  	[tilespmem:s21+$0xA370] =	vst.add.f32.msk $0xffff, v43  }
0x3ec: {  	[tilespmem:s10+$0xA180] =	vst.add.f32.msk $0xffff, v11  }
0x3ed: {  	[tilespmem:s10+$0xA200] =	vst.add.f32.msk $0xffff, v17  }
0x3ee: {  	[tilespmem:s10+$0xA280] =	vst.add.f32.msk $0xffff, v13  }
0x3ef: {  	[tilespmem:s10+$0xA300] =	vst.add.f32.msk $0xffff, v14  }
0x3f0: {  	[tilespmem:s10+$0xA190] =	vst.add.f32.msk $0xffff, v12  }
.Ltmp24:
0x3f1: {  	[tilespmem:s10+$0xA210] =	vst.add.f32.msk $0xffff, v18;
	(pc) =	sbr.rel @p0 .LBB2_33-.Ltmp24, $4  }
0x3f2: {  	[tilespmem:s10+$0xA290] =	vst.add.f32.msk $0xffff, v15  }
0x3f3: {  	[tilespmem:s10+$0xA310] =	vst.add.f32.msk $0xffff, v19  }
0x3f4: {  	[tilespmem:s10+$0xA1A0] =	vst.add.f32.msk $0xffff, v16  }
0x3f5: {  	s22 =	sadd.s32 $0x2, s22;
	[tilespmem:s10+$0xA220] =	vst.add.f32.msk $0xffff, v20  }
0x3f6: {  	[tilespmem:s10+$0xA2A0] =	vst.add.f32.msk $0xffff, v6  }
0x3f7: {  	[tilespmem:s10+$0xA320] =	vst.add.f32.msk $0xffff, v9  }
0x3f8: {  	[tilespmem:s10+$0xA1B0] =	vst.add.f32.msk $0xffff, v8  }
0x3f9: {  	[tilespmem:s10+$0xA230] =	vst.add.f32.msk $0xffff, v10  }
0x3fa: {  	[tilespmem:s10+$0xA2B0] =	vst.add.f32.msk $0xffff, v7  }
0x3fb: {  	[tilespmem:s10+$0xA330] =	vst.add.f32.msk $0xffff, v27  }
0x3fc: {  	[tilespmem:s10+$0xA1C0] =	vst.add.f32.msk $0xffff, v26  }
0x3fd: {  	[tilespmem:s10+$0xA240] =	vst.add.f32.msk $0xffff, v29  }
0x3fe: {  	[tilespmem:s10+$0xA2C0] =	vst.add.f32.msk $0xffff, v28  }
0x3ff: {  	[tilespmem:s10+$0xA340] =	vst.add.f32.msk $0xffff, v31  }
0x400: {  	[tilespmem:s10+$0xA1D0] =	vst.add.f32.msk $0xffff, v30  }
0x401: {  	[tilespmem:s10+$0xA250] =	vst.add.f32.msk $0xffff, v33  }
0x402: {  	[tilespmem:s10+$0xA2D0] =	vst.add.f32.msk $0xffff, v32  }
0x403: {  	[tilespmem:s10+$0xA350] =	vst.add.f32.msk $0xffff, v35  }
0x404: {  	[tilespmem:s10+$0xA1E0] =	vst.add.f32.msk $0xffff, v34  }
0x405: {  	[tilespmem:s10+$0xA260] =	vst.add.f32.msk $0xffff, v37  }
0x406: {  	[tilespmem:s10+$0xA2E0] =	vst.add.f32.msk $0xffff, v36  }
0x407: {  	[tilespmem:s10+$0xA360] =	vst.add.f32.msk $0xffff, v25  }
0x408: {  	[tilespmem:s10+$0xA1F0] =	vst.add.f32.msk $0xffff, v22  }
0x409: {  	[tilespmem:s10+$0xA270] =	vst.add.f32.msk $0xffff, v23  }
0x40a: {  	[tilespmem:s10+$0xA2F0] =	vst.add.f32.msk $0xffff, v21  }
0x40b: {  	s11 =	sadd.s32 $0x80, s6  }
0x40c: {  	p0 =	sgt.s32 s11, s12  }
.Ltmp25:
0x40d: {  	_ = 	snop;
	(pc) =	sbr.rel @!p0 .LBB2_32-.Ltmp25, $4  }
.Ltmp26:
0x40e: {  	_ = 	snop;
	(pc) =	sbr.rel @p0 .LBB2_26-.Ltmp26, $4  }
0x40f: {  	_ = 	snop  }
0x410: {  	_ = 	snop  }
0x411: {  	s14 =	sadd.s32 $0x80, s14  }
0x412: {  	_ = 	snop  }
.LBB2_28:
0x413: {  	v3 =	vxor.u32 $0x80000000, v5  }
0x414: {  	(xrf0) =	vmax.scan.msk.u32 $0xffff, v3;
	_ =	sdelay $0x5  }
0x415: {  	v3, _, _ =	vpop (xrf0)  }
0x416: {  	(v2sf) =	vpush v3, $0xF;
	_ =	sdelay $0xe  }
0x417: {  	s0 =	spop (v2sf)  }
0x418: {  	s0 =	sxor.u32 $0x80000000, s0  }
0x419: {  	s5 =	ssub.s32 s0, s6  }
0x41a: {  	p0 =	slt.s32 s5, $0x1  }
.Ltmp27:
0x41b: {  	_ = 	snop;
	(pc) =	sbr.rel @p0 .LBB2_39-.Ltmp27, $1  }
0x41c: {  	_ =	sdelay $0x3  }
0x41d: {  	s0 =	sand.u32 $0x1F80, s6  }
0x41e: {  	v3 =	vld [tilespmem:s0+$0x0];
	_ =	sdelay $0x3  }
0x41f: {  	v4 =	vmov s5  }
0x420: {  	vm0 =	vgt.s32 v4, v2;
	v3 =	vand.u32 $0x3FFF, v3  }
0x421: {  	v3 =	vnsel vm0, $0x0, v3  }
0x422: {  	s6 =	sand.u32 $0x1FFF, s6;
	[tilespmem:$0x2080] =	vst v3  }
0x423: {  	v3 =	vld [tilespmem:s6+$0x10];
	_ =	sdelay $0x3  }
0x424: {  	v5 =	vor.u32 $0x10, v2  }
0x425: {  	vm9 =	vgt.s32 v4, v5;
	v3 =	vand.u32 $0x3FFF, v3  }
0x426: {  	v3 =	vnsel vm9, $0x0, v3  }
0x427: {  	[tilespmem:$0x2090] =	vst v3  }
0x428: {  	v3 =	vld [tilespmem:s6+$0x20];
	_ =	sdelay $0x3  }
0x429: {  	v58 =	vor.u32 $0x20, v2  }
0x42a: {  	vm10 =	vgt.s32 v4, v58;
	v3 =	vand.u32 $0x3FFF, v3  }
0x42b: {  	v3 =	vnsel vm10, $0x0, v3  }
0x42c: {  	[tilespmem:$0x20A0] =	vst v3  }
0x42d: {  	v3 =	vld [tilespmem:s6+$0x30];
	_ =	sdelay $0x3  }
0x42e: {  	v59 =	vor.u32 $0x30, v2  }
0x42f: {  	vm11 =	vgt.s32 v4, v59;
	v3 =	vand.u32 $0x3FFF, v3  }
0x430: {  	v3 =	vnsel vm11, $0x0, v3  }
0x431: {  	[tilespmem:$0x20B0] =	vst v3  }
0x432: {  	v3 =	vld [tilespmem:s6+$0x40];
	_ =	sdelay $0x3  }
0x433: {  	v60 =	vor.u32 $0x40, v2  }
0x434: {  	vm12 =	vgt.s32 v4, v60;
	v3 =	vand.u32 $0x3FFF, v3  }
0x435: {  	v3 =	vnsel vm12, $0x0, v3  }
0x436: {  	[tilespmem:$0x20C0] =	vst v3  }
0x437: {  	v3 =	vld [tilespmem:s6+$0x50];
	_ =	sdelay $0x3  }
0x438: {  	v61 =	vor.u32 $0x50, v2  }
0x439: {  	vm13 =	vgt.s32 v4, v61;
	v3 =	vand.u32 $0x3FFF, v3  }
0x43a: {  	v3 =	vnsel vm13, $0x0, v3  }
0x43b: {  	[tilespmem:$0x20D0] =	vst v3  }
0x43c: {  	v3 =	vld [tilespmem:s6+$0x60];
	_ =	sdelay $0x3  }
0x43d: {  	v62 =	vor.u32 $0x60, v2  }
0x43e: {  	vm14 =	vgt.s32 v4, v62;
	v3 =	vand.u32 $0x3FFF, v3  }
0x43f: {  	v3 =	vnsel vm14, $0x0, v3  }
0x440: {  	[tilespmem:$0x20E0] =	vst v3  }
0x441: {  	v3 =	vld [tilespmem:s6+$0x70];
	_ =	sdelay $0x3  }
0x442: {  	v63 =	vor.u32 $0x70, v2  }
0x443: {  	vm15 =	vgt.s32 v4, v63;
	v3 =	vand.u32 $0x3FFF, v3  }
0x444: {  	v3 =	vnsel vm15, $0x0, v3  }
0x445: {  	p1 =	sne.s32 s5, $0x1;
	[tilespmem:$0x20F0] =	vst v3  }
0x446: {  	[tilespmem:s18], [sflag:$0x2] =	stream.indirect.gather [hbm4b:s1+s16], $0x80, s17, s16, $0xb8;
	[tilespmem:$0x13C00] =	vst v63  }
.Ltmp28:
0x447: {  	_ = 	snop;
	(pc) =	sbr.rel @!p1 .LBB2_30-.Ltmp28, $4  }
0x448: {  	_ =	swait.ge [sflag:s20], $0x4000  }
0x449: {  	[sflag:s20] =	ssyncset.done $0x0  }
0x44a: {  	[sflag:s20] =	ssyncadd.s32 $0xFFFFC000  }
0x44b: {  	s10 =	sadd.s32 $0xFFFFFFFF, s5;
	p0 =	por $0x0, $0x0;
	s0 =	simm.s32 $0x21C0;
	v25 =	vld [tilespmem:s6+$0x0]  }
0x44c: {  	_ =	sdelay $0x3  }
0x44d: {  	(v2sf) =	vpush v25, $0x0;
	_ =	sdelay $0xe  }
0x44e: {  	s4 =	spop (v2sf)  }
0x44f: {  	s5 =	sshrl.u32 s4, $0xC  }
0x450: {  	s5 =	sand.u32 $0x3C, s5  }
0x451: {  	v5 =	vld [tilespmem:s5+$0x13B80]  }
0x452: {  	v9 =	vld [tilespmem:s0+$0xFFFFFFC0]  }
0x453: {  	v3 =	vld [tilespmem:s0+$0x30]  }
0x454: {  	v10 =	vld [tilespmem:s0+$0xFFFFFFD0]  }
0x455: {  	v11 =	vld [tilespmem:s0+$0xFFFFFFE0]  }
0x456: {  	v15 =	vld [tilespmem:s0+$0xFFFFFFF0];
	v6 =	vbroadcast v5, $0x0;
	v7 =	vbroadcast v5, $0x3  }
0x457: {  	v19 =	vld [tilespmem:s0+$0x0];
	s4 =	sshrl.u32 s4, $0x12;
	v4 =	vbroadcast v5, $0x1;
	v5 =	vbroadcast v5, $0x2  }
0x458: {  	v23 =	vld [tilespmem:s0+$0x10];
	s4 =	ssub.s32 s4, s26;
	v12 =	vmul.f32 v6, v9;
	v13 =	vmul.f32 v3, v7  }
0x459: {  	v8 =	vld [tilespmem:s0+$0x20];
	s7 =	sadd.s32 $0x1, s6;
	s4 =	sshll.u32 s4, $0xB;
	v14 =	vmul.f32 v4, v9;
	v16 =	vmul.f32 v5, v9  }
0x45a: {  	v25 =	vld [tilespmem:s7+$0x0];
	s5 =	sshra.s32 s4, $0x2;
	v17 =	vmul.f32 v7, v9;
	v18 =	vmul.f32 v10, v6  }
0x45b: {  	v20 =	vmul.f32 v10, v4;
	v21 =	vmul.f32 v10, v5;
	[tilespmem:s5+$0xA370] =	vst.add.f32.msk $0xffff, v13  }
0x45c: {  	v22 =	vmul.f32 v10, v7;
	v24 =	vmul.f32 v11, v6;
	[tilespmem:s5+$0xA180] =	vst.add.f32.msk $0xffff, v12  }
0x45d: {  	v9 =	vmul.f32 v11, v4;
	v10 =	vmul.f32 v11, v5;
	[tilespmem:s5+$0xA200] =	vst.add.f32.msk $0xffff, v14  }
0x45e: {  	[tilespmem:s5+$0xA280] =	vst.add.f32.msk $0xffff, v16;
	v14 =	vmul.f32 v11, v7;
	v11 =	vmul.f32 v15, v6  }
0x45f: {  	p1 =	sne.s32 s10, $0x1;
	[tilespmem:s5+$0xA300] =	vst.add.f32.msk $0xffff, v17;
	v12 =	vmul.f32 v15, v4;
	v13 =	vmul.f32 v15, v5  }
.Ltmp29:
0x460: {  	[tilespmem:s5+$0xA190] =	vst.add.f32.msk $0xffff, v18;
	v15 =	vmul.f32 v15, v7;
	v16 =	vmul.f32 v19, v6;
	(pc) =	sbr.rel @!p1 .LBB2_36-.Ltmp29, $4  }
0x461: {  	[tilespmem:s5+$0xA210] =	vst.add.f32.msk $0xffff, v20;
	v17 =	vmul.f32 v19, v4;
	v18 =	vmul.f32 v19, v5  }
0x462: {  	[tilespmem:s5+$0xA290] =	vst.add.f32.msk $0xffff, v21;
	v19 =	vmul.f32 v19, v7;
	v20 =	vmul.f32 v23, v6  }
0x463: {  	[tilespmem:s5+$0xA310] =	vst.add.f32.msk $0xffff, v22;
	v21 =	vmul.f32 v23, v4;
	v22 =	vmul.f32 v23, v5  }
0x464: {  	s10 =	sadd.s32 $0xFFFFFFFF, s10;
	p0 =	por $0x1, $0x1;
	s6 =	simm.s32 $0x21C0;
	[tilespmem:s5+$0xA1A0] =	vst.add.f32.msk $0xffff, v24;
	v24 =	vmul.f32 v23, v7;
	v23 =	vmul.f32 v8, v6  }
.LBB2_37:
0x465: {  	p1 =	sne.s32 s10, $0x1;
	[tilespmem:s5+$0xA220] =	vst.add.f32.msk $0xffff, v9;
	v9 =	vmul.f32 v8, v4;
	v26 =	vmul.f32 v8, v5  }
0x466: {  	v7 =	vmul.f32 v8, v7;
	v6 =	vmul.f32 v3, v6;
	[tilespmem:s5+$0xA2A0] =	vst.add.f32.msk $0xffff, v10  }
0x467: {  	v4 =	vmul.f32 v3, v4;
	v3 =	vmul.f32 v3, v5;
	[tilespmem:s5+$0xA320] =	vst.add.f32.msk $0xffff, v14  }
0x468: {  	[tilespmem:s5+$0xA1B0] =	vst.add.f32.msk $0xffff, v11  }
0x469: {  	(v2sf) =	vpush v25, $0x0;
	[tilespmem:s5+$0xA230] =	vst.add.f32.msk $0xffff, v12  }
0x46a: {  	[tilespmem:s5+$0xA2B0] =	vst.add.f32.msk $0xffff, v13  }
0x46b: {  	[tilespmem:s5+$0xA330] =	vst.add.f32.msk $0xffff, v15  }
0x46c: {  	[tilespmem:s5+$0xA1C0] =	vst.add.f32.msk $0xffff, v16  }
0x46d: {  	[tilespmem:s5+$0xA240] =	vst.add.f32.msk $0xffff, v17  }
0x46e: {  	[tilespmem:s5+$0xA2C0] =	vst.add.f32.msk $0xffff, v18  }
0x46f: {  	[tilespmem:s5+$0xA340] =	vst.add.f32.msk $0xffff, v19  }
0x470: {  	[tilespmem:s5+$0xA1D0] =	vst.add.f32.msk $0xffff, v20  }
0x471: {  	[tilespmem:s5+$0xA250] =	vst.add.f32.msk $0xffff, v21  }
0x472: {  	[tilespmem:s5+$0xA2D0] =	vst.add.f32.msk $0xffff, v22  }
0x473: {  	[tilespmem:s5+$0xA350] =	vst.add.f32.msk $0xffff, v24  }
0x474: {  	[tilespmem:s5+$0xA1E0] =	vst.add.f32.msk $0xffff, v23  }
0x475: {  	[tilespmem:s5+$0xA260] =	vst.add.f32.msk $0xffff, v9  }
0x476: {  	[tilespmem:s5+$0xA2E0] =	vst.add.f32.msk $0xffff, v26  }
0x477: {  	[tilespmem:s5+$0xA360] =	vst.add.f32.msk $0xffff, v7  }
0x478: {  	s4 =	spop (v2sf);
	[tilespmem:s5+$0xA1F0] =	vst.add.f32.msk $0xffff, v6  }
0x479: {  	s8 =	sshrl.u32 s4, $0xC;
	[tilespmem:s5+$0xA270] =	vst.add.f32.msk $0xffff, v4  }
0x47a: {  	s8 =	sand.u32 $0x3C, s8;
	[tilespmem:s5+$0xA2F0] =	vst.add.f32.msk $0xffff, v3  }
0x47b: {  	s6 =	sadd.s32 $0x80, s6;
	v5 =	vld [tilespmem:s8+$0x13B80]  }
0x47c: {  	v9 =	vld [tilespmem:s6+$0xFFFFFFC0]  }
0x47d: {  	v3 =	vld [tilespmem:s6+$0x30]  }
0x47e: {  	v10 =	vld [tilespmem:s6+$0xFFFFFFD0]  }
0x47f: {  	v11 =	vld [tilespmem:s6+$0xFFFFFFE0]  }
0x480: {  	s4 =	sshrl.u32 s4, $0x12;
	v15 =	vld [tilespmem:s6+$0xFFFFFFF0];
	v6 =	vbroadcast v5, $0x0;
	v7 =	vbroadcast v5, $0x3  }
0x481: {  	s4 =	ssub.s32 s4, s26;
	v4 =	vbroadcast v5, $0x1;
	v5 =	vbroadcast v5, $0x2;
	v19 =	vld [tilespmem:s6+$0x0]  }
0x482: {  	s4 =	sshll.u32 s4, $0xB;
	v23 =	vld [tilespmem:s6+$0x10];
	v12 =	vmul.f32 v6, v9;
	v13 =	vmul.f32 v3, v7  }
0x483: {  	s5 =	sshra.s32 s4, $0x2;
	v14 =	vmul.f32 v4, v9;
	v16 =	vmul.f32 v5, v9;
	v8 =	vld [tilespmem:s6+$0x20]  }
0x484: {  	v17 =	vmul.f32 v7, v9;
	v18 =	vmul.f32 v10, v6;
	[tilespmem:s5+$0xA370] =	vst.add.f32.msk $0xffff, v13  }
0x485: {  	v20 =	vmul.f32 v10, v4;
	v21 =	vmul.f32 v10, v5;
	[tilespmem:s5+$0xA180] =	vst.add.f32.msk $0xffff, v12  }
0x486: {  	v22 =	vmul.f32 v10, v7;
	v24 =	vmul.f32 v11, v6;
	[tilespmem:s5+$0xA200] =	vst.add.f32.msk $0xffff, v14  }
0x487: {  	v9 =	vmul.f32 v11, v4;
	v10 =	vmul.f32 v11, v5;
	[tilespmem:s5+$0xA280] =	vst.add.f32.msk $0xffff, v16  }
0x488: {  	v14 =	vmul.f32 v11, v7;
	v11 =	vmul.f32 v15, v6;
	[tilespmem:s5+$0xA300] =	vst.add.f32.msk $0xffff, v17  }
0x489: {  	v12 =	vmul.f32 v15, v4;
	v13 =	vmul.f32 v15, v5;
	[tilespmem:s5+$0xA190] =	vst.add.f32.msk $0xffff, v18  }
.Ltmp30:
0x48a: {  	v15 =	vmul.f32 v15, v7;
	v16 =	vmul.f32 v19, v6;
	[tilespmem:s5+$0xA210] =	vst.add.f32.msk $0xffff, v20;
	(pc) =	sbr.rel @p1 .LBB2_37-.Ltmp30, $4  }
0x48b: {  	v17 =	vmul.f32 v19, v4;
	v18 =	vmul.f32 v19, v5;
	[tilespmem:s5+$0xA290] =	vst.add.f32.msk $0xffff, v21  }
0x48c: {  	v19 =	vmul.f32 v19, v7;
	v20 =	vmul.f32 v23, v6;
	[tilespmem:s5+$0xA310] =	vst.add.f32.msk $0xffff, v22  }
0x48d: {  	s7 =	sadd.s32 $0x1, s7;
	v21 =	vmul.f32 v23, v4;
	v22 =	vmul.f32 v23, v5;
	[tilespmem:s5+$0xA1A0] =	vst.add.f32.msk $0xffff, v24  }
0x48e: {  	s10 =	sadd.s32 $0xFFFFFFFF, s10;
	v24 =	vmul.f32 v23, v7;
	v23 =	vmul.f32 v8, v6;
	v25 =	vld [tilespmem:s7+$0x0]  }
.Ltmp31:
0x48f: {  	_ = 	snop;
	(pc) =	sbr.rel .LBB2_38-.Ltmp31, $1  }
0x490: {  	_ =	sdelay $0x3  }
.LBB2_36:
.Ltmp32:
0x491: {  	(pc) =	sbr.rel .LBB2_38-.Ltmp32, $2  }
0x492: {  	_ =	sdelay $0x2  }
0x493: {  	s6 =	simm.s32 $0x21C0  }
.LBB2_41:
0x494: {  	_ =	sfence.sel $0x180000  }
0x495: {  	[bflag:$0x0] =	sbarrier.arrive $0xFFFF  }
0x496: {  	_ =	strace $0x9000004A  }
0x497: {  	s0 =	stileid.u32;
	[bflag:$0x2] =	sbarrier.arrive $0xFFFF  }
0x498: {  	p0 =	sne.s32 s0, $0x0;
	s0 =	rddreg [dreg:$0x3]  }
0x499: {  	s0 =	sadd.s32 @!p0 $0x100000, s0  }
0x49a: {  	[sflag:s0] =	ssyncadd.tile.s32 @!p0 $0x1;
	_ =	shalt  }
.Lfunc_end2:
_tile_overlayer_lowered:
.L_overlay_start_2:
0x49b: {  	(tag) =	ssettag $0x2  }
0x49c: {  	s0 =	rddreg [dreg:$0x0];
	s2 =	stileid.u32  }
0x49d: {  	s1 =	rddreg [dreg:$0x1];
	p0 =	sne.s32 s2, $0x0  }
0x49e: {  	s3 =	rddreg [dreg:$0x2];
	[bflag:$0x3] =	sbarrier.arrive $0xFFFF;
	s2 =	simm.s32 @!p0 $0x1C04  }
0x49f: {  	[timem:s3], [sflag:s2] =	dma.local @!p0 [hbm:s0], s1  }
0x4a0: {  	s0 =	simm.s32 @!p0 $0x4  }
0x4a1: {  	_ =	swait.ge @!p0 [sflag:s0], s1  }
0x4a2: {  	s1 =	ssub.s32 @!p0 $0x0, s1;
	[sflag:s0] =	ssyncset.done @!p0 $0x0  }
0x4a3: {  	[sflag:s0] =	ssyncadd.s32 @!p0 s1  }
0x4a4: {  	[bflag:$0x3] =	sbarrier.arrive $0xFFFF  }
0x4a5: {  	_ =	shalt  }

</sc_bundles>
